<compile_context>
chip_gen: v7x
topology: tpu7x:2x2x1
jax: 0.10.2.dev20260603
libtpu: 0.0.44.dev20260713+nightly
codegen_flags: <defaults>
</compile_context>

<pallas_src>
import jax
import jax.numpy as jnp
from jax import lax
from jax.experimental import pallas as pl
from jax.experimental.pallas import tpu as pltpu
from jax.experimental.pallas import tpu_sc as plsc

B = 4096
S = 200
H = 64
NC = 2
NS = 16
NW = NC * NS
LANES = 128
RING = 4


def _body(x4_hbm, emb_hbm, pos_hbm, out5_hbm, idx_t, pos_v, *bufs):
    rows = bufs[0:RING]
    chunk = bufs[RING:2 * RING]
    gat_sems = bufs[2 * RING:3 * RING]
    out_sems = bufs[3 * RING:4 * RING]
    wid = lax.axis_index("s") * NC + lax.axis_index("c")

    pltpu.sync_copy(x4_hbm.at[:, wid], idx_t)
    pltpu.sync_copy(pos_hbm, pos_v)

    iota16 = lax.iota(jnp.int32, 16)

    def gather_descs(p, b):
        return (
            pltpu.make_async_copy(
                emb_hbm.at[idx_t.at[p // 8, p % 8, pl.ds(0, 64)]],
                rows[b].at[pl.ds(0, 64)], gat_sems[b]),
            pltpu.make_async_copy(
                emb_hbm.at[idx_t.at[p // 8, p % 8, pl.ds(64, 64)]],
                rows[b].at[pl.ds(64, 64)], gat_sems[b]),
        )

    def out_desc(p, b):
        return pltpu.make_async_copy(
            chunk[b].at[:, :, pl.ds(0, LANES)], out5_hbm.at[p, :, wid],
            out_sems[b])

    hh_c = [(iota16 + 16 * j) // 8 for j in range(H // 16)]
    hl_c = [(iota16 + 16 * j) % 8 for j in range(H // 16)]

    def transpose_add(p, b):
        pvs = [pos_v[p, pl.ds(16 * j, 16)] for j in range(H // 16)]

        @plsc.parallel_loop(0, LANES, 1, unroll=4)
        def _(m):
            mvec = jnp.broadcast_to(m, (16,))
            for j in range(H // 16):
                v = rows[b][m, pl.ds(16 * j, 16)] + pvs[j]
                plsc.store_scatter(chunk[b], [hh_c[j], hl_c[j], mvec], v)

    def step(p, b, do_wait_out=True, do_fire=True):
        if do_fire:
            for d in gather_descs(p + 3, (b + 3) % RING):
                d.start()
        for d in gather_descs(p, b):
            d.wait()
        if do_wait_out:
            out_desc(p - RING, b).wait()
        transpose_add(p, b)
        out_desc(p, b).start()

    for p0 in range(3):
        for d in gather_descs(p0, p0):
            d.start()
    for p in range(RING):
        step(p, p, do_wait_out=False)

    def steady(g, carry):
        p0 = RING + g * RING
        for b in range(RING):
            step(p0 + b, b)
        return carry

    lax.fori_loop(0, (S - 2 * RING) // RING, steady, 0)

    step(S - 4, 0)
    step(S - 3, 1, do_fire=False)
    step(S - 2, 2, do_fire=False)
    step(S - 1, 3, do_fire=False)
    for p in range(S - RING, S):
        out_desc(p, p % RING).wait()


@jax.jit
def _embed(x4, emb_table, pos_table):
    mesh = plsc.VectorSubcoreMesh(core_axis_name="c", subcore_axis_name="s",
                                  num_cores=NC, num_subcores=NS)
    run = pl.kernel(
        _body,
        out_type=jax.ShapeDtypeStruct((S, 8, NW, 8, LANES), jnp.float32),
        mesh=mesh,
        scratch_types=(
            [pltpu.VMEM((25, 8, LANES), jnp.int32),
             pltpu.VMEM((S, H), jnp.float32)]
            + [pltpu.VMEM((LANES, H), jnp.float32)] * RING
            + [pltpu.VMEM((8, 8, LANES + 1), jnp.float32)] * RING
            + [pltpu.SemaphoreType.DMA] * (2 * RING)
        ),
        compiler_params=pltpu.CompilerParams(use_tc_tiling_on_sc=False,
                                             needs_layout_passes=False),
    )
    return run(x4, emb_table, pos_table)


def kernel(x, emb_table, pos_table):
    x4 = x.astype(jnp.int32).T.reshape(25, 8, NW, LANES).transpose((0, 2, 1, 3))
    out5 = _embed(x4, emb_table, pos_table)
    return out5.transpose((2, 4, 0, 1, 3)).reshape(B, S, H)

# --- scband reference (transcript-rebuilt; emitter-appended) ---
"""Pipeline reference for scband-token-embedding-18803366822563 (READ-ONLY COPY).

The authoritative reference and input builder live on the scoring server;
editing this copy changes nothing except your own understanding.
"""

import jax, jax.numpy as jnp
import numpy as np

NUM_VOCAB = 100000
MAXLEN = 200
NUM_HID = 64
BATCH = 4096
SEQ_LEN = 200


def setup_inputs(seed: int = 0) -> dict:
    key = jax.random.key(seed)
    k1, k2, k3 = jax.random.split(key, 3)
    x = jax.random.randint(k1, (BATCH, SEQ_LEN), 0, NUM_VOCAB, dtype=jnp.int64 if jax.config.jax_enable_x64 else jnp.int32)
    emb_table = jax.random.normal(k2, (NUM_VOCAB, NUM_HID), dtype=jnp.float32) * 0.02
    pos_table = jax.random.normal(k3, (MAXLEN, NUM_HID), dtype=jnp.float32) * 0.02
    return {"x": x, "emb_table": emb_table, "pos_table": pos_table}


def reference(x, emb_table, pos_table):
    batch_size, seq_len = x.shape
    tok = jnp.take(emb_table, x, axis=0)  # [B, S, H]
    positions = jnp.arange(seq_len)[None, :]  # [1, S]
    pos = jnp.take(pos_table, positions, axis=0)  # [1, S, H]
    return tok + pos

if __name__ == "__main__":
    import jax
    _d = setup_inputs()
    print(jax.jit(kernel)(*tuple(_d.values())))

</pallas_src>

<mosaic_0001>
#map = affine_map<(d0, d1) -> (0, 0, 0, 0)>
#map1 = affine_map<(d0, d1) -> (0, 0)>
#map2 = affine_map<(d0, d1) -> (0, 0, 0, 0, 0)>
module attributes {stable_mosaic.version = 14 : i64} {
  func.func @_body(%arg0: i32, %arg1: i32, %arg2: memref<25x32x8x128xi32, #tpu.memory_space<hbm>>, %arg3: memref<100000x64xf32, #tpu.memory_space<hbm>>, %arg4: memref<200x64xf32, #tpu.memory_space<hbm>>, %arg5: memref<200x8x32x8x128xf32, #tpu.memory_space<hbm>>, %arg6: memref<25x8x128xi32, #tpu.memory_space<vmem>>, %arg7: memref<200x64xf32, #tpu.memory_space<vmem>>, %arg8: memref<128x64xf32, #tpu.memory_space<vmem>>, %arg9: memref<128x64xf32, #tpu.memory_space<vmem>>, %arg10: memref<128x64xf32, #tpu.memory_space<vmem>>, %arg11: memref<128x64xf32, #tpu.memory_space<vmem>>, %arg12: memref<8x8x129xf32, #tpu.memory_space<vmem>>, %arg13: memref<8x8x129xf32, #tpu.memory_space<vmem>>, %arg14: memref<8x8x129xf32, #tpu.memory_space<vmem>>, %arg15: memref<8x8x129xf32, #tpu.memory_space<vmem>>, %arg16: memref<!tpu.dma_semaphore, #tpu.memory_space<semaphore_mem>>, %arg17: memref<!tpu.dma_semaphore, #tpu.memory_space<semaphore_mem>>, %arg18: memref<!tpu.dma_semaphore, #tpu.memory_space<semaphore_mem>>, %arg19: memref<!tpu.dma_semaphore, #tpu.memory_space<semaphore_mem>>, %arg20: memref<!tpu.dma_semaphore, #tpu.memory_space<semaphore_mem>>, %arg21: memref<!tpu.dma_semaphore, #tpu.memory_space<semaphore_mem>>, %arg22: memref<!tpu.dma_semaphore, #tpu.memory_space<semaphore_mem>>, %arg23: memref<!tpu.dma_semaphore, #tpu.memory_space<semaphore_mem>>) attributes {dimension_semantics = [#tpu.dimension_semantics<core_parallel>, #tpu.dimension_semantics<subcore_parallel>], iteration_bounds = array<i64: 2, 16>, scalar_prefetch = 0 : i64, scratch_operands = 18 : i64, tpu.core_type = #tpu.core_type<sc_vector_subcore>, window_params = [{transform_indices = #map}, {transform_indices = #map1}, {transform_indices = #map1}, {transform_indices = #map2}]} {
    %mul3A = arith.constant 2 : i32
    %mul3A_0 = arith.muli %arg1, %mul3A : i32
    %add3A = arith.addi %mul3A_0, %arg0 : i32
    "tpu.region"() ({
      %run_scoped3A = tpu.sem_alloc : memref<!tpu.dma_semaphore, #tpu.memory_space<semaphore_mem>>
      %dma_start3A_1036 = arith.constant 0 : i32
      %dma_start3A_1037 = arith.constant 0 : i32
      %dma_start3A_1038 = arith.constant 0 : i32
      %dma_start3A_1039 = tpu.memref_slice %arg2[%dma_start3A_1036, %add3A, %dma_start3A_1037, %dma_start3A_1038] : memref<25x32x8x128xi32, #tpu.memory_space<hbm>> -> memref<25x1x8x128xi32, #tpu.memory_space<hbm>>
      %dma_start3A_1040 = tpu.memref_squeeze %dma_start3A_1039 : memref<25x1x8x128xi32, #tpu.memory_space<hbm>> -> memref<25x8x128xi32, #tpu.memory_space<hbm>>
      %dma_start3A_1041 = arith.constant 0 : i32
      %dma_start3A_1042 = arith.constant 0 : i32
      %dma_start3A_1043 = arith.constant 0 : i32
      %dma_start3A_1044 = tpu.memref_slice %arg2[%dma_start3A_1041, %add3A, %dma_start3A_1042, %dma_start3A_1043] : memref<25x32x8x128xi32, #tpu.memory_space<hbm>> -> memref<25x1x8x128xi32, #tpu.memory_space<hbm>>
      %dma_start3A_1045 = tpu.memref_squeeze %dma_start3A_1044 : memref<25x1x8x128xi32, #tpu.memory_space<hbm>> -> memref<25x8x128xi32, #tpu.memory_space<hbm>>
      tpu.enqueue_dma source(%dma_start3A_1045 : memref<25x8x128xi32, #tpu.memory_space<hbm>>) target(%arg6 : memref<25x8x128xi32, #tpu.memory_space<vmem>>) target_semaphore(%run_scoped3A : memref<!tpu.dma_semaphore, #tpu.memory_space<semaphore_mem>>)
      %dma_wait3A_1046 = arith.constant 0 : i32
      %dma_wait3A_1047 = arith.constant 0 : i32
      %dma_wait3A_1048 = arith.constant 0 : i32
      %dma_wait3A_1049 = tpu.memref_slice %arg2[%dma_wait3A_1046, %add3A, %dma_wait3A_1047, %dma_wait3A_1048] : memref<25x32x8x128xi32, #tpu.memory_space<hbm>> -> memref<25x1x8x128xi32, #tpu.memory_space<hbm>>
      %dma_wait3A_1050 = tpu.memref_squeeze %dma_wait3A_1049 : memref<25x1x8x128xi32, #tpu.memory_space<hbm>> -> memref<25x8x128xi32, #tpu.memory_space<hbm>>
      %dma_wait3A_1051 = arith.constant 0 : i32
      %dma_wait3A_1052 = arith.constant 0 : i32
      %dma_wait3A_1053 = arith.constant 0 : i32
      %dma_wait3A_1054 = tpu.memref_slice %arg2[%dma_wait3A_1051, %add3A, %dma_wait3A_1052, %dma_wait3A_1053] : memref<25x32x8x128xi32, #tpu.memory_space<hbm>> -> memref<25x1x8x128xi32, #tpu.memory_space<hbm>>
      %dma_wait3A_1055 = tpu.memref_squeeze %dma_wait3A_1054 : memref<25x1x8x128xi32, #tpu.memory_space<hbm>> -> memref<25x8x128xi32, #tpu.memory_space<hbm>>
      tpu.wait_dma2 semaphore(%run_scoped3A : memref<!tpu.dma_semaphore, #tpu.memory_space<semaphore_mem>>) src(%dma_wait3A_1055 : memref<25x8x128xi32, #tpu.memory_space<hbm>>) dst(%arg6 : memref<25x8x128xi32, #tpu.memory_space<vmem>>)
      tpu.yield
    }) : () -> ()
    "tpu.region"() ({
      %run_scoped3A = tpu.sem_alloc : memref<!tpu.dma_semaphore, #tpu.memory_space<semaphore_mem>>
      tpu.enqueue_dma source(%arg4 : memref<200x64xf32, #tpu.memory_space<hbm>>) target(%arg7 : memref<200x64xf32, #tpu.memory_space<vmem>>) target_semaphore(%run_scoped3A : memref<!tpu.dma_semaphore, #tpu.memory_space<semaphore_mem>>)
      tpu.wait_dma2 semaphore(%run_scoped3A : memref<!tpu.dma_semaphore, #tpu.memory_space<semaphore_mem>>) src(%arg4 : memref<200x64xf32, #tpu.memory_space<hbm>>) dst(%arg7 : memref<200x64xf32, #tpu.memory_space<vmem>>)
      tpu.yield
    }) : () -> ()
    %iota3A = tpu.iota {dimensions = array<i32: 0>} : vector<16xi32>
    %add3A_1 = arith.constant 0 : i32
    %add3A_2 = vector.broadcast %add3A_1 : i32 to vector<16xi32>
    %add3A_3 = arith.addi %iota3A, %add3A_2 : vector<16xi32>
    %jit3A = arith.constant 8 : i32
    %div3A = vector.broadcast %jit3A : i32 to vector<16xi32>
    %div3A_4 = arith.divsi %add3A_3, %div3A : vector<16xi32>
    %sign3A = arith.constant 0 : i32
    %sign3A_5 = vector.broadcast %sign3A : i32 to vector<16xi32>
    %sign3A_6 = arith.cmpi sgt, %add3A_3, %sign3A_5 : vector<16xi32>
    %sign3A_7 = arith.extui %sign3A_6 : vector<16xi1> to vector<16xi32>
    %sign3A_8 = arith.constant 0 : i32
    %sign3A_9 = vector.broadcast %sign3A_8 : i32 to vector<16xi32>
    %sign3A_10 = arith.cmpi slt, %add3A_3, %sign3A_9 : vector<16xi32>
    %sign3A_11 = arith.extui %sign3A_10 : vector<16xi1> to vector<16xi32>
    %sign3A_12 = arith.subi %sign3A_7, %sign3A_11 : vector<16xi32>
    %sign3A_13 = arith.constant 0 : i32
    %sign3A_14 = arith.cmpi sgt, %jit3A, %sign3A_13 : i32
    %sign3A_15 = arith.extui %sign3A_14 : i1 to i32
    %sign3A_16 = arith.constant 0 : i32
    %sign3A_17 = arith.cmpi slt, %jit3A, %sign3A_16 : i32
    %sign3A_18 = arith.extui %sign3A_17 : i1 to i32
    %sign3A_19 = arith.subi %sign3A_15, %sign3A_18 : i32
    %ne3A = vector.broadcast %sign3A_19 : i32 to vector<16xi32>
    %ne3A_20 = arith.cmpi ne, %sign3A_12, %ne3A : vector<16xi32>
    %rem3A = vector.broadcast %jit3A : i32 to vector<16xi32>
    %rem3A_21 = arith.remsi %add3A_3, %rem3A : vector<16xi32>
    %ne3A_22 = arith.constant 0 : i32
    %ne3A_23 = vector.broadcast %ne3A_22 : i32 to vector<16xi32>
    %ne3A_24 = arith.cmpi ne, %rem3A_21, %ne3A_23 : vector<16xi32>
    %and3A = arith.andi %ne3A_20, %ne3A_24 : vector<16xi1>
    %sub3A = arith.constant 1 : i32
    %sub3A_25 = vector.broadcast %sub3A : i32 to vector<16xi32>
    %sub3A_26 = arith.subi %div3A_4, %sub3A_25 : vector<16xi32>
    %select_n3A = arith.select %and3A, %sub3A_26, %div3A_4 : vector<16xi1>, vector<16xi32>
    %add3A_27 = arith.constant 16 : i32
    %add3A_28 = vector.broadcast %add3A_27 : i32 to vector<16xi32>
    %add3A_29 = arith.addi %iota3A, %add3A_28 : vector<16xi32>
    %jit3A_30 = arith.constant 8 : i32
    %div3A_31 = vector.broadcast %jit3A_30 : i32 to vector<16xi32>
    %div3A_32 = arith.divsi %add3A_29, %div3A_31 : vector<16xi32>
    %sign3A_33 = arith.constant 0 : i32
    %sign3A_34 = vector.broadcast %sign3A_33 : i32 to vector<16xi32>
    %sign3A_35 = arith.cmpi sgt, %add3A_29, %sign3A_34 : vector<16xi32>
    %sign3A_36 = arith.extui %sign3A_35 : vector<16xi1> to vector<16xi32>
    %sign3A_37 = arith.constant 0 : i32
    %sign3A_38 = vector.broadcast %sign3A_37 : i32 to vector<16xi32>
    %sign3A_39 = arith.cmpi slt, %add3A_29, %sign3A_38 : vector<16xi32>
    %sign3A_40 = arith.extui %sign3A_39 : vector<16xi1> to vector<16xi32>
    %sign3A_41 = arith.subi %sign3A_36, %sign3A_40 : vector<16xi32>
    %sign3A_42 = arith.constant 0 : i32
    %sign3A_43 = arith.cmpi sgt, %jit3A_30, %sign3A_42 : i32
    %sign3A_44 = arith.extui %sign3A_43 : i1 to i32
    %sign3A_45 = arith.constant 0 : i32
    %sign3A_46 = arith.cmpi slt, %jit3A_30, %sign3A_45 : i32
    %sign3A_47 = arith.extui %sign3A_46 : i1 to i32
    %sign3A_48 = arith.subi %sign3A_44, %sign3A_47 : i32
    %ne3A_49 = vector.broadcast %sign3A_48 : i32 to vector<16xi32>
    %ne3A_50 = arith.cmpi ne, %sign3A_41, %ne3A_49 : vector<16xi32>
    %rem3A_51 = vector.broadcast %jit3A_30 : i32 to vector<16xi32>
    %rem3A_52 = arith.remsi %add3A_29, %rem3A_51 : vector<16xi32>
    %ne3A_53 = arith.constant 0 : i32
    %ne3A_54 = vector.broadcast %ne3A_53 : i32 to vector<16xi32>
    %ne3A_55 = arith.cmpi ne, %rem3A_52, %ne3A_54 : vector<16xi32>
    %and3A_56 = arith.andi %ne3A_50, %ne3A_55 : vector<16xi1>
    %sub3A_57 = arith.constant 1 : i32
    %sub3A_58 = vector.broadcast %sub3A_57 : i32 to vector<16xi32>
    %sub3A_59 = arith.subi %div3A_32, %sub3A_58 : vector<16xi32>
    %select_n3A_60 = arith.select %and3A_56, %sub3A_59, %div3A_32 : vector<16xi1>, vector<16xi32>
    %add3A_61 = arith.constant 32 : i32
    %add3A_62 = vector.broadcast %add3A_61 : i32 to vector<16xi32>
    %add3A_63 = arith.addi %iota3A, %add3A_62 : vector<16xi32>
    %jit3A_64 = arith.constant 8 : i32
    %div3A_65 = vector.broadcast %jit3A_64 : i32 to vector<16xi32>
    %div3A_66 = arith.divsi %add3A_63, %div3A_65 : vector<16xi32>
    %sign3A_67 = arith.constant 0 : i32
    %sign3A_68 = vector.broadcast %sign3A_67 : i32 to vector<16xi32>
    %sign3A_69 = arith.cmpi sgt, %add3A_63, %sign3A_68 : vector<16xi32>
    %sign3A_70 = arith.extui %sign3A_69 : vector<16xi1> to vector<16xi32>
    %sign3A_71 = arith.constant 0 : i32
    %sign3A_72 = vector.broadcast %sign3A_71 : i32 to vector<16xi32>
    %sign3A_73 = arith.cmpi slt, %add3A_63, %sign3A_72 : vector<16xi32>
    %sign3A_74 = arith.extui %sign3A_73 : vector<16xi1> to vector<16xi32>
    %sign3A_75 = arith.subi %sign3A_70, %sign3A_74 : vector<16xi32>
    %sign3A_76 = arith.constant 0 : i32
    %sign3A_77 = arith.cmpi sgt, %jit3A_64, %sign3A_76 : i32
    %sign3A_78 = arith.extui %sign3A_77 : i1 to i32
    %sign3A_79 = arith.constant 0 : i32
    %sign3A_80 = arith.cmpi slt, %jit3A_64, %sign3A_79 : i32
    %sign3A_81 = arith.extui %sign3A_80 : i1 to i32
    %sign3A_82 = arith.subi %sign3A_78, %sign3A_81 : i32
    %ne3A_83 = vector.broadcast %sign3A_82 : i32 to vector<16xi32>
    %ne3A_84 = arith.cmpi ne, %sign3A_75, %ne3A_83 : vector<16xi32>
    %rem3A_85 = vector.broadcast %jit3A_64 : i32 to vector<16xi32>
    %rem3A_86 = arith.remsi %add3A_63, %rem3A_85 : vector<16xi32>
    %ne3A_87 = arith.constant 0 : i32
    %ne3A_88 = vector.broadcast %ne3A_87 : i32 to vector<16xi32>
    %ne3A_89 = arith.cmpi ne, %rem3A_86, %ne3A_88 : vector<16xi32>
    %and3A_90 = arith.andi %ne3A_84, %ne3A_89 : vector<16xi1>
    %sub3A_91 = arith.constant 1 : i32
    %sub3A_92 = vector.broadcast %sub3A_91 : i32 to vector<16xi32>
    %sub3A_93 = arith.subi %div3A_66, %sub3A_92 : vector<16xi32>
    %select_n3A_94 = arith.select %and3A_90, %sub3A_93, %div3A_66 : vector<16xi1>, vector<16xi32>
    %add3A_95 = arith.constant 48 : i32
    %add3A_96 = vector.broadcast %add3A_95 : i32 to vector<16xi32>
    %add3A_97 = arith.addi %iota3A, %add3A_96 : vector<16xi32>
    %jit3A_98 = arith.constant 8 : i32
    %div3A_99 = vector.broadcast %jit3A_98 : i32 to vector<16xi32>
    %div3A_100 = arith.divsi %add3A_97, %div3A_99 : vector<16xi32>
    %sign3A_101 = arith.constant 0 : i32
    %sign3A_102 = vector.broadcast %sign3A_101 : i32 to vector<16xi32>
    %sign3A_103 = arith.cmpi sgt, %add3A_97, %sign3A_102 : vector<16xi32>
    %sign3A_104 = arith.extui %sign3A_103 : vector<16xi1> to vector<16xi32>
    %sign3A_105 = arith.constant 0 : i32
    %sign3A_106 = vector.broadcast %sign3A_105 : i32 to vector<16xi32>
    %sign3A_107 = arith.cmpi slt, %add3A_97, %sign3A_106 : vector<16xi32>
    %sign3A_108 = arith.extui %sign3A_107 : vector<16xi1> to vector<16xi32>
    %sign3A_109 = arith.subi %sign3A_104, %sign3A_108 : vector<16xi32>
    %sign3A_110 = arith.constant 0 : i32
    %sign3A_111 = arith.cmpi sgt, %jit3A_98, %sign3A_110 : i32
    %sign3A_112 = arith.extui %sign3A_111 : i1 to i32
    %sign3A_113 = arith.constant 0 : i32
    %sign3A_114 = arith.cmpi slt, %jit3A_98, %sign3A_113 : i32
    %sign3A_115 = arith.extui %sign3A_114 : i1 to i32
    %sign3A_116 = arith.subi %sign3A_112, %sign3A_115 : i32
    %ne3A_117 = vector.broadcast %sign3A_116 : i32 to vector<16xi32>
    %ne3A_118 = arith.cmpi ne, %sign3A_109, %ne3A_117 : vector<16xi32>
    %rem3A_119 = vector.broadcast %jit3A_98 : i32 to vector<16xi32>
    %rem3A_120 = arith.remsi %add3A_97, %rem3A_119 : vector<16xi32>
    %ne3A_121 = arith.constant 0 : i32
    %ne3A_122 = vector.broadcast %ne3A_121 : i32 to vector<16xi32>
    %ne3A_123 = arith.cmpi ne, %rem3A_120, %ne3A_122 : vector<16xi32>
    %and3A_124 = arith.andi %ne3A_118, %ne3A_123 : vector<16xi1>
    %sub3A_125 = arith.constant 1 : i32
    %sub3A_126 = vector.broadcast %sub3A_125 : i32 to vector<16xi32>
    %sub3A_127 = arith.subi %div3A_100, %sub3A_126 : vector<16xi32>
    %select_n3A_128 = arith.select %and3A_124, %sub3A_127, %div3A_100 : vector<16xi1>, vector<16xi32>
    %add3A_129 = arith.constant 0 : i32
    %add3A_130 = vector.broadcast %add3A_129 : i32 to vector<16xi32>
    %add3A_131 = arith.addi %iota3A, %add3A_130 : vector<16xi32>
    %jit3A_132 = arith.constant 8 : i32
    %eq3A = arith.constant 0 : i32
    %eq3A_133 = arith.cmpi eq, %jit3A_132, %eq3A : i32
    %jit3A_134 = arith.constant 1 : i32
    %select_n3A_135 = arith.select %eq3A_133, %jit3A_134, %jit3A_132 : i32
    %rem3A_136 = vector.broadcast %select_n3A_135 : i32 to vector<16xi32>
    %rem3A_137 = arith.remsi %add3A_131, %rem3A_136 : vector<16xi32>
    %ne3A_138 = arith.constant 0 : i32
    %ne3A_139 = vector.broadcast %ne3A_138 : i32 to vector<16xi32>
    %ne3A_140 = arith.cmpi ne, %rem3A_137, %ne3A_139 : vector<16xi32>
    %lt3A = arith.constant 0 : i32
    %lt3A_141 = vector.broadcast %lt3A : i32 to vector<16xi32>
    %lt3A_142 = arith.cmpi slt, %rem3A_137, %lt3A_141 : vector<16xi32>
    %lt3A_143 = arith.constant 0 : i32
    %lt3A_144 = arith.cmpi slt, %select_n3A_135, %lt3A_143 : i32
    %ne3A_145 = vector.broadcast %lt3A_144 : i1 to vector<16xi1>
    %ne3A_146 = vector.broadcast %ne3A_145 : vector<16xi1> to vector<16xi1>
    %ne3A_147 = arith.xori %lt3A_142, %ne3A_146 : vector<16xi1>
    %and3A_148 = arith.andi %ne3A_147, %ne3A_140 : vector<16xi1>
    %add3A_149 = vector.broadcast %select_n3A_135 : i32 to vector<16xi32>
    %add3A_150 = arith.addi %rem3A_137, %add3A_149 : vector<16xi32>
    %select_n3A_151 = arith.select %and3A_148, %add3A_150, %rem3A_137 : vector<16xi1>, vector<16xi32>
    %add3A_152 = arith.constant 16 : i32
    %add3A_153 = vector.broadcast %add3A_152 : i32 to vector<16xi32>
    %add3A_154 = arith.addi %iota3A, %add3A_153 : vector<16xi32>
    %jit3A_155 = arith.constant 8 : i32
    %eq3A_156 = arith.constant 0 : i32
    %eq3A_157 = arith.cmpi eq, %jit3A_155, %eq3A_156 : i32
    %jit3A_158 = arith.constant 1 : i32
    %select_n3A_159 = arith.select %eq3A_157, %jit3A_158, %jit3A_155 : i32
    %rem3A_160 = vector.broadcast %select_n3A_159 : i32 to vector<16xi32>
    %rem3A_161 = arith.remsi %add3A_154, %rem3A_160 : vector<16xi32>
    %ne3A_162 = arith.constant 0 : i32
    %ne3A_163 = vector.broadcast %ne3A_162 : i32 to vector<16xi32>
    %ne3A_164 = arith.cmpi ne, %rem3A_161, %ne3A_163 : vector<16xi32>
    %lt3A_165 = arith.constant 0 : i32
    %lt3A_166 = vector.broadcast %lt3A_165 : i32 to vector<16xi32>
    %lt3A_167 = arith.cmpi slt, %rem3A_161, %lt3A_166 : vector<16xi32>
    %lt3A_168 = arith.constant 0 : i32
    %lt3A_169 = arith.cmpi slt, %select_n3A_159, %lt3A_168 : i32
    %ne3A_170 = vector.broadcast %lt3A_169 : i1 to vector<16xi1>
    %ne3A_171 = vector.broadcast %ne3A_170 : vector<16xi1> to vector<16xi1>
    %ne3A_172 = arith.xori %lt3A_167, %ne3A_171 : vector<16xi1>
    %and3A_173 = arith.andi %ne3A_172, %ne3A_164 : vector<16xi1>
    %add3A_174 = vector.broadcast %select_n3A_159 : i32 to vector<16xi32>
    %add3A_175 = arith.addi %rem3A_161, %add3A_174 : vector<16xi32>
    %select_n3A_176 = arith.select %and3A_173, %add3A_175, %rem3A_161 : vector<16xi1>, vector<16xi32>
    %add3A_177 = arith.constant 32 : i32
    %add3A_178 = vector.broadcast %add3A_177 : i32 to vector<16xi32>
    %add3A_179 = arith.addi %iota3A, %add3A_178 : vector<16xi32>
    %jit3A_180 = arith.constant 8 : i32
    %eq3A_181 = arith.constant 0 : i32
    %eq3A_182 = arith.cmpi eq, %jit3A_180, %eq3A_181 : i32
    %jit3A_183 = arith.constant 1 : i32
    %select_n3A_184 = arith.select %eq3A_182, %jit3A_183, %jit3A_180 : i32
    %rem3A_185 = vector.broadcast %select_n3A_184 : i32 to vector<16xi32>
    %rem3A_186 = arith.remsi %add3A_179, %rem3A_185 : vector<16xi32>
    %ne3A_187 = arith.constant 0 : i32
    %ne3A_188 = vector.broadcast %ne3A_187 : i32 to vector<16xi32>
    %ne3A_189 = arith.cmpi ne, %rem3A_186, %ne3A_188 : vector<16xi32>
    %lt3A_190 = arith.constant 0 : i32
    %lt3A_191 = vector.broadcast %lt3A_190 : i32 to vector<16xi32>
    %lt3A_192 = arith.cmpi slt, %rem3A_186, %lt3A_191 : vector<16xi32>
    %lt3A_193 = arith.constant 0 : i32
    %lt3A_194 = arith.cmpi slt, %select_n3A_184, %lt3A_193 : i32
    %ne3A_195 = vector.broadcast %lt3A_194 : i1 to vector<16xi1>
    %ne3A_196 = vector.broadcast %ne3A_195 : vector<16xi1> to vector<16xi1>
    %ne3A_197 = arith.xori %lt3A_192, %ne3A_196 : vector<16xi1>
    %and3A_198 = arith.andi %ne3A_197, %ne3A_189 : vector<16xi1>
    %add3A_199 = vector.broadcast %select_n3A_184 : i32 to vector<16xi32>
    %add3A_200 = arith.addi %rem3A_186, %add3A_199 : vector<16xi32>
    %select_n3A_201 = arith.select %and3A_198, %add3A_200, %rem3A_186 : vector<16xi1>, vector<16xi32>
    %add3A_202 = arith.constant 48 : i32
    %add3A_203 = vector.broadcast %add3A_202 : i32 to vector<16xi32>
    %add3A_204 = arith.addi %iota3A, %add3A_203 : vector<16xi32>
    %jit3A_205 = arith.constant 8 : i32
    %eq3A_206 = arith.constant 0 : i32
    %eq3A_207 = arith.cmpi eq, %jit3A_205, %eq3A_206 : i32
    %jit3A_208 = arith.constant 1 : i32
    %select_n3A_209 = arith.select %eq3A_207, %jit3A_208, %jit3A_205 : i32
    %rem3A_210 = vector.broadcast %select_n3A_209 : i32 to vector<16xi32>
    %rem3A_211 = arith.remsi %add3A_204, %rem3A_210 : vector<16xi32>
    %ne3A_212 = arith.constant 0 : i32
    %ne3A_213 = vector.broadcast %ne3A_212 : i32 to vector<16xi32>
    %ne3A_214 = arith.cmpi ne, %rem3A_211, %ne3A_213 : vector<16xi32>
    %lt3A_215 = arith.constant 0 : i32
    %lt3A_216 = vector.broadcast %lt3A_215 : i32 to vector<16xi32>
    %lt3A_217 = arith.cmpi slt, %rem3A_211, %lt3A_216 : vector<16xi32>
    %lt3A_218 = arith.constant 0 : i32
    %lt3A_219 = arith.cmpi slt, %select_n3A_209, %lt3A_218 : i32
    %ne3A_220 = vector.broadcast %lt3A_219 : i1 to vector<16xi1>
    %ne3A_221 = vector.broadcast %ne3A_220 : vector<16xi1> to vector<16xi1>
    %ne3A_222 = arith.xori %lt3A_217, %ne3A_221 : vector<16xi1>
    %and3A_223 = arith.andi %ne3A_222, %ne3A_214 : vector<16xi1>
    %add3A_224 = vector.broadcast %select_n3A_209 : i32 to vector<16xi32>
    %add3A_225 = arith.addi %rem3A_211, %add3A_224 : vector<16xi32>
    %select_n3A_226 = arith.select %and3A_223, %add3A_225, %rem3A_211 : vector<16xi1>, vector<16xi32>
    %dma_start3A = arith.constant 0 : i32
    %dma_start3A_227 = arith.constant 0 : i32
    %dma_start3A_228 = arith.constant 0 : i32
    %dma_start3A_229 = arith.constant 0 : i32
    %dma_start3A_230 = tpu.memref_slice %arg8[%dma_start3A_228, %dma_start3A_229] : memref<128x64xf32, #tpu.memory_space<vmem>> -> memref<64x64xf32, #tpu.memory_space<vmem>>
    %dma_start3A_231 = arith.constant 0 : i32
    %dma_start3A_232 = tpu.memref_slice %arg6[%dma_start3A, %dma_start3A_227, %dma_start3A_231] : memref<25x8x128xi32, #tpu.memory_space<vmem>> -> memref<1x1x64xi32, #tpu.memory_space<vmem>>
    %dma_start3A_233 = tpu.memref_squeeze %dma_start3A_232 : memref<1x1x64xi32, #tpu.memory_space<vmem>> -> memref<64xi32, #tpu.memory_space<vmem>>
    %dma_start3A_234 = arith.constant 0 : i32
    %dma_start3A_235 = arith.constant 0 : i32
    %dma_start3A_236 = tpu.memref_slice %arg3[%dma_start3A_234, %dma_start3A_235] : memref<100000x64xf32, #tpu.memory_space<hbm>> -> memref<100000x64xf32, #tpu.memory_space<hbm>>
    tpu.enqueue_indirect_dma source(%dma_start3A_236 : memref<100000x64xf32, #tpu.memory_space<hbm>>) target(%dma_start3A_230 : memref<64x64xf32, #tpu.memory_space<vmem>>) offsets(%dma_start3A_233 : memref<64xi32, #tpu.memory_space<vmem>>) semaphore(%arg16 : memref<!tpu.dma_semaphore, #tpu.memory_space<semaphore_mem>>)
    %dma_start3A_237 = arith.constant 0 : i32
    %dma_start3A_238 = arith.constant 0 : i32
    %dma_start3A_239 = arith.constant 64 : i32
    %dma_start3A_240 = arith.constant 0 : i32
    %dma_start3A_241 = tpu.memref_slice %arg8[%dma_start3A_239, %dma_start3A_240] : memref<128x64xf32, #tpu.memory_space<vmem>> -> memref<64x64xf32, #tpu.memory_space<vmem>>
    %dma_start3A_242 = arith.constant 64 : i32
    %dma_start3A_243 = tpu.memref_slice %arg6[%dma_start3A_237, %dma_start3A_238, %dma_start3A_242] : memref<25x8x128xi32, #tpu.memory_space<vmem>> -> memref<1x1x64xi32, #tpu.memory_space<vmem>>
    %dma_start3A_244 = tpu.memref_squeeze %dma_start3A_243 : memref<1x1x64xi32, #tpu.memory_space<vmem>> -> memref<64xi32, #tpu.memory_space<vmem>>
    %dma_start3A_245 = arith.constant 0 : i32
    %dma_start3A_246 = arith.constant 0 : i32
    %dma_start3A_247 = tpu.memref_slice %arg3[%dma_start3A_245, %dma_start3A_246] : memref<100000x64xf32, #tpu.memory_space<hbm>> -> memref<100000x64xf32, #tpu.memory_space<hbm>>
    tpu.enqueue_indirect_dma source(%dma_start3A_247 : memref<100000x64xf32, #tpu.memory_space<hbm>>) target(%dma_start3A_241 : memref<64x64xf32, #tpu.memory_space<vmem>>) offsets(%dma_start3A_244 : memref<64xi32, #tpu.memory_space<vmem>>) semaphore(%arg16 : memref<!tpu.dma_semaphore, #tpu.memory_space<semaphore_mem>>)
    %dma_start3A_248 = arith.constant 0 : i32
    %dma_start3A_249 = arith.constant 1 : i32
    %dma_start3A_250 = arith.constant 0 : i32
    %dma_start3A_251 = arith.constant 0 : i32
    %dma_start3A_252 = tpu.memref_slice %arg9[%dma_start3A_250, %dma_start3A_251] : memref<128x64xf32, #tpu.memory_space<vmem>> -> memref<64x64xf32, #tpu.memory_space<vmem>>
    %dma_start3A_253 = arith.constant 0 : i32
    %dma_start3A_254 = tpu.memref_slice %arg6[%dma_start3A_248, %dma_start3A_249, %dma_start3A_253] : memref<25x8x128xi32, #tpu.memory_space<vmem>> -> memref<1x1x64xi32, #tpu.memory_space<vmem>>
    %dma_start3A_255 = tpu.memref_squeeze %dma_start3A_254 : memref<1x1x64xi32, #tpu.memory_space<vmem>> -> memref<64xi32, #tpu.memory_space<vmem>>
    %dma_start3A_256 = arith.constant 0 : i32
    %dma_start3A_257 = arith.constant 0 : i32
    %dma_start3A_258 = tpu.memref_slice %arg3[%dma_start3A_256, %dma_start3A_257] : memref<100000x64xf32, #tpu.memory_space<hbm>> -> memref<100000x64xf32, #tpu.memory_space<hbm>>
    tpu.enqueue_indirect_dma source(%dma_start3A_258 : memref<100000x64xf32, #tpu.memory_space<hbm>>) target(%dma_start3A_252 : memref<64x64xf32, #tpu.memory_space<vmem>>) offsets(%dma_start3A_255 : memref<64xi32, #tpu.memory_space<vmem>>) semaphore(%arg17 : memref<!tpu.dma_semaphore, #tpu.memory_space<semaphore_mem>>)
    %dma_start3A_259 = arith.constant 0 : i32
    %dma_start3A_260 = arith.constant 1 : i32
    %dma_start3A_261 = arith.constant 64 : i32
    %dma_start3A_262 = arith.constant 0 : i32
    %dma_start3A_263 = tpu.memref_slice %arg9[%dma_start3A_261, %dma_start3A_262] : memref<128x64xf32, #tpu.memory_space<vmem>> -> memref<64x64xf32, #tpu.memory_space<vmem>>
    %dma_start3A_264 = arith.constant 64 : i32
    %dma_start3A_265 = tpu.memref_slice %arg6[%dma_start3A_259, %dma_start3A_260, %dma_start3A_264] : memref<25x8x128xi32, #tpu.memory_space<vmem>> -> memref<1x1x64xi32, #tpu.memory_space<vmem>>
    %dma_start3A_266 = tpu.memref_squeeze %dma_start3A_265 : memref<1x1x64xi32, #tpu.memory_space<vmem>> -> memref<64xi32, #tpu.memory_space<vmem>>
    %dma_start3A_267 = arith.constant 0 : i32
    %dma_start3A_268 = arith.constant 0 : i32
    %dma_start3A_269 = tpu.memref_slice %arg3[%dma_start3A_267, %dma_start3A_268] : memref<100000x64xf32, #tpu.memory_space<hbm>> -> memref<100000x64xf32, #tpu.memory_space<hbm>>
    tpu.enqueue_indirect_dma source(%dma_start3A_269 : memref<100000x64xf32, #tpu.memory_space<hbm>>) target(%dma_start3A_263 : memref<64x64xf32, #tpu.memory_space<vmem>>) offsets(%dma_start3A_266 : memref<64xi32, #tpu.memory_space<vmem>>) semaphore(%arg17 : memref<!tpu.dma_semaphore, #tpu.memory_space<semaphore_mem>>)
    %dma_start3A_270 = arith.constant 0 : i32
    %dma_start3A_271 = arith.constant 2 : i32
    %dma_start3A_272 = arith.constant 0 : i32
    %dma_start3A_273 = arith.constant 0 : i32
    %dma_start3A_274 = tpu.memref_slice %arg10[%dma_start3A_272, %dma_start3A_273] : memref<128x64xf32, #tpu.memory_space<vmem>> -> memref<64x64xf32, #tpu.memory_space<vmem>>
    %dma_start3A_275 = arith.constant 0 : i32
    %dma_start3A_276 = tpu.memref_slice %arg6[%dma_start3A_270, %dma_start3A_271, %dma_start3A_275] : memref<25x8x128xi32, #tpu.memory_space<vmem>> -> memref<1x1x64xi32, #tpu.memory_space<vmem>>
    %dma_start3A_277 = tpu.memref_squeeze %dma_start3A_276 : memref<1x1x64xi32, #tpu.memory_space<vmem>> -> memref<64xi32, #tpu.memory_space<vmem>>
    %dma_start3A_278 = arith.constant 0 : i32
    %dma_start3A_279 = arith.constant 0 : i32
    %dma_start3A_280 = tpu.memref_slice %arg3[%dma_start3A_278, %dma_start3A_279] : memref<100000x64xf32, #tpu.memory_space<hbm>> -> memref<100000x64xf32, #tpu.memory_space<hbm>>
    tpu.enqueue_indirect_dma source(%dma_start3A_280 : memref<100000x64xf32, #tpu.memory_space<hbm>>) target(%dma_start3A_274 : memref<64x64xf32, #tpu.memory_space<vmem>>) offsets(%dma_start3A_277 : memref<64xi32, #tpu.memory_space<vmem>>) semaphore(%arg18 : memref<!tpu.dma_semaphore, #tpu.memory_space<semaphore_mem>>)
    %dma_start3A_281 = arith.constant 0 : i32
    %dma_start3A_282 = arith.constant 2 : i32
    %dma_start3A_283 = arith.constant 64 : i32
    %dma_start3A_284 = arith.constant 0 : i32
    %dma_start3A_285 = tpu.memref_slice %arg10[%dma_start3A_283, %dma_start3A_284] : memref<128x64xf32, #tpu.memory_space<vmem>> -> memref<64x64xf32, #tpu.memory_space<vmem>>
    %dma_start3A_286 = arith.constant 64 : i32
    %dma_start3A_287 = tpu.memref_slice %arg6[%dma_start3A_281, %dma_start3A_282, %dma_start3A_286] : memref<25x8x128xi32, #tpu.memory_space<vmem>> -> memref<1x1x64xi32, #tpu.memory_space<vmem>>
    %dma_start3A_288 = tpu.memref_squeeze %dma_start3A_287 : memref<1x1x64xi32, #tpu.memory_space<vmem>> -> memref<64xi32, #tpu.memory_space<vmem>>
    %dma_start3A_289 = arith.constant 0 : i32
    %dma_start3A_290 = arith.constant 0 : i32
    %dma_start3A_291 = tpu.memref_slice %arg3[%dma_start3A_289, %dma_start3A_290] : memref<100000x64xf32, #tpu.memory_space<hbm>> -> memref<100000x64xf32, #tpu.memory_space<hbm>>
    tpu.enqueue_indirect_dma source(%dma_start3A_291 : memref<100000x64xf32, #tpu.memory_space<hbm>>) target(%dma_start3A_285 : memref<64x64xf32, #tpu.memory_space<vmem>>) offsets(%dma_start3A_288 : memref<64xi32, #tpu.memory_space<vmem>>) semaphore(%arg18 : memref<!tpu.dma_semaphore, #tpu.memory_space<semaphore_mem>>)
    %dma_start3A_292 = arith.constant 0 : i32
    %dma_start3A_293 = arith.constant 3 : i32
    %dma_start3A_294 = arith.constant 0 : i32
    %dma_start3A_295 = arith.constant 0 : i32
    %dma_start3A_296 = tpu.memref_slice %arg11[%dma_start3A_294, %dma_start3A_295] : memref<128x64xf32, #tpu.memory_space<vmem>> -> memref<64x64xf32, #tpu.memory_space<vmem>>
    %dma_start3A_297 = arith.constant 0 : i32
    %dma_start3A_298 = tpu.memref_slice %arg6[%dma_start3A_292, %dma_start3A_293, %dma_start3A_297] : memref<25x8x128xi32, #tpu.memory_space<vmem>> -> memref<1x1x64xi32, #tpu.memory_space<vmem>>
    %dma_start3A_299 = tpu.memref_squeeze %dma_start3A_298 : memref<1x1x64xi32, #tpu.memory_space<vmem>> -> memref<64xi32, #tpu.memory_space<vmem>>
    %dma_start3A_300 = arith.constant 0 : i32
    %dma_start3A_301 = arith.constant 0 : i32
    %dma_start3A_302 = tpu.memref_slice %arg3[%dma_start3A_300, %dma_start3A_301] : memref<100000x64xf32, #tpu.memory_space<hbm>> -> memref<100000x64xf32, #tpu.memory_space<hbm>>
    tpu.enqueue_indirect_dma source(%dma_start3A_302 : memref<100000x64xf32, #tpu.memory_space<hbm>>) target(%dma_start3A_296 : memref<64x64xf32, #tpu.memory_space<vmem>>) offsets(%dma_start3A_299 : memref<64xi32, #tpu.memory_space<vmem>>) semaphore(%arg19 : memref<!tpu.dma_semaphore, #tpu.memory_space<semaphore_mem>>)
    %dma_start3A_303 = arith.constant 0 : i32
    %dma_start3A_304 = arith.constant 3 : i32
    %dma_start3A_305 = arith.constant 64 : i32
    %dma_start3A_306 = arith.constant 0 : i32
    %dma_start3A_307 = tpu.memref_slice %arg11[%dma_start3A_305, %dma_start3A_306] : memref<128x64xf32, #tpu.memory_space<vmem>> -> memref<64x64xf32, #tpu.memory_space<vmem>>
    %dma_start3A_308 = arith.constant 64 : i32
    %dma_start3A_309 = tpu.memref_slice %arg6[%dma_start3A_303, %dma_start3A_304, %dma_start3A_308] : memref<25x8x128xi32, #tpu.memory_space<vmem>> -> memref<1x1x64xi32, #tpu.memory_space<vmem>>
    %dma_start3A_310 = tpu.memref_squeeze %dma_start3A_309 : memref<1x1x64xi32, #tpu.memory_space<vmem>> -> memref<64xi32, #tpu.memory_space<vmem>>
    %dma_start3A_311 = arith.constant 0 : i32
    %dma_start3A_312 = arith.constant 0 : i32
    %dma_start3A_313 = tpu.memref_slice %arg3[%dma_start3A_311, %dma_start3A_312] : memref<100000x64xf32, #tpu.memory_space<hbm>> -> memref<100000x64xf32, #tpu.memory_space<hbm>>
    tpu.enqueue_indirect_dma source(%dma_start3A_313 : memref<100000x64xf32, #tpu.memory_space<hbm>>) target(%dma_start3A_307 : memref<64x64xf32, #tpu.memory_space<vmem>>) offsets(%dma_start3A_310 : memref<64xi32, #tpu.memory_space<vmem>>) semaphore(%arg19 : memref<!tpu.dma_semaphore, #tpu.memory_space<semaphore_mem>>)
    %dma_wait3A = arith.constant 0 : i32
    %dma_wait3A_314 = arith.constant 0 : i32
    %dma_wait3A_315 = arith.constant 0 : i32
    %dma_wait3A_316 = arith.constant 0 : i32
    %dma_wait3A_317 = tpu.memref_slice %arg8[%dma_wait3A_315, %dma_wait3A_316] : memref<128x64xf32, #tpu.memory_space<vmem>> -> memref<64x64xf32, #tpu.memory_space<vmem>>
    %dma_wait3A_318 = arith.constant 0 : i32
    %dma_wait3A_319 = tpu.memref_slice %arg6[%dma_wait3A, %dma_wait3A_314, %dma_wait3A_318] : memref<25x8x128xi32, #tpu.memory_space<vmem>> -> memref<1x1x64xi32, #tpu.memory_space<vmem>>
    %dma_wait3A_320 = tpu.memref_squeeze %dma_wait3A_319 : memref<1x1x64xi32, #tpu.memory_space<vmem>> -> memref<64xi32, #tpu.memory_space<vmem>>
    %dma_wait3A_321 = arith.constant 0 : i32
    %dma_wait3A_322 = arith.constant 0 : i32
    %dma_wait3A_323 = tpu.memref_slice %arg3[%dma_wait3A_321, %dma_wait3A_322] : memref<100000x64xf32, #tpu.memory_space<hbm>> -> memref<100000x64xf32, #tpu.memory_space<hbm>>
    tpu.wait_indirect_dma semaphore(%arg16 : memref<!tpu.dma_semaphore, #tpu.memory_space<semaphore_mem>>) src(%dma_wait3A_323 : memref<100000x64xf32, #tpu.memory_space<hbm>>) dst(%dma_wait3A_317 : memref<64x64xf32, #tpu.memory_space<vmem>>)
    %dma_wait3A_324 = arith.constant 0 : i32
    %dma_wait3A_325 = arith.constant 0 : i32
    %dma_wait3A_326 = arith.constant 64 : i32
    %dma_wait3A_327 = arith.constant 0 : i32
    %dma_wait3A_328 = tpu.memref_slice %arg8[%dma_wait3A_326, %dma_wait3A_327] : memref<128x64xf32, #tpu.memory_space<vmem>> -> memref<64x64xf32, #tpu.memory_space<vmem>>
    %dma_wait3A_329 = arith.constant 64 : i32
    %dma_wait3A_330 = tpu.memref_slice %arg6[%dma_wait3A_324, %dma_wait3A_325, %dma_wait3A_329] : memref<25x8x128xi32, #tpu.memory_space<vmem>> -> memref<1x1x64xi32, #tpu.memory_space<vmem>>
    %dma_wait3A_331 = tpu.memref_squeeze %dma_wait3A_330 : memref<1x1x64xi32, #tpu.memory_space<vmem>> -> memref<64xi32, #tpu.memory_space<vmem>>
    %dma_wait3A_332 = arith.constant 0 : i32
    %dma_wait3A_333 = arith.constant 0 : i32
    %dma_wait3A_334 = tpu.memref_slice %arg3[%dma_wait3A_332, %dma_wait3A_333] : memref<100000x64xf32, #tpu.memory_space<hbm>> -> memref<100000x64xf32, #tpu.memory_space<hbm>>
    tpu.wait_indirect_dma semaphore(%arg16 : memref<!tpu.dma_semaphore, #tpu.memory_space<semaphore_mem>>) src(%dma_wait3A_334 : memref<100000x64xf32, #tpu.memory_space<hbm>>) dst(%dma_wait3A_328 : memref<64x64xf32, #tpu.memory_space<vmem>>)
    %get3A = arith.constant 0 : i32
    %get3A_335 = arith.index_cast %get3A : i32 to index
    %get3A_336 = arith.constant 0 : index
    %get3A_337 = tpu.vector_load %arg7[%get3A_335, %get3A_336] {strides = array<i32>} : memref<200x64xf32, #tpu.memory_space<vmem>>, vector<16xf32>,
    %get3A_338 = arith.constant 0 : i32
    %get3A_339 = arith.index_cast %get3A_338 : i32 to index
    %get3A_340 = arith.constant 16 : index
    %get3A_341 = tpu.vector_load %arg7[%get3A_339, %get3A_340] {strides = array<i32>} : memref<200x64xf32, #tpu.memory_space<vmem>>, vector<16xf32>,
    %get3A_342 = arith.constant 0 : i32
    %get3A_343 = arith.index_cast %get3A_342 : i32 to index
    %get3A_344 = arith.constant 32 : index
    %get3A_345 = tpu.vector_load %arg7[%get3A_343, %get3A_344] {strides = array<i32>} : memref<200x64xf32, #tpu.memory_space<vmem>>, vector<16xf32>,
    %get3A_346 = arith.constant 0 : i32
    %get3A_347 = arith.index_cast %get3A_346 : i32 to index
    %get3A_348 = arith.constant 48 : index
    %get3A_349 = tpu.vector_load %arg7[%get3A_347, %get3A_348] {strides = array<i32>} : memref<200x64xf32, #tpu.memory_space<vmem>>, vector<16xf32>,
    %parallel_loop3A = arith.constant 0 : i32
    %parallel_loop3A_350 = arith.constant 128 : i32
    %parallel_loop3A_351 = arith.constant 1 : i32
    scf.for %parallel_loop3A_1036 = %parallel_loop3A to %parallel_loop3A_350 step %parallel_loop3A_351  : i32 {
      %parallel_loop3A_1037 = vector.broadcast %parallel_loop3A_1036 : i32 to vector<16xi32>
      %parallel_loop3A_1038 = arith.index_cast %parallel_loop3A_1036 : i32 to index
      %parallel_loop3A_1039 = arith.constant 0 : index
      %parallel_loop3A_1040 = tpu.vector_load %arg8[%parallel_loop3A_1038, %parallel_loop3A_1039] {strides = array<i32>} : memref<128x64xf32, #tpu.memory_space<vmem>>, vector<16xf32>,
      %parallel_loop3A_1041 = arith.addf %parallel_loop3A_1040, %get3A_337 : vector<16xf32>
      tpu.vector_store_idx %arg12[%select_n3A, %select_n3A_151, %parallel_loop3A_1037], %parallel_loop3A_1041 : memref<8x8x129xf32, #tpu.memory_space<vmem>>[vector<16xi32>, vector<16xi32>, vector<16xi32>], vector<16xf32>,
      %parallel_loop3A_1042 = arith.index_cast %parallel_loop3A_1036 : i32 to index
      %parallel_loop3A_1043 = arith.constant 16 : index
      %parallel_loop3A_1044 = tpu.vector_load %arg8[%parallel_loop3A_1042, %parallel_loop3A_1043] {strides = array<i32>} : memref<128x64xf32, #tpu.memory_space<vmem>>, vector<16xf32>,
      %parallel_loop3A_1045 = arith.addf %parallel_loop3A_1044, %get3A_341 : vector<16xf32>
      tpu.vector_store_idx %arg12[%select_n3A_60, %select_n3A_176, %parallel_loop3A_1037], %parallel_loop3A_1045 : memref<8x8x129xf32, #tpu.memory_space<vmem>>[vector<16xi32>, vector<16xi32>, vector<16xi32>], vector<16xf32>,
      %parallel_loop3A_1046 = arith.index_cast %parallel_loop3A_1036 : i32 to index
      %parallel_loop3A_1047 = arith.constant 32 : index
      %parallel_loop3A_1048 = tpu.vector_load %arg8[%parallel_loop3A_1046, %parallel_loop3A_1047] {strides = array<i32>} : memref<128x64xf32, #tpu.memory_space<vmem>>, vector<16xf32>,
      %parallel_loop3A_1049 = arith.addf %parallel_loop3A_1048, %get3A_345 : vector<16xf32>
      tpu.vector_store_idx %arg12[%select_n3A_94, %select_n3A_201, %parallel_loop3A_1037], %parallel_loop3A_1049 : memref<8x8x129xf32, #tpu.memory_space<vmem>>[vector<16xi32>, vector<16xi32>, vector<16xi32>], vector<16xf32>,
      %parallel_loop3A_1050 = arith.index_cast %parallel_loop3A_1036 : i32 to index
      %parallel_loop3A_1051 = arith.constant 48 : index
      %parallel_loop3A_1052 = tpu.vector_load %arg8[%parallel_loop3A_1050, %parallel_loop3A_1051] {strides = array<i32>} : memref<128x64xf32, #tpu.memory_space<vmem>>, vector<16xf32>,
      %parallel_loop3A_1053 = arith.addf %parallel_loop3A_1052, %get3A_349 : vector<16xf32>
      tpu.vector_store_idx %arg12[%select_n3A_128, %select_n3A_226, %parallel_loop3A_1037], %parallel_loop3A_1053 : memref<8x8x129xf32, #tpu.memory_space<vmem>>[vector<16xi32>, vector<16xi32>, vector<16xi32>], vector<16xf32>,
    } {sc.loop_unroll_factor = 4 : i64, sc.parallel_access}
    %dma_start3A_352 = arith.constant 0 : i32
    %dma_start3A_353 = arith.constant 0 : i32
    %dma_start3A_354 = arith.constant 0 : i32
    %dma_start3A_355 = arith.constant 0 : i32
    %dma_start3A_356 = tpu.memref_slice %arg12[%dma_start3A_353, %dma_start3A_354, %dma_start3A_355] : memref<8x8x129xf32, #tpu.memory_space<vmem>> -> memref<8x8x128xf32, #tpu.memory_space<vmem>>
    %dma_start3A_357 = arith.constant 0 : i32
    %dma_start3A_358 = arith.constant 0 : i32
    %dma_start3A_359 = arith.constant 0 : i32
    %dma_start3A_360 = tpu.memref_slice %arg5[%dma_start3A_352, %dma_start3A_357, %add3A, %dma_start3A_358, %dma_start3A_359] : memref<200x8x32x8x128xf32, #tpu.memory_space<hbm>> -> memref<1x8x1x8x128xf32, #tpu.memory_space<hbm>>
    %dma_start3A_361 = tpu.memref_squeeze %dma_start3A_360 : memref<1x8x1x8x128xf32, #tpu.memory_space<hbm>> -> memref<8x8x128xf32, #tpu.memory_space<hbm>>
    %dma_start3A_362 = arith.constant 0 : i32
    %dma_start3A_363 = arith.constant 0 : i32
    %dma_start3A_364 = arith.constant 0 : i32
    %dma_start3A_365 = tpu.memref_slice %arg5[%dma_start3A_352, %dma_start3A_362, %add3A, %dma_start3A_363, %dma_start3A_364] : memref<200x8x32x8x128xf32, #tpu.memory_space<hbm>> -> memref<1x8x1x8x128xf32, #tpu.memory_space<hbm>>
    %dma_start3A_366 = tpu.memref_squeeze %dma_start3A_365 : memref<1x8x1x8x128xf32, #tpu.memory_space<hbm>> -> memref<8x8x128xf32, #tpu.memory_space<hbm>>
    %dma_start3A_367 = arith.constant 0 : i32
    %dma_start3A_368 = arith.constant 0 : i32
    %dma_start3A_369 = arith.constant 0 : i32
    %dma_start3A_370 = tpu.memref_slice %arg12[%dma_start3A_367, %dma_start3A_368, %dma_start3A_369] : memref<8x8x129xf32, #tpu.memory_space<vmem>> -> memref<8x8x128xf32, #tpu.memory_space<vmem>>
    tpu.enqueue_dma source(%dma_start3A_370 : memref<8x8x128xf32, #tpu.memory_space<vmem>>) target(%dma_start3A_366 : memref<8x8x128xf32, #tpu.memory_space<hbm>>) target_semaphore(%arg20 : memref<!tpu.dma_semaphore, #tpu.memory_space<semaphore_mem>>)
    %dma_start3A_371 = arith.constant 0 : i32
    %dma_start3A_372 = arith.constant 4 : i32
    %dma_start3A_373 = arith.constant 0 : i32
    %dma_start3A_374 = arith.constant 0 : i32
    %dma_start3A_375 = tpu.memref_slice %arg8[%dma_start3A_373, %dma_start3A_374] : memref<128x64xf32, #tpu.memory_space<vmem>> -> memref<64x64xf32, #tpu.memory_space<vmem>>
    %dma_start3A_376 = arith.constant 0 : i32
    %dma_start3A_377 = tpu.memref_slice %arg6[%dma_start3A_371, %dma_start3A_372, %dma_start3A_376] : memref<25x8x128xi32, #tpu.memory_space<vmem>> -> memref<1x1x64xi32, #tpu.memory_space<vmem>>
    %dma_start3A_378 = tpu.memref_squeeze %dma_start3A_377 : memref<1x1x64xi32, #tpu.memory_space<vmem>> -> memref<64xi32, #tpu.memory_space<vmem>>
    %dma_start3A_379 = arith.constant 0 : i32
    %dma_start3A_380 = arith.constant 0 : i32
    %dma_start3A_381 = tpu.memref_slice %arg3[%dma_start3A_379, %dma_start3A_380] : memref<100000x64xf32, #tpu.memory_space<hbm>> -> memref<100000x64xf32, #tpu.memory_space<hbm>>
    tpu.enqueue_indirect_dma source(%dma_start3A_381 : memref<100000x64xf32, #tpu.memory_space<hbm>>) target(%dma_start3A_375 : memref<64x64xf32, #tpu.memory_space<vmem>>) offsets(%dma_start3A_378 : memref<64xi32, #tpu.memory_space<vmem>>) semaphore(%arg16 : memref<!tpu.dma_semaphore, #tpu.memory_space<semaphore_mem>>)
    %dma_start3A_382 = arith.constant 0 : i32
    %dma_start3A_383 = arith.constant 4 : i32
    %dma_start3A_384 = arith.constant 64 : i32
    %dma_start3A_385 = arith.constant 0 : i32
    %dma_start3A_386 = tpu.memref_slice %arg8[%dma_start3A_384, %dma_start3A_385] : memref<128x64xf32, #tpu.memory_space<vmem>> -> memref<64x64xf32, #tpu.memory_space<vmem>>
    %dma_start3A_387 = arith.constant 64 : i32
    %dma_start3A_388 = tpu.memref_slice %arg6[%dma_start3A_382, %dma_start3A_383, %dma_start3A_387] : memref<25x8x128xi32, #tpu.memory_space<vmem>> -> memref<1x1x64xi32, #tpu.memory_space<vmem>>
    %dma_start3A_389 = tpu.memref_squeeze %dma_start3A_388 : memref<1x1x64xi32, #tpu.memory_space<vmem>> -> memref<64xi32, #tpu.memory_space<vmem>>
    %dma_start3A_390 = arith.constant 0 : i32
    %dma_start3A_391 = arith.constant 0 : i32
    %dma_start3A_392 = tpu.memref_slice %arg3[%dma_start3A_390, %dma_start3A_391] : memref<100000x64xf32, #tpu.memory_space<hbm>> -> memref<100000x64xf32, #tpu.memory_space<hbm>>
    tpu.enqueue_indirect_dma source(%dma_start3A_392 : memref<100000x64xf32, #tpu.memory_space<hbm>>) target(%dma_start3A_386 : memref<64x64xf32, #tpu.memory_space<vmem>>) offsets(%dma_start3A_389 : memref<64xi32, #tpu.memory_space<vmem>>) semaphore(%arg16 : memref<!tpu.dma_semaphore, #tpu.memory_space<semaphore_mem>>)
    %dma_wait3A_393 = arith.constant 0 : i32
    %dma_wait3A_394 = arith.constant 1 : i32
    %dma_wait3A_395 = arith.constant 0 : i32
    %dma_wait3A_396 = arith.constant 0 : i32
    %dma_wait3A_397 = tpu.memref_slice %arg9[%dma_wait3A_395, %dma_wait3A_396] : memref<128x64xf32, #tpu.memory_space<vmem>> -> memref<64x64xf32, #tpu.memory_space<vmem>>
    %dma_wait3A_398 = arith.constant 0 : i32
    %dma_wait3A_399 = tpu.memref_slice %arg6[%dma_wait3A_393, %dma_wait3A_394, %dma_wait3A_398] : memref<25x8x128xi32, #tpu.memory_space<vmem>> -> memref<1x1x64xi32, #tpu.memory_space<vmem>>
    %dma_wait3A_400 = tpu.memref_squeeze %dma_wait3A_399 : memref<1x1x64xi32, #tpu.memory_space<vmem>> -> memref<64xi32, #tpu.memory_space<vmem>>
    %dma_wait3A_401 = arith.constant 0 : i32
    %dma_wait3A_402 = arith.constant 0 : i32
    %dma_wait3A_403 = tpu.memref_slice %arg3[%dma_wait3A_401, %dma_wait3A_402] : memref<100000x64xf32, #tpu.memory_space<hbm>> -> memref<100000x64xf32, #tpu.memory_space<hbm>>
    tpu.wait_indirect_dma semaphore(%arg17 : memref<!tpu.dma_semaphore, #tpu.memory_space<semaphore_mem>>) src(%dma_wait3A_403 : memref<100000x64xf32, #tpu.memory_space<hbm>>) dst(%dma_wait3A_397 : memref<64x64xf32, #tpu.memory_space<vmem>>)
    %dma_wait3A_404 = arith.constant 0 : i32
    %dma_wait3A_405 = arith.constant 1 : i32
    %dma_wait3A_406 = arith.constant 64 : i32
    %dma_wait3A_407 = arith.constant 0 : i32
    %dma_wait3A_408 = tpu.memref_slice %arg9[%dma_wait3A_406, %dma_wait3A_407] : memref<128x64xf32, #tpu.memory_space<vmem>> -> memref<64x64xf32, #tpu.memory_space<vmem>>
    %dma_wait3A_409 = arith.constant 64 : i32
    %dma_wait3A_410 = tpu.memref_slice %arg6[%dma_wait3A_404, %dma_wait3A_405, %dma_wait3A_409] : memref<25x8x128xi32, #tpu.memory_space<vmem>> -> memref<1x1x64xi32, #tpu.memory_space<vmem>>
    %dma_wait3A_411 = tpu.memref_squeeze %dma_wait3A_410 : memref<1x1x64xi32, #tpu.memory_space<vmem>> -> memref<64xi32, #tpu.memory_space<vmem>>
    %dma_wait3A_412 = arith.constant 0 : i32
    %dma_wait3A_413 = arith.constant 0 : i32
    %dma_wait3A_414 = tpu.memref_slice %arg3[%dma_wait3A_412, %dma_wait3A_413] : memref<100000x64xf32, #tpu.memory_space<hbm>> -> memref<100000x64xf32, #tpu.memory_space<hbm>>
    tpu.wait_indirect_dma semaphore(%arg17 : memref<!tpu.dma_semaphore, #tpu.memory_space<semaphore_mem>>) src(%dma_wait3A_414 : memref<100000x64xf32, #tpu.memory_space<hbm>>) dst(%dma_wait3A_408 : memref<64x64xf32, #tpu.memory_space<vmem>>)
    %get3A_415 = arith.constant 1 : i32
    %get3A_416 = arith.index_cast %get3A_415 : i32 to index
    %get3A_417 = arith.constant 0 : index
    %get3A_418 = tpu.vector_load %arg7[%get3A_416, %get3A_417] {strides = array<i32>} : memref<200x64xf32, #tpu.memory_space<vmem>>, vector<16xf32>,
    %get3A_419 = arith.constant 1 : i32
    %get3A_420 = arith.index_cast %get3A_419 : i32 to index
    %get3A_421 = arith.constant 16 : index
    %get3A_422 = tpu.vector_load %arg7[%get3A_420, %get3A_421] {strides = array<i32>} : memref<200x64xf32, #tpu.memory_space<vmem>>, vector<16xf32>,
    %get3A_423 = arith.constant 1 : i32
    %get3A_424 = arith.index_cast %get3A_423 : i32 to index
    %get3A_425 = arith.constant 32 : index
    %get3A_426 = tpu.vector_load %arg7[%get3A_424, %get3A_425] {strides = array<i32>} : memref<200x64xf32, #tpu.memory_space<vmem>>, vector<16xf32>,
    %get3A_427 = arith.constant 1 : i32
    %get3A_428 = arith.index_cast %get3A_427 : i32 to index
    %get3A_429 = arith.constant 48 : index
    %get3A_430 = tpu.vector_load %arg7[%get3A_428, %get3A_429] {strides = array<i32>} : memref<200x64xf32, #tpu.memory_space<vmem>>, vector<16xf32>,
    %parallel_loop3A_431 = arith.constant 0 : i32
    %parallel_loop3A_432 = arith.constant 128 : i32
    %parallel_loop3A_433 = arith.constant 1 : i32
    scf.for %parallel_loop3A_1036 = %parallel_loop3A_431 to %parallel_loop3A_432 step %parallel_loop3A_433  : i32 {
      %parallel_loop3A_1037 = vector.broadcast %parallel_loop3A_1036 : i32 to vector<16xi32>
      %parallel_loop3A_1038 = arith.index_cast %parallel_loop3A_1036 : i32 to index
      %parallel_loop3A_1039 = arith.constant 0 : index
      %parallel_loop3A_1040 = tpu.vector_load %arg9[%parallel_loop3A_1038, %parallel_loop3A_1039] {strides = array<i32>} : memref<128x64xf32, #tpu.memory_space<vmem>>, vector<16xf32>,
      %parallel_loop3A_1041 = arith.addf %parallel_loop3A_1040, %get3A_418 : vector<16xf32>
      tpu.vector_store_idx %arg13[%select_n3A, %select_n3A_151, %parallel_loop3A_1037], %parallel_loop3A_1041 : memref<8x8x129xf32, #tpu.memory_space<vmem>>[vector<16xi32>, vector<16xi32>, vector<16xi32>], vector<16xf32>,
      %parallel_loop3A_1042 = arith.index_cast %parallel_loop3A_1036 : i32 to index
      %parallel_loop3A_1043 = arith.constant 16 : index
      %parallel_loop3A_1044 = tpu.vector_load %arg9[%parallel_loop3A_1042, %parallel_loop3A_1043] {strides = array<i32>} : memref<128x64xf32, #tpu.memory_space<vmem>>, vector<16xf32>,
      %parallel_loop3A_1045 = arith.addf %parallel_loop3A_1044, %get3A_422 : vector<16xf32>
      tpu.vector_store_idx %arg13[%select_n3A_60, %select_n3A_176, %parallel_loop3A_1037], %parallel_loop3A_1045 : memref<8x8x129xf32, #tpu.memory_space<vmem>>[vector<16xi32>, vector<16xi32>, vector<16xi32>], vector<16xf32>,
      %parallel_loop3A_1046 = arith.index_cast %parallel_loop3A_1036 : i32 to index
      %parallel_loop3A_1047 = arith.constant 32 : index
      %parallel_loop3A_1048 = tpu.vector_load %arg9[%parallel_loop3A_1046, %parallel_loop3A_1047] {strides = array<i32>} : memref<128x64xf32, #tpu.memory_space<vmem>>, vector<16xf32>,
      %parallel_loop3A_1049 = arith.addf %parallel_loop3A_1048, %get3A_426 : vector<16xf32>
      tpu.vector_store_idx %arg13[%select_n3A_94, %select_n3A_201, %parallel_loop3A_1037], %parallel_loop3A_1049 : memref<8x8x129xf32, #tpu.memory_space<vmem>>[vector<16xi32>, vector<16xi32>, vector<16xi32>], vector<16xf32>,
      %parallel_loop3A_1050 = arith.index_cast %parallel_loop3A_1036 : i32 to index
      %parallel_loop3A_1051 = arith.constant 48 : index
      %parallel_loop3A_1052 = tpu.vector_load %arg9[%parallel_loop3A_1050, %parallel_loop3A_1051] {strides = array<i32>} : memref<128x64xf32, #tpu.memory_space<vmem>>, vector<16xf32>,
      %parallel_loop3A_1053 = arith.addf %parallel_loop3A_1052, %get3A_430 : vector<16xf32>
      tpu.vector_store_idx %arg13[%select_n3A_128, %select_n3A_226, %parallel_loop3A_1037], %parallel_loop3A_1053 : memref<8x8x129xf32, #tpu.memory_space<vmem>>[vector<16xi32>, vector<16xi32>, vector<16xi32>], vector<16xf32>,
    } {sc.loop_unroll_factor = 4 : i64, sc.parallel_access}
    %dma_start3A_434 = arith.constant 1 : i32
    %dma_start3A_435 = arith.constant 0 : i32
    %dma_start3A_436 = arith.constant 0 : i32
    %dma_start3A_437 = arith.constant 0 : i32
    %dma_start3A_438 = tpu.memref_slice %arg13[%dma_start3A_435, %dma_start3A_436, %dma_start3A_437] : memref<8x8x129xf32, #tpu.memory_space<vmem>> -> memref<8x8x128xf32, #tpu.memory_space<vmem>>
    %dma_start3A_439 = arith.constant 0 : i32
    %dma_start3A_440 = arith.constant 0 : i32
    %dma_start3A_441 = arith.constant 0 : i32
    %dma_start3A_442 = tpu.memref_slice %arg5[%dma_start3A_434, %dma_start3A_439, %add3A, %dma_start3A_440, %dma_start3A_441] : memref<200x8x32x8x128xf32, #tpu.memory_space<hbm>> -> memref<1x8x1x8x128xf32, #tpu.memory_space<hbm>>
    %dma_start3A_443 = tpu.memref_squeeze %dma_start3A_442 : memref<1x8x1x8x128xf32, #tpu.memory_space<hbm>> -> memref<8x8x128xf32, #tpu.memory_space<hbm>>
    %dma_start3A_444 = arith.constant 0 : i32
    %dma_start3A_445 = arith.constant 0 : i32
    %dma_start3A_446 = arith.constant 0 : i32
    %dma_start3A_447 = tpu.memref_slice %arg5[%dma_start3A_434, %dma_start3A_444, %add3A, %dma_start3A_445, %dma_start3A_446] : memref<200x8x32x8x128xf32, #tpu.memory_space<hbm>> -> memref<1x8x1x8x128xf32, #tpu.memory_space<hbm>>
    %dma_start3A_448 = tpu.memref_squeeze %dma_start3A_447 : memref<1x8x1x8x128xf32, #tpu.memory_space<hbm>> -> memref<8x8x128xf32, #tpu.memory_space<hbm>>
    %dma_start3A_449 = arith.constant 0 : i32
    %dma_start3A_450 = arith.constant 0 : i32
    %dma_start3A_451 = arith.constant 0 : i32
    %dma_start3A_452 = tpu.memref_slice %arg13[%dma_start3A_449, %dma_start3A_450, %dma_start3A_451] : memref<8x8x129xf32, #tpu.memory_space<vmem>> -> memref<8x8x128xf32, #tpu.memory_space<vmem>>
    tpu.enqueue_dma source(%dma_start3A_452 : memref<8x8x128xf32, #tpu.memory_space<vmem>>) target(%dma_start3A_448 : memref<8x8x128xf32, #tpu.memory_space<hbm>>) target_semaphore(%arg21 : memref<!tpu.dma_semaphore, #tpu.memory_space<semaphore_mem>>)
    %dma_start3A_453 = arith.constant 0 : i32
    %dma_start3A_454 = arith.constant 5 : i32
    %dma_start3A_455 = arith.constant 0 : i32
    %dma_start3A_456 = arith.constant 0 : i32
    %dma_start3A_457 = tpu.memref_slice %arg9[%dma_start3A_455, %dma_start3A_456] : memref<128x64xf32, #tpu.memory_space<vmem>> -> memref<64x64xf32, #tpu.memory_space<vmem>>
    %dma_start3A_458 = arith.constant 0 : i32
    %dma_start3A_459 = tpu.memref_slice %arg6[%dma_start3A_453, %dma_start3A_454, %dma_start3A_458] : memref<25x8x128xi32, #tpu.memory_space<vmem>> -> memref<1x1x64xi32, #tpu.memory_space<vmem>>
    %dma_start3A_460 = tpu.memref_squeeze %dma_start3A_459 : memref<1x1x64xi32, #tpu.memory_space<vmem>> -> memref<64xi32, #tpu.memory_space<vmem>>
    %dma_start3A_461 = arith.constant 0 : i32
    %dma_start3A_462 = arith.constant 0 : i32
    %dma_start3A_463 = tpu.memref_slice %arg3[%dma_start3A_461, %dma_start3A_462] : memref<100000x64xf32, #tpu.memory_space<hbm>> -> memref<100000x64xf32, #tpu.memory_space<hbm>>
    tpu.enqueue_indirect_dma source(%dma_start3A_463 : memref<100000x64xf32, #tpu.memory_space<hbm>>) target(%dma_start3A_457 : memref<64x64xf32, #tpu.memory_space<vmem>>) offsets(%dma_start3A_460 : memref<64xi32, #tpu.memory_space<vmem>>) semaphore(%arg17 : memref<!tpu.dma_semaphore, #tpu.memory_space<semaphore_mem>>)
    %dma_start3A_464 = arith.constant 0 : i32
    %dma_start3A_465 = arith.constant 5 : i32
    %dma_start3A_466 = arith.constant 64 : i32
    %dma_start3A_467 = arith.constant 0 : i32
    %dma_start3A_468 = tpu.memref_slice %arg9[%dma_start3A_466, %dma_start3A_467] : memref<128x64xf32, #tpu.memory_space<vmem>> -> memref<64x64xf32, #tpu.memory_space<vmem>>
    %dma_start3A_469 = arith.constant 64 : i32
    %dma_start3A_470 = tpu.memref_slice %arg6[%dma_start3A_464, %dma_start3A_465, %dma_start3A_469] : memref<25x8x128xi32, #tpu.memory_space<vmem>> -> memref<1x1x64xi32, #tpu.memory_space<vmem>>
    %dma_start3A_471 = tpu.memref_squeeze %dma_start3A_470 : memref<1x1x64xi32, #tpu.memory_space<vmem>> -> memref<64xi32, #tpu.memory_space<vmem>>
    %dma_start3A_472 = arith.constant 0 : i32
    %dma_start3A_473 = arith.constant 0 : i32
    %dma_start3A_474 = tpu.memref_slice %arg3[%dma_start3A_472, %dma_start3A_473] : memref<100000x64xf32, #tpu.memory_space<hbm>> -> memref<100000x64xf32, #tpu.memory_space<hbm>>
    tpu.enqueue_indirect_dma source(%dma_start3A_474 : memref<100000x64xf32, #tpu.memory_space<hbm>>) target(%dma_start3A_468 : memref<64x64xf32, #tpu.memory_space<vmem>>) offsets(%dma_start3A_471 : memref<64xi32, #tpu.memory_space<vmem>>) semaphore(%arg17 : memref<!tpu.dma_semaphore, #tpu.memory_space<semaphore_mem>>)
    %dma_wait3A_475 = arith.constant 0 : i32
    %dma_wait3A_476 = arith.constant 2 : i32
    %dma_wait3A_477 = arith.constant 0 : i32
    %dma_wait3A_478 = arith.constant 0 : i32
    %dma_wait3A_479 = tpu.memref_slice %arg10[%dma_wait3A_477, %dma_wait3A_478] : memref<128x64xf32, #tpu.memory_space<vmem>> -> memref<64x64xf32, #tpu.memory_space<vmem>>
    %dma_wait3A_480 = arith.constant 0 : i32
    %dma_wait3A_481 = tpu.memref_slice %arg6[%dma_wait3A_475, %dma_wait3A_476, %dma_wait3A_480] : memref<25x8x128xi32, #tpu.memory_space<vmem>> -> memref<1x1x64xi32, #tpu.memory_space<vmem>>
    %dma_wait3A_482 = tpu.memref_squeeze %dma_wait3A_481 : memref<1x1x64xi32, #tpu.memory_space<vmem>> -> memref<64xi32, #tpu.memory_space<vmem>>
    %dma_wait3A_483 = arith.constant 0 : i32
    %dma_wait3A_484 = arith.constant 0 : i32
    %dma_wait3A_485 = tpu.memref_slice %arg3[%dma_wait3A_483, %dma_wait3A_484] : memref<100000x64xf32, #tpu.memory_space<hbm>> -> memref<100000x64xf32, #tpu.memory_space<hbm>>
    tpu.wait_indirect_dma semaphore(%arg18 : memref<!tpu.dma_semaphore, #tpu.memory_space<semaphore_mem>>) src(%dma_wait3A_485 : memref<100000x64xf32, #tpu.memory_space<hbm>>) dst(%dma_wait3A_479 : memref<64x64xf32, #tpu.memory_space<vmem>>)
    %dma_wait3A_486 = arith.constant 0 : i32
    %dma_wait3A_487 = arith.constant 2 : i32
    %dma_wait3A_488 = arith.constant 64 : i32
    %dma_wait3A_489 = arith.constant 0 : i32
    %dma_wait3A_490 = tpu.memref_slice %arg10[%dma_wait3A_488, %dma_wait3A_489] : memref<128x64xf32, #tpu.memory_space<vmem>> -> memref<64x64xf32, #tpu.memory_space<vmem>>
    %dma_wait3A_491 = arith.constant 64 : i32
    %dma_wait3A_492 = tpu.memref_slice %arg6[%dma_wait3A_486, %dma_wait3A_487, %dma_wait3A_491] : memref<25x8x128xi32, #tpu.memory_space<vmem>> -> memref<1x1x64xi32, #tpu.memory_space<vmem>>
    %dma_wait3A_493 = tpu.memref_squeeze %dma_wait3A_492 : memref<1x1x64xi32, #tpu.memory_space<vmem>> -> memref<64xi32, #tpu.memory_space<vmem>>
    %dma_wait3A_494 = arith.constant 0 : i32
    %dma_wait3A_495 = arith.constant 0 : i32
    %dma_wait3A_496 = tpu.memref_slice %arg3[%dma_wait3A_494, %dma_wait3A_495] : memref<100000x64xf32, #tpu.memory_space<hbm>> -> memref<100000x64xf32, #tpu.memory_space<hbm>>
    tpu.wait_indirect_dma semaphore(%arg18 : memref<!tpu.dma_semaphore, #tpu.memory_space<semaphore_mem>>) src(%dma_wait3A_496 : memref<100000x64xf32, #tpu.memory_space<hbm>>) dst(%dma_wait3A_490 : memref<64x64xf32, #tpu.memory_space<vmem>>)
    %get3A_497 = arith.constant 2 : i32
    %get3A_498 = arith.index_cast %get3A_497 : i32 to index
    %get3A_499 = arith.constant 0 : index
    %get3A_500 = tpu.vector_load %arg7[%get3A_498, %get3A_499] {strides = array<i32>} : memref<200x64xf32, #tpu.memory_space<vmem>>, vector<16xf32>,
    %get3A_501 = arith.constant 2 : i32
    %get3A_502 = arith.index_cast %get3A_501 : i32 to index
    %get3A_503 = arith.constant 16 : index
    %get3A_504 = tpu.vector_load %arg7[%get3A_502, %get3A_503] {strides = array<i32>} : memref<200x64xf32, #tpu.memory_space<vmem>>, vector<16xf32>,
    %get3A_505 = arith.constant 2 : i32
    %get3A_506 = arith.index_cast %get3A_505 : i32 to index
    %get3A_507 = arith.constant 32 : index
    %get3A_508 = tpu.vector_load %arg7[%get3A_506, %get3A_507] {strides = array<i32>} : memref<200x64xf32, #tpu.memory_space<vmem>>, vector<16xf32>,
    %get3A_509 = arith.constant 2 : i32
    %get3A_510 = arith.index_cast %get3A_509 : i32 to index
    %get3A_511 = arith.constant 48 : index
    %get3A_512 = tpu.vector_load %arg7[%get3A_510, %get3A_511] {strides = array<i32>} : memref<200x64xf32, #tpu.memory_space<vmem>>, vector<16xf32>,
    %parallel_loop3A_513 = arith.constant 0 : i32
    %parallel_loop3A_514 = arith.constant 128 : i32
    %parallel_loop3A_515 = arith.constant 1 : i32
    scf.for %parallel_loop3A_1036 = %parallel_loop3A_513 to %parallel_loop3A_514 step %parallel_loop3A_515  : i32 {
      %parallel_loop3A_1037 = vector.broadcast %parallel_loop3A_1036 : i32 to vector<16xi32>
      %parallel_loop3A_1038 = arith.index_cast %parallel_loop3A_1036 : i32 to index
      %parallel_loop3A_1039 = arith.constant 0 : index
      %parallel_loop3A_1040 = tpu.vector_load %arg10[%parallel_loop3A_1038, %parallel_loop3A_1039] {strides = array<i32>} : memref<128x64xf32, #tpu.memory_space<vmem>>, vector<16xf32>,
      %parallel_loop3A_1041 = arith.addf %parallel_loop3A_1040, %get3A_500 : vector<16xf32>
      tpu.vector_store_idx %arg14[%select_n3A, %select_n3A_151, %parallel_loop3A_1037], %parallel_loop3A_1041 : memref<8x8x129xf32, #tpu.memory_space<vmem>>[vector<16xi32>, vector<16xi32>, vector<16xi32>], vector<16xf32>,
      %parallel_loop3A_1042 = arith.index_cast %parallel_loop3A_1036 : i32 to index
      %parallel_loop3A_1043 = arith.constant 16 : index
      %parallel_loop3A_1044 = tpu.vector_load %arg10[%parallel_loop3A_1042, %parallel_loop3A_1043] {strides = array<i32>} : memref<128x64xf32, #tpu.memory_space<vmem>>, vector<16xf32>,
      %parallel_loop3A_1045 = arith.addf %parallel_loop3A_1044, %get3A_504 : vector<16xf32>
      tpu.vector_store_idx %arg14[%select_n3A_60, %select_n3A_176, %parallel_loop3A_1037], %parallel_loop3A_1045 : memref<8x8x129xf32, #tpu.memory_space<vmem>>[vector<16xi32>, vector<16xi32>, vector<16xi32>], vector<16xf32>,
      %parallel_loop3A_1046 = arith.index_cast %parallel_loop3A_1036 : i32 to index
      %parallel_loop3A_1047 = arith.constant 32 : index
      %parallel_loop3A_1048 = tpu.vector_load %arg10[%parallel_loop3A_1046, %parallel_loop3A_1047] {strides = array<i32>} : memref<128x64xf32, #tpu.memory_space<vmem>>, vector<16xf32>,
      %parallel_loop3A_1049 = arith.addf %parallel_loop3A_1048, %get3A_508 : vector<16xf32>
      tpu.vector_store_idx %arg14[%select_n3A_94, %select_n3A_201, %parallel_loop3A_1037], %parallel_loop3A_1049 : memref<8x8x129xf32, #tpu.memory_space<vmem>>[vector<16xi32>, vector<16xi32>, vector<16xi32>], vector<16xf32>,
      %parallel_loop3A_1050 = arith.index_cast %parallel_loop3A_1036 : i32 to index
      %parallel_loop3A_1051 = arith.constant 48 : index
      %parallel_loop3A_1052 = tpu.vector_load %arg10[%parallel_loop3A_1050, %parallel_loop3A_1051] {strides = array<i32>} : memref<128x64xf32, #tpu.memory_space<vmem>>, vector<16xf32>,
      %parallel_loop3A_1053 = arith.addf %parallel_loop3A_1052, %get3A_512 : vector<16xf32>
      tpu.vector_store_idx %arg14[%select_n3A_128, %select_n3A_226, %parallel_loop3A_1037], %parallel_loop3A_1053 : memref<8x8x129xf32, #tpu.memory_space<vmem>>[vector<16xi32>, vector<16xi32>, vector<16xi32>], vector<16xf32>,
    } {sc.loop_unroll_factor = 4 : i64, sc.parallel_access}
    %dma_start3A_516 = arith.constant 2 : i32
    %dma_start3A_517 = arith.constant 0 : i32
    %dma_start3A_518 = arith.constant 0 : i32
    %dma_start3A_519 = arith.constant 0 : i32
    %dma_start3A_520 = tpu.memref_slice %arg14[%dma_start3A_517, %dma_start3A_518, %dma_start3A_519] : memref<8x8x129xf32, #tpu.memory_space<vmem>> -> memref<8x8x128xf32, #tpu.memory_space<vmem>>
    %dma_start3A_521 = arith.constant 0 : i32
    %dma_start3A_522 = arith.constant 0 : i32
    %dma_start3A_523 = arith.constant 0 : i32
    %dma_start3A_524 = tpu.memref_slice %arg5[%dma_start3A_516, %dma_start3A_521, %add3A, %dma_start3A_522, %dma_start3A_523] : memref<200x8x32x8x128xf32, #tpu.memory_space<hbm>> -> memref<1x8x1x8x128xf32, #tpu.memory_space<hbm>>
    %dma_start3A_525 = tpu.memref_squeeze %dma_start3A_524 : memref<1x8x1x8x128xf32, #tpu.memory_space<hbm>> -> memref<8x8x128xf32, #tpu.memory_space<hbm>>
    %dma_start3A_526 = arith.constant 0 : i32
    %dma_start3A_527 = arith.constant 0 : i32
    %dma_start3A_528 = arith.constant 0 : i32
    %dma_start3A_529 = tpu.memref_slice %arg5[%dma_start3A_516, %dma_start3A_526, %add3A, %dma_start3A_527, %dma_start3A_528] : memref<200x8x32x8x128xf32, #tpu.memory_space<hbm>> -> memref<1x8x1x8x128xf32, #tpu.memory_space<hbm>>
    %dma_start3A_530 = tpu.memref_squeeze %dma_start3A_529 : memref<1x8x1x8x128xf32, #tpu.memory_space<hbm>> -> memref<8x8x128xf32, #tpu.memory_space<hbm>>
    %dma_start3A_531 = arith.constant 0 : i32
    %dma_start3A_532 = arith.constant 0 : i32
    %dma_start3A_533 = arith.constant 0 : i32
    %dma_start3A_534 = tpu.memref_slice %arg14[%dma_start3A_531, %dma_start3A_532, %dma_start3A_533] : memref<8x8x129xf32, #tpu.memory_space<vmem>> -> memref<8x8x128xf32, #tpu.memory_space<vmem>>
    tpu.enqueue_dma source(%dma_start3A_534 : memref<8x8x128xf32, #tpu.memory_space<vmem>>) target(%dma_start3A_530 : memref<8x8x128xf32, #tpu.memory_space<hbm>>) target_semaphore(%arg22 : memref<!tpu.dma_semaphore, #tpu.memory_space<semaphore_mem>>)
    %dma_start3A_535 = arith.constant 0 : i32
    %dma_start3A_536 = arith.constant 6 : i32
    %dma_start3A_537 = arith.constant 0 : i32
    %dma_start3A_538 = arith.constant 0 : i32
    %dma_start3A_539 = tpu.memref_slice %arg10[%dma_start3A_537, %dma_start3A_538] : memref<128x64xf32, #tpu.memory_space<vmem>> -> memref<64x64xf32, #tpu.memory_space<vmem>>
    %dma_start3A_540 = arith.constant 0 : i32
    %dma_start3A_541 = tpu.memref_slice %arg6[%dma_start3A_535, %dma_start3A_536, %dma_start3A_540] : memref<25x8x128xi32, #tpu.memory_space<vmem>> -> memref<1x1x64xi32, #tpu.memory_space<vmem>>
    %dma_start3A_542 = tpu.memref_squeeze %dma_start3A_541 : memref<1x1x64xi32, #tpu.memory_space<vmem>> -> memref<64xi32, #tpu.memory_space<vmem>>
    %dma_start3A_543 = arith.constant 0 : i32
    %dma_start3A_544 = arith.constant 0 : i32
    %dma_start3A_545 = tpu.memref_slice %arg3[%dma_start3A_543, %dma_start3A_544] : memref<100000x64xf32, #tpu.memory_space<hbm>> -> memref<100000x64xf32, #tpu.memory_space<hbm>>
    tpu.enqueue_indirect_dma source(%dma_start3A_545 : memref<100000x64xf32, #tpu.memory_space<hbm>>) target(%dma_start3A_539 : memref<64x64xf32, #tpu.memory_space<vmem>>) offsets(%dma_start3A_542 : memref<64xi32, #tpu.memory_space<vmem>>) semaphore(%arg18 : memref<!tpu.dma_semaphore, #tpu.memory_space<semaphore_mem>>)
    %dma_start3A_546 = arith.constant 0 : i32
    %dma_start3A_547 = arith.constant 6 : i32
    %dma_start3A_548 = arith.constant 64 : i32
    %dma_start3A_549 = arith.constant 0 : i32
    %dma_start3A_550 = tpu.memref_slice %arg10[%dma_start3A_548, %dma_start3A_549] : memref<128x64xf32, #tpu.memory_space<vmem>> -> memref<64x64xf32, #tpu.memory_space<vmem>>
    %dma_start3A_551 = arith.constant 64 : i32
    %dma_start3A_552 = tpu.memref_slice %arg6[%dma_start3A_546, %dma_start3A_547, %dma_start3A_551] : memref<25x8x128xi32, #tpu.memory_space<vmem>> -> memref<1x1x64xi32, #tpu.memory_space<vmem>>
    %dma_start3A_553 = tpu.memref_squeeze %dma_start3A_552 : memref<1x1x64xi32, #tpu.memory_space<vmem>> -> memref<64xi32, #tpu.memory_space<vmem>>
    %dma_start3A_554 = arith.constant 0 : i32
    %dma_start3A_555 = arith.constant 0 : i32
    %dma_start3A_556 = tpu.memref_slice %arg3[%dma_start3A_554, %dma_start3A_555] : memref<100000x64xf32, #tpu.memory_space<hbm>> -> memref<100000x64xf32, #tpu.memory_space<hbm>>
    tpu.enqueue_indirect_dma source(%dma_start3A_556 : memref<100000x64xf32, #tpu.memory_space<hbm>>) target(%dma_start3A_550 : memref<64x64xf32, #tpu.memory_space<vmem>>) offsets(%dma_start3A_553 : memref<64xi32, #tpu.memory_space<vmem>>) semaphore(%arg18 : memref<!tpu.dma_semaphore, #tpu.memory_space<semaphore_mem>>)
    %dma_wait3A_557 = arith.constant 0 : i32
    %dma_wait3A_558 = arith.constant 3 : i32
    %dma_wait3A_559 = arith.constant 0 : i32
    %dma_wait3A_560 = arith.constant 0 : i32
    %dma_wait3A_561 = tpu.memref_slice %arg11[%dma_wait3A_559, %dma_wait3A_560] : memref<128x64xf32, #tpu.memory_space<vmem>> -> memref<64x64xf32, #tpu.memory_space<vmem>>
    %dma_wait3A_562 = arith.constant 0 : i32
    %dma_wait3A_563 = tpu.memref_slice %arg6[%dma_wait3A_557, %dma_wait3A_558, %dma_wait3A_562] : memref<25x8x128xi32, #tpu.memory_space<vmem>> -> memref<1x1x64xi32, #tpu.memory_space<vmem>>
    %dma_wait3A_564 = tpu.memref_squeeze %dma_wait3A_563 : memref<1x1x64xi32, #tpu.memory_space<vmem>> -> memref<64xi32, #tpu.memory_space<vmem>>
    %dma_wait3A_565 = arith.constant 0 : i32
    %dma_wait3A_566 = arith.constant 0 : i32
    %dma_wait3A_567 = tpu.memref_slice %arg3[%dma_wait3A_565, %dma_wait3A_566] : memref<100000x64xf32, #tpu.memory_space<hbm>> -> memref<100000x64xf32, #tpu.memory_space<hbm>>
    tpu.wait_indirect_dma semaphore(%arg19 : memref<!tpu.dma_semaphore, #tpu.memory_space<semaphore_mem>>) src(%dma_wait3A_567 : memref<100000x64xf32, #tpu.memory_space<hbm>>) dst(%dma_wait3A_561 : memref<64x64xf32, #tpu.memory_space<vmem>>)
    %dma_wait3A_568 = arith.constant 0 : i32
    %dma_wait3A_569 = arith.constant 3 : i32
    %dma_wait3A_570 = arith.constant 64 : i32
    %dma_wait3A_571 = arith.constant 0 : i32
    %dma_wait3A_572 = tpu.memref_slice %arg11[%dma_wait3A_570, %dma_wait3A_571] : memref<128x64xf32, #tpu.memory_space<vmem>> -> memref<64x64xf32, #tpu.memory_space<vmem>>
    %dma_wait3A_573 = arith.constant 64 : i32
    %dma_wait3A_574 = tpu.memref_slice %arg6[%dma_wait3A_568, %dma_wait3A_569, %dma_wait3A_573] : memref<25x8x128xi32, #tpu.memory_space<vmem>> -> memref<1x1x64xi32, #tpu.memory_space<vmem>>
    %dma_wait3A_575 = tpu.memref_squeeze %dma_wait3A_574 : memref<1x1x64xi32, #tpu.memory_space<vmem>> -> memref<64xi32, #tpu.memory_space<vmem>>
    %dma_wait3A_576 = arith.constant 0 : i32
    %dma_wait3A_577 = arith.constant 0 : i32
    %dma_wait3A_578 = tpu.memref_slice %arg3[%dma_wait3A_576, %dma_wait3A_577] : memref<100000x64xf32, #tpu.memory_space<hbm>> -> memref<100000x64xf32, #tpu.memory_space<hbm>>
    tpu.wait_indirect_dma semaphore(%arg19 : memref<!tpu.dma_semaphore, #tpu.memory_space<semaphore_mem>>) src(%dma_wait3A_578 : memref<100000x64xf32, #tpu.memory_space<hbm>>) dst(%dma_wait3A_572 : memref<64x64xf32, #tpu.memory_space<vmem>>)
    %get3A_579 = arith.constant 3 : i32
    %get3A_580 = arith.index_cast %get3A_579 : i32 to index
    %get3A_581 = arith.constant 0 : index
    %get3A_582 = tpu.vector_load %arg7[%get3A_580, %get3A_581] {strides = array<i32>} : memref<200x64xf32, #tpu.memory_space<vmem>>, vector<16xf32>,
    %get3A_583 = arith.constant 3 : i32
    %get3A_584 = arith.index_cast %get3A_583 : i32 to index
    %get3A_585 = arith.constant 16 : index
    %get3A_586 = tpu.vector_load %arg7[%get3A_584, %get3A_585] {strides = array<i32>} : memref<200x64xf32, #tpu.memory_space<vmem>>, vector<16xf32>,
    %get3A_587 = arith.constant 3 : i32
    %get3A_588 = arith.index_cast %get3A_587 : i32 to index
    %get3A_589 = arith.constant 32 : index
    %get3A_590 = tpu.vector_load %arg7[%get3A_588, %get3A_589] {strides = array<i32>} : memref<200x64xf32, #tpu.memory_space<vmem>>, vector<16xf32>,
    %get3A_591 = arith.constant 3 : i32
    %get3A_592 = arith.index_cast %get3A_591 : i32 to index
    %get3A_593 = arith.constant 48 : index
    %get3A_594 = tpu.vector_load %arg7[%get3A_592, %get3A_593] {strides = array<i32>} : memref<200x64xf32, #tpu.memory_space<vmem>>, vector<16xf32>,
    %parallel_loop3A_595 = arith.constant 0 : i32
    %parallel_loop3A_596 = arith.constant 128 : i32
    %parallel_loop3A_597 = arith.constant 1 : i32
    scf.for %parallel_loop3A_1036 = %parallel_loop3A_595 to %parallel_loop3A_596 step %parallel_loop3A_597  : i32 {
      %parallel_loop3A_1037 = vector.broadcast %parallel_loop3A_1036 : i32 to vector<16xi32>
      %parallel_loop3A_1038 = arith.index_cast %parallel_loop3A_1036 : i32 to index
      %parallel_loop3A_1039 = arith.constant 0 : index
      %parallel_loop3A_1040 = tpu.vector_load %arg11[%parallel_loop3A_1038, %parallel_loop3A_1039] {strides = array<i32>} : memref<128x64xf32, #tpu.memory_space<vmem>>, vector<16xf32>,
      %parallel_loop3A_1041 = arith.addf %parallel_loop3A_1040, %get3A_582 : vector<16xf32>
      tpu.vector_store_idx %arg15[%select_n3A, %select_n3A_151, %parallel_loop3A_1037], %parallel_loop3A_1041 : memref<8x8x129xf32, #tpu.memory_space<vmem>>[vector<16xi32>, vector<16xi32>, vector<16xi32>], vector<16xf32>,
      %parallel_loop3A_1042 = arith.index_cast %parallel_loop3A_1036 : i32 to index
      %parallel_loop3A_1043 = arith.constant 16 : index
      %parallel_loop3A_1044 = tpu.vector_load %arg11[%parallel_loop3A_1042, %parallel_loop3A_1043] {strides = array<i32>} : memref<128x64xf32, #tpu.memory_space<vmem>>, vector<16xf32>,
      %parallel_loop3A_1045 = arith.addf %parallel_loop3A_1044, %get3A_586 : vector<16xf32>
      tpu.vector_store_idx %arg15[%select_n3A_60, %select_n3A_176, %parallel_loop3A_1037], %parallel_loop3A_1045 : memref<8x8x129xf32, #tpu.memory_space<vmem>>[vector<16xi32>, vector<16xi32>, vector<16xi32>], vector<16xf32>,
      %parallel_loop3A_1046 = arith.index_cast %parallel_loop3A_1036 : i32 to index
      %parallel_loop3A_1047 = arith.constant 32 : index
      %parallel_loop3A_1048 = tpu.vector_load %arg11[%parallel_loop3A_1046, %parallel_loop3A_1047] {strides = array<i32>} : memref<128x64xf32, #tpu.memory_space<vmem>>, vector<16xf32>,
      %parallel_loop3A_1049 = arith.addf %parallel_loop3A_1048, %get3A_590 : vector<16xf32>
      tpu.vector_store_idx %arg15[%select_n3A_94, %select_n3A_201, %parallel_loop3A_1037], %parallel_loop3A_1049 : memref<8x8x129xf32, #tpu.memory_space<vmem>>[vector<16xi32>, vector<16xi32>, vector<16xi32>], vector<16xf32>,
      %parallel_loop3A_1050 = arith.index_cast %parallel_loop3A_1036 : i32 to index
      %parallel_loop3A_1051 = arith.constant 48 : index
      %parallel_loop3A_1052 = tpu.vector_load %arg11[%parallel_loop3A_1050, %parallel_loop3A_1051] {strides = array<i32>} : memref<128x64xf32, #tpu.memory_space<vmem>>, vector<16xf32>,
      %parallel_loop3A_1053 = arith.addf %parallel_loop3A_1052, %get3A_594 : vector<16xf32>
      tpu.vector_store_idx %arg15[%select_n3A_128, %select_n3A_226, %parallel_loop3A_1037], %parallel_loop3A_1053 : memref<8x8x129xf32, #tpu.memory_space<vmem>>[vector<16xi32>, vector<16xi32>, vector<16xi32>], vector<16xf32>,
    } {sc.loop_unroll_factor = 4 : i64, sc.parallel_access}
    %dma_start3A_598 = arith.constant 3 : i32
    %dma_start3A_599 = arith.constant 0 : i32
    %dma_start3A_600 = arith.constant 0 : i32
    %dma_start3A_601 = arith.constant 0 : i32
    %dma_start3A_602 = tpu.memref_slice %arg15[%dma_start3A_599, %dma_start3A_600, %dma_start3A_601] : memref<8x8x129xf32, #tpu.memory_space<vmem>> -> memref<8x8x128xf32, #tpu.memory_space<vmem>>
    %dma_start3A_603 = arith.constant 0 : i32
    %dma_start3A_604 = arith.constant 0 : i32
    %dma_start3A_605 = arith.constant 0 : i32
    %dma_start3A_606 = tpu.memref_slice %arg5[%dma_start3A_598, %dma_start3A_603, %add3A, %dma_start3A_604, %dma_start3A_605] : memref<200x8x32x8x128xf32, #tpu.memory_space<hbm>> -> memref<1x8x1x8x128xf32, #tpu.memory_space<hbm>>
    %dma_start3A_607 = tpu.memref_squeeze %dma_start3A_606 : memref<1x8x1x8x128xf32, #tpu.memory_space<hbm>> -> memref<8x8x128xf32, #tpu.memory_space<hbm>>
    %dma_start3A_608 = arith.constant 0 : i32
    %dma_start3A_609 = arith.constant 0 : i32
    %dma_start3A_610 = arith.constant 0 : i32
    %dma_start3A_611 = tpu.memref_slice %arg5[%dma_start3A_598, %dma_start3A_608, %add3A, %dma_start3A_609, %dma_start3A_610] : memref<200x8x32x8x128xf32, #tpu.memory_space<hbm>> -> memref<1x8x1x8x128xf32, #tpu.memory_space<hbm>>
    %dma_start3A_612 = tpu.memref_squeeze %dma_start3A_611 : memref<1x8x1x8x128xf32, #tpu.memory_space<hbm>> -> memref<8x8x128xf32, #tpu.memory_space<hbm>>
    %dma_start3A_613 = arith.constant 0 : i32
    %dma_start3A_614 = arith.constant 0 : i32
    %dma_start3A_615 = arith.constant 0 : i32
    %dma_start3A_616 = tpu.memref_slice %arg15[%dma_start3A_613, %dma_start3A_614, %dma_start3A_615] : memref<8x8x129xf32, #tpu.memory_space<vmem>> -> memref<8x8x128xf32, #tpu.memory_space<vmem>>
    tpu.enqueue_dma source(%dma_start3A_616 : memref<8x8x128xf32, #tpu.memory_space<vmem>>) target(%dma_start3A_612 : memref<8x8x128xf32, #tpu.memory_space<hbm>>) target_semaphore(%arg23 : memref<!tpu.dma_semaphore, #tpu.memory_space<semaphore_mem>>)
    %scan3A = arith.constant 0 : i32
    %scan3A_617 = arith.constant 0 : i32
    %scan3A_618 = arith.constant 48 : i32
    %scan3A_619 = arith.addi %scan3A_617, %scan3A_618 : i32
    %scan3A_620 = arith.constant 1 : i32
    scf.for %scan3A_1036 = %scan3A_617 to %scan3A_619 step %scan3A_620  : i32 {
      %mul3A_1037 = arith.constant 4 : i32
      %mul3A_1038 = arith.muli %scan3A_1036, %mul3A_1037 : i32
      %add3A_1039 = arith.constant 4 : i32
      %add3A_1040 = arith.addi %add3A_1039, %mul3A_1038 : i32
      %add3A_1041 = arith.constant 0 : i32
      %add3A_1042 = arith.addi %add3A_1040, %add3A_1041 : i32
      %add3A_1043 = arith.constant 3 : i32
      %add3A_1044 = arith.addi %add3A_1042, %add3A_1043 : i32
      %jit3A_1045 = arith.constant 8 : i32
      %div3A_1046 = arith.divsi %add3A_1044, %jit3A_1045 : i32
      %sign3A_1047 = arith.constant 0 : i32
      %sign3A_1048 = arith.cmpi sgt, %add3A_1044, %sign3A_1047 : i32
      %sign3A_1049 = arith.extui %sign3A_1048 : i1 to i32
      %sign3A_1050 = arith.constant 0 : i32
      %sign3A_1051 = arith.cmpi slt, %add3A_1044, %sign3A_1050 : i32
      %sign3A_1052 = arith.extui %sign3A_1051 : i1 to i32
      %sign3A_1053 = arith.subi %sign3A_1049, %sign3A_1052 : i32
      %sign3A_1054 = arith.constant 0 : i32
      %sign3A_1055 = arith.cmpi sgt, %jit3A_1045, %sign3A_1054 : i32
      %sign3A_1056 = arith.extui %sign3A_1055 : i1 to i32
      %sign3A_1057 = arith.constant 0 : i32
      %sign3A_1058 = arith.cmpi slt, %jit3A_1045, %sign3A_1057 : i32
      %sign3A_1059 = arith.extui %sign3A_1058 : i1 to i32
      %sign3A_1060 = arith.subi %sign3A_1056, %sign3A_1059 : i32
      %ne3A_1061 = arith.cmpi ne, %sign3A_1053, %sign3A_1060 : i32
      %rem3A_1062 = arith.remsi %add3A_1044, %jit3A_1045 : i32
      %ne3A_1063 = arith.constant 0 : i32
      %ne3A_1064 = arith.cmpi ne, %rem3A_1062, %ne3A_1063 : i32
      %and3A_1065 = arith.andi %ne3A_1061, %ne3A_1064 : i1
      %sub3A_1066 = arith.constant 1 : i32
      %sub3A_1067 = arith.subi %div3A_1046, %sub3A_1066 : i32
      %select_n3A_1068 = arith.select %and3A_1065, %sub3A_1067, %div3A_1046 : i32
      %jit3A_1069 = arith.constant 8 : i32
      %eq3A_1070 = arith.constant 0 : i32
      %eq3A_1071 = arith.cmpi eq, %jit3A_1069, %eq3A_1070 : i32
      %jit3A_1072 = arith.constant 1 : i32
      %select_n3A_1073 = arith.select %eq3A_1071, %jit3A_1072, %jit3A_1069 : i32
      %rem3A_1074 = arith.remsi %add3A_1044, %select_n3A_1073 : i32
      %ne3A_1075 = arith.constant 0 : i32
      %ne3A_1076 = arith.cmpi ne, %rem3A_1074, %ne3A_1075 : i32
      %lt3A_1077 = arith.constant 0 : i32
      %lt3A_1078 = arith.cmpi slt, %rem3A_1074, %lt3A_1077 : i32
      %lt3A_1079 = arith.constant 0 : i32
      %lt3A_1080 = arith.cmpi slt, %select_n3A_1073, %lt3A_1079 : i32
      %ne3A_1081 = arith.xori %lt3A_1078, %lt3A_1080 : i1
      %and3A_1082 = arith.andi %ne3A_1081, %ne3A_1076 : i1
      %add3A_1083 = arith.addi %rem3A_1074, %select_n3A_1073 : i32
      %select_n3A_1084 = arith.select %and3A_1082, %add3A_1083, %rem3A_1074 : i32
      %jit3A_1085 = arith.constant 8 : i32
      %div3A_1086 = arith.divsi %add3A_1044, %jit3A_1085 : i32
      %sign3A_1087 = arith.constant 0 : i32
      %sign3A_1088 = arith.cmpi sgt, %add3A_1044, %sign3A_1087 : i32
      %sign3A_1089 = arith.extui %sign3A_1088 : i1 to i32
      %sign3A_1090 = arith.constant 0 : i32
      %sign3A_1091 = arith.cmpi slt, %add3A_1044, %sign3A_1090 : i32
      %sign3A_1092 = arith.extui %sign3A_1091 : i1 to i32
      %sign3A_1093 = arith.subi %sign3A_1089, %sign3A_1092 : i32
      %sign3A_1094 = arith.constant 0 : i32
      %sign3A_1095 = arith.cmpi sgt, %jit3A_1085, %sign3A_1094 : i32
      %sign3A_1096 = arith.extui %sign3A_1095 : i1 to i32
      %sign3A_1097 = arith.constant 0 : i32
      %sign3A_1098 = arith.cmpi slt, %jit3A_1085, %sign3A_1097 : i32
      %sign3A_1099 = arith.extui %sign3A_1098 : i1 to i32
      %sign3A_1100 = arith.subi %sign3A_1096, %sign3A_1099 : i32
      %ne3A_1101 = arith.cmpi ne, %sign3A_1093, %sign3A_1100 : i32
      %rem3A_1102 = arith.remsi %add3A_1044, %jit3A_1085 : i32
      %ne3A_1103 = arith.constant 0 : i32
      %ne3A_1104 = arith.cmpi ne, %rem3A_1102, %ne3A_1103 : i32
      %and3A_1105 = arith.andi %ne3A_1101, %ne3A_1104 : i1
      %sub3A_1106 = arith.constant 1 : i32
      %sub3A_1107 = arith.subi %div3A_1086, %sub3A_1106 : i32
      %select_n3A_1108 = arith.select %and3A_1105, %sub3A_1107, %div3A_1086 : i32
      %jit3A_1109 = arith.constant 8 : i32
      %eq3A_1110 = arith.constant 0 : i32
      %eq3A_1111 = arith.cmpi eq, %jit3A_1109, %eq3A_1110 : i32
      %jit3A_1112 = arith.constant 1 : i32
      %select_n3A_1113 = arith.select %eq3A_1111, %jit3A_1112, %jit3A_1109 : i32
      %rem3A_1114 = arith.remsi %add3A_1044, %select_n3A_1113 : i32
      %ne3A_1115 = arith.constant 0 : i32
      %ne3A_1116 = arith.cmpi ne, %rem3A_1114, %ne3A_1115 : i32
      %lt3A_1117 = arith.constant 0 : i32
      %lt3A_1118 = arith.cmpi slt, %rem3A_1114, %lt3A_1117 : i32
      %lt3A_1119 = arith.constant 0 : i32
      %lt3A_1120 = arith.cmpi slt, %select_n3A_1113, %lt3A_1119 : i32
      %ne3A_1121 = arith.xori %lt3A_1118, %lt3A_1120 : i1
      %and3A_1122 = arith.andi %ne3A_1121, %ne3A_1116 : i1
      %add3A_1123 = arith.addi %rem3A_1114, %select_n3A_1113 : i32
      %select_n3A_1124 = arith.select %and3A_1122, %add3A_1123, %rem3A_1114 : i32
      %dma_start3A_1125 = arith.constant 0 : i32
      %dma_start3A_1126 = arith.constant 0 : i32
      %dma_start3A_1127 = tpu.memref_slice %arg11[%dma_start3A_1125, %dma_start3A_1126] : memref<128x64xf32, #tpu.memory_space<vmem>> -> memref<64x64xf32, #tpu.memory_space<vmem>>
      %dma_start3A_1128 = arith.constant 0 : i32
      %dma_start3A_1129 = tpu.memref_slice %arg6[%select_n3A_1068, %select_n3A_1084, %dma_start3A_1128] : memref<25x8x128xi32, #tpu.memory_space<vmem>> -> memref<1x1x64xi32, #tpu.memory_space<vmem>>
      %dma_start3A_1130 = tpu.memref_squeeze %dma_start3A_1129 : memref<1x1x64xi32, #tpu.memory_space<vmem>> -> memref<64xi32, #tpu.memory_space<vmem>>
      %dma_start3A_1131 = arith.constant 0 : i32
      %dma_start3A_1132 = arith.constant 0 : i32
      %dma_start3A_1133 = tpu.memref_slice %arg3[%dma_start3A_1131, %dma_start3A_1132] : memref<100000x64xf32, #tpu.memory_space<hbm>> -> memref<100000x64xf32, #tpu.memory_space<hbm>>
      tpu.enqueue_indirect_dma source(%dma_start3A_1133 : memref<100000x64xf32, #tpu.memory_space<hbm>>) target(%dma_start3A_1127 : memref<64x64xf32, #tpu.memory_space<vmem>>) offsets(%dma_start3A_1130 : memref<64xi32, #tpu.memory_space<vmem>>) semaphore(%arg19 : memref<!tpu.dma_semaphore, #tpu.memory_space<semaphore_mem>>)
      %dma_start3A_1134 = arith.constant 64 : i32
      %dma_start3A_1135 = arith.constant 0 : i32
      %dma_start3A_1136 = tpu.memref_slice %arg11[%dma_start3A_1134, %dma_start3A_1135] : memref<128x64xf32, #tpu.memory_space<vmem>> -> memref<64x64xf32, #tpu.memory_space<vmem>>
      %dma_start3A_1137 = arith.constant 64 : i32
      %dma_start3A_1138 = tpu.memref_slice %arg6[%select_n3A_1108, %select_n3A_1124, %dma_start3A_1137] : memref<25x8x128xi32, #tpu.memory_space<vmem>> -> memref<1x1x64xi32, #tpu.memory_space<vmem>>
      %dma_start3A_1139 = tpu.memref_squeeze %dma_start3A_1138 : memref<1x1x64xi32, #tpu.memory_space<vmem>> -> memref<64xi32, #tpu.memory_space<vmem>>
      %dma_start3A_1140 = arith.constant 0 : i32
      %dma_start3A_1141 = arith.constant 0 : i32
      %dma_start3A_1142 = tpu.memref_slice %arg3[%dma_start3A_1140, %dma_start3A_1141] : memref<100000x64xf32, #tpu.memory_space<hbm>> -> memref<100000x64xf32, #tpu.memory_space<hbm>>
      tpu.enqueue_indirect_dma source(%dma_start3A_1142 : memref<100000x64xf32, #tpu.memory_space<hbm>>) target(%dma_start3A_1136 : memref<64x64xf32, #tpu.memory_space<vmem>>) offsets(%dma_start3A_1139 : memref<64xi32, #tpu.memory_space<vmem>>) semaphore(%arg19 : memref<!tpu.dma_semaphore, #tpu.memory_space<semaphore_mem>>)
      %jit3A_1143 = arith.constant 8 : i32
      %div3A_1144 = arith.divsi %add3A_1042, %jit3A_1143 : i32
      %sign3A_1145 = arith.constant 0 : i32
      %sign3A_1146 = arith.cmpi sgt, %add3A_1042, %sign3A_1145 : i32
      %sign3A_1147 = arith.extui %sign3A_1146 : i1 to i32
      %sign3A_1148 = arith.constant 0 : i32
      %sign3A_1149 = arith.cmpi slt, %add3A_1042, %sign3A_1148 : i32
      %sign3A_1150 = arith.extui %sign3A_1149 : i1 to i32
      %sign3A_1151 = arith.subi %sign3A_1147, %sign3A_1150 : i32
      %sign3A_1152 = arith.constant 0 : i32
      %sign3A_1153 = arith.cmpi sgt, %jit3A_1143, %sign3A_1152 : i32
      %sign3A_1154 = arith.extui %sign3A_1153 : i1 to i32
      %sign3A_1155 = arith.constant 0 : i32
      %sign3A_1156 = arith.cmpi slt, %jit3A_1143, %sign3A_1155 : i32
      %sign3A_1157 = arith.extui %sign3A_1156 : i1 to i32
      %sign3A_1158 = arith.subi %sign3A_1154, %sign3A_1157 : i32
      %ne3A_1159 = arith.cmpi ne, %sign3A_1151, %sign3A_1158 : i32
      %rem3A_1160 = arith.remsi %add3A_1042, %jit3A_1143 : i32
      %ne3A_1161 = arith.constant 0 : i32
      %ne3A_1162 = arith.cmpi ne, %rem3A_1160, %ne3A_1161 : i32
      %and3A_1163 = arith.andi %ne3A_1159, %ne3A_1162 : i1
      %sub3A_1164 = arith.constant 1 : i32
      %sub3A_1165 = arith.subi %div3A_1144, %sub3A_1164 : i32
      %select_n3A_1166 = arith.select %and3A_1163, %sub3A_1165, %div3A_1144 : i32
      %jit3A_1167 = arith.constant 8 : i32
      %eq3A_1168 = arith.constant 0 : i32
      %eq3A_1169 = arith.cmpi eq, %jit3A_1167, %eq3A_1168 : i32
      %jit3A_1170 = arith.constant 1 : i32
      %select_n3A_1171 = arith.select %eq3A_1169, %jit3A_1170, %jit3A_1167 : i32
      %rem3A_1172 = arith.remsi %add3A_1042, %select_n3A_1171 : i32
      %ne3A_1173 = arith.constant 0 : i32
      %ne3A_1174 = arith.cmpi ne, %rem3A_1172, %ne3A_1173 : i32
      %lt3A_1175 = arith.constant 0 : i32
      %lt3A_1176 = arith.cmpi slt, %rem3A_1172, %lt3A_1175 : i32
      %lt3A_1177 = arith.constant 0 : i32
      %lt3A_1178 = arith.cmpi slt, %select_n3A_1171, %lt3A_1177 : i32
      %ne3A_1179 = arith.xori %lt3A_1176, %lt3A_1178 : i1
      %and3A_1180 = arith.andi %ne3A_1179, %ne3A_1174 : i1
      %add3A_1181 = arith.addi %rem3A_1172, %select_n3A_1171 : i32
      %select_n3A_1182 = arith.select %and3A_1180, %add3A_1181, %rem3A_1172 : i32
      %jit3A_1183 = arith.constant 8 : i32
      %div3A_1184 = arith.divsi %add3A_1042, %jit3A_1183 : i32
      %sign3A_1185 = arith.constant 0 : i32
      %sign3A_1186 = arith.cmpi sgt, %add3A_1042, %sign3A_1185 : i32
      %sign3A_1187 = arith.extui %sign3A_1186 : i1 to i32
      %sign3A_1188 = arith.constant 0 : i32
      %sign3A_1189 = arith.cmpi slt, %add3A_1042, %sign3A_1188 : i32
      %sign3A_1190 = arith.extui %sign3A_1189 : i1 to i32
      %sign3A_1191 = arith.subi %sign3A_1187, %sign3A_1190 : i32
      %sign3A_1192 = arith.constant 0 : i32
      %sign3A_1193 = arith.cmpi sgt, %jit3A_1183, %sign3A_1192 : i32
      %sign3A_1194 = arith.extui %sign3A_1193 : i1 to i32
      %sign3A_1195 = arith.constant 0 : i32
      %sign3A_1196 = arith.cmpi slt, %jit3A_1183, %sign3A_1195 : i32
      %sign3A_1197 = arith.extui %sign3A_1196 : i1 to i32
      %sign3A_1198 = arith.subi %sign3A_1194, %sign3A_1197 : i32
      %ne3A_1199 = arith.cmpi ne, %sign3A_1191, %sign3A_1198 : i32
      %rem3A_1200 = arith.remsi %add3A_1042, %jit3A_1183 : i32
      %ne3A_1201 = arith.constant 0 : i32
      %ne3A_1202 = arith.cmpi ne, %rem3A_1200, %ne3A_1201 : i32
      %and3A_1203 = arith.andi %ne3A_1199, %ne3A_1202 : i1
      %sub3A_1204 = arith.constant 1 : i32
      %sub3A_1205 = arith.subi %div3A_1184, %sub3A_1204 : i32
      %select_n3A_1206 = arith.select %and3A_1203, %sub3A_1205, %div3A_1184 : i32
      %jit3A_1207 = arith.constant 8 : i32
      %eq3A_1208 = arith.constant 0 : i32
      %eq3A_1209 = arith.cmpi eq, %jit3A_1207, %eq3A_1208 : i32
      %jit3A_1210 = arith.constant 1 : i32
      %select_n3A_1211 = arith.select %eq3A_1209, %jit3A_1210, %jit3A_1207 : i32
      %rem3A_1212 = arith.remsi %add3A_1042, %select_n3A_1211 : i32
      %ne3A_1213 = arith.constant 0 : i32
      %ne3A_1214 = arith.cmpi ne, %rem3A_1212, %ne3A_1213 : i32
      %lt3A_1215 = arith.constant 0 : i32
      %lt3A_1216 = arith.cmpi slt, %rem3A_1212, %lt3A_1215 : i32
      %lt3A_1217 = arith.constant 0 : i32
      %lt3A_1218 = arith.cmpi slt, %select_n3A_1211, %lt3A_1217 : i32
      %ne3A_1219 = arith.xori %lt3A_1216, %lt3A_1218 : i1
      %and3A_1220 = arith.andi %ne3A_1219, %ne3A_1214 : i1
      %add3A_1221 = arith.addi %rem3A_1212, %select_n3A_1211 : i32
      %select_n3A_1222 = arith.select %and3A_1220, %add3A_1221, %rem3A_1212 : i32
      %dma_wait3A_1223 = arith.constant 0 : i32
      %dma_wait3A_1224 = arith.constant 0 : i32
      %dma_wait3A_1225 = tpu.memref_slice %arg8[%dma_wait3A_1223, %dma_wait3A_1224] : memref<128x64xf32, #tpu.memory_space<vmem>> -> memref<64x64xf32, #tpu.memory_space<vmem>>
      %dma_wait3A_1226 = arith.constant 0 : i32
      %dma_wait3A_1227 = tpu.memref_slice %arg6[%select_n3A_1166, %select_n3A_1182, %dma_wait3A_1226] : memref<25x8x128xi32, #tpu.memory_space<vmem>> -> memref<1x1x64xi32, #tpu.memory_space<vmem>>
      %dma_wait3A_1228 = tpu.memref_squeeze %dma_wait3A_1227 : memref<1x1x64xi32, #tpu.memory_space<vmem>> -> memref<64xi32, #tpu.memory_space<vmem>>
      %dma_wait3A_1229 = arith.constant 0 : i32
      %dma_wait3A_1230 = arith.constant 0 : i32
      %dma_wait3A_1231 = tpu.memref_slice %arg3[%dma_wait3A_1229, %dma_wait3A_1230] : memref<100000x64xf32, #tpu.memory_space<hbm>> -> memref<100000x64xf32, #tpu.memory_space<hbm>>
      tpu.wait_indirect_dma semaphore(%arg16 : memref<!tpu.dma_semaphore, #tpu.memory_space<semaphore_mem>>) src(%dma_wait3A_1231 : memref<100000x64xf32, #tpu.memory_space<hbm>>) dst(%dma_wait3A_1225 : memref<64x64xf32, #tpu.memory_space<vmem>>)
      %dma_wait3A_1232 = arith.constant 64 : i32
      %dma_wait3A_1233 = arith.constant 0 : i32
      %dma_wait3A_1234 = tpu.memref_slice %arg8[%dma_wait3A_1232, %dma_wait3A_1233] : memref<128x64xf32, #tpu.memory_space<vmem>> -> memref<64x64xf32, #tpu.memory_space<vmem>>
      %dma_wait3A_1235 = arith.constant 64 : i32
      %dma_wait3A_1236 = tpu.memref_slice %arg6[%select_n3A_1206, %select_n3A_1222, %dma_wait3A_1235] : memref<25x8x128xi32, #tpu.memory_space<vmem>> -> memref<1x1x64xi32, #tpu.memory_space<vmem>>
      %dma_wait3A_1237 = tpu.memref_squeeze %dma_wait3A_1236 : memref<1x1x64xi32, #tpu.memory_space<vmem>> -> memref<64xi32, #tpu.memory_space<vmem>>
      %dma_wait3A_1238 = arith.constant 0 : i32
      %dma_wait3A_1239 = arith.constant 0 : i32
      %dma_wait3A_1240 = tpu.memref_slice %arg3[%dma_wait3A_1238, %dma_wait3A_1239] : memref<100000x64xf32, #tpu.memory_space<hbm>> -> memref<100000x64xf32, #tpu.memory_space<hbm>>
      tpu.wait_indirect_dma semaphore(%arg16 : memref<!tpu.dma_semaphore, #tpu.memory_space<semaphore_mem>>) src(%dma_wait3A_1240 : memref<100000x64xf32, #tpu.memory_space<hbm>>) dst(%dma_wait3A_1234 : memref<64x64xf32, #tpu.memory_space<vmem>>)
      %sub3A_1241 = arith.constant 4 : i32
      %sub3A_1242 = arith.subi %add3A_1042, %sub3A_1241 : i32
      %dma_wait3A_1243 = arith.constant 0 : i32
      %dma_wait3A_1244 = arith.constant 0 : i32
      %dma_wait3A_1245 = arith.constant 0 : i32
      %dma_wait3A_1246 = tpu.memref_slice %arg12[%dma_wait3A_1243, %dma_wait3A_1244, %dma_wait3A_1245] : memref<8x8x129xf32, #tpu.memory_space<vmem>> -> memref<8x8x128xf32, #tpu.memory_space<vmem>>
      %dma_wait3A_1247 = arith.constant 0 : i32
      %dma_wait3A_1248 = arith.constant 0 : i32
      %dma_wait3A_1249 = arith.constant 0 : i32
      %dma_wait3A_1250 = tpu.memref_slice %arg5[%sub3A_1242, %dma_wait3A_1247, %add3A, %dma_wait3A_1248, %dma_wait3A_1249] : memref<200x8x32x8x128xf32, #tpu.memory_space<hbm>> -> memref<1x8x1x8x128xf32, #tpu.memory_space<hbm>>
      %dma_wait3A_1251 = tpu.memref_squeeze %dma_wait3A_1250 : memref<1x8x1x8x128xf32, #tpu.memory_space<hbm>> -> memref<8x8x128xf32, #tpu.memory_space<hbm>>
      %dma_wait3A_1252 = arith.constant 0 : i32
      %dma_wait3A_1253 = arith.constant 0 : i32
      %dma_wait3A_1254 = arith.constant 0 : i32
      %dma_wait3A_1255 = tpu.memref_slice %arg5[%sub3A_1242, %dma_wait3A_1252, %add3A, %dma_wait3A_1253, %dma_wait3A_1254] : memref<200x8x32x8x128xf32, #tpu.memory_space<hbm>> -> memref<1x8x1x8x128xf32, #tpu.memory_space<hbm>>
      %dma_wait3A_1256 = tpu.memref_squeeze %dma_wait3A_1255 : memref<1x8x1x8x128xf32, #tpu.memory_space<hbm>> -> memref<8x8x128xf32, #tpu.memory_space<hbm>>
      %dma_wait3A_1257 = arith.constant 0 : i32
      %dma_wait3A_1258 = arith.constant 0 : i32
      %dma_wait3A_1259 = arith.constant 0 : i32
      %dma_wait3A_1260 = tpu.memref_slice %arg12[%dma_wait3A_1257, %dma_wait3A_1258, %dma_wait3A_1259] : memref<8x8x129xf32, #tpu.memory_space<vmem>> -> memref<8x8x128xf32, #tpu.memory_space<vmem>>
      tpu.wait_dma2 semaphore(%arg20 : memref<!tpu.dma_semaphore, #tpu.memory_space<semaphore_mem>>) src(%dma_wait3A_1260 : memref<8x8x128xf32, #tpu.memory_space<vmem>>) dst(%dma_wait3A_1256 : memref<8x8x128xf32, #tpu.memory_space<hbm>>)
      %get3A_1261 = arith.index_cast %add3A_1042 : i32 to index
      %get3A_1262 = arith.constant 0 : index
      %get3A_1263 = tpu.vector_load %arg7[%get3A_1261, %get3A_1262] {strides = array<i32>} : memref<200x64xf32, #tpu.memory_space<vmem>>, vector<16xf32>,
      %get3A_1264 = arith.index_cast %add3A_1042 : i32 to index
      %get3A_1265 = arith.constant 16 : index
      %get3A_1266 = tpu.vector_load %arg7[%get3A_1264, %get3A_1265] {strides = array<i32>} : memref<200x64xf32, #tpu.memory_space<vmem>>, vector<16xf32>,
      %get3A_1267 = arith.index_cast %add3A_1042 : i32 to index
      %get3A_1268 = arith.constant 32 : index
      %get3A_1269 = tpu.vector_load %arg7[%get3A_1267, %get3A_1268] {strides = array<i32>} : memref<200x64xf32, #tpu.memory_space<vmem>>, vector<16xf32>,
      %get3A_1270 = arith.index_cast %add3A_1042 : i32 to index
      %get3A_1271 = arith.constant 48 : index
      %get3A_1272 = tpu.vector_load %arg7[%get3A_1270, %get3A_1271] {strides = array<i32>} : memref<200x64xf32, #tpu.memory_space<vmem>>, vector<16xf32>,
      %parallel_loop3A_1273 = arith.constant 0 : i32
      %parallel_loop3A_1274 = arith.constant 128 : i32
      %parallel_loop3A_1275 = arith.constant 1 : i32
      scf.for %parallel_loop3A_2053 = %parallel_loop3A_1273 to %parallel_loop3A_1274 step %parallel_loop3A_1275  : i32 {
        %parallel_loop3A_2054 = vector.broadcast %parallel_loop3A_2053 : i32 to vector<16xi32>
        %parallel_loop3A_2055 = arith.index_cast %parallel_loop3A_2053 : i32 to index
        %parallel_loop3A_2056 = arith.constant 0 : index
        %parallel_loop3A_2057 = tpu.vector_load %arg8[%parallel_loop3A_2055, %parallel_loop3A_2056] {strides = array<i32>} : memref<128x64xf32, #tpu.memory_space<vmem>>, vector<16xf32>,
        %parallel_loop3A_2058 = arith.addf %parallel_loop3A_2057, %get3A_1263 : vector<16xf32>
        tpu.vector_store_idx %arg12[%select_n3A, %select_n3A_151, %parallel_loop3A_2054], %parallel_loop3A_2058 : memref<8x8x129xf32, #tpu.memory_space<vmem>>[vector<16xi32>, vector<16xi32>, vector<16xi32>], vector<16xf32>,
        %parallel_loop3A_2059 = arith.index_cast %parallel_loop3A_2053 : i32 to index
        %parallel_loop3A_2060 = arith.constant 16 : index
        %parallel_loop3A_2061 = tpu.vector_load %arg8[%parallel_loop3A_2059, %parallel_loop3A_2060] {strides = array<i32>} : memref<128x64xf32, #tpu.memory_space<vmem>>, vector<16xf32>,
        %parallel_loop3A_2062 = arith.addf %parallel_loop3A_2061, %get3A_1266 : vector<16xf32>
        tpu.vector_store_idx %arg12[%select_n3A_60, %select_n3A_176, %parallel_loop3A_2054], %parallel_loop3A_2062 : memref<8x8x129xf32, #tpu.memory_space<vmem>>[vector<16xi32>, vector<16xi32>, vector<16xi32>], vector<16xf32>,
        %parallel_loop3A_2063 = arith.index_cast %parallel_loop3A_2053 : i32 to index
        %parallel_loop3A_2064 = arith.constant 32 : index
        %parallel_loop3A_2065 = tpu.vector_load %arg8[%parallel_loop3A_2063, %parallel_loop3A_2064] {strides = array<i32>} : memref<128x64xf32, #tpu.memory_space<vmem>>, vector<16xf32>,
        %parallel_loop3A_2066 = arith.addf %parallel_loop3A_2065, %get3A_1269 : vector<16xf32>
        tpu.vector_store_idx %arg12[%select_n3A_94, %select_n3A_201, %parallel_loop3A_2054], %parallel_loop3A_2066 : memref<8x8x129xf32, #tpu.memory_space<vmem>>[vector<16xi32>, vector<16xi32>, vector<16xi32>], vector<16xf32>,
        %parallel_loop3A_2067 = arith.index_cast %parallel_loop3A_2053 : i32 to index
        %parallel_loop3A_2068 = arith.constant 48 : index
        %parallel_loop3A_2069 = tpu.vector_load %arg8[%parallel_loop3A_2067, %parallel_loop3A_2068] {strides = array<i32>} : memref<128x64xf32, #tpu.memory_space<vmem>>, vector<16xf32>,
        %parallel_loop3A_2070 = arith.addf %parallel_loop3A_2069, %get3A_1272 : vector<16xf32>
        tpu.vector_store_idx %arg12[%select_n3A_128, %select_n3A_226, %parallel_loop3A_2054], %parallel_loop3A_2070 : memref<8x8x129xf32, #tpu.memory_space<vmem>>[vector<16xi32>, vector<16xi32>, vector<16xi32>], vector<16xf32>,
      } {sc.loop_unroll_factor = 4 : i64, sc.parallel_access}
      %dma_start3A_1276 = arith.constant 0 : i32
      %dma_start3A_1277 = arith.constant 0 : i32
      %dma_start3A_1278 = arith.constant 0 : i32
      %dma_start3A_1279 = tpu.memref_slice %arg12[%dma_start3A_1276, %dma_start3A_1277, %dma_start3A_1278] : memref<8x8x129xf32, #tpu.memory_space<vmem>> -> memref<8x8x128xf32, #tpu.memory_space<vmem>>
      %dma_start3A_1280 = arith.constant 0 : i32
      %dma_start3A_1281 = arith.constant 0 : i32
      %dma_start3A_1282 = arith.constant 0 : i32
      %dma_start3A_1283 = tpu.memref_slice %arg5[%add3A_1042, %dma_start3A_1280, %add3A, %dma_start3A_1281, %dma_start3A_1282] : memref<200x8x32x8x128xf32, #tpu.memory_space<hbm>> -> memref<1x8x1x8x128xf32, #tpu.memory_space<hbm>>
      %dma_start3A_1284 = tpu.memref_squeeze %dma_start3A_1283 : memref<1x8x1x8x128xf32, #tpu.memory_space<hbm>> -> memref<8x8x128xf32, #tpu.memory_space<hbm>>
      %dma_start3A_1285 = arith.constant 0 : i32
      %dma_start3A_1286 = arith.constant 0 : i32
      %dma_start3A_1287 = arith.constant 0 : i32
      %dma_start3A_1288 = tpu.memref_slice %arg5[%add3A_1042, %dma_start3A_1285, %add3A, %dma_start3A_1286, %dma_start3A_1287] : memref<200x8x32x8x128xf32, #tpu.memory_space<hbm>> -> memref<1x8x1x8x128xf32, #tpu.memory_space<hbm>>
      %dma_start3A_1289 = tpu.memref_squeeze %dma_start3A_1288 : memref<1x8x1x8x128xf32, #tpu.memory_space<hbm>> -> memref<8x8x128xf32, #tpu.memory_space<hbm>>
      %dma_start3A_1290 = arith.constant 0 : i32
      %dma_start3A_1291 = arith.constant 0 : i32
      %dma_start3A_1292 = arith.constant 0 : i32
      %dma_start3A_1293 = tpu.memref_slice %arg12[%dma_start3A_1290, %dma_start3A_1291, %dma_start3A_1292] : memref<8x8x129xf32, #tpu.memory_space<vmem>> -> memref<8x8x128xf32, #tpu.memory_space<vmem>>
      tpu.enqueue_dma source(%dma_start3A_1293 : memref<8x8x128xf32, #tpu.memory_space<vmem>>) target(%dma_start3A_1289 : memref<8x8x128xf32, #tpu.memory_space<hbm>>) target_semaphore(%arg20 : memref<!tpu.dma_semaphore, #tpu.memory_space<semaphore_mem>>)
      %add3A_1294 = arith.constant 1 : i32
      %add3A_1295 = arith.addi %add3A_1040, %add3A_1294 : i32
      %add3A_1296 = arith.constant 3 : i32
      %add3A_1297 = arith.addi %add3A_1295, %add3A_1296 : i32
      %jit3A_1298 = arith.constant 8 : i32
      %div3A_1299 = arith.divsi %add3A_1297, %jit3A_1298 : i32
      %sign3A_1300 = arith.constant 0 : i32
      %sign3A_1301 = arith.cmpi sgt, %add3A_1297, %sign3A_1300 : i32
      %sign3A_1302 = arith.extui %sign3A_1301 : i1 to i32
      %sign3A_1303 = arith.constant 0 : i32
      %sign3A_1304 = arith.cmpi slt, %add3A_1297, %sign3A_1303 : i32
      %sign3A_1305 = arith.extui %sign3A_1304 : i1 to i32
      %sign3A_1306 = arith.subi %sign3A_1302, %sign3A_1305 : i32
      %sign3A_1307 = arith.constant 0 : i32
      %sign3A_1308 = arith.cmpi sgt, %jit3A_1298, %sign3A_1307 : i32
      %sign3A_1309 = arith.extui %sign3A_1308 : i1 to i32
      %sign3A_1310 = arith.constant 0 : i32
      %sign3A_1311 = arith.cmpi slt, %jit3A_1298, %sign3A_1310 : i32
      %sign3A_1312 = arith.extui %sign3A_1311 : i1 to i32
      %sign3A_1313 = arith.subi %sign3A_1309, %sign3A_1312 : i32
      %ne3A_1314 = arith.cmpi ne, %sign3A_1306, %sign3A_1313 : i32
      %rem3A_1315 = arith.remsi %add3A_1297, %jit3A_1298 : i32
      %ne3A_1316 = arith.constant 0 : i32
      %ne3A_1317 = arith.cmpi ne, %rem3A_1315, %ne3A_1316 : i32
      %and3A_1318 = arith.andi %ne3A_1314, %ne3A_1317 : i1
      %sub3A_1319 = arith.constant 1 : i32
      %sub3A_1320 = arith.subi %div3A_1299, %sub3A_1319 : i32
      %select_n3A_1321 = arith.select %and3A_1318, %sub3A_1320, %div3A_1299 : i32
      %jit3A_1322 = arith.constant 8 : i32
      %eq3A_1323 = arith.constant 0 : i32
      %eq3A_1324 = arith.cmpi eq, %jit3A_1322, %eq3A_1323 : i32
      %jit3A_1325 = arith.constant 1 : i32
      %select_n3A_1326 = arith.select %eq3A_1324, %jit3A_1325, %jit3A_1322 : i32
      %rem3A_1327 = arith.remsi %add3A_1297, %select_n3A_1326 : i32
      %ne3A_1328 = arith.constant 0 : i32
      %ne3A_1329 = arith.cmpi ne, %rem3A_1327, %ne3A_1328 : i32
      %lt3A_1330 = arith.constant 0 : i32
      %lt3A_1331 = arith.cmpi slt, %rem3A_1327, %lt3A_1330 : i32
      %lt3A_1332 = arith.constant 0 : i32
      %lt3A_1333 = arith.cmpi slt, %select_n3A_1326, %lt3A_1332 : i32
      %ne3A_1334 = arith.xori %lt3A_1331, %lt3A_1333 : i1
      %and3A_1335 = arith.andi %ne3A_1334, %ne3A_1329 : i1
      %add3A_1336 = arith.addi %rem3A_1327, %select_n3A_1326 : i32
      %select_n3A_1337 = arith.select %and3A_1335, %add3A_1336, %rem3A_1327 : i32
      %jit3A_1338 = arith.constant 8 : i32
      %div3A_1339 = arith.divsi %add3A_1297, %jit3A_1338 : i32
      %sign3A_1340 = arith.constant 0 : i32
      %sign3A_1341 = arith.cmpi sgt, %add3A_1297, %sign3A_1340 : i32
      %sign3A_1342 = arith.extui %sign3A_1341 : i1 to i32
      %sign3A_1343 = arith.constant 0 : i32
      %sign3A_1344 = arith.cmpi slt, %add3A_1297, %sign3A_1343 : i32
      %sign3A_1345 = arith.extui %sign3A_1344 : i1 to i32
      %sign3A_1346 = arith.subi %sign3A_1342, %sign3A_1345 : i32
      %sign3A_1347 = arith.constant 0 : i32
      %sign3A_1348 = arith.cmpi sgt, %jit3A_1338, %sign3A_1347 : i32
      %sign3A_1349 = arith.extui %sign3A_1348 : i1 to i32
      %sign3A_1350 = arith.constant 0 : i32
      %sign3A_1351 = arith.cmpi slt, %jit3A_1338, %sign3A_1350 : i32
      %sign3A_1352 = arith.extui %sign3A_1351 : i1 to i32
      %sign3A_1353 = arith.subi %sign3A_1349, %sign3A_1352 : i32
      %ne3A_1354 = arith.cmpi ne, %sign3A_1346, %sign3A_1353 : i32
      %rem3A_1355 = arith.remsi %add3A_1297, %jit3A_1338 : i32
      %ne3A_1356 = arith.constant 0 : i32
      %ne3A_1357 = arith.cmpi ne, %rem3A_1355, %ne3A_1356 : i32
      %and3A_1358 = arith.andi %ne3A_1354, %ne3A_1357 : i1
      %sub3A_1359 = arith.constant 1 : i32
      %sub3A_1360 = arith.subi %div3A_1339, %sub3A_1359 : i32
      %select_n3A_1361 = arith.select %and3A_1358, %sub3A_1360, %div3A_1339 : i32
      %jit3A_1362 = arith.constant 8 : i32
      %eq3A_1363 = arith.constant 0 : i32
      %eq3A_1364 = arith.cmpi eq, %jit3A_1362, %eq3A_1363 : i32
      %jit3A_1365 = arith.constant 1 : i32
      %select_n3A_1366 = arith.select %eq3A_1364, %jit3A_1365, %jit3A_1362 : i32
      %rem3A_1367 = arith.remsi %add3A_1297, %select_n3A_1366 : i32
      %ne3A_1368 = arith.constant 0 : i32
      %ne3A_1369 = arith.cmpi ne, %rem3A_1367, %ne3A_1368 : i32
      %lt3A_1370 = arith.constant 0 : i32
      %lt3A_1371 = arith.cmpi slt, %rem3A_1367, %lt3A_1370 : i32
      %lt3A_1372 = arith.constant 0 : i32
      %lt3A_1373 = arith.cmpi slt, %select_n3A_1366, %lt3A_1372 : i32
      %ne3A_1374 = arith.xori %lt3A_1371, %lt3A_1373 : i1
      %and3A_1375 = arith.andi %ne3A_1374, %ne3A_1369 : i1
      %add3A_1376 = arith.addi %rem3A_1367, %select_n3A_1366 : i32
      %select_n3A_1377 = arith.select %and3A_1375, %add3A_1376, %rem3A_1367 : i32
      %dma_start3A_1378 = arith.constant 0 : i32
      %dma_start3A_1379 = arith.constant 0 : i32
      %dma_start3A_1380 = tpu.memref_slice %arg8[%dma_start3A_1378, %dma_start3A_1379] : memref<128x64xf32, #tpu.memory_space<vmem>> -> memref<64x64xf32, #tpu.memory_space<vmem>>
      %dma_start3A_1381 = arith.constant 0 : i32
      %dma_start3A_1382 = tpu.memref_slice %arg6[%select_n3A_1321, %select_n3A_1337, %dma_start3A_1381] : memref<25x8x128xi32, #tpu.memory_space<vmem>> -> memref<1x1x64xi32, #tpu.memory_space<vmem>>
      %dma_start3A_1383 = tpu.memref_squeeze %dma_start3A_1382 : memref<1x1x64xi32, #tpu.memory_space<vmem>> -> memref<64xi32, #tpu.memory_space<vmem>>
      %dma_start3A_1384 = arith.constant 0 : i32
      %dma_start3A_1385 = arith.constant 0 : i32
      %dma_start3A_1386 = tpu.memref_slice %arg3[%dma_start3A_1384, %dma_start3A_1385] : memref<100000x64xf32, #tpu.memory_space<hbm>> -> memref<100000x64xf32, #tpu.memory_space<hbm>>
      tpu.enqueue_indirect_dma source(%dma_start3A_1386 : memref<100000x64xf32, #tpu.memory_space<hbm>>) target(%dma_start3A_1380 : memref<64x64xf32, #tpu.memory_space<vmem>>) offsets(%dma_start3A_1383 : memref<64xi32, #tpu.memory_space<vmem>>) semaphore(%arg16 : memref<!tpu.dma_semaphore, #tpu.memory_space<semaphore_mem>>)
      %dma_start3A_1387 = arith.constant 64 : i32
      %dma_start3A_1388 = arith.constant 0 : i32
      %dma_start3A_1389 = tpu.memref_slice %arg8[%dma_start3A_1387, %dma_start3A_1388] : memref<128x64xf32, #tpu.memory_space<vmem>> -> memref<64x64xf32, #tpu.memory_space<vmem>>
      %dma_start3A_1390 = arith.constant 64 : i32
      %dma_start3A_1391 = tpu.memref_slice %arg6[%select_n3A_1361, %select_n3A_1377, %dma_start3A_1390] : memref<25x8x128xi32, #tpu.memory_space<vmem>> -> memref<1x1x64xi32, #tpu.memory_space<vmem>>
      %dma_start3A_1392 = tpu.memref_squeeze %dma_start3A_1391 : memref<1x1x64xi32, #tpu.memory_space<vmem>> -> memref<64xi32, #tpu.memory_space<vmem>>
      %dma_start3A_1393 = arith.constant 0 : i32
      %dma_start3A_1394 = arith.constant 0 : i32
      %dma_start3A_1395 = tpu.memref_slice %arg3[%dma_start3A_1393, %dma_start3A_1394] : memref<100000x64xf32, #tpu.memory_space<hbm>> -> memref<100000x64xf32, #tpu.memory_space<hbm>>
      tpu.enqueue_indirect_dma source(%dma_start3A_1395 : memref<100000x64xf32, #tpu.memory_space<hbm>>) target(%dma_start3A_1389 : memref<64x64xf32, #tpu.memory_space<vmem>>) offsets(%dma_start3A_1392 : memref<64xi32, #tpu.memory_space<vmem>>) semaphore(%arg16 : memref<!tpu.dma_semaphore, #tpu.memory_space<semaphore_mem>>)
      %jit3A_1396 = arith.constant 8 : i32
      %div3A_1397 = arith.divsi %add3A_1295, %jit3A_1396 : i32
      %sign3A_1398 = arith.constant 0 : i32
      %sign3A_1399 = arith.cmpi sgt, %add3A_1295, %sign3A_1398 : i32
      %sign3A_1400 = arith.extui %sign3A_1399 : i1 to i32
      %sign3A_1401 = arith.constant 0 : i32
      %sign3A_1402 = arith.cmpi slt, %add3A_1295, %sign3A_1401 : i32
      %sign3A_1403 = arith.extui %sign3A_1402 : i1 to i32
      %sign3A_1404 = arith.subi %sign3A_1400, %sign3A_1403 : i32
      %sign3A_1405 = arith.constant 0 : i32
      %sign3A_1406 = arith.cmpi sgt, %jit3A_1396, %sign3A_1405 : i32
      %sign3A_1407 = arith.extui %sign3A_1406 : i1 to i32
      %sign3A_1408 = arith.constant 0 : i32
      %sign3A_1409 = arith.cmpi slt, %jit3A_1396, %sign3A_1408 : i32
      %sign3A_1410 = arith.extui %sign3A_1409 : i1 to i32
      %sign3A_1411 = arith.subi %sign3A_1407, %sign3A_1410 : i32
      %ne3A_1412 = arith.cmpi ne, %sign3A_1404, %sign3A_1411 : i32
      %rem3A_1413 = arith.remsi %add3A_1295, %jit3A_1396 : i32
      %ne3A_1414 = arith.constant 0 : i32
      %ne3A_1415 = arith.cmpi ne, %rem3A_1413, %ne3A_1414 : i32
      %and3A_1416 = arith.andi %ne3A_1412, %ne3A_1415 : i1
      %sub3A_1417 = arith.constant 1 : i32
      %sub3A_1418 = arith.subi %div3A_1397, %sub3A_1417 : i32
      %select_n3A_1419 = arith.select %and3A_1416, %sub3A_1418, %div3A_1397 : i32
      %jit3A_1420 = arith.constant 8 : i32
      %eq3A_1421 = arith.constant 0 : i32
      %eq3A_1422 = arith.cmpi eq, %jit3A_1420, %eq3A_1421 : i32
      %jit3A_1423 = arith.constant 1 : i32
      %select_n3A_1424 = arith.select %eq3A_1422, %jit3A_1423, %jit3A_1420 : i32
      %rem3A_1425 = arith.remsi %add3A_1295, %select_n3A_1424 : i32
      %ne3A_1426 = arith.constant 0 : i32
      %ne3A_1427 = arith.cmpi ne, %rem3A_1425, %ne3A_1426 : i32
      %lt3A_1428 = arith.constant 0 : i32
      %lt3A_1429 = arith.cmpi slt, %rem3A_1425, %lt3A_1428 : i32
      %lt3A_1430 = arith.constant 0 : i32
      %lt3A_1431 = arith.cmpi slt, %select_n3A_1424, %lt3A_1430 : i32
      %ne3A_1432 = arith.xori %lt3A_1429, %lt3A_1431 : i1
      %and3A_1433 = arith.andi %ne3A_1432, %ne3A_1427 : i1
      %add3A_1434 = arith.addi %rem3A_1425, %select_n3A_1424 : i32
      %select_n3A_1435 = arith.select %and3A_1433, %add3A_1434, %rem3A_1425 : i32
      %jit3A_1436 = arith.constant 8 : i32
      %div3A_1437 = arith.divsi %add3A_1295, %jit3A_1436 : i32
      %sign3A_1438 = arith.constant 0 : i32
      %sign3A_1439 = arith.cmpi sgt, %add3A_1295, %sign3A_1438 : i32
      %sign3A_1440 = arith.extui %sign3A_1439 : i1 to i32
      %sign3A_1441 = arith.constant 0 : i32
      %sign3A_1442 = arith.cmpi slt, %add3A_1295, %sign3A_1441 : i32
      %sign3A_1443 = arith.extui %sign3A_1442 : i1 to i32
      %sign3A_1444 = arith.subi %sign3A_1440, %sign3A_1443 : i32
      %sign3A_1445 = arith.constant 0 : i32
      %sign3A_1446 = arith.cmpi sgt, %jit3A_1436, %sign3A_1445 : i32
      %sign3A_1447 = arith.extui %sign3A_1446 : i1 to i32
      %sign3A_1448 = arith.constant 0 : i32
      %sign3A_1449 = arith.cmpi slt, %jit3A_1436, %sign3A_1448 : i32
      %sign3A_1450 = arith.extui %sign3A_1449 : i1 to i32
      %sign3A_1451 = arith.subi %sign3A_1447, %sign3A_1450 : i32
      %ne3A_1452 = arith.cmpi ne, %sign3A_1444, %sign3A_1451 : i32
      %rem3A_1453 = arith.remsi %add3A_1295, %jit3A_1436 : i32
      %ne3A_1454 = arith.constant 0 : i32
      %ne3A_1455 = arith.cmpi ne, %rem3A_1453, %ne3A_1454 : i32
      %and3A_1456 = arith.andi %ne3A_1452, %ne3A_1455 : i1
      %sub3A_1457 = arith.constant 1 : i32
      %sub3A_1458 = arith.subi %div3A_1437, %sub3A_1457 : i32
      %select_n3A_1459 = arith.select %and3A_1456, %sub3A_1458, %div3A_1437 : i32
      %jit3A_1460 = arith.constant 8 : i32
      %eq3A_1461 = arith.constant 0 : i32
      %eq3A_1462 = arith.cmpi eq, %jit3A_1460, %eq3A_1461 : i32
      %jit3A_1463 = arith.constant 1 : i32
      %select_n3A_1464 = arith.select %eq3A_1462, %jit3A_1463, %jit3A_1460 : i32
      %rem3A_1465 = arith.remsi %add3A_1295, %select_n3A_1464 : i32
      %ne3A_1466 = arith.constant 0 : i32
      %ne3A_1467 = arith.cmpi ne, %rem3A_1465, %ne3A_1466 : i32
      %lt3A_1468 = arith.constant 0 : i32
      %lt3A_1469 = arith.cmpi slt, %rem3A_1465, %lt3A_1468 : i32
      %lt3A_1470 = arith.constant 0 : i32
      %lt3A_1471 = arith.cmpi slt, %select_n3A_1464, %lt3A_1470 : i32
      %ne3A_1472 = arith.xori %lt3A_1469, %lt3A_1471 : i1
      %and3A_1473 = arith.andi %ne3A_1472, %ne3A_1467 : i1
      %add3A_1474 = arith.addi %rem3A_1465, %select_n3A_1464 : i32
      %select_n3A_1475 = arith.select %and3A_1473, %add3A_1474, %rem3A_1465 : i32
      %dma_wait3A_1476 = arith.constant 0 : i32
      %dma_wait3A_1477 = arith.constant 0 : i32
      %dma_wait3A_1478 = tpu.memref_slice %arg9[%dma_wait3A_1476, %dma_wait3A_1477] : memref<128x64xf32, #tpu.memory_space<vmem>> -> memref<64x64xf32, #tpu.memory_space<vmem>>
      %dma_wait3A_1479 = arith.constant 0 : i32
      %dma_wait3A_1480 = tpu.memref_slice %arg6[%select_n3A_1419, %select_n3A_1435, %dma_wait3A_1479] : memref<25x8x128xi32, #tpu.memory_space<vmem>> -> memref<1x1x64xi32, #tpu.memory_space<vmem>>
      %dma_wait3A_1481 = tpu.memref_squeeze %dma_wait3A_1480 : memref<1x1x64xi32, #tpu.memory_space<vmem>> -> memref<64xi32, #tpu.memory_space<vmem>>
      %dma_wait3A_1482 = arith.constant 0 : i32
      %dma_wait3A_1483 = arith.constant 0 : i32
      %dma_wait3A_1484 = tpu.memref_slice %arg3[%dma_wait3A_1482, %dma_wait3A_1483] : memref<100000x64xf32, #tpu.memory_space<hbm>> -> memref<100000x64xf32, #tpu.memory_space<hbm>>
      tpu.wait_indirect_dma semaphore(%arg17 : memref<!tpu.dma_semaphore, #tpu.memory_space<semaphore_mem>>) src(%dma_wait3A_1484 : memref<100000x64xf32, #tpu.memory_space<hbm>>) dst(%dma_wait3A_1478 : memref<64x64xf32, #tpu.memory_space<vmem>>)
      %dma_wait3A_1485 = arith.constant 64 : i32
      %dma_wait3A_1486 = arith.constant 0 : i32
      %dma_wait3A_1487 = tpu.memref_slice %arg9[%dma_wait3A_1485, %dma_wait3A_1486] : memref<128x64xf32, #tpu.memory_space<vmem>> -> memref<64x64xf32, #tpu.memory_space<vmem>>
      %dma_wait3A_1488 = arith.constant 64 : i32
      %dma_wait3A_1489 = tpu.memref_slice %arg6[%select_n3A_1459, %select_n3A_1475, %dma_wait3A_1488] : memref<25x8x128xi32, #tpu.memory_space<vmem>> -> memref<1x1x64xi32, #tpu.memory_space<vmem>>
      %dma_wait3A_1490 = tpu.memref_squeeze %dma_wait3A_1489 : memref<1x1x64xi32, #tpu.memory_space<vmem>> -> memref<64xi32, #tpu.memory_space<vmem>>
      %dma_wait3A_1491 = arith.constant 0 : i32
      %dma_wait3A_1492 = arith.constant 0 : i32
      %dma_wait3A_1493 = tpu.memref_slice %arg3[%dma_wait3A_1491, %dma_wait3A_1492] : memref<100000x64xf32, #tpu.memory_space<hbm>> -> memref<100000x64xf32, #tpu.memory_space<hbm>>
      tpu.wait_indirect_dma semaphore(%arg17 : memref<!tpu.dma_semaphore, #tpu.memory_space<semaphore_mem>>) src(%dma_wait3A_1493 : memref<100000x64xf32, #tpu.memory_space<hbm>>) dst(%dma_wait3A_1487 : memref<64x64xf32, #tpu.memory_space<vmem>>)
      %sub3A_1494 = arith.constant 4 : i32
      %sub3A_1495 = arith.subi %add3A_1295, %sub3A_1494 : i32
      %dma_wait3A_1496 = arith.constant 0 : i32
      %dma_wait3A_1497 = arith.constant 0 : i32
      %dma_wait3A_1498 = arith.constant 0 : i32
      %dma_wait3A_1499 = tpu.memref_slice %arg13[%dma_wait3A_1496, %dma_wait3A_1497, %dma_wait3A_1498] : memref<8x8x129xf32, #tpu.memory_space<vmem>> -> memref<8x8x128xf32, #tpu.memory_space<vmem>>
      %dma_wait3A_1500 = arith.constant 0 : i32
      %dma_wait3A_1501 = arith.constant 0 : i32
      %dma_wait3A_1502 = arith.constant 0 : i32
      %dma_wait3A_1503 = tpu.memref_slice %arg5[%sub3A_1495, %dma_wait3A_1500, %add3A, %dma_wait3A_1501, %dma_wait3A_1502] : memref<200x8x32x8x128xf32, #tpu.memory_space<hbm>> -> memref<1x8x1x8x128xf32, #tpu.memory_space<hbm>>
      %dma_wait3A_1504 = tpu.memref_squeeze %dma_wait3A_1503 : memref<1x8x1x8x128xf32, #tpu.memory_space<hbm>> -> memref<8x8x128xf32, #tpu.memory_space<hbm>>
      %dma_wait3A_1505 = arith.constant 0 : i32
      %dma_wait3A_1506 = arith.constant 0 : i32
      %dma_wait3A_1507 = arith.constant 0 : i32
      %dma_wait3A_1508 = tpu.memref_slice %arg5[%sub3A_1495, %dma_wait3A_1505, %add3A, %dma_wait3A_1506, %dma_wait3A_1507] : memref<200x8x32x8x128xf32, #tpu.memory_space<hbm>> -> memref<1x8x1x8x128xf32, #tpu.memory_space<hbm>>
      %dma_wait3A_1509 = tpu.memref_squeeze %dma_wait3A_1508 : memref<1x8x1x8x128xf32, #tpu.memory_space<hbm>> -> memref<8x8x128xf32, #tpu.memory_space<hbm>>
      %dma_wait3A_1510 = arith.constant 0 : i32
      %dma_wait3A_1511 = arith.constant 0 : i32
      %dma_wait3A_1512 = arith.constant 0 : i32
      %dma_wait3A_1513 = tpu.memref_slice %arg13[%dma_wait3A_1510, %dma_wait3A_1511, %dma_wait3A_1512] : memref<8x8x129xf32, #tpu.memory_space<vmem>> -> memref<8x8x128xf32, #tpu.memory_space<vmem>>
      tpu.wait_dma2 semaphore(%arg21 : memref<!tpu.dma_semaphore, #tpu.memory_space<semaphore_mem>>) src(%dma_wait3A_1513 : memref<8x8x128xf32, #tpu.memory_space<vmem>>) dst(%dma_wait3A_1509 : memref<8x8x128xf32, #tpu.memory_space<hbm>>)
      %get3A_1514 = arith.index_cast %add3A_1295 : i32 to index
      %get3A_1515 = arith.constant 0 : index
      %get3A_1516 = tpu.vector_load %arg7[%get3A_1514, %get3A_1515] {strides = array<i32>} : memref<200x64xf32, #tpu.memory_space<vmem>>, vector<16xf32>,
      %get3A_1517 = arith.index_cast %add3A_1295 : i32 to index
      %get3A_1518 = arith.constant 16 : index
      %get3A_1519 = tpu.vector_load %arg7[%get3A_1517, %get3A_1518] {strides = array<i32>} : memref<200x64xf32, #tpu.memory_space<vmem>>, vector<16xf32>,
      %get3A_1520 = arith.index_cast %add3A_1295 : i32 to index
      %get3A_1521 = arith.constant 32 : index
      %get3A_1522 = tpu.vector_load %arg7[%get3A_1520, %get3A_1521] {strides = array<i32>} : memref<200x64xf32, #tpu.memory_space<vmem>>, vector<16xf32>,
      %get3A_1523 = arith.index_cast %add3A_1295 : i32 to index
      %get3A_1524 = arith.constant 48 : index
      %get3A_1525 = tpu.vector_load %arg7[%get3A_1523, %get3A_1524] {strides = array<i32>} : memref<200x64xf32, #tpu.memory_space<vmem>>, vector<16xf32>,
      %parallel_loop3A_1526 = arith.constant 0 : i32
      %parallel_loop3A_1527 = arith.constant 128 : i32
      %parallel_loop3A_1528 = arith.constant 1 : i32
      scf.for %parallel_loop3A_2053 = %parallel_loop3A_1526 to %parallel_loop3A_1527 step %parallel_loop3A_1528  : i32 {
        %parallel_loop3A_2054 = vector.broadcast %parallel_loop3A_2053 : i32 to vector<16xi32>
        %parallel_loop3A_2055 = arith.index_cast %parallel_loop3A_2053 : i32 to index
        %parallel_loop3A_2056 = arith.constant 0 : index
        %parallel_loop3A_2057 = tpu.vector_load %arg9[%parallel_loop3A_2055, %parallel_loop3A_2056] {strides = array<i32>} : memref<128x64xf32, #tpu.memory_space<vmem>>, vector<16xf32>,
        %parallel_loop3A_2058 = arith.addf %parallel_loop3A_2057, %get3A_1516 : vector<16xf32>
        tpu.vector_store_idx %arg13[%select_n3A, %select_n3A_151, %parallel_loop3A_2054], %parallel_loop3A_2058 : memref<8x8x129xf32, #tpu.memory_space<vmem>>[vector<16xi32>, vector<16xi32>, vector<16xi32>], vector<16xf32>,
        %parallel_loop3A_2059 = arith.index_cast %parallel_loop3A_2053 : i32 to index
        %parallel_loop3A_2060 = arith.constant 16 : index
        %parallel_loop3A_2061 = tpu.vector_load %arg9[%parallel_loop3A_2059, %parallel_loop3A_2060] {strides = array<i32>} : memref<128x64xf32, #tpu.memory_space<vmem>>, vector<16xf32>,
        %parallel_loop3A_2062 = arith.addf %parallel_loop3A_2061, %get3A_1519 : vector<16xf32>
        tpu.vector_store_idx %arg13[%select_n3A_60, %select_n3A_176, %parallel_loop3A_2054], %parallel_loop3A_2062 : memref<8x8x129xf32, #tpu.memory_space<vmem>>[vector<16xi32>, vector<16xi32>, vector<16xi32>], vector<16xf32>,
        %parallel_loop3A_2063 = arith.index_cast %parallel_loop3A_2053 : i32 to index
        %parallel_loop3A_2064 = arith.constant 32 : index
        %parallel_loop3A_2065 = tpu.vector_load %arg9[%parallel_loop3A_2063, %parallel_loop3A_2064] {strides = array<i32>} : memref<128x64xf32, #tpu.memory_space<vmem>>, vector<16xf32>,
        %parallel_loop3A_2066 = arith.addf %parallel_loop3A_2065, %get3A_1522 : vector<16xf32>
        tpu.vector_store_idx %arg13[%select_n3A_94, %select_n3A_201, %parallel_loop3A_2054], %parallel_loop3A_2066 : memref<8x8x129xf32, #tpu.memory_space<vmem>>[vector<16xi32>, vector<16xi32>, vector<16xi32>], vector<16xf32>,
        %parallel_loop3A_2067 = arith.index_cast %parallel_loop3A_2053 : i32 to index
        %parallel_loop3A_2068 = arith.constant 48 : index
        %parallel_loop3A_2069 = tpu.vector_load %arg9[%parallel_loop3A_2067, %parallel_loop3A_2068] {strides = array<i32>} : memref<128x64xf32, #tpu.memory_space<vmem>>, vector<16xf32>,
        %parallel_loop3A_2070 = arith.addf %parallel_loop3A_2069, %get3A_1525 : vector<16xf32>
        tpu.vector_store_idx %arg13[%select_n3A_128, %select_n3A_226, %parallel_loop3A_2054], %parallel_loop3A_2070 : memref<8x8x129xf32, #tpu.memory_space<vmem>>[vector<16xi32>, vector<16xi32>, vector<16xi32>], vector<16xf32>,
      } {sc.loop_unroll_factor = 4 : i64, sc.parallel_access}
      %dma_start3A_1529 = arith.constant 0 : i32
      %dma_start3A_1530 = arith.constant 0 : i32
      %dma_start3A_1531 = arith.constant 0 : i32
      %dma_start3A_1532 = tpu.memref_slice %arg13[%dma_start3A_1529, %dma_start3A_1530, %dma_start3A_1531] : memref<8x8x129xf32, #tpu.memory_space<vmem>> -> memref<8x8x128xf32, #tpu.memory_space<vmem>>
      %dma_start3A_1533 = arith.constant 0 : i32
      %dma_start3A_1534 = arith.constant 0 : i32
      %dma_start3A_1535 = arith.constant 0 : i32
      %dma_start3A_1536 = tpu.memref_slice %arg5[%add3A_1295, %dma_start3A_1533, %add3A, %dma_start3A_1534, %dma_start3A_1535] : memref<200x8x32x8x128xf32, #tpu.memory_space<hbm>> -> memref<1x8x1x8x128xf32, #tpu.memory_space<hbm>>
      %dma_start3A_1537 = tpu.memref_squeeze %dma_start3A_1536 : memref<1x8x1x8x128xf32, #tpu.memory_space<hbm>> -> memref<8x8x128xf32, #tpu.memory_space<hbm>>
      %dma_start3A_1538 = arith.constant 0 : i32
      %dma_start3A_1539 = arith.constant 0 : i32
      %dma_start3A_1540 = arith.constant 0 : i32
      %dma_start3A_1541 = tpu.memref_slice %arg5[%add3A_1295, %dma_start3A_1538, %add3A, %dma_start3A_1539, %dma_start3A_1540] : memref<200x8x32x8x128xf32, #tpu.memory_space<hbm>> -> memref<1x8x1x8x128xf32, #tpu.memory_space<hbm>>
      %dma_start3A_1542 = tpu.memref_squeeze %dma_start3A_1541 : memref<1x8x1x8x128xf32, #tpu.memory_space<hbm>> -> memref<8x8x128xf32, #tpu.memory_space<hbm>>
      %dma_start3A_1543 = arith.constant 0 : i32
      %dma_start3A_1544 = arith.constant 0 : i32
      %dma_start3A_1545 = arith.constant 0 : i32
      %dma_start3A_1546 = tpu.memref_slice %arg13[%dma_start3A_1543, %dma_start3A_1544, %dma_start3A_1545] : memref<8x8x129xf32, #tpu.memory_space<vmem>> -> memref<8x8x128xf32, #tpu.memory_space<vmem>>
      tpu.enqueue_dma source(%dma_start3A_1546 : memref<8x8x128xf32, #tpu.memory_space<vmem>>) target(%dma_start3A_1542 : memref<8x8x128xf32, #tpu.memory_space<hbm>>) target_semaphore(%arg21 : memref<!tpu.dma_semaphore, #tpu.memory_space<semaphore_mem>>)
      %add3A_1547 = arith.constant 2 : i32
      %add3A_1548 = arith.addi %add3A_1040, %add3A_1547 : i32
      %add3A_1549 = arith.constant 3 : i32
      %add3A_1550 = arith.addi %add3A_1548, %add3A_1549 : i32
      %jit3A_1551 = arith.constant 8 : i32
      %div3A_1552 = arith.divsi %add3A_1550, %jit3A_1551 : i32
      %sign3A_1553 = arith.constant 0 : i32
      %sign3A_1554 = arith.cmpi sgt, %add3A_1550, %sign3A_1553 : i32
      %sign3A_1555 = arith.extui %sign3A_1554 : i1 to i32
      %sign3A_1556 = arith.constant 0 : i32
      %sign3A_1557 = arith.cmpi slt, %add3A_1550, %sign3A_1556 : i32
      %sign3A_1558 = arith.extui %sign3A_1557 : i1 to i32
      %sign3A_1559 = arith.subi %sign3A_1555, %sign3A_1558 : i32
      %sign3A_1560 = arith.constant 0 : i32
      %sign3A_1561 = arith.cmpi sgt, %jit3A_1551, %sign3A_1560 : i32
      %sign3A_1562 = arith.extui %sign3A_1561 : i1 to i32
      %sign3A_1563 = arith.constant 0 : i32
      %sign3A_1564 = arith.cmpi slt, %jit3A_1551, %sign3A_1563 : i32
      %sign3A_1565 = arith.extui %sign3A_1564 : i1 to i32
      %sign3A_1566 = arith.subi %sign3A_1562, %sign3A_1565 : i32
      %ne3A_1567 = arith.cmpi ne, %sign3A_1559, %sign3A_1566 : i32
      %rem3A_1568 = arith.remsi %add3A_1550, %jit3A_1551 : i32
      %ne3A_1569 = arith.constant 0 : i32
      %ne3A_1570 = arith.cmpi ne, %rem3A_1568, %ne3A_1569 : i32
      %and3A_1571 = arith.andi %ne3A_1567, %ne3A_1570 : i1
      %sub3A_1572 = arith.constant 1 : i32
      %sub3A_1573 = arith.subi %div3A_1552, %sub3A_1572 : i32
      %select_n3A_1574 = arith.select %and3A_1571, %sub3A_1573, %div3A_1552 : i32
      %jit3A_1575 = arith.constant 8 : i32
      %eq3A_1576 = arith.constant 0 : i32
      %eq3A_1577 = arith.cmpi eq, %jit3A_1575, %eq3A_1576 : i32
      %jit3A_1578 = arith.constant 1 : i32
      %select_n3A_1579 = arith.select %eq3A_1577, %jit3A_1578, %jit3A_1575 : i32
      %rem3A_1580 = arith.remsi %add3A_1550, %select_n3A_1579 : i32
      %ne3A_1581 = arith.constant 0 : i32
      %ne3A_1582 = arith.cmpi ne, %rem3A_1580, %ne3A_1581 : i32
      %lt3A_1583 = arith.constant 0 : i32
      %lt3A_1584 = arith.cmpi slt, %rem3A_1580, %lt3A_1583 : i32
      %lt3A_1585 = arith.constant 0 : i32
      %lt3A_1586 = arith.cmpi slt, %select_n3A_1579, %lt3A_1585 : i32
      %ne3A_1587 = arith.xori %lt3A_1584, %lt3A_1586 : i1
      %and3A_1588 = arith.andi %ne3A_1587, %ne3A_1582 : i1
      %add3A_1589 = arith.addi %rem3A_1580, %select_n3A_1579 : i32
      %select_n3A_1590 = arith.select %and3A_1588, %add3A_1589, %rem3A_1580 : i32
      %jit3A_1591 = arith.constant 8 : i32
      %div3A_1592 = arith.divsi %add3A_1550, %jit3A_1591 : i32
      %sign3A_1593 = arith.constant 0 : i32
      %sign3A_1594 = arith.cmpi sgt, %add3A_1550, %sign3A_1593 : i32
      %sign3A_1595 = arith.extui %sign3A_1594 : i1 to i32
      %sign3A_1596 = arith.constant 0 : i32
      %sign3A_1597 = arith.cmpi slt, %add3A_1550, %sign3A_1596 : i32
      %sign3A_1598 = arith.extui %sign3A_1597 : i1 to i32
      %sign3A_1599 = arith.subi %sign3A_1595, %sign3A_1598 : i32
      %sign3A_1600 = arith.constant 0 : i32
      %sign3A_1601 = arith.cmpi sgt, %jit3A_1591, %sign3A_1600 : i32
      %sign3A_1602 = arith.extui %sign3A_1601 : i1 to i32
      %sign3A_1603 = arith.constant 0 : i32
      %sign3A_1604 = arith.cmpi slt, %jit3A_1591, %sign3A_1603 : i32
      %sign3A_1605 = arith.extui %sign3A_1604 : i1 to i32
      %sign3A_1606 = arith.subi %sign3A_1602, %sign3A_1605 : i32
      %ne3A_1607 = arith.cmpi ne, %sign3A_1599, %sign3A_1606 : i32
      %rem3A_1608 = arith.remsi %add3A_1550, %jit3A_1591 : i32
      %ne3A_1609 = arith.constant 0 : i32
      %ne3A_1610 = arith.cmpi ne, %rem3A_1608, %ne3A_1609 : i32
      %and3A_1611 = arith.andi %ne3A_1607, %ne3A_1610 : i1
      %sub3A_1612 = arith.constant 1 : i32
      %sub3A_1613 = arith.subi %div3A_1592, %sub3A_1612 : i32
      %select_n3A_1614 = arith.select %and3A_1611, %sub3A_1613, %div3A_1592 : i32
      %jit3A_1615 = arith.constant 8 : i32
      %eq3A_1616 = arith.constant 0 : i32
      %eq3A_1617 = arith.cmpi eq, %jit3A_1615, %eq3A_1616 : i32
      %jit3A_1618 = arith.constant 1 : i32
      %select_n3A_1619 = arith.select %eq3A_1617, %jit3A_1618, %jit3A_1615 : i32
      %rem3A_1620 = arith.remsi %add3A_1550, %select_n3A_1619 : i32
      %ne3A_1621 = arith.constant 0 : i32
      %ne3A_1622 = arith.cmpi ne, %rem3A_1620, %ne3A_1621 : i32
      %lt3A_1623 = arith.constant 0 : i32
      %lt3A_1624 = arith.cmpi slt, %rem3A_1620, %lt3A_1623 : i32
      %lt3A_1625 = arith.constant 0 : i32
      %lt3A_1626 = arith.cmpi slt, %select_n3A_1619, %lt3A_1625 : i32
      %ne3A_1627 = arith.xori %lt3A_1624, %lt3A_1626 : i1
      %and3A_1628 = arith.andi %ne3A_1627, %ne3A_1622 : i1
      %add3A_1629 = arith.addi %rem3A_1620, %select_n3A_1619 : i32
      %select_n3A_1630 = arith.select %and3A_1628, %add3A_1629, %rem3A_1620 : i32
      %dma_start3A_1631 = arith.constant 0 : i32
      %dma_start3A_1632 = arith.constant 0 : i32
      %dma_start3A_1633 = tpu.memref_slice %arg9[%dma_start3A_1631, %dma_start3A_1632] : memref<128x64xf32, #tpu.memory_space<vmem>> -> memref<64x64xf32, #tpu.memory_space<vmem>>
      %dma_start3A_1634 = arith.constant 0 : i32
      %dma_start3A_1635 = tpu.memref_slice %arg6[%select_n3A_1574, %select_n3A_1590, %dma_start3A_1634] : memref<25x8x128xi32, #tpu.memory_space<vmem>> -> memref<1x1x64xi32, #tpu.memory_space<vmem>>
      %dma_start3A_1636 = tpu.memref_squeeze %dma_start3A_1635 : memref<1x1x64xi32, #tpu.memory_space<vmem>> -> memref<64xi32, #tpu.memory_space<vmem>>
      %dma_start3A_1637 = arith.constant 0 : i32
      %dma_start3A_1638 = arith.constant 0 : i32
      %dma_start3A_1639 = tpu.memref_slice %arg3[%dma_start3A_1637, %dma_start3A_1638] : memref<100000x64xf32, #tpu.memory_space<hbm>> -> memref<100000x64xf32, #tpu.memory_space<hbm>>
      tpu.enqueue_indirect_dma source(%dma_start3A_1639 : memref<100000x64xf32, #tpu.memory_space<hbm>>) target(%dma_start3A_1633 : memref<64x64xf32, #tpu.memory_space<vmem>>) offsets(%dma_start3A_1636 : memref<64xi32, #tpu.memory_space<vmem>>) semaphore(%arg17 : memref<!tpu.dma_semaphore, #tpu.memory_space<semaphore_mem>>)
      %dma_start3A_1640 = arith.constant 64 : i32
      %dma_start3A_1641 = arith.constant 0 : i32
      %dma_start3A_1642 = tpu.memref_slice %arg9[%dma_start3A_1640, %dma_start3A_1641] : memref<128x64xf32, #tpu.memory_space<vmem>> -> memref<64x64xf32, #tpu.memory_space<vmem>>
      %dma_start3A_1643 = arith.constant 64 : i32
      %dma_start3A_1644 = tpu.memref_slice %arg6[%select_n3A_1614, %select_n3A_1630, %dma_start3A_1643] : memref<25x8x128xi32, #tpu.memory_space<vmem>> -> memref<1x1x64xi32, #tpu.memory_space<vmem>>
      %dma_start3A_1645 = tpu.memref_squeeze %dma_start3A_1644 : memref<1x1x64xi32, #tpu.memory_space<vmem>> -> memref<64xi32, #tpu.memory_space<vmem>>
      %dma_start3A_1646 = arith.constant 0 : i32
      %dma_start3A_1647 = arith.constant 0 : i32
      %dma_start3A_1648 = tpu.memref_slice %arg3[%dma_start3A_1646, %dma_start3A_1647] : memref<100000x64xf32, #tpu.memory_space<hbm>> -> memref<100000x64xf32, #tpu.memory_space<hbm>>
      tpu.enqueue_indirect_dma source(%dma_start3A_1648 : memref<100000x64xf32, #tpu.memory_space<hbm>>) target(%dma_start3A_1642 : memref<64x64xf32, #tpu.memory_space<vmem>>) offsets(%dma_start3A_1645 : memref<64xi32, #tpu.memory_space<vmem>>) semaphore(%arg17 : memref<!tpu.dma_semaphore, #tpu.memory_space<semaphore_mem>>)
      %jit3A_1649 = arith.constant 8 : i32
      %div3A_1650 = arith.divsi %add3A_1548, %jit3A_1649 : i32
      %sign3A_1651 = arith.constant 0 : i32
      %sign3A_1652 = arith.cmpi sgt, %add3A_1548, %sign3A_1651 : i32
      %sign3A_1653 = arith.extui %sign3A_1652 : i1 to i32
      %sign3A_1654 = arith.constant 0 : i32
      %sign3A_1655 = arith.cmpi slt, %add3A_1548, %sign3A_1654 : i32
      %sign3A_1656 = arith.extui %sign3A_1655 : i1 to i32
      %sign3A_1657 = arith.subi %sign3A_1653, %sign3A_1656 : i32
      %sign3A_1658 = arith.constant 0 : i32
      %sign3A_1659 = arith.cmpi sgt, %jit3A_1649, %sign3A_1658 : i32
      %sign3A_1660 = arith.extui %sign3A_1659 : i1 to i32
      %sign3A_1661 = arith.constant 0 : i32
      %sign3A_1662 = arith.cmpi slt, %jit3A_1649, %sign3A_1661 : i32
      %sign3A_1663 = arith.extui %sign3A_1662 : i1 to i32
      %sign3A_1664 = arith.subi %sign3A_1660, %sign3A_1663 : i32
      %ne3A_1665 = arith.cmpi ne, %sign3A_1657, %sign3A_1664 : i32
      %rem3A_1666 = arith.remsi %add3A_1548, %jit3A_1649 : i32
      %ne3A_1667 = arith.constant 0 : i32
      %ne3A_1668 = arith.cmpi ne, %rem3A_1666, %ne3A_1667 : i32
      %and3A_1669 = arith.andi %ne3A_1665, %ne3A_1668 : i1
      %sub3A_1670 = arith.constant 1 : i32
      %sub3A_1671 = arith.subi %div3A_1650, %sub3A_1670 : i32
      %select_n3A_1672 = arith.select %and3A_1669, %sub3A_1671, %div3A_1650 : i32
      %jit3A_1673 = arith.constant 8 : i32
      %eq3A_1674 = arith.constant 0 : i32
      %eq3A_1675 = arith.cmpi eq, %jit3A_1673, %eq3A_1674 : i32
      %jit3A_1676 = arith.constant 1 : i32
      %select_n3A_1677 = arith.select %eq3A_1675, %jit3A_1676, %jit3A_1673 : i32
      %rem3A_1678 = arith.remsi %add3A_1548, %select_n3A_1677 : i32
      %ne3A_1679 = arith.constant 0 : i32
      %ne3A_1680 = arith.cmpi ne, %rem3A_1678, %ne3A_1679 : i32
      %lt3A_1681 = arith.constant 0 : i32
      %lt3A_1682 = arith.cmpi slt, %rem3A_1678, %lt3A_1681 : i32
      %lt3A_1683 = arith.constant 0 : i32
      %lt3A_1684 = arith.cmpi slt, %select_n3A_1677, %lt3A_1683 : i32
      %ne3A_1685 = arith.xori %lt3A_1682, %lt3A_1684 : i1
      %and3A_1686 = arith.andi %ne3A_1685, %ne3A_1680 : i1
      %add3A_1687 = arith.addi %rem3A_1678, %select_n3A_1677 : i32
      %select_n3A_1688 = arith.select %and3A_1686, %add3A_1687, %rem3A_1678 : i32
      %jit3A_1689 = arith.constant 8 : i32
      %div3A_1690 = arith.divsi %add3A_1548, %jit3A_1689 : i32
      %sign3A_1691 = arith.constant 0 : i32
      %sign3A_1692 = arith.cmpi sgt, %add3A_1548, %sign3A_1691 : i32
      %sign3A_1693 = arith.extui %sign3A_1692 : i1 to i32
      %sign3A_1694 = arith.constant 0 : i32
      %sign3A_1695 = arith.cmpi slt, %add3A_1548, %sign3A_1694 : i32
      %sign3A_1696 = arith.extui %sign3A_1695 : i1 to i32
      %sign3A_1697 = arith.subi %sign3A_1693, %sign3A_1696 : i32
      %sign3A_1698 = arith.constant 0 : i32
      %sign3A_1699 = arith.cmpi sgt, %jit3A_1689, %sign3A_1698 : i32
      %sign3A_1700 = arith.extui %sign3A_1699 : i1 to i32
      %sign3A_1701 = arith.constant 0 : i32
      %sign3A_1702 = arith.cmpi slt, %jit3A_1689, %sign3A_1701 : i32
      %sign3A_1703 = arith.extui %sign3A_1702 : i1 to i32
      %sign3A_1704 = arith.subi %sign3A_1700, %sign3A_1703 : i32
      %ne3A_1705 = arith.cmpi ne, %sign3A_1697, %sign3A_1704 : i32
      %rem3A_1706 = arith.remsi %add3A_1548, %jit3A_1689 : i32
      %ne3A_1707 = arith.constant 0 : i32
      %ne3A_1708 = arith.cmpi ne, %rem3A_1706, %ne3A_1707 : i32
      %and3A_1709 = arith.andi %ne3A_1705, %ne3A_1708 : i1
      %sub3A_1710 = arith.constant 1 : i32
      %sub3A_1711 = arith.subi %div3A_1690, %sub3A_1710 : i32
      %select_n3A_1712 = arith.select %and3A_1709, %sub3A_1711, %div3A_1690 : i32
      %jit3A_1713 = arith.constant 8 : i32
      %eq3A_1714 = arith.constant 0 : i32
      %eq3A_1715 = arith.cmpi eq, %jit3A_1713, %eq3A_1714 : i32
      %jit3A_1716 = arith.constant 1 : i32
      %select_n3A_1717 = arith.select %eq3A_1715, %jit3A_1716, %jit3A_1713 : i32
      %rem3A_1718 = arith.remsi %add3A_1548, %select_n3A_1717 : i32
      %ne3A_1719 = arith.constant 0 : i32
      %ne3A_1720 = arith.cmpi ne, %rem3A_1718, %ne3A_1719 : i32
      %lt3A_1721 = arith.constant 0 : i32
      %lt3A_1722 = arith.cmpi slt, %rem3A_1718, %lt3A_1721 : i32
      %lt3A_1723 = arith.constant 0 : i32
      %lt3A_1724 = arith.cmpi slt, %select_n3A_1717, %lt3A_1723 : i32
      %ne3A_1725 = arith.xori %lt3A_1722, %lt3A_1724 : i1
      %and3A_1726 = arith.andi %ne3A_1725, %ne3A_1720 : i1
      %add3A_1727 = arith.addi %rem3A_1718, %select_n3A_1717 : i32
      %select_n3A_1728 = arith.select %and3A_1726, %add3A_1727, %rem3A_1718 : i32
      %dma_wait3A_1729 = arith.constant 0 : i32
      %dma_wait3A_1730 = arith.constant 0 : i32
      %dma_wait3A_1731 = tpu.memref_slice %arg10[%dma_wait3A_1729, %dma_wait3A_1730] : memref<128x64xf32, #tpu.memory_space<vmem>> -> memref<64x64xf32, #tpu.memory_space<vmem>>
      %dma_wait3A_1732 = arith.constant 0 : i32
      %dma_wait3A_1733 = tpu.memref_slice %arg6[%select_n3A_1672, %select_n3A_1688, %dma_wait3A_1732] : memref<25x8x128xi32, #tpu.memory_space<vmem>> -> memref<1x1x64xi32, #tpu.memory_space<vmem>>
      %dma_wait3A_1734 = tpu.memref_squeeze %dma_wait3A_1733 : memref<1x1x64xi32, #tpu.memory_space<vmem>> -> memref<64xi32, #tpu.memory_space<vmem>>
      %dma_wait3A_1735 = arith.constant 0 : i32
      %dma_wait3A_1736 = arith.constant 0 : i32
      %dma_wait3A_1737 = tpu.memref_slice %arg3[%dma_wait3A_1735, %dma_wait3A_1736] : memref<100000x64xf32, #tpu.memory_space<hbm>> -> memref<100000x64xf32, #tpu.memory_space<hbm>>
      tpu.wait_indirect_dma semaphore(%arg18 : memref<!tpu.dma_semaphore, #tpu.memory_space<semaphore_mem>>) src(%dma_wait3A_1737 : memref<100000x64xf32, #tpu.memory_space<hbm>>) dst(%dma_wait3A_1731 : memref<64x64xf32, #tpu.memory_space<vmem>>)
      %dma_wait3A_1738 = arith.constant 64 : i32
      %dma_wait3A_1739 = arith.constant 0 : i32
      %dma_wait3A_1740 = tpu.memref_slice %arg10[%dma_wait3A_1738, %dma_wait3A_1739] : memref<128x64xf32, #tpu.memory_space<vmem>> -> memref<64x64xf32, #tpu.memory_space<vmem>>
      %dma_wait3A_1741 = arith.constant 64 : i32
      %dma_wait3A_1742 = tpu.memref_slice %arg6[%select_n3A_1712, %select_n3A_1728, %dma_wait3A_1741] : memref<25x8x128xi32, #tpu.memory_space<vmem>> -> memref<1x1x64xi32, #tpu.memory_space<vmem>>
      %dma_wait3A_1743 = tpu.memref_squeeze %dma_wait3A_1742 : memref<1x1x64xi32, #tpu.memory_space<vmem>> -> memref<64xi32, #tpu.memory_space<vmem>>
      %dma_wait3A_1744 = arith.constant 0 : i32
      %dma_wait3A_1745 = arith.constant 0 : i32
      %dma_wait3A_1746 = tpu.memref_slice %arg3[%dma_wait3A_1744, %dma_wait3A_1745] : memref<100000x64xf32, #tpu.memory_space<hbm>> -> memref<100000x64xf32, #tpu.memory_space<hbm>>
      tpu.wait_indirect_dma semaphore(%arg18 : memref<!tpu.dma_semaphore, #tpu.memory_space<semaphore_mem>>) src(%dma_wait3A_1746 : memref<100000x64xf32, #tpu.memory_space<hbm>>) dst(%dma_wait3A_1740 : memref<64x64xf32, #tpu.memory_space<vmem>>)
      %sub3A_1747 = arith.constant 4 : i32
      %sub3A_1748 = arith.subi %add3A_1548, %sub3A_1747 : i32
      %dma_wait3A_1749 = arith.constant 0 : i32
      %dma_wait3A_1750 = arith.constant 0 : i32
      %dma_wait3A_1751 = arith.constant 0 : i32
      %dma_wait3A_1752 = tpu.memref_slice %arg14[%dma_wait3A_1749, %dma_wait3A_1750, %dma_wait3A_1751] : memref<8x8x129xf32, #tpu.memory_space<vmem>> -> memref<8x8x128xf32, #tpu.memory_space<vmem>>
      %dma_wait3A_1753 = arith.constant 0 : i32
      %dma_wait3A_1754 = arith.constant 0 : i32
      %dma_wait3A_1755 = arith.constant 0 : i32
      %dma_wait3A_1756 = tpu.memref_slice %arg5[%sub3A_1748, %dma_wait3A_1753, %add3A, %dma_wait3A_1754, %dma_wait3A_1755] : memref<200x8x32x8x128xf32, #tpu.memory_space<hbm>> -> memref<1x8x1x8x128xf32, #tpu.memory_space<hbm>>
      %dma_wait3A_1757 = tpu.memref_squeeze %dma_wait3A_1756 : memref<1x8x1x8x128xf32, #tpu.memory_space<hbm>> -> memref<8x8x128xf32, #tpu.memory_space<hbm>>
      %dma_wait3A_1758 = arith.constant 0 : i32
      %dma_wait3A_1759 = arith.constant 0 : i32
      %dma_wait3A_1760 = arith.constant 0 : i32
      %dma_wait3A_1761 = tpu.memref_slice %arg5[%sub3A_1748, %dma_wait3A_1758, %add3A, %dma_wait3A_1759, %dma_wait3A_1760] : memref<200x8x32x8x128xf32, #tpu.memory_space<hbm>> -> memref<1x8x1x8x128xf32, #tpu.memory_space<hbm>>
      %dma_wait3A_1762 = tpu.memref_squeeze %dma_wait3A_1761 : memref<1x8x1x8x128xf32, #tpu.memory_space<hbm>> -> memref<8x8x128xf32, #tpu.memory_space<hbm>>
      %dma_wait3A_1763 = arith.constant 0 : i32
      %dma_wait3A_1764 = arith.constant 0 : i32
      %dma_wait3A_1765 = arith.constant 0 : i32
      %dma_wait3A_1766 = tpu.memref_slice %arg14[%dma_wait3A_1763, %dma_wait3A_1764, %dma_wait3A_1765] : memref<8x8x129xf32, #tpu.memory_space<vmem>> -> memref<8x8x128xf32, #tpu.memory_space<vmem>>
      tpu.wait_dma2 semaphore(%arg22 : memref<!tpu.dma_semaphore, #tpu.memory_space<semaphore_mem>>) src(%dma_wait3A_1766 : memref<8x8x128xf32, #tpu.memory_space<vmem>>) dst(%dma_wait3A_1762 : memref<8x8x128xf32, #tpu.memory_space<hbm>>)
      %get3A_1767 = arith.index_cast %add3A_1548 : i32 to index
      %get3A_1768 = arith.constant 0 : index
      %get3A_1769 = tpu.vector_load %arg7[%get3A_1767, %get3A_1768] {strides = array<i32>} : memref<200x64xf32, #tpu.memory_space<vmem>>, vector<16xf32>,
      %get3A_1770 = arith.index_cast %add3A_1548 : i32 to index
      %get3A_1771 = arith.constant 16 : index
      %get3A_1772 = tpu.vector_load %arg7[%get3A_1770, %get3A_1771] {strides = array<i32>} : memref<200x64xf32, #tpu.memory_space<vmem>>, vector<16xf32>,
      %get3A_1773 = arith.index_cast %add3A_1548 : i32 to index
      %get3A_1774 = arith.constant 32 : index
      %get3A_1775 = tpu.vector_load %arg7[%get3A_1773, %get3A_1774] {strides = array<i32>} : memref<200x64xf32, #tpu.memory_space<vmem>>, vector<16xf32>,
      %get3A_1776 = arith.index_cast %add3A_1548 : i32 to index
      %get3A_1777 = arith.constant 48 : index
      %get3A_1778 = tpu.vector_load %arg7[%get3A_1776, %get3A_1777] {strides = array<i32>} : memref<200x64xf32, #tpu.memory_space<vmem>>, vector<16xf32>,
      %parallel_loop3A_1779 = arith.constant 0 : i32
      %parallel_loop3A_1780 = arith.constant 128 : i32
      %parallel_loop3A_1781 = arith.constant 1 : i32
      scf.for %parallel_loop3A_2053 = %parallel_loop3A_1779 to %parallel_loop3A_1780 step %parallel_loop3A_1781  : i32 {
        %parallel_loop3A_2054 = vector.broadcast %parallel_loop3A_2053 : i32 to vector<16xi32>
        %parallel_loop3A_2055 = arith.index_cast %parallel_loop3A_2053 : i32 to index
        %parallel_loop3A_2056 = arith.constant 0 : index
        %parallel_loop3A_2057 = tpu.vector_load %arg10[%parallel_loop3A_2055, %parallel_loop3A_2056] {strides = array<i32>} : memref<128x64xf32, #tpu.memory_space<vmem>>, vector<16xf32>,
        %parallel_loop3A_2058 = arith.addf %parallel_loop3A_2057, %get3A_1769 : vector<16xf32>
        tpu.vector_store_idx %arg14[%select_n3A, %select_n3A_151, %parallel_loop3A_2054], %parallel_loop3A_2058 : memref<8x8x129xf32, #tpu.memory_space<vmem>>[vector<16xi32>, vector<16xi32>, vector<16xi32>], vector<16xf32>,
        %parallel_loop3A_2059 = arith.index_cast %parallel_loop3A_2053 : i32 to index
        %parallel_loop3A_2060 = arith.constant 16 : index
        %parallel_loop3A_2061 = tpu.vector_load %arg10[%parallel_loop3A_2059, %parallel_loop3A_2060] {strides = array<i32>} : memref<128x64xf32, #tpu.memory_space<vmem>>, vector<16xf32>,
        %parallel_loop3A_2062 = arith.addf %parallel_loop3A_2061, %get3A_1772 : vector<16xf32>
        tpu.vector_store_idx %arg14[%select_n3A_60, %select_n3A_176, %parallel_loop3A_2054], %parallel_loop3A_2062 : memref<8x8x129xf32, #tpu.memory_space<vmem>>[vector<16xi32>, vector<16xi32>, vector<16xi32>], vector<16xf32>,
        %parallel_loop3A_2063 = arith.index_cast %parallel_loop3A_2053 : i32 to index
        %parallel_loop3A_2064 = arith.constant 32 : index
        %parallel_loop3A_2065 = tpu.vector_load %arg10[%parallel_loop3A_2063, %parallel_loop3A_2064] {strides = array<i32>} : memref<128x64xf32, #tpu.memory_space<vmem>>, vector<16xf32>,
        %parallel_loop3A_2066 = arith.addf %parallel_loop3A_2065, %get3A_1775 : vector<16xf32>
        tpu.vector_store_idx %arg14[%select_n3A_94, %select_n3A_201, %parallel_loop3A_2054], %parallel_loop3A_2066 : memref<8x8x129xf32, #tpu.memory_space<vmem>>[vector<16xi32>, vector<16xi32>, vector<16xi32>], vector<16xf32>,
        %parallel_loop3A_2067 = arith.index_cast %parallel_loop3A_2053 : i32 to index
        %parallel_loop3A_2068 = arith.constant 48 : index
        %parallel_loop3A_2069 = tpu.vector_load %arg10[%parallel_loop3A_2067, %parallel_loop3A_2068] {strides = array<i32>} : memref<128x64xf32, #tpu.memory_space<vmem>>, vector<16xf32>,
        %parallel_loop3A_2070 = arith.addf %parallel_loop3A_2069, %get3A_1778 : vector<16xf32>
        tpu.vector_store_idx %arg14[%select_n3A_128, %select_n3A_226, %parallel_loop3A_2054], %parallel_loop3A_2070 : memref<8x8x129xf32, #tpu.memory_space<vmem>>[vector<16xi32>, vector<16xi32>, vector<16xi32>], vector<16xf32>,
      } {sc.loop_unroll_factor = 4 : i64, sc.parallel_access}
      %dma_start3A_1782 = arith.constant 0 : i32
      %dma_start3A_1783 = arith.constant 0 : i32
      %dma_start3A_1784 = arith.constant 0 : i32
      %dma_start3A_1785 = tpu.memref_slice %arg14[%dma_start3A_1782, %dma_start3A_1783, %dma_start3A_1784] : memref<8x8x129xf32, #tpu.memory_space<vmem>> -> memref<8x8x128xf32, #tpu.memory_space<vmem>>
      %dma_start3A_1786 = arith.constant 0 : i32
      %dma_start3A_1787 = arith.constant 0 : i32
      %dma_start3A_1788 = arith.constant 0 : i32
      %dma_start3A_1789 = tpu.memref_slice %arg5[%add3A_1548, %dma_start3A_1786, %add3A, %dma_start3A_1787, %dma_start3A_1788] : memref<200x8x32x8x128xf32, #tpu.memory_space<hbm>> -> memref<1x8x1x8x128xf32, #tpu.memory_space<hbm>>
      %dma_start3A_1790 = tpu.memref_squeeze %dma_start3A_1789 : memref<1x8x1x8x128xf32, #tpu.memory_space<hbm>> -> memref<8x8x128xf32, #tpu.memory_space<hbm>>
      %dma_start3A_1791 = arith.constant 0 : i32
      %dma_start3A_1792 = arith.constant 0 : i32
      %dma_start3A_1793 = arith.constant 0 : i32
      %dma_start3A_1794 = tpu.memref_slice %arg5[%add3A_1548, %dma_start3A_1791, %add3A, %dma_start3A_1792, %dma_start3A_1793] : memref<200x8x32x8x128xf32, #tpu.memory_space<hbm>> -> memref<1x8x1x8x128xf32, #tpu.memory_space<hbm>>
      %dma_start3A_1795 = tpu.memref_squeeze %dma_start3A_1794 : memref<1x8x1x8x128xf32, #tpu.memory_space<hbm>> -> memref<8x8x128xf32, #tpu.memory_space<hbm>>
      %dma_start3A_1796 = arith.constant 0 : i32
      %dma_start3A_1797 = arith.constant 0 : i32
      %dma_start3A_1798 = arith.constant 0 : i32
      %dma_start3A_1799 = tpu.memref_slice %arg14[%dma_start3A_1796, %dma_start3A_1797, %dma_start3A_1798] : memref<8x8x129xf32, #tpu.memory_space<vmem>> -> memref<8x8x128xf32, #tpu.memory_space<vmem>>
      tpu.enqueue_dma source(%dma_start3A_1799 : memref<8x8x128xf32, #tpu.memory_space<vmem>>) target(%dma_start3A_1795 : memref<8x8x128xf32, #tpu.memory_space<hbm>>) target_semaphore(%arg22 : memref<!tpu.dma_semaphore, #tpu.memory_space<semaphore_mem>>)
      %add3A_1800 = arith.constant 3 : i32
      %add3A_1801 = arith.addi %add3A_1040, %add3A_1800 : i32
      %add3A_1802 = arith.constant 3 : i32
      %add3A_1803 = arith.addi %add3A_1801, %add3A_1802 : i32
      %jit3A_1804 = arith.constant 8 : i32
      %div3A_1805 = arith.divsi %add3A_1803, %jit3A_1804 : i32
      %sign3A_1806 = arith.constant 0 : i32
      %sign3A_1807 = arith.cmpi sgt, %add3A_1803, %sign3A_1806 : i32
      %sign3A_1808 = arith.extui %sign3A_1807 : i1 to i32
      %sign3A_1809 = arith.constant 0 : i32
      %sign3A_1810 = arith.cmpi slt, %add3A_1803, %sign3A_1809 : i32
      %sign3A_1811 = arith.extui %sign3A_1810 : i1 to i32
      %sign3A_1812 = arith.subi %sign3A_1808, %sign3A_1811 : i32
      %sign3A_1813 = arith.constant 0 : i32
      %sign3A_1814 = arith.cmpi sgt, %jit3A_1804, %sign3A_1813 : i32
      %sign3A_1815 = arith.extui %sign3A_1814 : i1 to i32
      %sign3A_1816 = arith.constant 0 : i32
      %sign3A_1817 = arith.cmpi slt, %jit3A_1804, %sign3A_1816 : i32
      %sign3A_1818 = arith.extui %sign3A_1817 : i1 to i32
      %sign3A_1819 = arith.subi %sign3A_1815, %sign3A_1818 : i32
      %ne3A_1820 = arith.cmpi ne, %sign3A_1812, %sign3A_1819 : i32
      %rem3A_1821 = arith.remsi %add3A_1803, %jit3A_1804 : i32
      %ne3A_1822 = arith.constant 0 : i32
      %ne3A_1823 = arith.cmpi ne, %rem3A_1821, %ne3A_1822 : i32
      %and3A_1824 = arith.andi %ne3A_1820, %ne3A_1823 : i1
      %sub3A_1825 = arith.constant 1 : i32
      %sub3A_1826 = arith.subi %div3A_1805, %sub3A_1825 : i32
      %select_n3A_1827 = arith.select %and3A_1824, %sub3A_1826, %div3A_1805 : i32
      %jit3A_1828 = arith.constant 8 : i32
      %eq3A_1829 = arith.constant 0 : i32
      %eq3A_1830 = arith.cmpi eq, %jit3A_1828, %eq3A_1829 : i32
      %jit3A_1831 = arith.constant 1 : i32
      %select_n3A_1832 = arith.select %eq3A_1830, %jit3A_1831, %jit3A_1828 : i32
      %rem3A_1833 = arith.remsi %add3A_1803, %select_n3A_1832 : i32
      %ne3A_1834 = arith.constant 0 : i32
      %ne3A_1835 = arith.cmpi ne, %rem3A_1833, %ne3A_1834 : i32
      %lt3A_1836 = arith.constant 0 : i32
      %lt3A_1837 = arith.cmpi slt, %rem3A_1833, %lt3A_1836 : i32
      %lt3A_1838 = arith.constant 0 : i32
      %lt3A_1839 = arith.cmpi slt, %select_n3A_1832, %lt3A_1838 : i32
      %ne3A_1840 = arith.xori %lt3A_1837, %lt3A_1839 : i1
      %and3A_1841 = arith.andi %ne3A_1840, %ne3A_1835 : i1
      %add3A_1842 = arith.addi %rem3A_1833, %select_n3A_1832 : i32
      %select_n3A_1843 = arith.select %and3A_1841, %add3A_1842, %rem3A_1833 : i32
      %jit3A_1844 = arith.constant 8 : i32
      %div3A_1845 = arith.divsi %add3A_1803, %jit3A_1844 : i32
      %sign3A_1846 = arith.constant 0 : i32
      %sign3A_1847 = arith.cmpi sgt, %add3A_1803, %sign3A_1846 : i32
      %sign3A_1848 = arith.extui %sign3A_1847 : i1 to i32
      %sign3A_1849 = arith.constant 0 : i32
      %sign3A_1850 = arith.cmpi slt, %add3A_1803, %sign3A_1849 : i32
      %sign3A_1851 = arith.extui %sign3A_1850 : i1 to i32
      %sign3A_1852 = arith.subi %sign3A_1848, %sign3A_1851 : i32
      %sign3A_1853 = arith.constant 0 : i32
      %sign3A_1854 = arith.cmpi sgt, %jit3A_1844, %sign3A_1853 : i32
      %sign3A_1855 = arith.extui %sign3A_1854 : i1 to i32
      %sign3A_1856 = arith.constant 0 : i32
      %sign3A_1857 = arith.cmpi slt, %jit3A_1844, %sign3A_1856 : i32
      %sign3A_1858 = arith.extui %sign3A_1857 : i1 to i32
      %sign3A_1859 = arith.subi %sign3A_1855, %sign3A_1858 : i32
      %ne3A_1860 = arith.cmpi ne, %sign3A_1852, %sign3A_1859 : i32
      %rem3A_1861 = arith.remsi %add3A_1803, %jit3A_1844 : i32
      %ne3A_1862 = arith.constant 0 : i32
      %ne3A_1863 = arith.cmpi ne, %rem3A_1861, %ne3A_1862 : i32
      %and3A_1864 = arith.andi %ne3A_1860, %ne3A_1863 : i1
      %sub3A_1865 = arith.constant 1 : i32
      %sub3A_1866 = arith.subi %div3A_1845, %sub3A_1865 : i32
      %select_n3A_1867 = arith.select %and3A_1864, %sub3A_1866, %div3A_1845 : i32
      %jit3A_1868 = arith.constant 8 : i32
      %eq3A_1869 = arith.constant 0 : i32
      %eq3A_1870 = arith.cmpi eq, %jit3A_1868, %eq3A_1869 : i32
      %jit3A_1871 = arith.constant 1 : i32
      %select_n3A_1872 = arith.select %eq3A_1870, %jit3A_1871, %jit3A_1868 : i32
      %rem3A_1873 = arith.remsi %add3A_1803, %select_n3A_1872 : i32
      %ne3A_1874 = arith.constant 0 : i32
      %ne3A_1875 = arith.cmpi ne, %rem3A_1873, %ne3A_1874 : i32
      %lt3A_1876 = arith.constant 0 : i32
      %lt3A_1877 = arith.cmpi slt, %rem3A_1873, %lt3A_1876 : i32
      %lt3A_1878 = arith.constant 0 : i32
      %lt3A_1879 = arith.cmpi slt, %select_n3A_1872, %lt3A_1878 : i32
      %ne3A_1880 = arith.xori %lt3A_1877, %lt3A_1879 : i1
      %and3A_1881 = arith.andi %ne3A_1880, %ne3A_1875 : i1
      %add3A_1882 = arith.addi %rem3A_1873, %select_n3A_1872 : i32
      %select_n3A_1883 = arith.select %and3A_1881, %add3A_1882, %rem3A_1873 : i32
      %dma_start3A_1884 = arith.constant 0 : i32
      %dma_start3A_1885 = arith.constant 0 : i32
      %dma_start3A_1886 = tpu.memref_slice %arg10[%dma_start3A_1884, %dma_start3A_1885] : memref<128x64xf32, #tpu.memory_space<vmem>> -> memref<64x64xf32, #tpu.memory_space<vmem>>
      %dma_start3A_1887 = arith.constant 0 : i32
      %dma_start3A_1888 = tpu.memref_slice %arg6[%select_n3A_1827, %select_n3A_1843, %dma_start3A_1887] : memref<25x8x128xi32, #tpu.memory_space<vmem>> -> memref<1x1x64xi32, #tpu.memory_space<vmem>>
      %dma_start3A_1889 = tpu.memref_squeeze %dma_start3A_1888 : memref<1x1x64xi32, #tpu.memory_space<vmem>> -> memref<64xi32, #tpu.memory_space<vmem>>
      %dma_start3A_1890 = arith.constant 0 : i32
      %dma_start3A_1891 = arith.constant 0 : i32
      %dma_start3A_1892 = tpu.memref_slice %arg3[%dma_start3A_1890, %dma_start3A_1891] : memref<100000x64xf32, #tpu.memory_space<hbm>> -> memref<100000x64xf32, #tpu.memory_space<hbm>>
      tpu.enqueue_indirect_dma source(%dma_start3A_1892 : memref<100000x64xf32, #tpu.memory_space<hbm>>) target(%dma_start3A_1886 : memref<64x64xf32, #tpu.memory_space<vmem>>) offsets(%dma_start3A_1889 : memref<64xi32, #tpu.memory_space<vmem>>) semaphore(%arg18 : memref<!tpu.dma_semaphore, #tpu.memory_space<semaphore_mem>>)
      %dma_start3A_1893 = arith.constant 64 : i32
      %dma_start3A_1894 = arith.constant 0 : i32
      %dma_start3A_1895 = tpu.memref_slice %arg10[%dma_start3A_1893, %dma_start3A_1894] : memref<128x64xf32, #tpu.memory_space<vmem>> -> memref<64x64xf32, #tpu.memory_space<vmem>>
      %dma_start3A_1896 = arith.constant 64 : i32
      %dma_start3A_1897 = tpu.memref_slice %arg6[%select_n3A_1867, %select_n3A_1883, %dma_start3A_1896] : memref<25x8x128xi32, #tpu.memory_space<vmem>> -> memref<1x1x64xi32, #tpu.memory_space<vmem>>
      %dma_start3A_1898 = tpu.memref_squeeze %dma_start3A_1897 : memref<1x1x64xi32, #tpu.memory_space<vmem>> -> memref<64xi32, #tpu.memory_space<vmem>>
      %dma_start3A_1899 = arith.constant 0 : i32
      %dma_start3A_1900 = arith.constant 0 : i32
      %dma_start3A_1901 = tpu.memref_slice %arg3[%dma_start3A_1899, %dma_start3A_1900] : memref<100000x64xf32, #tpu.memory_space<hbm>> -> memref<100000x64xf32, #tpu.memory_space<hbm>>
      tpu.enqueue_indirect_dma source(%dma_start3A_1901 : memref<100000x64xf32, #tpu.memory_space<hbm>>) target(%dma_start3A_1895 : memref<64x64xf32, #tpu.memory_space<vmem>>) offsets(%dma_start3A_1898 : memref<64xi32, #tpu.memory_space<vmem>>) semaphore(%arg18 : memref<!tpu.dma_semaphore, #tpu.memory_space<semaphore_mem>>)
      %jit3A_1902 = arith.constant 8 : i32
      %div3A_1903 = arith.divsi %add3A_1801, %jit3A_1902 : i32
      %sign3A_1904 = arith.constant 0 : i32
      %sign3A_1905 = arith.cmpi sgt, %add3A_1801, %sign3A_1904 : i32
      %sign3A_1906 = arith.extui %sign3A_1905 : i1 to i32
      %sign3A_1907 = arith.constant 0 : i32
      %sign3A_1908 = arith.cmpi slt, %add3A_1801, %sign3A_1907 : i32
      %sign3A_1909 = arith.extui %sign3A_1908 : i1 to i32
      %sign3A_1910 = arith.subi %sign3A_1906, %sign3A_1909 : i32
      %sign3A_1911 = arith.constant 0 : i32
      %sign3A_1912 = arith.cmpi sgt, %jit3A_1902, %sign3A_1911 : i32
      %sign3A_1913 = arith.extui %sign3A_1912 : i1 to i32
      %sign3A_1914 = arith.constant 0 : i32
      %sign3A_1915 = arith.cmpi slt, %jit3A_1902, %sign3A_1914 : i32
      %sign3A_1916 = arith.extui %sign3A_1915 : i1 to i32
      %sign3A_1917 = arith.subi %sign3A_1913, %sign3A_1916 : i32
      %ne3A_1918 = arith.cmpi ne, %sign3A_1910, %sign3A_1917 : i32
      %rem3A_1919 = arith.remsi %add3A_1801, %jit3A_1902 : i32
      %ne3A_1920 = arith.constant 0 : i32
      %ne3A_1921 = arith.cmpi ne, %rem3A_1919, %ne3A_1920 : i32
      %and3A_1922 = arith.andi %ne3A_1918, %ne3A_1921 : i1
      %sub3A_1923 = arith.constant 1 : i32
      %sub3A_1924 = arith.subi %div3A_1903, %sub3A_1923 : i32
      %select_n3A_1925 = arith.select %and3A_1922, %sub3A_1924, %div3A_1903 : i32
      %jit3A_1926 = arith.constant 8 : i32
      %eq3A_1927 = arith.constant 0 : i32
      %eq3A_1928 = arith.cmpi eq, %jit3A_1926, %eq3A_1927 : i32
      %jit3A_1929 = arith.constant 1 : i32
      %select_n3A_1930 = arith.select %eq3A_1928, %jit3A_1929, %jit3A_1926 : i32
      %rem3A_1931 = arith.remsi %add3A_1801, %select_n3A_1930 : i32
      %ne3A_1932 = arith.constant 0 : i32
      %ne3A_1933 = arith.cmpi ne, %rem3A_1931, %ne3A_1932 : i32
      %lt3A_1934 = arith.constant 0 : i32
      %lt3A_1935 = arith.cmpi slt, %rem3A_1931, %lt3A_1934 : i32
      %lt3A_1936 = arith.constant 0 : i32
      %lt3A_1937 = arith.cmpi slt, %select_n3A_1930, %lt3A_1936 : i32
      %ne3A_1938 = arith.xori %lt3A_1935, %lt3A_1937 : i1
      %and3A_1939 = arith.andi %ne3A_1938, %ne3A_1933 : i1
      %add3A_1940 = arith.addi %rem3A_1931, %select_n3A_1930 : i32
      %select_n3A_1941 = arith.select %and3A_1939, %add3A_1940, %rem3A_1931 : i32
      %jit3A_1942 = arith.constant 8 : i32
      %div3A_1943 = arith.divsi %add3A_1801, %jit3A_1942 : i32
      %sign3A_1944 = arith.constant 0 : i32
      %sign3A_1945 = arith.cmpi sgt, %add3A_1801, %sign3A_1944 : i32
      %sign3A_1946 = arith.extui %sign3A_1945 : i1 to i32
      %sign3A_1947 = arith.constant 0 : i32
      %sign3A_1948 = arith.cmpi slt, %add3A_1801, %sign3A_1947 : i32
      %sign3A_1949 = arith.extui %sign3A_1948 : i1 to i32
      %sign3A_1950 = arith.subi %sign3A_1946, %sign3A_1949 : i32
      %sign3A_1951 = arith.constant 0 : i32
      %sign3A_1952 = arith.cmpi sgt, %jit3A_1942, %sign3A_1951 : i32
      %sign3A_1953 = arith.extui %sign3A_1952 : i1 to i32
      %sign3A_1954 = arith.constant 0 : i32
      %sign3A_1955 = arith.cmpi slt, %jit3A_1942, %sign3A_1954 : i32
      %sign3A_1956 = arith.extui %sign3A_1955 : i1 to i32
      %sign3A_1957 = arith.subi %sign3A_1953, %sign3A_1956 : i32
      %ne3A_1958 = arith.cmpi ne, %sign3A_1950, %sign3A_1957 : i32
      %rem3A_1959 = arith.remsi %add3A_1801, %jit3A_1942 : i32
      %ne3A_1960 = arith.constant 0 : i32
      %ne3A_1961 = arith.cmpi ne, %rem3A_1959, %ne3A_1960 : i32
      %and3A_1962 = arith.andi %ne3A_1958, %ne3A_1961 : i1
      %sub3A_1963 = arith.constant 1 : i32
      %sub3A_1964 = arith.subi %div3A_1943, %sub3A_1963 : i32
      %select_n3A_1965 = arith.select %and3A_1962, %sub3A_1964, %div3A_1943 : i32
      %jit3A_1966 = arith.constant 8 : i32
      %eq3A_1967 = arith.constant 0 : i32
      %eq3A_1968 = arith.cmpi eq, %jit3A_1966, %eq3A_1967 : i32
      %jit3A_1969 = arith.constant 1 : i32
      %select_n3A_1970 = arith.select %eq3A_1968, %jit3A_1969, %jit3A_1966 : i32
      %rem3A_1971 = arith.remsi %add3A_1801, %select_n3A_1970 : i32
      %ne3A_1972 = arith.constant 0 : i32
      %ne3A_1973 = arith.cmpi ne, %rem3A_1971, %ne3A_1972 : i32
      %lt3A_1974 = arith.constant 0 : i32
      %lt3A_1975 = arith.cmpi slt, %rem3A_1971, %lt3A_1974 : i32
      %lt3A_1976 = arith.constant 0 : i32
      %lt3A_1977 = arith.cmpi slt, %select_n3A_1970, %lt3A_1976 : i32
      %ne3A_1978 = arith.xori %lt3A_1975, %lt3A_1977 : i1
      %and3A_1979 = arith.andi %ne3A_1978, %ne3A_1973 : i1
      %add3A_1980 = arith.addi %rem3A_1971, %select_n3A_1970 : i32
      %select_n3A_1981 = arith.select %and3A_1979, %add3A_1980, %rem3A_1971 : i32
      %dma_wait3A_1982 = arith.constant 0 : i32
      %dma_wait3A_1983 = arith.constant 0 : i32
      %dma_wait3A_1984 = tpu.memref_slice %arg11[%dma_wait3A_1982, %dma_wait3A_1983] : memref<128x64xf32, #tpu.memory_space<vmem>> -> memref<64x64xf32, #tpu.memory_space<vmem>>
      %dma_wait3A_1985 = arith.constant 0 : i32
      %dma_wait3A_1986 = tpu.memref_slice %arg6[%select_n3A_1925, %select_n3A_1941, %dma_wait3A_1985] : memref<25x8x128xi32, #tpu.memory_space<vmem>> -> memref<1x1x64xi32, #tpu.memory_space<vmem>>
      %dma_wait3A_1987 = tpu.memref_squeeze %dma_wait3A_1986 : memref<1x1x64xi32, #tpu.memory_space<vmem>> -> memref<64xi32, #tpu.memory_space<vmem>>
      %dma_wait3A_1988 = arith.constant 0 : i32
      %dma_wait3A_1989 = arith.constant 0 : i32
      %dma_wait3A_1990 = tpu.memref_slice %arg3[%dma_wait3A_1988, %dma_wait3A_1989] : memref<100000x64xf32, #tpu.memory_space<hbm>> -> memref<100000x64xf32, #tpu.memory_space<hbm>>
      tpu.wait_indirect_dma semaphore(%arg19 : memref<!tpu.dma_semaphore, #tpu.memory_space<semaphore_mem>>) src(%dma_wait3A_1990 : memref<100000x64xf32, #tpu.memory_space<hbm>>) dst(%dma_wait3A_1984 : memref<64x64xf32, #tpu.memory_space<vmem>>)
      %dma_wait3A_1991 = arith.constant 64 : i32
      %dma_wait3A_1992 = arith.constant 0 : i32
      %dma_wait3A_1993 = tpu.memref_slice %arg11[%dma_wait3A_1991, %dma_wait3A_1992] : memref<128x64xf32, #tpu.memory_space<vmem>> -> memref<64x64xf32, #tpu.memory_space<vmem>>
      %dma_wait3A_1994 = arith.constant 64 : i32
      %dma_wait3A_1995 = tpu.memref_slice %arg6[%select_n3A_1965, %select_n3A_1981, %dma_wait3A_1994] : memref<25x8x128xi32, #tpu.memory_space<vmem>> -> memref<1x1x64xi32, #tpu.memory_space<vmem>>
      %dma_wait3A_1996 = tpu.memref_squeeze %dma_wait3A_1995 : memref<1x1x64xi32, #tpu.memory_space<vmem>> -> memref<64xi32, #tpu.memory_space<vmem>>
      %dma_wait3A_1997 = arith.constant 0 : i32
      %dma_wait3A_1998 = arith.constant 0 : i32
      %dma_wait3A_1999 = tpu.memref_slice %arg3[%dma_wait3A_1997, %dma_wait3A_1998] : memref<100000x64xf32, #tpu.memory_space<hbm>> -> memref<100000x64xf32, #tpu.memory_space<hbm>>
      tpu.wait_indirect_dma semaphore(%arg19 : memref<!tpu.dma_semaphore, #tpu.memory_space<semaphore_mem>>) src(%dma_wait3A_1999 : memref<100000x64xf32, #tpu.memory_space<hbm>>) dst(%dma_wait3A_1993 : memref<64x64xf32, #tpu.memory_space<vmem>>)
      %sub3A_2000 = arith.constant 4 : i32
      %sub3A_2001 = arith.subi %add3A_1801, %sub3A_2000 : i32
      %dma_wait3A_2002 = arith.constant 0 : i32
      %dma_wait3A_2003 = arith.constant 0 : i32
      %dma_wait3A_2004 = arith.constant 0 : i32
      %dma_wait3A_2005 = tpu.memref_slice %arg15[%dma_wait3A_2002, %dma_wait3A_2003, %dma_wait3A_2004] : memref<8x8x129xf32, #tpu.memory_space<vmem>> -> memref<8x8x128xf32, #tpu.memory_space<vmem>>
      %dma_wait3A_2006 = arith.constant 0 : i32
      %dma_wait3A_2007 = arith.constant 0 : i32
      %dma_wait3A_2008 = arith.constant 0 : i32
      %dma_wait3A_2009 = tpu.memref_slice %arg5[%sub3A_2001, %dma_wait3A_2006, %add3A, %dma_wait3A_2007, %dma_wait3A_2008] : memref<200x8x32x8x128xf32, #tpu.memory_space<hbm>> -> memref<1x8x1x8x128xf32, #tpu.memory_space<hbm>>
      %dma_wait3A_2010 = tpu.memref_squeeze %dma_wait3A_2009 : memref<1x8x1x8x128xf32, #tpu.memory_space<hbm>> -> memref<8x8x128xf32, #tpu.memory_space<hbm>>
      %dma_wait3A_2011 = arith.constant 0 : i32
      %dma_wait3A_2012 = arith.constant 0 : i32
      %dma_wait3A_2013 = arith.constant 0 : i32
      %dma_wait3A_2014 = tpu.memref_slice %arg5[%sub3A_2001, %dma_wait3A_2011, %add3A, %dma_wait3A_2012, %dma_wait3A_2013] : memref<200x8x32x8x128xf32, #tpu.memory_space<hbm>> -> memref<1x8x1x8x128xf32, #tpu.memory_space<hbm>>
      %dma_wait3A_2015 = tpu.memref_squeeze %dma_wait3A_2014 : memref<1x8x1x8x128xf32, #tpu.memory_space<hbm>> -> memref<8x8x128xf32, #tpu.memory_space<hbm>>
      %dma_wait3A_2016 = arith.constant 0 : i32
      %dma_wait3A_2017 = arith.constant 0 : i32
      %dma_wait3A_2018 = arith.constant 0 : i32
      %dma_wait3A_2019 = tpu.memref_slice %arg15[%dma_wait3A_2016, %dma_wait3A_2017, %dma_wait3A_2018] : memref<8x8x129xf32, #tpu.memory_space<vmem>> -> memref<8x8x128xf32, #tpu.memory_space<vmem>>
      tpu.wait_dma2 semaphore(%arg23 : memref<!tpu.dma_semaphore, #tpu.memory_space<semaphore_mem>>) src(%dma_wait3A_2019 : memref<8x8x128xf32, #tpu.memory_space<vmem>>) dst(%dma_wait3A_2015 : memref<8x8x128xf32, #tpu.memory_space<hbm>>)
      %get3A_2020 = arith.index_cast %add3A_1801 : i32 to index
      %get3A_2021 = arith.constant 0 : index
      %get3A_2022 = tpu.vector_load %arg7[%get3A_2020, %get3A_2021] {strides = array<i32>} : memref<200x64xf32, #tpu.memory_space<vmem>>, vector<16xf32>,
      %get3A_2023 = arith.index_cast %add3A_1801 : i32 to index
      %get3A_2024 = arith.constant 16 : index
      %get3A_2025 = tpu.vector_load %arg7[%get3A_2023, %get3A_2024] {strides = array<i32>} : memref<200x64xf32, #tpu.memory_space<vmem>>, vector<16xf32>,
      %get3A_2026 = arith.index_cast %add3A_1801 : i32 to index
      %get3A_2027 = arith.constant 32 : index
      %get3A_2028 = tpu.vector_load %arg7[%get3A_2026, %get3A_2027] {strides = array<i32>} : memref<200x64xf32, #tpu.memory_space<vmem>>, vector<16xf32>,
      %get3A_2029 = arith.index_cast %add3A_1801 : i32 to index
      %get3A_2030 = arith.constant 48 : index
      %get3A_2031 = tpu.vector_load %arg7[%get3A_2029, %get3A_2030] {strides = array<i32>} : memref<200x64xf32, #tpu.memory_space<vmem>>, vector<16xf32>,
      %parallel_loop3A_2032 = arith.constant 0 : i32
      %parallel_loop3A_2033 = arith.constant 128 : i32
      %parallel_loop3A_2034 = arith.constant 1 : i32
      scf.for %parallel_loop3A_2053 = %parallel_loop3A_2032 to %parallel_loop3A_2033 step %parallel_loop3A_2034  : i32 {
        %parallel_loop3A_2054 = vector.broadcast %parallel_loop3A_2053 : i32 to vector<16xi32>
        %parallel_loop3A_2055 = arith.index_cast %parallel_loop3A_2053 : i32 to index
        %parallel_loop3A_2056 = arith.constant 0 : index
        %parallel_loop3A_2057 = tpu.vector_load %arg11[%parallel_loop3A_2055, %parallel_loop3A_2056] {strides = array<i32>} : memref<128x64xf32, #tpu.memory_space<vmem>>, vector<16xf32>,
        %parallel_loop3A_2058 = arith.addf %parallel_loop3A_2057, %get3A_2022 : vector<16xf32>
        tpu.vector_store_idx %arg15[%select_n3A, %select_n3A_151, %parallel_loop3A_2054], %parallel_loop3A_2058 : memref<8x8x129xf32, #tpu.memory_space<vmem>>[vector<16xi32>, vector<16xi32>, vector<16xi32>], vector<16xf32>,
        %parallel_loop3A_2059 = arith.index_cast %parallel_loop3A_2053 : i32 to index
        %parallel_loop3A_2060 = arith.constant 16 : index
        %parallel_loop3A_2061 = tpu.vector_load %arg11[%parallel_loop3A_2059, %parallel_loop3A_2060] {strides = array<i32>} : memref<128x64xf32, #tpu.memory_space<vmem>>, vector<16xf32>,
        %parallel_loop3A_2062 = arith.addf %parallel_loop3A_2061, %get3A_2025 : vector<16xf32>
        tpu.vector_store_idx %arg15[%select_n3A_60, %select_n3A_176, %parallel_loop3A_2054], %parallel_loop3A_2062 : memref<8x8x129xf32, #tpu.memory_space<vmem>>[vector<16xi32>, vector<16xi32>, vector<16xi32>], vector<16xf32>,
        %parallel_loop3A_2063 = arith.index_cast %parallel_loop3A_2053 : i32 to index
        %parallel_loop3A_2064 = arith.constant 32 : index
        %parallel_loop3A_2065 = tpu.vector_load %arg11[%parallel_loop3A_2063, %parallel_loop3A_2064] {strides = array<i32>} : memref<128x64xf32, #tpu.memory_space<vmem>>, vector<16xf32>,
        %parallel_loop3A_2066 = arith.addf %parallel_loop3A_2065, %get3A_2028 : vector<16xf32>
        tpu.vector_store_idx %arg15[%select_n3A_94, %select_n3A_201, %parallel_loop3A_2054], %parallel_loop3A_2066 : memref<8x8x129xf32, #tpu.memory_space<vmem>>[vector<16xi32>, vector<16xi32>, vector<16xi32>], vector<16xf32>,
        %parallel_loop3A_2067 = arith.index_cast %parallel_loop3A_2053 : i32 to index
        %parallel_loop3A_2068 = arith.constant 48 : index
        %parallel_loop3A_2069 = tpu.vector_load %arg11[%parallel_loop3A_2067, %parallel_loop3A_2068] {strides = array<i32>} : memref<128x64xf32, #tpu.memory_space<vmem>>, vector<16xf32>,
        %parallel_loop3A_2070 = arith.addf %parallel_loop3A_2069, %get3A_2031 : vector<16xf32>
        tpu.vector_store_idx %arg15[%select_n3A_128, %select_n3A_226, %parallel_loop3A_2054], %parallel_loop3A_2070 : memref<8x8x129xf32, #tpu.memory_space<vmem>>[vector<16xi32>, vector<16xi32>, vector<16xi32>], vector<16xf32>,
      } {sc.loop_unroll_factor = 4 : i64, sc.parallel_access}
      %dma_start3A_2035 = arith.constant 0 : i32
      %dma_start3A_2036 = arith.constant 0 : i32
      %dma_start3A_2037 = arith.constant 0 : i32
      %dma_start3A_2038 = tpu.memref_slice %arg15[%dma_start3A_2035, %dma_start3A_2036, %dma_start3A_2037] : memref<8x8x129xf32, #tpu.memory_space<vmem>> -> memref<8x8x128xf32, #tpu.memory_space<vmem>>
      %dma_start3A_2039 = arith.constant 0 : i32
      %dma_start3A_2040 = arith.constant 0 : i32
      %dma_start3A_2041 = arith.constant 0 : i32
      %dma_start3A_2042 = tpu.memref_slice %arg5[%add3A_1801, %dma_start3A_2039, %add3A, %dma_start3A_2040, %dma_start3A_2041] : memref<200x8x32x8x128xf32, #tpu.memory_space<hbm>> -> memref<1x8x1x8x128xf32, #tpu.memory_space<hbm>>
      %dma_start3A_2043 = tpu.memref_squeeze %dma_start3A_2042 : memref<1x8x1x8x128xf32, #tpu.memory_space<hbm>> -> memref<8x8x128xf32, #tpu.memory_space<hbm>>
      %dma_start3A_2044 = arith.constant 0 : i32
      %dma_start3A_2045 = arith.constant 0 : i32
      %dma_start3A_2046 = arith.constant 0 : i32
      %dma_start3A_2047 = tpu.memref_slice %arg5[%add3A_1801, %dma_start3A_2044, %add3A, %dma_start3A_2045, %dma_start3A_2046] : memref<200x8x32x8x128xf32, #tpu.memory_space<hbm>> -> memref<1x8x1x8x128xf32, #tpu.memory_space<hbm>>
      %dma_start3A_2048 = tpu.memref_squeeze %dma_start3A_2047 : memref<1x8x1x8x128xf32, #tpu.memory_space<hbm>> -> memref<8x8x128xf32, #tpu.memory_space<hbm>>
      %dma_start3A_2049 = arith.constant 0 : i32
      %dma_start3A_2050 = arith.constant 0 : i32
      %dma_start3A_2051 = arith.constant 0 : i32
      %dma_start3A_2052 = tpu.memref_slice %arg15[%dma_start3A_2049, %dma_start3A_2050, %dma_start3A_2051] : memref<8x8x129xf32, #tpu.memory_space<vmem>> -> memref<8x8x128xf32, #tpu.memory_space<vmem>>
      tpu.enqueue_dma source(%dma_start3A_2052 : memref<8x8x128xf32, #tpu.memory_space<vmem>>) target(%dma_start3A_2048 : memref<8x8x128xf32, #tpu.memory_space<hbm>>) target_semaphore(%arg23 : memref<!tpu.dma_semaphore, #tpu.memory_space<semaphore_mem>>)
    }
    %scan3A_621 = arith.constant 48 : i32
    %dma_start3A_622 = arith.constant 24 : i32
    %dma_start3A_623 = arith.constant 7 : i32
    %dma_start3A_624 = arith.constant 0 : i32
    %dma_start3A_625 = arith.constant 0 : i32
    %dma_start3A_626 = tpu.memref_slice %arg11[%dma_start3A_624, %dma_start3A_625] : memref<128x64xf32, #tpu.memory_space<vmem>> -> memref<64x64xf32, #tpu.memory_space<vmem>>
    %dma_start3A_627 = arith.constant 0 : i32
    %dma_start3A_628 = tpu.memref_slice %arg6[%dma_start3A_622, %dma_start3A_623, %dma_start3A_627] : memref<25x8x128xi32, #tpu.memory_space<vmem>> -> memref<1x1x64xi32, #tpu.memory_space<vmem>>
    %dma_start3A_629 = tpu.memref_squeeze %dma_start3A_628 : memref<1x1x64xi32, #tpu.memory_space<vmem>> -> memref<64xi32, #tpu.memory_space<vmem>>
    %dma_start3A_630 = arith.constant 0 : i32
    %dma_start3A_631 = arith.constant 0 : i32
    %dma_start3A_632 = tpu.memref_slice %arg3[%dma_start3A_630, %dma_start3A_631] : memref<100000x64xf32, #tpu.memory_space<hbm>> -> memref<100000x64xf32, #tpu.memory_space<hbm>>
    tpu.enqueue_indirect_dma source(%dma_start3A_632 : memref<100000x64xf32, #tpu.memory_space<hbm>>) target(%dma_start3A_626 : memref<64x64xf32, #tpu.memory_space<vmem>>) offsets(%dma_start3A_629 : memref<64xi32, #tpu.memory_space<vmem>>) semaphore(%arg19 : memref<!tpu.dma_semaphore, #tpu.memory_space<semaphore_mem>>)
    %dma_start3A_633 = arith.constant 24 : i32
    %dma_start3A_634 = arith.constant 7 : i32
    %dma_start3A_635 = arith.constant 64 : i32
    %dma_start3A_636 = arith.constant 0 : i32
    %dma_start3A_637 = tpu.memref_slice %arg11[%dma_start3A_635, %dma_start3A_636] : memref<128x64xf32, #tpu.memory_space<vmem>> -> memref<64x64xf32, #tpu.memory_space<vmem>>
    %dma_start3A_638 = arith.constant 64 : i32
    %dma_start3A_639 = tpu.memref_slice %arg6[%dma_start3A_633, %dma_start3A_634, %dma_start3A_638] : memref<25x8x128xi32, #tpu.memory_space<vmem>> -> memref<1x1x64xi32, #tpu.memory_space<vmem>>
    %dma_start3A_640 = tpu.memref_squeeze %dma_start3A_639 : memref<1x1x64xi32, #tpu.memory_space<vmem>> -> memref<64xi32, #tpu.memory_space<vmem>>
    %dma_start3A_641 = arith.constant 0 : i32
    %dma_start3A_642 = arith.constant 0 : i32
    %dma_start3A_643 = tpu.memref_slice %arg3[%dma_start3A_641, %dma_start3A_642] : memref<100000x64xf32, #tpu.memory_space<hbm>> -> memref<100000x64xf32, #tpu.memory_space<hbm>>
    tpu.enqueue_indirect_dma source(%dma_start3A_643 : memref<100000x64xf32, #tpu.memory_space<hbm>>) target(%dma_start3A_637 : memref<64x64xf32, #tpu.memory_space<vmem>>) offsets(%dma_start3A_640 : memref<64xi32, #tpu.memory_space<vmem>>) semaphore(%arg19 : memref<!tpu.dma_semaphore, #tpu.memory_space<semaphore_mem>>)
    %dma_wait3A_644 = arith.constant 24 : i32
    %dma_wait3A_645 = arith.constant 4 : i32
    %dma_wait3A_646 = arith.constant 0 : i32
    %dma_wait3A_647 = arith.constant 0 : i32
    %dma_wait3A_648 = tpu.memref_slice %arg8[%dma_wait3A_646, %dma_wait3A_647] : memref<128x64xf32, #tpu.memory_space<vmem>> -> memref<64x64xf32, #tpu.memory_space<vmem>>
    %dma_wait3A_649 = arith.constant 0 : i32
    %dma_wait3A_650 = tpu.memref_slice %arg6[%dma_wait3A_644, %dma_wait3A_645, %dma_wait3A_649] : memref<25x8x128xi32, #tpu.memory_space<vmem>> -> memref<1x1x64xi32, #tpu.memory_space<vmem>>
    %dma_wait3A_651 = tpu.memref_squeeze %dma_wait3A_650 : memref<1x1x64xi32, #tpu.memory_space<vmem>> -> memref<64xi32, #tpu.memory_space<vmem>>
    %dma_wait3A_652 = arith.constant 0 : i32
    %dma_wait3A_653 = arith.constant 0 : i32
    %dma_wait3A_654 = tpu.memref_slice %arg3[%dma_wait3A_652, %dma_wait3A_653] : memref<100000x64xf32, #tpu.memory_space<hbm>> -> memref<100000x64xf32, #tpu.memory_space<hbm>>
    tpu.wait_indirect_dma semaphore(%arg16 : memref<!tpu.dma_semaphore, #tpu.memory_space<semaphore_mem>>) src(%dma_wait3A_654 : memref<100000x64xf32, #tpu.memory_space<hbm>>) dst(%dma_wait3A_648 : memref<64x64xf32, #tpu.memory_space<vmem>>)
    %dma_wait3A_655 = arith.constant 24 : i32
    %dma_wait3A_656 = arith.constant 4 : i32
    %dma_wait3A_657 = arith.constant 64 : i32
    %dma_wait3A_658 = arith.constant 0 : i32
    %dma_wait3A_659 = tpu.memref_slice %arg8[%dma_wait3A_657, %dma_wait3A_658] : memref<128x64xf32, #tpu.memory_space<vmem>> -> memref<64x64xf32, #tpu.memory_space<vmem>>
    %dma_wait3A_660 = arith.constant 64 : i32
    %dma_wait3A_661 = tpu.memref_slice %arg6[%dma_wait3A_655, %dma_wait3A_656, %dma_wait3A_660] : memref<25x8x128xi32, #tpu.memory_space<vmem>> -> memref<1x1x64xi32, #tpu.memory_space<vmem>>
    %dma_wait3A_662 = tpu.memref_squeeze %dma_wait3A_661 : memref<1x1x64xi32, #tpu.memory_space<vmem>> -> memref<64xi32, #tpu.memory_space<vmem>>
    %dma_wait3A_663 = arith.constant 0 : i32
    %dma_wait3A_664 = arith.constant 0 : i32
    %dma_wait3A_665 = tpu.memref_slice %arg3[%dma_wait3A_663, %dma_wait3A_664] : memref<100000x64xf32, #tpu.memory_space<hbm>> -> memref<100000x64xf32, #tpu.memory_space<hbm>>
    tpu.wait_indirect_dma semaphore(%arg16 : memref<!tpu.dma_semaphore, #tpu.memory_space<semaphore_mem>>) src(%dma_wait3A_665 : memref<100000x64xf32, #tpu.memory_space<hbm>>) dst(%dma_wait3A_659 : memref<64x64xf32, #tpu.memory_space<vmem>>)
    %dma_wait3A_666 = arith.constant 192 : i32
    %dma_wait3A_667 = arith.constant 0 : i32
    %dma_wait3A_668 = arith.constant 0 : i32
    %dma_wait3A_669 = arith.constant 0 : i32
    %dma_wait3A_670 = tpu.memref_slice %arg12[%dma_wait3A_667, %dma_wait3A_668, %dma_wait3A_669] : memref<8x8x129xf32, #tpu.memory_space<vmem>> -> memref<8x8x128xf32, #tpu.memory_space<vmem>>
    %dma_wait3A_671 = arith.constant 0 : i32
    %dma_wait3A_672 = arith.constant 0 : i32
    %dma_wait3A_673 = arith.constant 0 : i32
    %dma_wait3A_674 = tpu.memref_slice %arg5[%dma_wait3A_666, %dma_wait3A_671, %add3A, %dma_wait3A_672, %dma_wait3A_673] : memref<200x8x32x8x128xf32, #tpu.memory_space<hbm>> -> memref<1x8x1x8x128xf32, #tpu.memory_space<hbm>>
    %dma_wait3A_675 = tpu.memref_squeeze %dma_wait3A_674 : memref<1x8x1x8x128xf32, #tpu.memory_space<hbm>> -> memref<8x8x128xf32, #tpu.memory_space<hbm>>
    %dma_wait3A_676 = arith.constant 0 : i32
    %dma_wait3A_677 = arith.constant 0 : i32
    %dma_wait3A_678 = arith.constant 0 : i32
    %dma_wait3A_679 = tpu.memref_slice %arg5[%dma_wait3A_666, %dma_wait3A_676, %add3A, %dma_wait3A_677, %dma_wait3A_678] : memref<200x8x32x8x128xf32, #tpu.memory_space<hbm>> -> memref<1x8x1x8x128xf32, #tpu.memory_space<hbm>>
    %dma_wait3A_680 = tpu.memref_squeeze %dma_wait3A_679 : memref<1x8x1x8x128xf32, #tpu.memory_space<hbm>> -> memref<8x8x128xf32, #tpu.memory_space<hbm>>
    %dma_wait3A_681 = arith.constant 0 : i32
    %dma_wait3A_682 = arith.constant 0 : i32
    %dma_wait3A_683 = arith.constant 0 : i32
    %dma_wait3A_684 = tpu.memref_slice %arg12[%dma_wait3A_681, %dma_wait3A_682, %dma_wait3A_683] : memref<8x8x129xf32, #tpu.memory_space<vmem>> -> memref<8x8x128xf32, #tpu.memory_space<vmem>>
    tpu.wait_dma2 semaphore(%arg20 : memref<!tpu.dma_semaphore, #tpu.memory_space<semaphore_mem>>) src(%dma_wait3A_684 : memref<8x8x128xf32, #tpu.memory_space<vmem>>) dst(%dma_wait3A_680 : memref<8x8x128xf32, #tpu.memory_space<hbm>>)
    %get3A_685 = arith.constant 196 : i32
    %get3A_686 = arith.index_cast %get3A_685 : i32 to index
    %get3A_687 = arith.constant 0 : index
    %get3A_688 = tpu.vector_load %arg7[%get3A_686, %get3A_687] {strides = array<i32>} : memref<200x64xf32, #tpu.memory_space<vmem>>, vector<16xf32>,
    %get3A_689 = arith.constant 196 : i32
    %get3A_690 = arith.index_cast %get3A_689 : i32 to index
    %get3A_691 = arith.constant 16 : index
    %get3A_692 = tpu.vector_load %arg7[%get3A_690, %get3A_691] {strides = array<i32>} : memref<200x64xf32, #tpu.memory_space<vmem>>, vector<16xf32>,
    %get3A_693 = arith.constant 196 : i32
    %get3A_694 = arith.index_cast %get3A_693 : i32 to index
    %get3A_695 = arith.constant 32 : index
    %get3A_696 = tpu.vector_load %arg7[%get3A_694, %get3A_695] {strides = array<i32>} : memref<200x64xf32, #tpu.memory_space<vmem>>, vector<16xf32>,
    %get3A_697 = arith.constant 196 : i32
    %get3A_698 = arith.index_cast %get3A_697 : i32 to index
    %get3A_699 = arith.constant 48 : index
    %get3A_700 = tpu.vector_load %arg7[%get3A_698, %get3A_699] {strides = array<i32>} : memref<200x64xf32, #tpu.memory_space<vmem>>, vector<16xf32>,
    %parallel_loop3A_701 = arith.constant 0 : i32
    %parallel_loop3A_702 = arith.constant 128 : i32
    %parallel_loop3A_703 = arith.constant 1 : i32
    scf.for %parallel_loop3A_1036 = %parallel_loop3A_701 to %parallel_loop3A_702 step %parallel_loop3A_703  : i32 {
      %parallel_loop3A_1037 = vector.broadcast %parallel_loop3A_1036 : i32 to vector<16xi32>
      %parallel_loop3A_1038 = arith.index_cast %parallel_loop3A_1036 : i32 to index
      %parallel_loop3A_1039 = arith.constant 0 : index
      %parallel_loop3A_1040 = tpu.vector_load %arg8[%parallel_loop3A_1038, %parallel_loop3A_1039] {strides = array<i32>} : memref<128x64xf32, #tpu.memory_space<vmem>>, vector<16xf32>,
      %parallel_loop3A_1041 = arith.addf %parallel_loop3A_1040, %get3A_688 : vector<16xf32>
      tpu.vector_store_idx %arg12[%select_n3A, %select_n3A_151, %parallel_loop3A_1037], %parallel_loop3A_1041 : memref<8x8x129xf32, #tpu.memory_space<vmem>>[vector<16xi32>, vector<16xi32>, vector<16xi32>], vector<16xf32>,
      %parallel_loop3A_1042 = arith.index_cast %parallel_loop3A_1036 : i32 to index
      %parallel_loop3A_1043 = arith.constant 16 : index
      %parallel_loop3A_1044 = tpu.vector_load %arg8[%parallel_loop3A_1042, %parallel_loop3A_1043] {strides = array<i32>} : memref<128x64xf32, #tpu.memory_space<vmem>>, vector<16xf32>,
      %parallel_loop3A_1045 = arith.addf %parallel_loop3A_1044, %get3A_692 : vector<16xf32>
      tpu.vector_store_idx %arg12[%select_n3A_60, %select_n3A_176, %parallel_loop3A_1037], %parallel_loop3A_1045 : memref<8x8x129xf32, #tpu.memory_space<vmem>>[vector<16xi32>, vector<16xi32>, vector<16xi32>], vector<16xf32>,
      %parallel_loop3A_1046 = arith.index_cast %parallel_loop3A_1036 : i32 to index
      %parallel_loop3A_1047 = arith.constant 32 : index
      %parallel_loop3A_1048 = tpu.vector_load %arg8[%parallel_loop3A_1046, %parallel_loop3A_1047] {strides = array<i32>} : memref<128x64xf32, #tpu.memory_space<vmem>>, vector<16xf32>,
      %parallel_loop3A_1049 = arith.addf %parallel_loop3A_1048, %get3A_696 : vector<16xf32>
      tpu.vector_store_idx %arg12[%select_n3A_94, %select_n3A_201, %parallel_loop3A_1037], %parallel_loop3A_1049 : memref<8x8x129xf32, #tpu.memory_space<vmem>>[vector<16xi32>, vector<16xi32>, vector<16xi32>], vector<16xf32>,
      %parallel_loop3A_1050 = arith.index_cast %parallel_loop3A_1036 : i32 to index
      %parallel_loop3A_1051 = arith.constant 48 : index
      %parallel_loop3A_1052 = tpu.vector_load %arg8[%parallel_loop3A_1050, %parallel_loop3A_1051] {strides = array<i32>} : memref<128x64xf32, #tpu.memory_space<vmem>>, vector<16xf32>,
      %parallel_loop3A_1053 = arith.addf %parallel_loop3A_1052, %get3A_700 : vector<16xf32>
      tpu.vector_store_idx %arg12[%select_n3A_128, %select_n3A_226, %parallel_loop3A_1037], %parallel_loop3A_1053 : memref<8x8x129xf32, #tpu.memory_space<vmem>>[vector<16xi32>, vector<16xi32>, vector<16xi32>], vector<16xf32>,
    } {sc.loop_unroll_factor = 4 : i64, sc.parallel_access}
    %dma_start3A_704 = arith.constant 196 : i32
    %dma_start3A_705 = arith.constant 0 : i32
    %dma_start3A_706 = arith.constant 0 : i32
    %dma_start3A_707 = arith.constant 0 : i32
    %dma_start3A_708 = tpu.memref_slice %arg12[%dma_start3A_705, %dma_start3A_706, %dma_start3A_707] : memref<8x8x129xf32, #tpu.memory_space<vmem>> -> memref<8x8x128xf32, #tpu.memory_space<vmem>>
    %dma_start3A_709 = arith.constant 0 : i32
    %dma_start3A_710 = arith.constant 0 : i32
    %dma_start3A_711 = arith.constant 0 : i32
    %dma_start3A_712 = tpu.memref_slice %arg5[%dma_start3A_704, %dma_start3A_709, %add3A, %dma_start3A_710, %dma_start3A_711] : memref<200x8x32x8x128xf32, #tpu.memory_space<hbm>> -> memref<1x8x1x8x128xf32, #tpu.memory_space<hbm>>
    %dma_start3A_713 = tpu.memref_squeeze %dma_start3A_712 : memref<1x8x1x8x128xf32, #tpu.memory_space<hbm>> -> memref<8x8x128xf32, #tpu.memory_space<hbm>>
    %dma_start3A_714 = arith.constant 0 : i32
    %dma_start3A_715 = arith.constant 0 : i32
    %dma_start3A_716 = arith.constant 0 : i32
    %dma_start3A_717 = tpu.memref_slice %arg5[%dma_start3A_704, %dma_start3A_714, %add3A, %dma_start3A_715, %dma_start3A_716] : memref<200x8x32x8x128xf32, #tpu.memory_space<hbm>> -> memref<1x8x1x8x128xf32, #tpu.memory_space<hbm>>
    %dma_start3A_718 = tpu.memref_squeeze %dma_start3A_717 : memref<1x8x1x8x128xf32, #tpu.memory_space<hbm>> -> memref<8x8x128xf32, #tpu.memory_space<hbm>>
    %dma_start3A_719 = arith.constant 0 : i32
    %dma_start3A_720 = arith.constant 0 : i32
    %dma_start3A_721 = arith.constant 0 : i32
    %dma_start3A_722 = tpu.memref_slice %arg12[%dma_start3A_719, %dma_start3A_720, %dma_start3A_721] : memref<8x8x129xf32, #tpu.memory_space<vmem>> -> memref<8x8x128xf32, #tpu.memory_space<vmem>>
    tpu.enqueue_dma source(%dma_start3A_722 : memref<8x8x128xf32, #tpu.memory_space<vmem>>) target(%dma_start3A_718 : memref<8x8x128xf32, #tpu.memory_space<hbm>>) target_semaphore(%arg20 : memref<!tpu.dma_semaphore, #tpu.memory_space<semaphore_mem>>)
    %dma_wait3A_723 = arith.constant 24 : i32
    %dma_wait3A_724 = arith.constant 5 : i32
    %dma_wait3A_725 = arith.constant 0 : i32
    %dma_wait3A_726 = arith.constant 0 : i32
    %dma_wait3A_727 = tpu.memref_slice %arg9[%dma_wait3A_725, %dma_wait3A_726] : memref<128x64xf32, #tpu.memory_space<vmem>> -> memref<64x64xf32, #tpu.memory_space<vmem>>
    %dma_wait3A_728 = arith.constant 0 : i32
    %dma_wait3A_729 = tpu.memref_slice %arg6[%dma_wait3A_723, %dma_wait3A_724, %dma_wait3A_728] : memref<25x8x128xi32, #tpu.memory_space<vmem>> -> memref<1x1x64xi32, #tpu.memory_space<vmem>>
    %dma_wait3A_730 = tpu.memref_squeeze %dma_wait3A_729 : memref<1x1x64xi32, #tpu.memory_space<vmem>> -> memref<64xi32, #tpu.memory_space<vmem>>
    %dma_wait3A_731 = arith.constant 0 : i32
    %dma_wait3A_732 = arith.constant 0 : i32
    %dma_wait3A_733 = tpu.memref_slice %arg3[%dma_wait3A_731, %dma_wait3A_732] : memref<100000x64xf32, #tpu.memory_space<hbm>> -> memref<100000x64xf32, #tpu.memory_space<hbm>>
    tpu.wait_indirect_dma semaphore(%arg17 : memref<!tpu.dma_semaphore, #tpu.memory_space<semaphore_mem>>) src(%dma_wait3A_733 : memref<100000x64xf32, #tpu.memory_space<hbm>>) dst(%dma_wait3A_727 : memref<64x64xf32, #tpu.memory_space<vmem>>)
    %dma_wait3A_734 = arith.constant 24 : i32
    %dma_wait3A_735 = arith.constant 5 : i32
    %dma_wait3A_736 = arith.constant 64 : i32
    %dma_wait3A_737 = arith.constant 0 : i32
    %dma_wait3A_738 = tpu.memref_slice %arg9[%dma_wait3A_736, %dma_wait3A_737] : memref<128x64xf32, #tpu.memory_space<vmem>> -> memref<64x64xf32, #tpu.memory_space<vmem>>
    %dma_wait3A_739 = arith.constant 64 : i32
    %dma_wait3A_740 = tpu.memref_slice %arg6[%dma_wait3A_734, %dma_wait3A_735, %dma_wait3A_739] : memref<25x8x128xi32, #tpu.memory_space<vmem>> -> memref<1x1x64xi32, #tpu.memory_space<vmem>>
    %dma_wait3A_741 = tpu.memref_squeeze %dma_wait3A_740 : memref<1x1x64xi32, #tpu.memory_space<vmem>> -> memref<64xi32, #tpu.memory_space<vmem>>
    %dma_wait3A_742 = arith.constant 0 : i32
    %dma_wait3A_743 = arith.constant 0 : i32
    %dma_wait3A_744 = tpu.memref_slice %arg3[%dma_wait3A_742, %dma_wait3A_743] : memref<100000x64xf32, #tpu.memory_space<hbm>> -> memref<100000x64xf32, #tpu.memory_space<hbm>>
    tpu.wait_indirect_dma semaphore(%arg17 : memref<!tpu.dma_semaphore, #tpu.memory_space<semaphore_mem>>) src(%dma_wait3A_744 : memref<100000x64xf32, #tpu.memory_space<hbm>>) dst(%dma_wait3A_738 : memref<64x64xf32, #tpu.memory_space<vmem>>)
    %dma_wait3A_745 = arith.constant 193 : i32
    %dma_wait3A_746 = arith.constant 0 : i32
    %dma_wait3A_747 = arith.constant 0 : i32
    %dma_wait3A_748 = arith.constant 0 : i32
    %dma_wait3A_749 = tpu.memref_slice %arg13[%dma_wait3A_746, %dma_wait3A_747, %dma_wait3A_748] : memref<8x8x129xf32, #tpu.memory_space<vmem>> -> memref<8x8x128xf32, #tpu.memory_space<vmem>>
    %dma_wait3A_750 = arith.constant 0 : i32
    %dma_wait3A_751 = arith.constant 0 : i32
    %dma_wait3A_752 = arith.constant 0 : i32
    %dma_wait3A_753 = tpu.memref_slice %arg5[%dma_wait3A_745, %dma_wait3A_750, %add3A, %dma_wait3A_751, %dma_wait3A_752] : memref<200x8x32x8x128xf32, #tpu.memory_space<hbm>> -> memref<1x8x1x8x128xf32, #tpu.memory_space<hbm>>
    %dma_wait3A_754 = tpu.memref_squeeze %dma_wait3A_753 : memref<1x8x1x8x128xf32, #tpu.memory_space<hbm>> -> memref<8x8x128xf32, #tpu.memory_space<hbm>>
    %dma_wait3A_755 = arith.constant 0 : i32
    %dma_wait3A_756 = arith.constant 0 : i32
    %dma_wait3A_757 = arith.constant 0 : i32
    %dma_wait3A_758 = tpu.memref_slice %arg5[%dma_wait3A_745, %dma_wait3A_755, %add3A, %dma_wait3A_756, %dma_wait3A_757] : memref<200x8x32x8x128xf32, #tpu.memory_space<hbm>> -> memref<1x8x1x8x128xf32, #tpu.memory_space<hbm>>
    %dma_wait3A_759 = tpu.memref_squeeze %dma_wait3A_758 : memref<1x8x1x8x128xf32, #tpu.memory_space<hbm>> -> memref<8x8x128xf32, #tpu.memory_space<hbm>>
    %dma_wait3A_760 = arith.constant 0 : i32
    %dma_wait3A_761 = arith.constant 0 : i32
    %dma_wait3A_762 = arith.constant 0 : i32
    %dma_wait3A_763 = tpu.memref_slice %arg13[%dma_wait3A_760, %dma_wait3A_761, %dma_wait3A_762] : memref<8x8x129xf32, #tpu.memory_space<vmem>> -> memref<8x8x128xf32, #tpu.memory_space<vmem>>
    tpu.wait_dma2 semaphore(%arg21 : memref<!tpu.dma_semaphore, #tpu.memory_space<semaphore_mem>>) src(%dma_wait3A_763 : memref<8x8x128xf32, #tpu.memory_space<vmem>>) dst(%dma_wait3A_759 : memref<8x8x128xf32, #tpu.memory_space<hbm>>)
    %get3A_764 = arith.constant 197 : i32
    %get3A_765 = arith.index_cast %get3A_764 : i32 to index
    %get3A_766 = arith.constant 0 : index
    %get3A_767 = tpu.vector_load %arg7[%get3A_765, %get3A_766] {strides = array<i32>} : memref<200x64xf32, #tpu.memory_space<vmem>>, vector<16xf32>,
    %get3A_768 = arith.constant 197 : i32
    %get3A_769 = arith.index_cast %get3A_768 : i32 to index
    %get3A_770 = arith.constant 16 : index
    %get3A_771 = tpu.vector_load %arg7[%get3A_769, %get3A_770] {strides = array<i32>} : memref<200x64xf32, #tpu.memory_space<vmem>>, vector<16xf32>,
    %get3A_772 = arith.constant 197 : i32
    %get3A_773 = arith.index_cast %get3A_772 : i32 to index
    %get3A_774 = arith.constant 32 : index
    %get3A_775 = tpu.vector_load %arg7[%get3A_773, %get3A_774] {strides = array<i32>} : memref<200x64xf32, #tpu.memory_space<vmem>>, vector<16xf32>,
    %get3A_776 = arith.constant 197 : i32
    %get3A_777 = arith.index_cast %get3A_776 : i32 to index
    %get3A_778 = arith.constant 48 : index
    %get3A_779 = tpu.vector_load %arg7[%get3A_777, %get3A_778] {strides = array<i32>} : memref<200x64xf32, #tpu.memory_space<vmem>>, vector<16xf32>,
    %parallel_loop3A_780 = arith.constant 0 : i32
    %parallel_loop3A_781 = arith.constant 128 : i32
    %parallel_loop3A_782 = arith.constant 1 : i32
    scf.for %parallel_loop3A_1036 = %parallel_loop3A_780 to %parallel_loop3A_781 step %parallel_loop3A_782  : i32 {
      %parallel_loop3A_1037 = vector.broadcast %parallel_loop3A_1036 : i32 to vector<16xi32>
      %parallel_loop3A_1038 = arith.index_cast %parallel_loop3A_1036 : i32 to index
      %parallel_loop3A_1039 = arith.constant 0 : index
      %parallel_loop3A_1040 = tpu.vector_load %arg9[%parallel_loop3A_1038, %parallel_loop3A_1039] {strides = array<i32>} : memref<128x64xf32, #tpu.memory_space<vmem>>, vector<16xf32>,
      %parallel_loop3A_1041 = arith.addf %parallel_loop3A_1040, %get3A_767 : vector<16xf32>
      tpu.vector_store_idx %arg13[%select_n3A, %select_n3A_151, %parallel_loop3A_1037], %parallel_loop3A_1041 : memref<8x8x129xf32, #tpu.memory_space<vmem>>[vector<16xi32>, vector<16xi32>, vector<16xi32>], vector<16xf32>,
      %parallel_loop3A_1042 = arith.index_cast %parallel_loop3A_1036 : i32 to index
      %parallel_loop3A_1043 = arith.constant 16 : index
      %parallel_loop3A_1044 = tpu.vector_load %arg9[%parallel_loop3A_1042, %parallel_loop3A_1043] {strides = array<i32>} : memref<128x64xf32, #tpu.memory_space<vmem>>, vector<16xf32>,
      %parallel_loop3A_1045 = arith.addf %parallel_loop3A_1044, %get3A_771 : vector<16xf32>
      tpu.vector_store_idx %arg13[%select_n3A_60, %select_n3A_176, %parallel_loop3A_1037], %parallel_loop3A_1045 : memref<8x8x129xf32, #tpu.memory_space<vmem>>[vector<16xi32>, vector<16xi32>, vector<16xi32>], vector<16xf32>,
      %parallel_loop3A_1046 = arith.index_cast %parallel_loop3A_1036 : i32 to index
      %parallel_loop3A_1047 = arith.constant 32 : index
      %parallel_loop3A_1048 = tpu.vector_load %arg9[%parallel_loop3A_1046, %parallel_loop3A_1047] {strides = array<i32>} : memref<128x64xf32, #tpu.memory_space<vmem>>, vector<16xf32>,
      %parallel_loop3A_1049 = arith.addf %parallel_loop3A_1048, %get3A_775 : vector<16xf32>
      tpu.vector_store_idx %arg13[%select_n3A_94, %select_n3A_201, %parallel_loop3A_1037], %parallel_loop3A_1049 : memref<8x8x129xf32, #tpu.memory_space<vmem>>[vector<16xi32>, vector<16xi32>, vector<16xi32>], vector<16xf32>,
      %parallel_loop3A_1050 = arith.index_cast %parallel_loop3A_1036 : i32 to index
      %parallel_loop3A_1051 = arith.constant 48 : index
      %parallel_loop3A_1052 = tpu.vector_load %arg9[%parallel_loop3A_1050, %parallel_loop3A_1051] {strides = array<i32>} : memref<128x64xf32, #tpu.memory_space<vmem>>, vector<16xf32>,
      %parallel_loop3A_1053 = arith.addf %parallel_loop3A_1052, %get3A_779 : vector<16xf32>
      tpu.vector_store_idx %arg13[%select_n3A_128, %select_n3A_226, %parallel_loop3A_1037], %parallel_loop3A_1053 : memref<8x8x129xf32, #tpu.memory_space<vmem>>[vector<16xi32>, vector<16xi32>, vector<16xi32>], vector<16xf32>,
    } {sc.loop_unroll_factor = 4 : i64, sc.parallel_access}
    %dma_start3A_783 = arith.constant 197 : i32
    %dma_start3A_784 = arith.constant 0 : i32
    %dma_start3A_785 = arith.constant 0 : i32
    %dma_start3A_786 = arith.constant 0 : i32
    %dma_start3A_787 = tpu.memref_slice %arg13[%dma_start3A_784, %dma_start3A_785, %dma_start3A_786] : memref<8x8x129xf32, #tpu.memory_space<vmem>> -> memref<8x8x128xf32, #tpu.memory_space<vmem>>
    %dma_start3A_788 = arith.constant 0 : i32
    %dma_start3A_789 = arith.constant 0 : i32
    %dma_start3A_790 = arith.constant 0 : i32
    %dma_start3A_791 = tpu.memref_slice %arg5[%dma_start3A_783, %dma_start3A_788, %add3A, %dma_start3A_789, %dma_start3A_790] : memref<200x8x32x8x128xf32, #tpu.memory_space<hbm>> -> memref<1x8x1x8x128xf32, #tpu.memory_space<hbm>>
    %dma_start3A_792 = tpu.memref_squeeze %dma_start3A_791 : memref<1x8x1x8x128xf32, #tpu.memory_space<hbm>> -> memref<8x8x128xf32, #tpu.memory_space<hbm>>
    %dma_start3A_793 = arith.constant 0 : i32
    %dma_start3A_794 = arith.constant 0 : i32
    %dma_start3A_795 = arith.constant 0 : i32
    %dma_start3A_796 = tpu.memref_slice %arg5[%dma_start3A_783, %dma_start3A_793, %add3A, %dma_start3A_794, %dma_start3A_795] : memref<200x8x32x8x128xf32, #tpu.memory_space<hbm>> -> memref<1x8x1x8x128xf32, #tpu.memory_space<hbm>>
    %dma_start3A_797 = tpu.memref_squeeze %dma_start3A_796 : memref<1x8x1x8x128xf32, #tpu.memory_space<hbm>> -> memref<8x8x128xf32, #tpu.memory_space<hbm>>
    %dma_start3A_798 = arith.constant 0 : i32
    %dma_start3A_799 = arith.constant 0 : i32
    %dma_start3A_800 = arith.constant 0 : i32
    %dma_start3A_801 = tpu.memref_slice %arg13[%dma_start3A_798, %dma_start3A_799, %dma_start3A_800] : memref<8x8x129xf32, #tpu.memory_space<vmem>> -> memref<8x8x128xf32, #tpu.memory_space<vmem>>
    tpu.enqueue_dma source(%dma_start3A_801 : memref<8x8x128xf32, #tpu.memory_space<vmem>>) target(%dma_start3A_797 : memref<8x8x128xf32, #tpu.memory_space<hbm>>) target_semaphore(%arg21 : memref<!tpu.dma_semaphore, #tpu.memory_space<semaphore_mem>>)
    %dma_wait3A_802 = arith.constant 24 : i32
    %dma_wait3A_803 = arith.constant 6 : i32
    %dma_wait3A_804 = arith.constant 0 : i32
    %dma_wait3A_805 = arith.constant 0 : i32
    %dma_wait3A_806 = tpu.memref_slice %arg10[%dma_wait3A_804, %dma_wait3A_805] : memref<128x64xf32, #tpu.memory_space<vmem>> -> memref<64x64xf32, #tpu.memory_space<vmem>>
    %dma_wait3A_807 = arith.constant 0 : i32
    %dma_wait3A_808 = tpu.memref_slice %arg6[%dma_wait3A_802, %dma_wait3A_803, %dma_wait3A_807] : memref<25x8x128xi32, #tpu.memory_space<vmem>> -> memref<1x1x64xi32, #tpu.memory_space<vmem>>
    %dma_wait3A_809 = tpu.memref_squeeze %dma_wait3A_808 : memref<1x1x64xi32, #tpu.memory_space<vmem>> -> memref<64xi32, #tpu.memory_space<vmem>>
    %dma_wait3A_810 = arith.constant 0 : i32
    %dma_wait3A_811 = arith.constant 0 : i32
    %dma_wait3A_812 = tpu.memref_slice %arg3[%dma_wait3A_810, %dma_wait3A_811] : memref<100000x64xf32, #tpu.memory_space<hbm>> -> memref<100000x64xf32, #tpu.memory_space<hbm>>
    tpu.wait_indirect_dma semaphore(%arg18 : memref<!tpu.dma_semaphore, #tpu.memory_space<semaphore_mem>>) src(%dma_wait3A_812 : memref<100000x64xf32, #tpu.memory_space<hbm>>) dst(%dma_wait3A_806 : memref<64x64xf32, #tpu.memory_space<vmem>>)
    %dma_wait3A_813 = arith.constant 24 : i32
    %dma_wait3A_814 = arith.constant 6 : i32
    %dma_wait3A_815 = arith.constant 64 : i32
    %dma_wait3A_816 = arith.constant 0 : i32
    %dma_wait3A_817 = tpu.memref_slice %arg10[%dma_wait3A_815, %dma_wait3A_816] : memref<128x64xf32, #tpu.memory_space<vmem>> -> memref<64x64xf32, #tpu.memory_space<vmem>>
    %dma_wait3A_818 = arith.constant 64 : i32
    %dma_wait3A_819 = tpu.memref_slice %arg6[%dma_wait3A_813, %dma_wait3A_814, %dma_wait3A_818] : memref<25x8x128xi32, #tpu.memory_space<vmem>> -> memref<1x1x64xi32, #tpu.memory_space<vmem>>
    %dma_wait3A_820 = tpu.memref_squeeze %dma_wait3A_819 : memref<1x1x64xi32, #tpu.memory_space<vmem>> -> memref<64xi32, #tpu.memory_space<vmem>>
    %dma_wait3A_821 = arith.constant 0 : i32
    %dma_wait3A_822 = arith.constant 0 : i32
    %dma_wait3A_823 = tpu.memref_slice %arg3[%dma_wait3A_821, %dma_wait3A_822] : memref<100000x64xf32, #tpu.memory_space<hbm>> -> memref<100000x64xf32, #tpu.memory_space<hbm>>
    tpu.wait_indirect_dma semaphore(%arg18 : memref<!tpu.dma_semaphore, #tpu.memory_space<semaphore_mem>>) src(%dma_wait3A_823 : memref<100000x64xf32, #tpu.memory_space<hbm>>) dst(%dma_wait3A_817 : memref<64x64xf32, #tpu.memory_space<vmem>>)
    %dma_wait3A_824 = arith.constant 194 : i32
    %dma_wait3A_825 = arith.constant 0 : i32
    %dma_wait3A_826 = arith.constant 0 : i32
    %dma_wait3A_827 = arith.constant 0 : i32
    %dma_wait3A_828 = tpu.memref_slice %arg14[%dma_wait3A_825, %dma_wait3A_826, %dma_wait3A_827] : memref<8x8x129xf32, #tpu.memory_space<vmem>> -> memref<8x8x128xf32, #tpu.memory_space<vmem>>
    %dma_wait3A_829 = arith.constant 0 : i32
    %dma_wait3A_830 = arith.constant 0 : i32
    %dma_wait3A_831 = arith.constant 0 : i32
    %dma_wait3A_832 = tpu.memref_slice %arg5[%dma_wait3A_824, %dma_wait3A_829, %add3A, %dma_wait3A_830, %dma_wait3A_831] : memref<200x8x32x8x128xf32, #tpu.memory_space<hbm>> -> memref<1x8x1x8x128xf32, #tpu.memory_space<hbm>>
    %dma_wait3A_833 = tpu.memref_squeeze %dma_wait3A_832 : memref<1x8x1x8x128xf32, #tpu.memory_space<hbm>> -> memref<8x8x128xf32, #tpu.memory_space<hbm>>
    %dma_wait3A_834 = arith.constant 0 : i32
    %dma_wait3A_835 = arith.constant 0 : i32
    %dma_wait3A_836 = arith.constant 0 : i32
    %dma_wait3A_837 = tpu.memref_slice %arg5[%dma_wait3A_824, %dma_wait3A_834, %add3A, %dma_wait3A_835, %dma_wait3A_836] : memref<200x8x32x8x128xf32, #tpu.memory_space<hbm>> -> memref<1x8x1x8x128xf32, #tpu.memory_space<hbm>>
    %dma_wait3A_838 = tpu.memref_squeeze %dma_wait3A_837 : memref<1x8x1x8x128xf32, #tpu.memory_space<hbm>> -> memref<8x8x128xf32, #tpu.memory_space<hbm>>
    %dma_wait3A_839 = arith.constant 0 : i32
    %dma_wait3A_840 = arith.constant 0 : i32
    %dma_wait3A_841 = arith.constant 0 : i32
    %dma_wait3A_842 = tpu.memref_slice %arg14[%dma_wait3A_839, %dma_wait3A_840, %dma_wait3A_841] : memref<8x8x129xf32, #tpu.memory_space<vmem>> -> memref<8x8x128xf32, #tpu.memory_space<vmem>>
    tpu.wait_dma2 semaphore(%arg22 : memref<!tpu.dma_semaphore, #tpu.memory_space<semaphore_mem>>) src(%dma_wait3A_842 : memref<8x8x128xf32, #tpu.memory_space<vmem>>) dst(%dma_wait3A_838 : memref<8x8x128xf32, #tpu.memory_space<hbm>>)
    %get3A_843 = arith.constant 198 : i32
    %get3A_844 = arith.index_cast %get3A_843 : i32 to index
    %get3A_845 = arith.constant 0 : index
    %get3A_846 = tpu.vector_load %arg7[%get3A_844, %get3A_845] {strides = array<i32>} : memref<200x64xf32, #tpu.memory_space<vmem>>, vector<16xf32>,
    %get3A_847 = arith.constant 198 : i32
    %get3A_848 = arith.index_cast %get3A_847 : i32 to index
    %get3A_849 = arith.constant 16 : index
    %get3A_850 = tpu.vector_load %arg7[%get3A_848, %get3A_849] {strides = array<i32>} : memref<200x64xf32, #tpu.memory_space<vmem>>, vector<16xf32>,
    %get3A_851 = arith.constant 198 : i32
    %get3A_852 = arith.index_cast %get3A_851 : i32 to index
    %get3A_853 = arith.constant 32 : index
    %get3A_854 = tpu.vector_load %arg7[%get3A_852, %get3A_853] {strides = array<i32>} : memref<200x64xf32, #tpu.memory_space<vmem>>, vector<16xf32>,
    %get3A_855 = arith.constant 198 : i32
    %get3A_856 = arith.index_cast %get3A_855 : i32 to index
    %get3A_857 = arith.constant 48 : index
    %get3A_858 = tpu.vector_load %arg7[%get3A_856, %get3A_857] {strides = array<i32>} : memref<200x64xf32, #tpu.memory_space<vmem>>, vector<16xf32>,
    %parallel_loop3A_859 = arith.constant 0 : i32
    %parallel_loop3A_860 = arith.constant 128 : i32
    %parallel_loop3A_861 = arith.constant 1 : i32
    scf.for %parallel_loop3A_1036 = %parallel_loop3A_859 to %parallel_loop3A_860 step %parallel_loop3A_861  : i32 {
      %parallel_loop3A_1037 = vector.broadcast %parallel_loop3A_1036 : i32 to vector<16xi32>
      %parallel_loop3A_1038 = arith.index_cast %parallel_loop3A_1036 : i32 to index
      %parallel_loop3A_1039 = arith.constant 0 : index
      %parallel_loop3A_1040 = tpu.vector_load %arg10[%parallel_loop3A_1038, %parallel_loop3A_1039] {strides = array<i32>} : memref<128x64xf32, #tpu.memory_space<vmem>>, vector<16xf32>,
      %parallel_loop3A_1041 = arith.addf %parallel_loop3A_1040, %get3A_846 : vector<16xf32>
      tpu.vector_store_idx %arg14[%select_n3A, %select_n3A_151, %parallel_loop3A_1037], %parallel_loop3A_1041 : memref<8x8x129xf32, #tpu.memory_space<vmem>>[vector<16xi32>, vector<16xi32>, vector<16xi32>], vector<16xf32>,
      %parallel_loop3A_1042 = arith.index_cast %parallel_loop3A_1036 : i32 to index
      %parallel_loop3A_1043 = arith.constant 16 : index
      %parallel_loop3A_1044 = tpu.vector_load %arg10[%parallel_loop3A_1042, %parallel_loop3A_1043] {strides = array<i32>} : memref<128x64xf32, #tpu.memory_space<vmem>>, vector<16xf32>,
      %parallel_loop3A_1045 = arith.addf %parallel_loop3A_1044, %get3A_850 : vector<16xf32>
      tpu.vector_store_idx %arg14[%select_n3A_60, %select_n3A_176, %parallel_loop3A_1037], %parallel_loop3A_1045 : memref<8x8x129xf32, #tpu.memory_space<vmem>>[vector<16xi32>, vector<16xi32>, vector<16xi32>], vector<16xf32>,
      %parallel_loop3A_1046 = arith.index_cast %parallel_loop3A_1036 : i32 to index
      %parallel_loop3A_1047 = arith.constant 32 : index
      %parallel_loop3A_1048 = tpu.vector_load %arg10[%parallel_loop3A_1046, %parallel_loop3A_1047] {strides = array<i32>} : memref<128x64xf32, #tpu.memory_space<vmem>>, vector<16xf32>,
      %parallel_loop3A_1049 = arith.addf %parallel_loop3A_1048, %get3A_854 : vector<16xf32>
      tpu.vector_store_idx %arg14[%select_n3A_94, %select_n3A_201, %parallel_loop3A_1037], %parallel_loop3A_1049 : memref<8x8x129xf32, #tpu.memory_space<vmem>>[vector<16xi32>, vector<16xi32>, vector<16xi32>], vector<16xf32>,
      %parallel_loop3A_1050 = arith.index_cast %parallel_loop3A_1036 : i32 to index
      %parallel_loop3A_1051 = arith.constant 48 : index
      %parallel_loop3A_1052 = tpu.vector_load %arg10[%parallel_loop3A_1050, %parallel_loop3A_1051] {strides = array<i32>} : memref<128x64xf32, #tpu.memory_space<vmem>>, vector<16xf32>,
      %parallel_loop3A_1053 = arith.addf %parallel_loop3A_1052, %get3A_858 : vector<16xf32>
      tpu.vector_store_idx %arg14[%select_n3A_128, %select_n3A_226, %parallel_loop3A_1037], %parallel_loop3A_1053 : memref<8x8x129xf32, #tpu.memory_space<vmem>>[vector<16xi32>, vector<16xi32>, vector<16xi32>], vector<16xf32>,
    } {sc.loop_unroll_factor = 4 : i64, sc.parallel_access}
    %dma_start3A_862 = arith.constant 198 : i32
    %dma_start3A_863 = arith.constant 0 : i32
    %dma_start3A_864 = arith.constant 0 : i32
    %dma_start3A_865 = arith.constant 0 : i32
    %dma_start3A_866 = tpu.memref_slice %arg14[%dma_start3A_863, %dma_start3A_864, %dma_start3A_865] : memref<8x8x129xf32, #tpu.memory_space<vmem>> -> memref<8x8x128xf32, #tpu.memory_space<vmem>>
    %dma_start3A_867 = arith.constant 0 : i32
    %dma_start3A_868 = arith.constant 0 : i32
    %dma_start3A_869 = arith.constant 0 : i32
    %dma_start3A_870 = tpu.memref_slice %arg5[%dma_start3A_862, %dma_start3A_867, %add3A, %dma_start3A_868, %dma_start3A_869] : memref<200x8x32x8x128xf32, #tpu.memory_space<hbm>> -> memref<1x8x1x8x128xf32, #tpu.memory_space<hbm>>
    %dma_start3A_871 = tpu.memref_squeeze %dma_start3A_870 : memref<1x8x1x8x128xf32, #tpu.memory_space<hbm>> -> memref<8x8x128xf32, #tpu.memory_space<hbm>>
    %dma_start3A_872 = arith.constant 0 : i32
    %dma_start3A_873 = arith.constant 0 : i32
    %dma_start3A_874 = arith.constant 0 : i32
    %dma_start3A_875 = tpu.memref_slice %arg5[%dma_start3A_862, %dma_start3A_872, %add3A, %dma_start3A_873, %dma_start3A_874] : memref<200x8x32x8x128xf32, #tpu.memory_space<hbm>> -> memref<1x8x1x8x128xf32, #tpu.memory_space<hbm>>
    %dma_start3A_876 = tpu.memref_squeeze %dma_start3A_875 : memref<1x8x1x8x128xf32, #tpu.memory_space<hbm>> -> memref<8x8x128xf32, #tpu.memory_space<hbm>>
    %dma_start3A_877 = arith.constant 0 : i32
    %dma_start3A_878 = arith.constant 0 : i32
    %dma_start3A_879 = arith.constant 0 : i32
    %dma_start3A_880 = tpu.memref_slice %arg14[%dma_start3A_877, %dma_start3A_878, %dma_start3A_879] : memref<8x8x129xf32, #tpu.memory_space<vmem>> -> memref<8x8x128xf32, #tpu.memory_space<vmem>>
    tpu.enqueue_dma source(%dma_start3A_880 : memref<8x8x128xf32, #tpu.memory_space<vmem>>) target(%dma_start3A_876 : memref<8x8x128xf32, #tpu.memory_space<hbm>>) target_semaphore(%arg22 : memref<!tpu.dma_semaphore, #tpu.memory_space<semaphore_mem>>)
    %dma_wait3A_881 = arith.constant 24 : i32
    %dma_wait3A_882 = arith.constant 7 : i32
    %dma_wait3A_883 = arith.constant 0 : i32
    %dma_wait3A_884 = arith.constant 0 : i32
    %dma_wait3A_885 = tpu.memref_slice %arg11[%dma_wait3A_883, %dma_wait3A_884] : memref<128x64xf32, #tpu.memory_space<vmem>> -> memref<64x64xf32, #tpu.memory_space<vmem>>
    %dma_wait3A_886 = arith.constant 0 : i32
    %dma_wait3A_887 = tpu.memref_slice %arg6[%dma_wait3A_881, %dma_wait3A_882, %dma_wait3A_886] : memref<25x8x128xi32, #tpu.memory_space<vmem>> -> memref<1x1x64xi32, #tpu.memory_space<vmem>>
    %dma_wait3A_888 = tpu.memref_squeeze %dma_wait3A_887 : memref<1x1x64xi32, #tpu.memory_space<vmem>> -> memref<64xi32, #tpu.memory_space<vmem>>
    %dma_wait3A_889 = arith.constant 0 : i32
    %dma_wait3A_890 = arith.constant 0 : i32
    %dma_wait3A_891 = tpu.memref_slice %arg3[%dma_wait3A_889, %dma_wait3A_890] : memref<100000x64xf32, #tpu.memory_space<hbm>> -> memref<100000x64xf32, #tpu.memory_space<hbm>>
    tpu.wait_indirect_dma semaphore(%arg19 : memref<!tpu.dma_semaphore, #tpu.memory_space<semaphore_mem>>) src(%dma_wait3A_891 : memref<100000x64xf32, #tpu.memory_space<hbm>>) dst(%dma_wait3A_885 : memref<64x64xf32, #tpu.memory_space<vmem>>)
    %dma_wait3A_892 = arith.constant 24 : i32
    %dma_wait3A_893 = arith.constant 7 : i32
    %dma_wait3A_894 = arith.constant 64 : i32
    %dma_wait3A_895 = arith.constant 0 : i32
    %dma_wait3A_896 = tpu.memref_slice %arg11[%dma_wait3A_894, %dma_wait3A_895] : memref<128x64xf32, #tpu.memory_space<vmem>> -> memref<64x64xf32, #tpu.memory_space<vmem>>
    %dma_wait3A_897 = arith.constant 64 : i32
    %dma_wait3A_898 = tpu.memref_slice %arg6[%dma_wait3A_892, %dma_wait3A_893, %dma_wait3A_897] : memref<25x8x128xi32, #tpu.memory_space<vmem>> -> memref<1x1x64xi32, #tpu.memory_space<vmem>>
    %dma_wait3A_899 = tpu.memref_squeeze %dma_wait3A_898 : memref<1x1x64xi32, #tpu.memory_space<vmem>> -> memref<64xi32, #tpu.memory_space<vmem>>
    %dma_wait3A_900 = arith.constant 0 : i32
    %dma_wait3A_901 = arith.constant 0 : i32
    %dma_wait3A_902 = tpu.memref_slice %arg3[%dma_wait3A_900, %dma_wait3A_901] : memref<100000x64xf32, #tpu.memory_space<hbm>> -> memref<100000x64xf32, #tpu.memory_space<hbm>>
    tpu.wait_indirect_dma semaphore(%arg19 : memref<!tpu.dma_semaphore, #tpu.memory_space<semaphore_mem>>) src(%dma_wait3A_902 : memref<100000x64xf32, #tpu.memory_space<hbm>>) dst(%dma_wait3A_896 : memref<64x64xf32, #tpu.memory_space<vmem>>)
    %dma_wait3A_903 = arith.constant 195 : i32
    %dma_wait3A_904 = arith.constant 0 : i32
    %dma_wait3A_905 = arith.constant 0 : i32
    %dma_wait3A_906 = arith.constant 0 : i32
    %dma_wait3A_907 = tpu.memref_slice %arg15[%dma_wait3A_904, %dma_wait3A_905, %dma_wait3A_906] : memref<8x8x129xf32, #tpu.memory_space<vmem>> -> memref<8x8x128xf32, #tpu.memory_space<vmem>>
    %dma_wait3A_908 = arith.constant 0 : i32
    %dma_wait3A_909 = arith.constant 0 : i32
    %dma_wait3A_910 = arith.constant 0 : i32
    %dma_wait3A_911 = tpu.memref_slice %arg5[%dma_wait3A_903, %dma_wait3A_908, %add3A, %dma_wait3A_909, %dma_wait3A_910] : memref<200x8x32x8x128xf32, #tpu.memory_space<hbm>> -> memref<1x8x1x8x128xf32, #tpu.memory_space<hbm>>
    %dma_wait3A_912 = tpu.memref_squeeze %dma_wait3A_911 : memref<1x8x1x8x128xf32, #tpu.memory_space<hbm>> -> memref<8x8x128xf32, #tpu.memory_space<hbm>>
    %dma_wait3A_913 = arith.constant 0 : i32
    %dma_wait3A_914 = arith.constant 0 : i32
    %dma_wait3A_915 = arith.constant 0 : i32
    %dma_wait3A_916 = tpu.memref_slice %arg5[%dma_wait3A_903, %dma_wait3A_913, %add3A, %dma_wait3A_914, %dma_wait3A_915] : memref<200x8x32x8x128xf32, #tpu.memory_space<hbm>> -> memref<1x8x1x8x128xf32, #tpu.memory_space<hbm>>
    %dma_wait3A_917 = tpu.memref_squeeze %dma_wait3A_916 : memref<1x8x1x8x128xf32, #tpu.memory_space<hbm>> -> memref<8x8x128xf32, #tpu.memory_space<hbm>>
    %dma_wait3A_918 = arith.constant 0 : i32
    %dma_wait3A_919 = arith.constant 0 : i32
    %dma_wait3A_920 = arith.constant 0 : i32
    %dma_wait3A_921 = tpu.memref_slice %arg15[%dma_wait3A_918, %dma_wait3A_919, %dma_wait3A_920] : memref<8x8x129xf32, #tpu.memory_space<vmem>> -> memref<8x8x128xf32, #tpu.memory_space<vmem>>
    tpu.wait_dma2 semaphore(%arg23 : memref<!tpu.dma_semaphore, #tpu.memory_space<semaphore_mem>>) src(%dma_wait3A_921 : memref<8x8x128xf32, #tpu.memory_space<vmem>>) dst(%dma_wait3A_917 : memref<8x8x128xf32, #tpu.memory_space<hbm>>)
    %get3A_922 = arith.constant 199 : i32
    %get3A_923 = arith.index_cast %get3A_922 : i32 to index
    %get3A_924 = arith.constant 0 : index
    %get3A_925 = tpu.vector_load %arg7[%get3A_923, %get3A_924] {strides = array<i32>} : memref<200x64xf32, #tpu.memory_space<vmem>>, vector<16xf32>,
    %get3A_926 = arith.constant 199 : i32
    %get3A_927 = arith.index_cast %get3A_926 : i32 to index
    %get3A_928 = arith.constant 16 : index
    %get3A_929 = tpu.vector_load %arg7[%get3A_927, %get3A_928] {strides = array<i32>} : memref<200x64xf32, #tpu.memory_space<vmem>>, vector<16xf32>,
    %get3A_930 = arith.constant 199 : i32
    %get3A_931 = arith.index_cast %get3A_930 : i32 to index
    %get3A_932 = arith.constant 32 : index
    %get3A_933 = tpu.vector_load %arg7[%get3A_931, %get3A_932] {strides = array<i32>} : memref<200x64xf32, #tpu.memory_space<vmem>>, vector<16xf32>,
    %get3A_934 = arith.constant 199 : i32
    %get3A_935 = arith.index_cast %get3A_934 : i32 to index
    %get3A_936 = arith.constant 48 : index
    %get3A_937 = tpu.vector_load %arg7[%get3A_935, %get3A_936] {strides = array<i32>} : memref<200x64xf32, #tpu.memory_space<vmem>>, vector<16xf32>,
    %parallel_loop3A_938 = arith.constant 0 : i32
    %parallel_loop3A_939 = arith.constant 128 : i32
    %parallel_loop3A_940 = arith.constant 1 : i32
    scf.for %parallel_loop3A_1036 = %parallel_loop3A_938 to %parallel_loop3A_939 step %parallel_loop3A_940  : i32 {
      %parallel_loop3A_1037 = vector.broadcast %parallel_loop3A_1036 : i32 to vector<16xi32>
      %parallel_loop3A_1038 = arith.index_cast %parallel_loop3A_1036 : i32 to index
      %parallel_loop3A_1039 = arith.constant 0 : index
      %parallel_loop3A_1040 = tpu.vector_load %arg11[%parallel_loop3A_1038, %parallel_loop3A_1039] {strides = array<i32>} : memref<128x64xf32, #tpu.memory_space<vmem>>, vector<16xf32>,
      %parallel_loop3A_1041 = arith.addf %parallel_loop3A_1040, %get3A_925 : vector<16xf32>
      tpu.vector_store_idx %arg15[%select_n3A, %select_n3A_151, %parallel_loop3A_1037], %parallel_loop3A_1041 : memref<8x8x129xf32, #tpu.memory_space<vmem>>[vector<16xi32>, vector<16xi32>, vector<16xi32>], vector<16xf32>,
      %parallel_loop3A_1042 = arith.index_cast %parallel_loop3A_1036 : i32 to index
      %parallel_loop3A_1043 = arith.constant 16 : index
      %parallel_loop3A_1044 = tpu.vector_load %arg11[%parallel_loop3A_1042, %parallel_loop3A_1043] {strides = array<i32>} : memref<128x64xf32, #tpu.memory_space<vmem>>, vector<16xf32>,
      %parallel_loop3A_1045 = arith.addf %parallel_loop3A_1044, %get3A_929 : vector<16xf32>
      tpu.vector_store_idx %arg15[%select_n3A_60, %select_n3A_176, %parallel_loop3A_1037], %parallel_loop3A_1045 : memref<8x8x129xf32, #tpu.memory_space<vmem>>[vector<16xi32>, vector<16xi32>, vector<16xi32>], vector<16xf32>,
      %parallel_loop3A_1046 = arith.index_cast %parallel_loop3A_1036 : i32 to index
      %parallel_loop3A_1047 = arith.constant 32 : index
      %parallel_loop3A_1048 = tpu.vector_load %arg11[%parallel_loop3A_1046, %parallel_loop3A_1047] {strides = array<i32>} : memref<128x64xf32, #tpu.memory_space<vmem>>, vector<16xf32>,
      %parallel_loop3A_1049 = arith.addf %parallel_loop3A_1048, %get3A_933 : vector<16xf32>
      tpu.vector_store_idx %arg15[%select_n3A_94, %select_n3A_201, %parallel_loop3A_1037], %parallel_loop3A_1049 : memref<8x8x129xf32, #tpu.memory_space<vmem>>[vector<16xi32>, vector<16xi32>, vector<16xi32>], vector<16xf32>,
      %parallel_loop3A_1050 = arith.index_cast %parallel_loop3A_1036 : i32 to index
      %parallel_loop3A_1051 = arith.constant 48 : index
      %parallel_loop3A_1052 = tpu.vector_load %arg11[%parallel_loop3A_1050, %parallel_loop3A_1051] {strides = array<i32>} : memref<128x64xf32, #tpu.memory_space<vmem>>, vector<16xf32>,
      %parallel_loop3A_1053 = arith.addf %parallel_loop3A_1052, %get3A_937 : vector<16xf32>
      tpu.vector_store_idx %arg15[%select_n3A_128, %select_n3A_226, %parallel_loop3A_1037], %parallel_loop3A_1053 : memref<8x8x129xf32, #tpu.memory_space<vmem>>[vector<16xi32>, vector<16xi32>, vector<16xi32>], vector<16xf32>,
    } {sc.loop_unroll_factor = 4 : i64, sc.parallel_access}
    %dma_start3A_941 = arith.constant 199 : i32
    %dma_start3A_942 = arith.constant 0 : i32
    %dma_start3A_943 = arith.constant 0 : i32
    %dma_start3A_944 = arith.constant 0 : i32
    %dma_start3A_945 = tpu.memref_slice %arg15[%dma_start3A_942, %dma_start3A_943, %dma_start3A_944] : memref<8x8x129xf32, #tpu.memory_space<vmem>> -> memref<8x8x128xf32, #tpu.memory_space<vmem>>
    %dma_start3A_946 = arith.constant 0 : i32
    %dma_start3A_947 = arith.constant 0 : i32
    %dma_start3A_948 = arith.constant 0 : i32
    %dma_start3A_949 = tpu.memref_slice %arg5[%dma_start3A_941, %dma_start3A_946, %add3A, %dma_start3A_947, %dma_start3A_948] : memref<200x8x32x8x128xf32, #tpu.memory_space<hbm>> -> memref<1x8x1x8x128xf32, #tpu.memory_space<hbm>>
    %dma_start3A_950 = tpu.memref_squeeze %dma_start3A_949 : memref<1x8x1x8x128xf32, #tpu.memory_space<hbm>> -> memref<8x8x128xf32, #tpu.memory_space<hbm>>
    %dma_start3A_951 = arith.constant 0 : i32
    %dma_start3A_952 = arith.constant 0 : i32
    %dma_start3A_953 = arith.constant 0 : i32
    %dma_start3A_954 = tpu.memref_slice %arg5[%dma_start3A_941, %dma_start3A_951, %add3A, %dma_start3A_952, %dma_start3A_953] : memref<200x8x32x8x128xf32, #tpu.memory_space<hbm>> -> memref<1x8x1x8x128xf32, #tpu.memory_space<hbm>>
    %dma_start3A_955 = tpu.memref_squeeze %dma_start3A_954 : memref<1x8x1x8x128xf32, #tpu.memory_space<hbm>> -> memref<8x8x128xf32, #tpu.memory_space<hbm>>
    %dma_start3A_956 = arith.constant 0 : i32
    %dma_start3A_957 = arith.constant 0 : i32
    %dma_start3A_958 = arith.constant 0 : i32
    %dma_start3A_959 = tpu.memref_slice %arg15[%dma_start3A_956, %dma_start3A_957, %dma_start3A_958] : memref<8x8x129xf32, #tpu.memory_space<vmem>> -> memref<8x8x128xf32, #tpu.memory_space<vmem>>
    tpu.enqueue_dma source(%dma_start3A_959 : memref<8x8x128xf32, #tpu.memory_space<vmem>>) target(%dma_start3A_955 : memref<8x8x128xf32, #tpu.memory_space<hbm>>) target_semaphore(%arg23 : memref<!tpu.dma_semaphore, #tpu.memory_space<semaphore_mem>>)
    %dma_wait3A_960 = arith.constant 196 : i32
    %dma_wait3A_961 = arith.constant 0 : i32
    %dma_wait3A_962 = arith.constant 0 : i32
    %dma_wait3A_963 = arith.constant 0 : i32
    %dma_wait3A_964 = tpu.memref_slice %arg12[%dma_wait3A_961, %dma_wait3A_962, %dma_wait3A_963] : memref<8x8x129xf32, #tpu.memory_space<vmem>> -> memref<8x8x128xf32, #tpu.memory_space<vmem>>
    %dma_wait3A_965 = arith.constant 0 : i32
    %dma_wait3A_966 = arith.constant 0 : i32
    %dma_wait3A_967 = arith.constant 0 : i32
    %dma_wait3A_968 = tpu.memref_slice %arg5[%dma_wait3A_960, %dma_wait3A_965, %add3A, %dma_wait3A_966, %dma_wait3A_967] : memref<200x8x32x8x128xf32, #tpu.memory_space<hbm>> -> memref<1x8x1x8x128xf32, #tpu.memory_space<hbm>>
    %dma_wait3A_969 = tpu.memref_squeeze %dma_wait3A_968 : memref<1x8x1x8x128xf32, #tpu.memory_space<hbm>> -> memref<8x8x128xf32, #tpu.memory_space<hbm>>
    %dma_wait3A_970 = arith.constant 0 : i32
    %dma_wait3A_971 = arith.constant 0 : i32
    %dma_wait3A_972 = arith.constant 0 : i32
    %dma_wait3A_973 = tpu.memref_slice %arg5[%dma_wait3A_960, %dma_wait3A_970, %add3A, %dma_wait3A_971, %dma_wait3A_972] : memref<200x8x32x8x128xf32, #tpu.memory_space<hbm>> -> memref<1x8x1x8x128xf32, #tpu.memory_space<hbm>>
    %dma_wait3A_974 = tpu.memref_squeeze %dma_wait3A_973 : memref<1x8x1x8x128xf32, #tpu.memory_space<hbm>> -> memref<8x8x128xf32, #tpu.memory_space<hbm>>
    %dma_wait3A_975 = arith.constant 0 : i32
    %dma_wait3A_976 = arith.constant 0 : i32
    %dma_wait3A_977 = arith.constant 0 : i32
    %dma_wait3A_978 = tpu.memref_slice %arg12[%dma_wait3A_975, %dma_wait3A_976, %dma_wait3A_977] : memref<8x8x129xf32, #tpu.memory_space<vmem>> -> memref<8x8x128xf32, #tpu.memory_space<vmem>>
    tpu.wait_dma2 semaphore(%arg20 : memref<!tpu.dma_semaphore, #tpu.memory_space<semaphore_mem>>) src(%dma_wait3A_978 : memref<8x8x128xf32, #tpu.memory_space<vmem>>) dst(%dma_wait3A_974 : memref<8x8x128xf32, #tpu.memory_space<hbm>>)
    %dma_wait3A_979 = arith.constant 197 : i32
    %dma_wait3A_980 = arith.constant 0 : i32
    %dma_wait3A_981 = arith.constant 0 : i32
    %dma_wait3A_982 = arith.constant 0 : i32
    %dma_wait3A_983 = tpu.memref_slice %arg13[%dma_wait3A_980, %dma_wait3A_981, %dma_wait3A_982] : memref<8x8x129xf32, #tpu.memory_space<vmem>> -> memref<8x8x128xf32, #tpu.memory_space<vmem>>
    %dma_wait3A_984 = arith.constant 0 : i32
    %dma_wait3A_985 = arith.constant 0 : i32
    %dma_wait3A_986 = arith.constant 0 : i32
    %dma_wait3A_987 = tpu.memref_slice %arg5[%dma_wait3A_979, %dma_wait3A_984, %add3A, %dma_wait3A_985, %dma_wait3A_986] : memref<200x8x32x8x128xf32, #tpu.memory_space<hbm>> -> memref<1x8x1x8x128xf32, #tpu.memory_space<hbm>>
    %dma_wait3A_988 = tpu.memref_squeeze %dma_wait3A_987 : memref<1x8x1x8x128xf32, #tpu.memory_space<hbm>> -> memref<8x8x128xf32, #tpu.memory_space<hbm>>
    %dma_wait3A_989 = arith.constant 0 : i32
    %dma_wait3A_990 = arith.constant 0 : i32
    %dma_wait3A_991 = arith.constant 0 : i32
    %dma_wait3A_992 = tpu.memref_slice %arg5[%dma_wait3A_979, %dma_wait3A_989, %add3A, %dma_wait3A_990, %dma_wait3A_991] : memref<200x8x32x8x128xf32, #tpu.memory_space<hbm>> -> memref<1x8x1x8x128xf32, #tpu.memory_space<hbm>>
    %dma_wait3A_993 = tpu.memref_squeeze %dma_wait3A_992 : memref<1x8x1x8x128xf32, #tpu.memory_space<hbm>> -> memref<8x8x128xf32, #tpu.memory_space<hbm>>
    %dma_wait3A_994 = arith.constant 0 : i32
    %dma_wait3A_995 = arith.constant 0 : i32
    %dma_wait3A_996 = arith.constant 0 : i32
    %dma_wait3A_997 = tpu.memref_slice %arg13[%dma_wait3A_994, %dma_wait3A_995, %dma_wait3A_996] : memref<8x8x129xf32, #tpu.memory_space<vmem>> -> memref<8x8x128xf32, #tpu.memory_space<vmem>>
    tpu.wait_dma2 semaphore(%arg21 : memref<!tpu.dma_semaphore, #tpu.memory_space<semaphore_mem>>) src(%dma_wait3A_997 : memref<8x8x128xf32, #tpu.memory_space<vmem>>) dst(%dma_wait3A_993 : memref<8x8x128xf32, #tpu.memory_space<hbm>>)
    %dma_wait3A_998 = arith.constant 198 : i32
    %dma_wait3A_999 = arith.constant 0 : i32
    %dma_wait3A_1000 = arith.constant 0 : i32
    %dma_wait3A_1001 = arith.constant 0 : i32
    %dma_wait3A_1002 = tpu.memref_slice %arg14[%dma_wait3A_999, %dma_wait3A_1000, %dma_wait3A_1001] : memref<8x8x129xf32, #tpu.memory_space<vmem>> -> memref<8x8x128xf32, #tpu.memory_space<vmem>>
    %dma_wait3A_1003 = arith.constant 0 : i32
    %dma_wait3A_1004 = arith.constant 0 : i32
    %dma_wait3A_1005 = arith.constant 0 : i32
    %dma_wait3A_1006 = tpu.memref_slice %arg5[%dma_wait3A_998, %dma_wait3A_1003, %add3A, %dma_wait3A_1004, %dma_wait3A_1005] : memref<200x8x32x8x128xf32, #tpu.memory_space<hbm>> -> memref<1x8x1x8x128xf32, #tpu.memory_space<hbm>>
    %dma_wait3A_1007 = tpu.memref_squeeze %dma_wait3A_1006 : memref<1x8x1x8x128xf32, #tpu.memory_space<hbm>> -> memref<8x8x128xf32, #tpu.memory_space<hbm>>
    %dma_wait3A_1008 = arith.constant 0 : i32
    %dma_wait3A_1009 = arith.constant 0 : i32
    %dma_wait3A_1010 = arith.constant 0 : i32
    %dma_wait3A_1011 = tpu.memref_slice %arg5[%dma_wait3A_998, %dma_wait3A_1008, %add3A, %dma_wait3A_1009, %dma_wait3A_1010] : memref<200x8x32x8x128xf32, #tpu.memory_space<hbm>> -> memref<1x8x1x8x128xf32, #tpu.memory_space<hbm>>
    %dma_wait3A_1012 = tpu.memref_squeeze %dma_wait3A_1011 : memref<1x8x1x8x128xf32, #tpu.memory_space<hbm>> -> memref<8x8x128xf32, #tpu.memory_space<hbm>>
    %dma_wait3A_1013 = arith.constant 0 : i32
    %dma_wait3A_1014 = arith.constant 0 : i32
    %dma_wait3A_1015 = arith.constant 0 : i32
    %dma_wait3A_1016 = tpu.memref_slice %arg14[%dma_wait3A_1013, %dma_wait3A_1014, %dma_wait3A_1015] : memref<8x8x129xf32, #tpu.memory_space<vmem>> -> memref<8x8x128xf32, #tpu.memory_space<vmem>>
    tpu.wait_dma2 semaphore(%arg22 : memref<!tpu.dma_semaphore, #tpu.memory_space<semaphore_mem>>) src(%dma_wait3A_1016 : memref<8x8x128xf32, #tpu.memory_space<vmem>>) dst(%dma_wait3A_1012 : memref<8x8x128xf32, #tpu.memory_space<hbm>>)
    %dma_wait3A_1017 = arith.constant 199 : i32
    %dma_wait3A_1018 = arith.constant 0 : i32
    %dma_wait3A_1019 = arith.constant 0 : i32
    %dma_wait3A_1020 = arith.constant 0 : i32
    %dma_wait3A_1021 = tpu.memref_slice %arg15[%dma_wait3A_1018, %dma_wait3A_1019, %dma_wait3A_1020] : memref<8x8x129xf32, #tpu.memory_space<vmem>> -> memref<8x8x128xf32, #tpu.memory_space<vmem>>
    %dma_wait3A_1022 = arith.constant 0 : i32
    %dma_wait3A_1023 = arith.constant 0 : i32
    %dma_wait3A_1024 = arith.constant 0 : i32
    %dma_wait3A_1025 = tpu.memref_slice %arg5[%dma_wait3A_1017, %dma_wait3A_1022, %add3A, %dma_wait3A_1023, %dma_wait3A_1024] : memref<200x8x32x8x128xf32, #tpu.memory_space<hbm>> -> memref<1x8x1x8x128xf32, #tpu.memory_space<hbm>>
    %dma_wait3A_1026 = tpu.memref_squeeze %dma_wait3A_1025 : memref<1x8x1x8x128xf32, #tpu.memory_space<hbm>> -> memref<8x8x128xf32, #tpu.memory_space<hbm>>
    %dma_wait3A_1027 = arith.constant 0 : i32
    %dma_wait3A_1028 = arith.constant 0 : i32
    %dma_wait3A_1029 = arith.constant 0 : i32
    %dma_wait3A_1030 = tpu.memref_slice %arg5[%dma_wait3A_1017, %dma_wait3A_1027, %add3A, %dma_wait3A_1028, %dma_wait3A_1029] : memref<200x8x32x8x128xf32, #tpu.memory_space<hbm>> -> memref<1x8x1x8x128xf32, #tpu.memory_space<hbm>>
    %dma_wait3A_1031 = tpu.memref_squeeze %dma_wait3A_1030 : memref<1x8x1x8x128xf32, #tpu.memory_space<hbm>> -> memref<8x8x128xf32, #tpu.memory_space<hbm>>
    %dma_wait3A_1032 = arith.constant 0 : i32
    %dma_wait3A_1033 = arith.constant 0 : i32
    %dma_wait3A_1034 = arith.constant 0 : i32
    %dma_wait3A_1035 = tpu.memref_slice %arg15[%dma_wait3A_1032, %dma_wait3A_1033, %dma_wait3A_1034] : memref<8x8x129xf32, #tpu.memory_space<vmem>> -> memref<8x8x128xf32, #tpu.memory_space<vmem>>
    tpu.wait_dma2 semaphore(%arg23 : memref<!tpu.dma_semaphore, #tpu.memory_space<semaphore_mem>>) src(%dma_wait3A_1035 : memref<8x8x128xf32, #tpu.memory_space<vmem>>) dst(%dma_wait3A_1031 : memref<8x8x128xf32, #tpu.memory_space<hbm>>)
    return
  }
}

</mosaic_0001>

<sc_bundles>
// kernel: _embed.3.cloned.1.call-start
scs
__scs_entry_jumppad:
0x0: {  	(pc) =	sbr.rel $0x88, $3  }
0x1: {  	(tag) =	ssettag $0x0;
	lr =	simm.s32 $0x1  }
0x2: {  	[smem:$0x3F9E] =	sst lr;
	_ =	strace $0xD0000000  }
0x3: {  	_ = 	snop  }
0x4: {  	_ = 	snop  }
0x5: {  	_ = 	snop  }
0x6: {  	_ = 	snop  }
0x7: {  	_ = 	snop  }
__scs_overlays_trampoline_lowered:
0x8: {  	[smem:$0x3FAD] =	sst s0  }
0x9: {  	[smem:$0x3FAE] =	sst s1  }
0xa: {  	[smem:$0x3FAF] =	sst s2  }
0xb: {  	[smem:$0x3FB0] =	sst s3  }
0xc: {  	[smem:$0x3FB1] =	sst s4  }
0xd: {  	[smem:$0x3FB2] =	sst s5  }
0xe: {  	[smem:$0x3FB3] =	sst s6  }
0xf: {  	[smem:$0x3FB4] =	sst s7  }
0x10: {  	[smem:$0x3FB5] =	sst s8  }
0x11: {  	[smem:$0x3FB6] =	sst s9;
	s0 =	simm.s32 @!p0 $0x0  }
0x12: {  	s1 =	sld [smem:$0x3F9C];
	s0 =	simm.s32 @p0 $0x1  }
0x13: {  	[smem:$0x3FB7] =	sst s0;
	s0 =	simm.s32 @!p1 $0x0  }
0x14: {  	s2 =	sld [smem:$0x3F9B];
	s0 =	simm.s32 @p1 $0x1  }
0x15: {  	[smem:$0x3FB8] =	sst s0;
	s0 =	simm.s32 @!p2 $0x0  }
0x16: {  	s3 =	sld [smem:$0x3FDB];
	s0 =	simm.s32 @p2 $0x1  }
0x17: {  	s4 =	simm.s32 $0x1BF5;
	[smem:$0x3FBA] =	sst s0  }
0x18: {  	s0 =	sld [smem:$0x3F9D];
	_ =	swait.ge [sflag:s4], $0x0  }
0x19: {  	s7 =	sld [smem:$0x3F9E]  }
0x1a: {  	s8 =	sadd.s32 $0xFFFFE003, lr  }
0x1b: {  	s9 =	sadd.s32 $0xFFFFFEF7, lr;
	s5 =	simm.s32 $0xFFFFFFFF;
	p2 =	slt.u32 s8, $0xFFFFF086  }
0x1c: {  	p1 =	slt.u32 s9, $0xF7A;
	s5 =	simm.s32 @!p2 $0x0  }
0x1d: {  	s5 =	simm.s32 @p1 $0x1;
	p0 =	seq.s32 s7, s2  }
0x1e: {  	s7 =	smul.u32 @!p0 $0xF7A, s2;
	p2 =	seq.s32 @!p0 s5, $0x0  }
0x1f: {  	s9 =	smul.u32 $0xF7A, s1;
	s8 =	simm.s32 @!p0 $0x1BF5;
	p2 =	por !p2, p0  }
0x20: {  	[sflag:s8] =	ssyncset.s32 @!p0 $0xFFFFF086;
	s6 =	sadd.s32 @!p0 s3, s7;
	s7 =	simm.s32 @!p0 $0x108  }
0x21: {  	s3 =	sadd.s32 s3, s9;
	s6 =	sadd.s32 @!p0 $0x88, s6;
	s7 =	simm.s32 @p2 $0x1082  }
0x22: {  	[simem:s7], [sflag:s8] =	dma.local @!p0 [hbm:s6], $0xF7A  }
0x23: {  	s9 =	sor.u32 $0xD0000000, s2;
	s6 =	simm.s32 $0x108;
	_ =	swait.ge @!p0 [sflag:s8], $0x0  }
0x24: {  	s3 =	sadd.s32 $0x88, s3;
	s6 =	simm.s32 @!p1 $0x1082;
	[sflag:s4] =	ssyncset.s32 $0xFFFFF086  }
0x25: {  	[simem:s6], [sflag:s4] =	dma.local [hbm:s3], $0xF7A  }
0x26: {  	[smem:$0x3F9E] =	sst s1;
	(tag) =	ssettag s2;
	_ =	strace s9  }
0x27: {  	s1 =	sld [smem:$0x3FAE]  }
0x28: {  	s2 =	sld [smem:$0x3FAF]  }
0x29: {  	s4 =	sld [smem:$0x3FB1]  }
0x2a: {  	p0 =	seq.s32 s5, $0x0;
	s5 =	sld [smem:$0x3FB2]  }
0x2b: {  	s6 =	sld [smem:$0x3FB3]  }
0x2c: {  	s7 =	sld [smem:$0x3FB4]  }
0x2d: {  	s3 =	simm.s32 $0x108;
	s8 =	sld [smem:$0x3FB5]  }
0x2e: {  	s3 =	simm.s32 @!p0 $0x1082;
	s9 =	sld [smem:$0x3FB6]  }
0x2f: {  	lr =	sadd.s32 s0, s3;
	s0 =	sld [smem:$0x3FAD]  }
0x30: {  	s3 =	sld [smem:$0x3FB0]  }
0x31: {  	[smem:$0x3FB9] =	sst s10  }
0x32: {  	s10 =	sld [smem:$0x3FB7];
	_ =	sdelay $0x3  }
0x33: {  	p0 =	seq.s32 s10, $0x1;
	s10 =	sld [smem:$0x3FB9];
	_ =	sdelay $0x3  }
0x34: {  	[smem:$0x3FB9] =	sst s10  }
0x35: {  	s10 =	sld [smem:$0x3FB8];
	_ =	sdelay $0x3  }
0x36: {  	p1 =	seq.s32 s10, $0x1;
	s10 =	sld [smem:$0x3FB9];
	_ =	sdelay $0x3  }
0x37: {  	[smem:$0x3FB9] =	sst s10  }
0x38: {  	s10 =	sld [smem:$0x3FBA]  }
0x39: {  	_ = 	snop;
	(pc) =	sbr.ind lr, $3  }
0x3a: {  	_ = 	snop  }
0x3b: {  	_ = 	snop  }
0x3c: {  	p2 =	seq.s32 s10, $0x1;
	s10 =	sld [smem:$0x3FB9]  }
0x3d: {  	_ =	shalt  }
0x3e: {  	_ =	shalt  }
0x3f: {  	_ =	shalt  }
0x40: {  	_ =	shalt  }
0x41: {  	_ =	shalt  }
0x42: {  	_ =	shalt  }
0x43: {  	_ =	shalt  }
0x44: {  	_ =	shalt  }
0x45: {  	_ =	shalt  }
0x46: {  	_ =	shalt  }
0x47: {  	_ =	shalt  }
0x48: {  	_ =	shalt  }
0x49: {  	_ =	shalt  }
0x4a: {  	_ =	shalt  }
0x4b: {  	_ =	shalt  }
0x4c: {  	_ =	shalt  }
0x4d: {  	_ =	shalt  }
0x4e: {  	_ =	shalt  }
0x4f: {  	_ =	shalt  }
0x50: {  	_ =	shalt  }
0x51: {  	_ =	shalt  }
0x52: {  	_ =	shalt  }
0x53: {  	_ =	shalt  }
0x54: {  	_ =	shalt  }
0x55: {  	_ =	shalt  }
0x56: {  	_ =	shalt  }
0x57: {  	_ =	shalt  }
0x58: {  	_ =	shalt  }
0x59: {  	_ =	shalt  }
0x5a: {  	_ =	shalt  }
0x5b: {  	_ =	shalt  }
0x5c: {  	_ =	shalt  }
0x5d: {  	_ =	shalt  }
0x5e: {  	_ =	shalt  }
0x5f: {  	_ =	shalt  }
0x60: {  	_ =	shalt  }
0x61: {  	_ =	shalt  }
0x62: {  	_ =	shalt  }
0x63: {  	_ =	shalt  }
0x64: {  	_ =	shalt  }
0x65: {  	_ =	shalt  }
0x66: {  	_ =	shalt  }
0x67: {  	_ =	shalt  }
0x68: {  	_ =	shalt  }
0x69: {  	_ =	shalt  }
0x6a: {  	_ =	shalt  }
0x6b: {  	_ =	shalt  }
0x6c: {  	_ =	shalt  }
0x6d: {  	_ =	shalt  }
0x6e: {  	_ =	shalt  }
0x6f: {  	_ =	shalt  }
0x70: {  	_ =	shalt  }
0x71: {  	_ =	shalt  }
0x72: {  	_ =	shalt  }
0x73: {  	_ =	shalt  }
0x74: {  	_ =	shalt  }
0x75: {  	_ =	shalt  }
0x76: {  	_ =	shalt  }
0x77: {  	_ =	shalt  }
0x78: {  	_ =	shalt  }
0x79: {  	_ =	shalt  }
0x7a: {  	_ =	shalt  }
0x7b: {  	_ =	shalt  }
0x7c: {  	_ =	shalt  }
0x7d: {  	_ =	shalt  }
0x7e: {  	_ =	shalt  }
0x7f: {  	_ =	shalt  }
0x80: {  	_ =	shalt  }
0x81: {  	_ =	shalt  }
0x82: {  	_ =	shalt  }
0x83: {  	_ =	shalt  }
0x84: {  	_ =	shalt  }
0x85: {  	_ =	shalt  }
0x86: {  	_ =	shalt  }
0x87: {  	_ =	shalt  }
.Lfunc_end0:
.L_simem_size_0:
called_computation_lowered:
.L_overlay_start_0:
0x88: {  	s2 =	sld [smem:$0x3FD9]  }
0x89: {  	s3 =	sld [smem:$0x3FFE];
	_ =	sdelay $0x1  }
0x8a: {  	s1 =	srdreg.scid  }
0x8b: {  	s0 =	sand.u32 $0x1, s1  }
0x8c: {  	s17 =	sshll.u32 s0, $0xA;
	s2 =	sadd.s32 s3, s2  }
0x8d: {  	s2 =	sadd.s32 s2, s17  }
0x8e: {  	[smem:$0x3FC5] =	sst s2  }
0x8f: {  	_ = 	snop  }
0x90: {  	s2 =	sld [smem:$0x3FC9]  }
0x91: {  	s18 =	sld [smem:$0x3FD0];
	(tm) =	ssettm $0x1  }
0x92: {  	s4 =	sld [smem:$0x3FFB];
	_ =	sdelay $0x3  }
0x93: {  	_ =	strace s4  }
0x94: {  	s4 =	sld [smem:$0x3FFC];
	_ =	sdelay $0x3  }
0x95: {  	_ =	strace s4  }
0x96: {  	s4 =	sld [smem:$0x3FFD];
	_ =	sdelay $0x3  }
0x97: {  	_ =	strace s4  }
0x98: {  	_ =	strace $0x8FFFFFFF  }
0x99: {  	s19 =	sld [smem:$0x3FDB];
	_ =	sdelay $0x1  }
0x9a: {  	s5 =	simm.s32 $_scs_section_size  }
0x9b: {  	s6 =	simm.s32 $_size__tile_overlayer_lowered;
	s7 =	simm.s32 $_tile_overlayer_lowered  }
0x9c: {  	s22 =	simm.s32 $0x1BFF;
	s21 =	sshll.u32 s7, $0x1;
	s4 =	sadd.s32 s5, s19  }
0x9d: {  	s8 =	simm.s32 $0x0;
	s20 =	sshll.u32 s6, $0x1;
	s6 =	sadd.s32 s21, s4  }
0x9e: {  	[timem:s8], [sflag:s22] =	dma.local [hbm:s6], s20  }
0x9f: {  	_ =	swait.ge [sflag:s22], s20  }
0xa0: {  	s5 =	ssub.s32 $0x0, s20;
	[sflag:s22] =	ssyncset.done $0x0  }
0xa1: {  	[sflag:s22] =	ssyncadd.s32 s5;
	_ =	sdelay $0x1  }
0xa2: {  	s23 =	simm.s32 $0x1B8B  }
0xa3: {  	_ =	swait.ge [sflag:s23], $0x1  }
0xa4: {  	[sflag:s23] =	ssyncset.done $0x0  }
0xa5: {  	s25 =	simm.s32 $0x1B8E;
	s24 =	sld [smem:$0x3FFE];
	[sflag:s23] =	ssyncadd.s32 $0xFFFFFFFF  }
0xa6: {  	s26 =	simm.s32 $execute0_lowered;
	[smem:$0x3FD2] =	sst s25  }
0xa7: {  	s6 =	sshll.u32 s26, $0x1;
	_ =	strace $0x80000046;
	[dreg:$0x1] =	wrdreg $0xFFFFFFFF  }
0xa8: {  	s28 =	simm.s32 $_size_execute0_lowered;
	s4 =	sadd.s32 s4, s6;
	[dreg:$0x0] =	wrdreg $0x0  }
0xa9: {  	s6 =	sshll.u32 s28, $0x1;
	[dreg:$0x2] =	wrdreg s4  }
0xaa: {  	[dreg:$0x3] =	wrdreg s6  }
0xab: {  	[dreg:$0x4] =	wrdreg $0xC0  }
0xac: {  	_ =	task [dreg:s8], $0x5FFFF  }
0xad: {  	[dreg:$0x1] =	wrdreg $0xFFFFFFFF  }
0xae: {  	[dreg:$0x0] =	wrdreg $0x60  }
0xaf: {  	[dreg:$0x2] =	wrdreg s2  }
0xb0: {  	[dreg:$0x3] =	wrdreg s24  }
0xb1: {  	[dreg:$0x4] =	wrdreg s18  }
0xb2: {  	[dreg:$0x5] =	wrdreg $0x9  }
0xb3: {  	_ =	task.clear_ibuf [dreg:s8], $0x6FFFF;
	_ =	strace $0x90000046  }
0xb4: {  	s29 =	simm.s32 $0x9;
	_ =	strace $0x80000048  }
0xb5: {  	_ =	swait.ge [sflag:s29], $0x1  }
0xb6: {  	[sflag:s29] =	ssyncadd.s32 $0xFFFFFFFF  }
0xb7: {  	_ =	strace $0x90000048  }
0xb8: {  	_ =	sfence  }
0xb9: {  	s30 =	sld [smem:$0x0];
	_ =	sdelay $0x2  }
0xba: {  	s31 =	sshll.u32 s1, $0xD;
	s1 =	sshrl.u32 s1, $0x2  }
0xbb: {  	s3 =	sand.u32 $0x4000, s31;
	s1 =	sadd.s32 s1, s30  }
0xbc: {  	s0 =	sor.u32 s3, s0;
	s1 =	sshll.u32 s1, $0x11  }
0xbd: {  	s0 =	sor.u32 s1, s0  }
0xbe: {  	s0 =	sadd.s32 $0x8F2B, s0  }
0xbf: {  	[sflag:s0] =	ssyncadd.remote.s32 $0x1  }
0xc0: {  	_ =	sfence.sel $0xFFFF  }
0xc1: {  	[dreg:$0x0] =	wrdreg $0xFFFFFFFF;
	(pc) =	sbr.abs _section_cstart, $3  }
0xc2: {  	[dreg:$0x1] =	wrdreg $0xFFFFFFFF  }
0xc3: {  	_ =	task.clear_ibuf [dreg:s8], $0x2FFFF;
	_ =	strace $0x9FFFFFFF  }
0xc4: {  	(tm) =	ssettm $0x7FFFFFFF  }
0xc5: {  	_ =	shalt  }
tec
execute0_lowered:
.L_overlay_start_1:
0x0: {  	(tag) =	ssettag $0x1  }
0x1: {  	s0 =	rddreg [dreg:$0x0]  }
0x2: {  	s2 =	rddreg [dreg:$0x1]  }
0x3: {  	s1 =	rddreg [dreg:$0x2]  }
0x4: {  	s3 =	simm.s32 $0x0;
	s4 =	srdreg.scid;
	s6 =	stileid.u32  }
0x5: {  	s30 =	simm.s32 $0xD600;
	s17 =	simm.s32 $0xF600;
	s18 =	simm.s32 $0x13800  }
0x6: {  	s29 =	simm.s32 $0x3;
	s31 =	simm.s32 $0x15A00;
	s5 =	sand.u32 $0x1, s4  }
0x7: {  	[smem:$0x7FF] =	sst s3;
	s6 =	sshll.u32 s6, $0xB;
	s7 =	sshll.u32 s5, $0xA  }
0x8: {  	s4 =	sadd.s32 $0xC00, s2;
	s8 =	ssub.s32 $0x2, s5;
	s5 =	sor.u32 s7, s6  }
0x9: {  	s2 =	sadd.s32 $0x400, s2;
	_ =	strace $0x80000047;
	s6 =	sshrl.u32 s5, $0x3  }
0xa: {  	[dreg:$0x4] =	wrdreg s2;
	s20 =	sshrl.u32 s8, $0x1;
	s0 =	sadd.s32 s0, s6  }
0xb: {  	s2 =	ssub.s32 s8, s20;
	s21 =	sadd.s32 s1, s6;
	[dreg:$0x5] =	wrdreg s0  }
0xc: {  	s16 =	simm.s32 $0x5;
	s28 =	smax.u32 s2, $0x1;
	[dreg:$0x6] =	wrdreg s21  }
0xd: {  	s19 =	simm.s32 $0x6;
	s6 =	sadd.s32 $0x8000, s21;
	[dreg:$0xe] =	wrdreg s28  }
0xe: {  	s9 =	simm.s32 $0x7;
	s22 =	sadd.s32 $0x10000, s21;
	[dreg:$0x7] =	wrdreg s6  }
0xf: {  	s10 =	simm.s32 $0x8;
	s23 =	sadd.s32 $0x18000, s21;
	[dreg:$0x8] =	wrdreg s22  }
0x10: {  	s11 =	simm.s32 $0x0;
	s24 =	sadd.s32 $0x620000, s21;
	[dreg:$0x9] =	wrdreg s23  }
0x11: {  	s7 =	simm.s32 $0x17C00;
	s25 =	sadd.s32 $0x628000, s21;
	[dreg:$0xa] =	wrdreg s24  }
0x12: {  	v0 =	vlaneseq.u32;
	s20 =	simm.s32 $0x10600;
	s26 =	sadd.s32 $0x630000, s21;
	[dreg:$0xb] =	wrdreg s25  }
0x13: {  	v0 =	vmul.u32 $0x88, v0;
	s2 =	simm.s32 $0x2;
	s0 =	sadd.s32 $0x638000, s21;
	[dreg:$0xc] =	wrdreg s26  }
0x14: {  	s21 =	simm.s32 $0x40;
	[dreg:$0xd] =	wrdreg s0;
	s0 =	simm.s32 $0xE600  }
0x15: {  	v1 =	vadd.s32 $0x880, v0;
	v2 =	vadd.s32 $0x1100, v0;
	v3 =	vadd.s32 $0x1980, v0;
	s24 =	simm.s32 $0x1;
	s26 =	simm.s32 $0x11600;
	s6 =	simm.s32 $0x4  }
.LBB2_1:
0x16: {  	[dreg:$0xf] =	wrdreg s11  }
0x17: {  	s8 =	rddreg [dreg:$0x5]  }
0x18: {  	s22 =	simm.s32 $0x400;
	s12 =	simm.s32 $0x8000;
	s23 =	simm.s32 $0x9  }
0x19: {  	[tilespmem:s3], [sflag:$0x9] =	stream.strided.gather [hbm4b:s8+s22], $0x6400, s12, s22, $0x38;
	[tilespmem:$0x19E00] =	vst v63  }
0x1a: {  	_ =	swait.ge [sflag:s23], $0x6400  }
0x1b: {  	[sflag:s23] =	ssyncset.done $0x0  }
0x1c: {  	s28 =	simm.s32 $0x6400;
	s25 =	rddreg [dreg:$0x4];
	[sflag:s23] =	ssyncadd.s32 $0xFFFF9C00  }
0x1d: {  	[tilespmem:s28], [sflag:$0x9] =	stream.linear.gather [hbm4b:s25+s3], $0x3200, $0x38;
	[tilespmem:$0x19E00] =	vst v63  }
0x1e: {  	_ =	swait.ge [sflag:s23], $0x3200  }
0x1f: {  	[sflag:s23] =	ssyncset.done $0x0  }
0x20: {  	s12 =	simm.s32 $0x9600;
	[sflag:s23] =	ssyncadd.s32 $0xFFFFCE00  }
0x21: {  	[tilespmem:s12], [sflag:$0x1] =	stream.indirect.gather [hbm4b:s4+s21], $0x40, s3, s21, $0xb8;
	[tilespmem:$0x19E00] =	vst v63  }
0x22: {  	s13 =	simm.s32 $0xA600  }
0x23: {  	[tilespmem:s13], [sflag:$0x1] =	stream.indirect.gather [hbm4b:s4+s21], $0x40, s21, s21, $0xb8;
	[tilespmem:$0x19E00] =	vst v63  }
0x24: {  	s14 =	simm.s32 $0x80;
	s15 =	simm.s32 $0xB600  }
0x25: {  	[tilespmem:s15], [sflag:$0x2] =	stream.indirect.gather [hbm4b:s4+s21], $0x40, s14, s21, $0xb8;
	[tilespmem:$0x19E00] =	vst v63  }
0x26: {  	s22 =	simm.s32 $0xC0;
	s23 =	simm.s32 $0xC600  }
0x27: {  	[tilespmem:s23], [sflag:$0x2] =	stream.indirect.gather [hbm4b:s4+s21], $0x40, s22, s21, $0xb8;
	[tilespmem:$0x19E00] =	vst v63  }
0x28: {  	s25 =	simm.s32 $0x100  }
0x29: {  	[tilespmem:s30], [sflag:$0x3] =	stream.indirect.gather [hbm4b:s4+s21], $0x40, s25, s21, $0xb8;
	[tilespmem:$0x19E00] =	vst v63  }
0x2a: {  	s28 =	simm.s32 $0x140  }
0x2b: {  	[tilespmem:s0], [sflag:$0x3] =	stream.indirect.gather [hbm4b:s4+s21], $0x40, s28, s21, $0xb8;
	[tilespmem:$0x19E00] =	vst v63  }
0x2c: {  	s11 =	simm.s32 $0x180  }
0x2d: {  	[tilespmem:s17], [sflag:$0x4] =	stream.indirect.gather [hbm4b:s4+s21], $0x40, s11, s21, $0xb8;
	[tilespmem:$0x19E00] =	vst v63  }
0x2e: {  	s12 =	simm.s32 $0x1C0  }
0x2f: {  	[tilespmem:s20], [sflag:$0x4] =	stream.indirect.gather [hbm4b:s4+s21], $0x40, s12, s21, $0xb8;
	[tilespmem:$0x19E00] =	vst v63  }
0x30: {  	_ =	swait.ge [sflag:s24], $0x1000  }
0x31: {  	[sflag:s24] =	ssyncset.done $0x0  }
0x32: {  	[sflag:s24] =	ssyncadd.s32 $0xFFFFF000  }
0x33: {  	_ =	swait.ge [sflag:s24], $0x1000  }
0x34: {  	[sflag:s24] =	ssyncset.done $0x0  }
0x35: {  	[sflag:s24] =	ssyncadd.s32 $0xFFFFF000  }
0x36: {  	s8 =	simm.s32 $0x9680;
	s13 =	simm.s32 $0x3;
	v9 =	vld [tilespmem:$0x6400]  }
0x37: {  	v4 =	vmov s13;
	v7 =	vld [tilespmem:s8+$0x40]  }
0x38: {  	v13 =	vand.u32 $0x7F, v4  }
0x39: {  	v8 =	vadd.s32 v0, v13;
	v6 =	vld [tilespmem:$0x6410]  }
0x3a: {  	v4 =	vmov s3;
	s14 =	simm.s32 $0x1;
	s15 =	simm.s32 $0x2;
	v10 =	vld [tilespmem:s8+$0xFFFFFF80]  }
0x3b: {  	v12 =	vand.u32 $0x7C, v4;
	v4 =	vmov s14;
	v14 =	vmov s15;
	v11 =	vld [tilespmem:s8+$0xFFFFFFC0]  }
0x3c: {  	v15 =	vadd.s32 v0, v12;
	v19 =	vand.u32 $0x7D, v4;
	v16 =	vld [tilespmem:s8+$0x0];
	v7 =	vadd.f32 v7, v9  }
0x3d: {  	v20 =	vand.u32 $0x7E, v14;
	v17 =	vadd.s32 v0, v19;
	v5 =	vld [tilespmem:$0x6420]  }
0x3e: {  	v14 =	vadd.s32 v0, v20;
	v4 =	vld [tilespmem:$0x6430];
	[tilespmem:v8+s26+$0x0] =	vst.idx.msk $0xffff, v7  }
0x3f: {  	v7 =	vadd.f32 v10, v9;
	v8 =	vld [tilespmem:s8+$0x50]  }
0x40: {  	v10 =	vadd.f32 v11, v9  }
0x41: {  	v11 =	vadd.s32 v1, v13;
	[tilespmem:v15+s26+$0x0] =	vst.idx.msk $0xffff, v7;
	v7 =	vadd.f32 v16, v9  }
0x42: {  	[tilespmem:v17+s26+$0x0] =	vst.idx.msk $0xffff, v10;
	v15 =	vld [tilespmem:s8+$0xFFFFFF90]  }
0x43: {  	v10 =	vld [tilespmem:s8+$0xFFFFFFD0];
	[tilespmem:v14+s26+$0x0] =	vst.idx.msk $0xffff, v7  }
0x44: {  	v14 =	vld [tilespmem:s8+$0x10];
	v7 =	vadd.f32 v8, v6  }
0x45: {  	s13 =	simm.s32 $0x7;
	s11 =	simm.s32 $0x9780;
	v16 =	vadd.s32 v1, v19  }
0x46: {  	v26 =	vadd.s32 v2, v13;
	s22 =	simm.s32 $0x4;
	v18 =	vld [tilespmem:s11+$0x40];
	v17 =	vadd.s32 v1, v20;
	[tilespmem:v11+s26+$0x0] =	vst.idx.msk $0xffff, v7;
	v7 =	vmov s13  }
0x47: {  	v21 =	vadd.s32 v1, v12;
	v8 =	vmov s22;
	v7 =	vand.u32 $0x7F, v7;
	v22 =	vld [tilespmem:s8+$0x60]  }
0x48: {  	s23 =	simm.s32 $0x5;
	v23 =	vld [tilespmem:s11+$0xFFFFFF80];
	v8 =	vand.u32 $0x7C, v8;
	v10 =	vadd.f32 v10, v6;
	v24 =	vadd.s32 v0, v7  }
0x49: {  	s25 =	simm.s32 $0x6;
	v25 =	vld [tilespmem:s11+$0xFFFFFFC0];
	v15 =	vadd.f32 v15, v6;
	v11 =	vadd.f32 v14, v6;
	v14 =	vmov s23  }
0x4a: {  	v27 =	vadd.s32 v0, v8;
	[tilespmem:v16+s26+$0x0] =	vst.idx.msk $0xffff, v10;
	v16 =	vmov s25;
	v10 =	vand.u32 $0x7D, v14;
	v14 =	vld [tilespmem:s11+$0x0]  }
0x4b: {  	[tilespmem:v17+s26+$0x0] =	vst.idx.msk $0xffff, v11;
	v17 =	vadd.s32 v0, v10;
	v11 =	vand.u32 $0x7E, v16;
	v16 =	vadd.f32 v18, v9;
	v18 =	vld [tilespmem:s8+$0xFFFFFFE0]  }
0x4c: {  	[tilespmem:v21+s26+$0x0] =	vst.idx.msk $0xffff, v15;
	v15 =	vadd.s32 v0, v11;
	v21 =	vld [tilespmem:s8+$0x20];
	v22 =	vadd.f32 v22, v5  }
0x4d: {  	v23 =	vadd.f32 v23, v9;
	[tilespmem:v24+s26+$0x0] =	vst.idx.msk $0xffff, v16;
	v16 =	vld [tilespmem:s8+$0xFFFFFFA0];
	v24 =	vadd.s32 v2, v19  }
0x4e: {  	v29 =	vadd.s32 v2, v20;
	v25 =	vadd.f32 v25, v9;
	v28 =	vld [tilespmem:s11+$0x50];
	[tilespmem:v26+s26+$0x0] =	vst.idx.msk $0xffff, v22  }
0x4f: {  	[tilespmem:v27+s26+$0x0] =	vst.idx.msk $0xffff, v23;
	v23 =	vadd.s32 v2, v12;
	v14 =	vadd.f32 v14, v9;
	v26 =	vld [tilespmem:s8+$0x70]  }
0x50: {  	v27 =	vld [tilespmem:s11+$0xFFFFFF90];
	[tilespmem:v17+s26+$0x0] =	vst.idx.msk $0xffff, v25;
	v25 =	vadd.s32 v1, v7;
	v18 =	vadd.f32 v18, v5  }
0x51: {  	v31 =	vadd.s32 v3, v13;
	v30 =	vld [tilespmem:s11+$0xFFFFFFD0];
	[tilespmem:v15+s26+$0x0] =	vst.idx.msk $0xffff, v14;
	v14 =	vadd.f32 v21, v5  }
0x52: {  	v22 =	vadd.s32 v1, v8;
	v17 =	vld [tilespmem:s11+$0x10];
	v13 =	vadd.f32 v16, v5;
	[tilespmem:v24+s26+$0x0] =	vst.idx.msk $0xffff, v18  }
0x53: {  	s12 =	simm.s32 $0x8;
	v21 =	vadd.s32 v1, v10;
	[tilespmem:v29+s26+$0x0] =	vst.idx.msk $0xffff, v14;
	v18 =	vadd.f32 v28, v6;
	v16 =	vld [tilespmem:s8+$0xFFFFFFF0]  }
0x54: {  	v24 =	vmov s12;
	v14 =	vadd.s32 v1, v11;
	v15 =	vld [tilespmem:s8+$0x30];
	[tilespmem:v23+s26+$0x0] =	vst.idx.msk $0xffff, v13;
	v63 =	vadd.f32 v26, v4  }
0x55: {  	s28 =	simm.s32 $0xB;
	v19 =	vadd.s32 v3, v19;
	v13 =	vand.u32 $0x7C, v24;
	v24 =	vadd.f32 v27, v6;
	[tilespmem:v25+s26+$0x0] =	vst.idx.msk $0xffff, v18;
	v18 =	vld [tilespmem:s8+$0xFFFFFFB0];
	s8 =	simm.s32 $0x9880  }
0x56: {  	v20 =	vadd.s32 v3, v20;
	s13 =	simm.s32 $0xC;
	v26 =	vmov s28;
	v25 =	vadd.f32 v30, v6;
	v23 =	vld [tilespmem:s8+$0x40];
	[tilespmem:v31+s26+$0x0] =	vst.idx.msk $0xffff, v63  }
.LBB2_2:
0x57: {  	p0 =	slt.u32 s13, $0x7C;
	s14 =	sadd.s32 $0x1, s12;
	v26 =	vand.u32 $0x7F, v26;
	[tilespmem:v22+s26+$0x0] =	vst.idx.msk $0xffff, v24;
	v17 =	vadd.f32 v17, v6;
	v22 =	vld [tilespmem:s11+$0x60];
	v24 =	vadd.s32 v3, v12  }
0x58: {  	v30 =	vmovc v11;
	v27 =	vld [tilespmem:s8+$0xFFFFFF80];
	v28 =	vmov s14;
	s14 =	sadd.s32 $0x2, s12;
	v29 =	vadd.s32 v0, v26;
	[tilespmem:v21+s26+$0x0] =	vst.idx.msk $0xffff, v25;
	v16 =	vadd.f32 v16, v4;
	s12 =	smov.u32 s13  }
0x59: {  	v12 =	vmovc v8;
	v21 =	vld [tilespmem:s8+$0xFFFFFFC0];
	v11 =	vmov s14;
	[tilespmem:v14+s26+$0x0] =	vst.idx.msk $0xffff, v17;
	v14 =	vadd.s32 v2, v7;
	v15 =	vadd.f32 v15, v4  }
0x5a: {  	v17 =	vadd.s32 v0, v13;
	v28 =	vand.u32 $0x7D, v28;
	v25 =	vld [tilespmem:s8+$0x0];
	v31 =	vadd.f32 v18, v4;
	[tilespmem:v19+s26+$0x0] =	vst.idx.msk $0xffff, v16  }
0x5b: {  	v16 =	vadd.s32 v0, v28;
	v11 =	vand.u32 $0x7E, v11;
	v18 =	vadd.f32 v23, v9;
	v19 =	vld [tilespmem:s11+$0xFFFFFFE0];
	[tilespmem:v20+s26+$0x0] =	vst.idx.msk $0xffff, v15  }
0x5c: {  	v8 =	vmov v13;
	v15 =	vadd.s32 v0, v11;
	v20 =	vld [tilespmem:s11+$0x20];
	v22 =	vadd.f32 v22, v5;
	[tilespmem:v24+s26+$0x0] =	vst.idx.msk $0xffff, v31  }
0x5d: {  	v23 =	vadd.s32 v2, v10;
	v13 =	vadd.f32 v27, v9;
	[tilespmem:v29+s26+$0x0] =	vst.idx.msk $0xffff, v18;
	v18 =	vld [tilespmem:s11+$0xFFFFFFA0]  }
0x5e: {  	v27 =	vadd.s32 v2, v30;
	v21 =	vadd.f32 v21, v9;
	v24 =	vld [tilespmem:s8+$0x50];
	[tilespmem:v14+s26+$0x0] =	vst.idx.msk $0xffff, v22  }
0x5f: {  	[tilespmem:v17+s26+$0x0] =	vst.idx.msk $0xffff, v13;
	v13 =	vadd.f32 v25, v9;
	v25 =	vadd.s32 v2, v12;
	v29 =	vld [tilespmem:s11+$0x70]  }
0x60: {  	v32 =	vadd.s32 v1, v26;
	v31 =	vld [tilespmem:s8+$0xFFFFFF90];
	[tilespmem:v16+s26+$0x0] =	vst.idx.msk $0xffff, v21;
	v14 =	vadd.f32 v19, v5  }
0x61: {  	v34 =	vadd.s32 v3, v7;
	v7 =	vmov v26;
	v33 =	vld [tilespmem:s8+$0xFFFFFFD0];
	[tilespmem:v15+s26+$0x0] =	vst.idx.msk $0xffff, v13;
	v13 =	vadd.f32 v20, v5  }
.Ltmp0:
0x62: {  	v22 =	vadd.s32 v1, v8;
	v17 =	vld [tilespmem:s8+$0x10];
	v15 =	vadd.f32 v18, v5;
	[tilespmem:v23+s26+$0x0] =	vst.idx.msk $0xffff, v14;
	(pc) =	sbr.rel @p0 .LBB2_2-.Ltmp0, $4  }
0x63: {  	v21 =	vadd.s32 v1, v28;
	v18 =	vadd.f32 v24, v6;
	v16 =	vld [tilespmem:s11+$0xFFFFFFF0];
	[tilespmem:v27+s26+$0x0] =	vst.idx.msk $0xffff, v13  }
0x64: {  	v14 =	vadd.s32 v1, v11;
	v13 =	vmov s13;
	[tilespmem:v25+s26+$0x0] =	vst.idx.msk $0xffff, v15;
	v15 =	vld [tilespmem:s11+$0x30];
	v27 =	vadd.f32 v29, v4  }
0x65: {  	s14 =	sadd.s32 $0x3, s13;
	v19 =	vadd.s32 v3, v10;
	v13 =	vand.u32 $0x7C, v13;
	v24 =	vadd.f32 v31, v6;
	[tilespmem:v32+s26+$0x0] =	vst.idx.msk $0xffff, v18;
	v18 =	vld [tilespmem:s11+$0xFFFFFFB0];
	s11 =	smov.u32 s8;
	s8 =	sadd.s32 $0x100, s8  }
0x66: {  	v26 =	vmov s14;
	v10 =	vmovc v28;
	v20 =	vadd.s32 v3, v30;
	s13 =	sadd.s32 $0x4, s13;
	v23 =	vld [tilespmem:s8+$0x40];
	v25 =	vadd.f32 v33, v6;
	[tilespmem:v34+s26+$0x0] =	vst.idx.msk $0xffff, v27  }
0x67: {  	s13 =	sadd.s32 $0x1, s12  }
0x68: {  	v26 =	vand.u32 $0x7F, v26;
	v28 =	vld [tilespmem:s8+$0xFFFFFFC0];
	v27 =	vmov s13;
	s13 =	sadd.s32 $0x2, s12  }
0x69: {  	v31 =	vld [tilespmem:s8+$0x0];
	v29 =	vadd.s32 v0, v26;
	v30 =	vmov s13;
	v27 =	vand.u32 $0x7D, v27  }
0x6a: {  	v32 =	vld [tilespmem:s8+$0xFFFFFF80];
	v33 =	vadd.s32 v0, v27;
	v30 =	vand.u32 $0x7E, v30  }
0x6b: {  	v34 =	vadd.s32 v0, v30  }
0x6c: {  	[tilespmem:v22+s26+$0x0] =	vst.idx.msk $0xffff, v24;
	v44 =	vadd.s32 v0, v13;
	v23 =	vadd.f32 v23, v9  }
0x6d: {  	[tilespmem:v21+s26+$0x0] =	vst.idx.msk $0xffff, v25;
	v45 =	vadd.f32 v28, v9  }
0x6e: {  	v46 =	vadd.f32 v31, v9;
	[tilespmem:v29+s26+$0x0] =	vst.idx.msk $0xffff, v23  }
0x6f: {  	v47 =	vadd.f32 v32, v9;
	v48 =	vld [tilespmem:s8+$0x50];
	[tilespmem:v33+s26+$0x0] =	vst.idx.msk $0xffff, v45  }
0x70: {  	v17 =	vadd.f32 v17, v6;
	v12 =	vadd.s32 v3, v12;
	v21 =	vld [tilespmem:s8+$0xFFFFFFD0];
	[tilespmem:v34+s26+$0x0] =	vst.idx.msk $0xffff, v46  }
0x71: {  	v16 =	vadd.f32 v16, v4;
	v49 =	vadd.s32 v1, v26;
	[tilespmem:v44+s26+$0x0] =	vst.idx.msk $0xffff, v47;
	v50 =	vld [tilespmem:s8+$0x10]  }
0x72: {  	[tilespmem:v14+s26+$0x0] =	vst.idx.msk $0xffff, v17;
	v51 =	vadd.f32 v15, v4;
	v53 =	vadd.s32 v1, v27;
	v52 =	vld [tilespmem:s8+$0xFFFFFF90]  }
0x73: {  	v54 =	vld [tilespmem:s11+$0x60];
	v18 =	vadd.f32 v18, v4;
	[tilespmem:v19+s26+$0x0] =	vst.idx.msk $0xffff, v16;
	v55 =	vadd.s32 v1, v30  }
0x74: {  	v57 =	vadd.s32 v1, v13;
	v60 =	vld [tilespmem:s11+$0x20];
	[tilespmem:v20+s26+$0x0] =	vst.idx.msk $0xffff, v51;
	v58 =	vadd.f32 v48, v6  }
0x75: {  	v59 =	vadd.s32 v2, v7;
	v56 =	vld [tilespmem:s11+$0xFFFFFFE0];
	[tilespmem:v12+s26+$0x0] =	vst.idx.msk $0xffff, v18;
	v61 =	vadd.f32 v21, v6  }
0x76: {  	v62 =	vld [tilespmem:s11+$0xFFFFFFA0];
	v29 =	vadd.s32 v2, v11;
	[tilespmem:v49+s26+$0x0] =	vst.idx.msk $0xffff, v58;
	v28 =	vadd.f32 v50, v6  }
0x77: {  	v63 =	vadd.s32 v2, v10;
	v31 =	vadd.f32 v52, v6;
	v32 =	vld [tilespmem:s8+$0x60];
	[tilespmem:v53+s26+$0x0] =	vst.idx.msk $0xffff, v61  }
0x78: {  	v33 =	vadd.f32 v54, v5;
	v34 =	vadd.s32 v2, v8;
	[tilespmem:v55+s26+$0x0] =	vst.idx.msk $0xffff, v28;
	v35 =	vld [tilespmem:s8+$0xFFFFFFE0]  }
0x79: {  	v37 =	vadd.s32 v2, v26;
	v39 =	vadd.f32 v60, v5;
	[tilespmem:v57+s26+$0x0] =	vst.idx.msk $0xffff, v31;
	v38 =	vld [tilespmem:s8+$0x20]  }
0x7a: {  	v41 =	vadd.s32 v2, v27;
	v36 =	vadd.f32 v56, v5;
	[tilespmem:v59+s26+$0x0] =	vst.idx.msk $0xffff, v33;
	v40 =	vld [tilespmem:s8+$0xFFFFFFA0]  }
0x7b: {  	v43 =	vadd.s32 v2, v30;
	v18 =	vadd.f32 v62, v5;
	v42 =	vld [tilespmem:s11+$0x70];
	[tilespmem:v29+s26+$0x0] =	vst.idx.msk $0xffff, v39  }
0x7c: {  	v45 =	vadd.s32 v2, v13;
	[tilespmem:v63+s26+$0x0] =	vst.idx.msk $0xffff, v36;
	v47 =	vld [tilespmem:s11+$0x30];
	v44 =	vadd.f32 v32, v5  }
0x7d: {  	v46 =	vadd.s32 v3, v7;
	v21 =	vld [tilespmem:s11+$0xFFFFFFF0];
	[tilespmem:v34+s26+$0x0] =	vst.idx.msk $0xffff, v18;
	v9 =	vadd.f32 v35, v5  }
0x7e: {  	v18 =	vld [tilespmem:s11+$0xFFFFFFB0];
	v50 =	vadd.s32 v3, v11;
	[tilespmem:v37+s26+$0x0] =	vst.idx.msk $0xffff, v44;
	v49 =	vadd.f32 v38, v5  }
0x7f: {  	v48 =	vadd.s32 v3, v10;
	v12 =	vld [tilespmem:s8+$0x70];
	v5 =	vadd.f32 v40, v5;
	[tilespmem:v41+s26+$0x0] =	vst.idx.msk $0xffff, v9  }
0x80: {  	v52 =	vadd.s32 v3, v8;
	v51 =	vadd.f32 v42, v4;
	v53 =	vld [tilespmem:s8+$0xFFFFFFF0];
	[tilespmem:v43+s26+$0x0] =	vst.idx.msk $0xffff, v49  }
0x81: {  	v55 =	vadd.s32 v3, v26;
	v56 =	vadd.f32 v47, v4;
	[tilespmem:v45+s26+$0x0] =	vst.idx.msk $0xffff, v5;
	v5 =	vld [tilespmem:s8+$0x30]  }
0x82: {  	v58 =	vadd.s32 v3, v27;
	[tilespmem:v46+s26+$0x0] =	vst.idx.msk $0xffff, v51;
	v54 =	vadd.f32 v21, v4;
	v57 =	vld [tilespmem:s8+$0xFFFFFFB0]  }
0x83: {  	v60 =	vadd.s32 v3, v30;
	v59 =	vadd.f32 v18, v4;
	[tilespmem:v50+s26+$0x0] =	vst.idx.msk $0xffff, v56  }
0x84: {  	v62 =	vadd.s32 v3, v13;
	[tilespmem:v48+s26+$0x0] =	vst.idx.msk $0xffff, v54;
	v61 =	vadd.f32 v12, v4  }
0x85: {  	[tilespmem:v52+s26+$0x0] =	vst.idx.msk $0xffff, v59;
	v63 =	vadd.f32 v53, v4  }
0x86: {  	[tilespmem:v55+s26+$0x0] =	vst.idx.msk $0xffff, v61;
	v5 =	vadd.f32 v5, v4  }
0x87: {  	v4 =	vadd.f32 v57, v4;
	[tilespmem:v58+s26+$0x0] =	vst.idx.msk $0xffff, v63  }
0x88: {  	[tilespmem:v60+s26+$0x0] =	vst.idx.msk $0xffff, v5  }
0x89: {  	[tilespmem:v62+s26+$0x0] =	vst.idx.msk $0xffff, v4  }
0x8a: {  	s14 =	simm.s32 $0x11600;
	s15 =	rddreg [dreg:$0x6]  }
0x8b: {  	[hbm4b:s15+s3] =	stream.linear.scatter [tilespmem:s14], [sflag:$0x5], $0x80, $0x38;
	[tilespmem:$0x19E00] =	vst v63  }
0x8c: {  	s22 =	simm.s32 $0x11688;
	s23 =	sadd.s32 $0x10, s15  }
0x8d: {  	[hbm4b:s23+s3] =	stream.linear.scatter [tilespmem:s22], [sflag:$0x5], $0x80, $0x38;
	[tilespmem:$0x19E00] =	vst v63  }
0x8e: {  	s25 =	simm.s32 $0x11710;
	s13 =	simm.s32 $0x11820;
	s28 =	sadd.s32 $0x20, s15  }
0x8f: {  	[hbm4b:s28+s3] =	stream.linear.scatter [tilespmem:s25], [sflag:$0x5], $0x80, $0x38;
	[tilespmem:$0x19E00] =	vst v63  }
0x90: {  	s11 =	simm.s32 $0x11798;
	s8 =	simm.s32 $0x440;
	s12 =	sadd.s32 $0x30, s15  }
0x91: {  	[hbm4b:s12+s3] =	stream.linear.scatter [tilespmem:s11], [sflag:$0x5], $0x80, $0x38;
	[tilespmem:$0x19E00] =	vst v63  }
0x92: {  	s14 =	sadd.s32 $0x40, s15;
	s22 =	simm.s32 $0x118A8;
	s23 =	sadd.s32 $0x50, s15  }
0x93: {  	[hbm4b:s14+s3] =	stream.linear.scatter [tilespmem:s13], [sflag:$0x5], $0x80, $0x38;
	[tilespmem:$0x19E00] =	vst v63  }
0x94: {  	s25 =	simm.s32 $0x11930;
	s28 =	sadd.s32 $0x60, s15;
	s12 =	simm.s32 $0x2200  }
0x95: {  	[hbm4b:s23+s3] =	stream.linear.scatter [tilespmem:s22], [sflag:$0x5], $0x80, $0x38;
	[tilespmem:$0x19E00] =	vst v63  }
0x96: {  	s11 =	sadd.s32 $0x1000, s15;
	s13 =	simm.s32 $0x119B8;
	s14 =	sadd.s32 $0x70, s15  }
0x97: {  	[hbm4b:s28+s3] =	stream.linear.scatter [tilespmem:s25], [sflag:$0x5], $0x80, $0x38;
	[tilespmem:$0x19E00] =	vst v63  }
.LBB2_4:
0x98: {  	[hbm4b:s14+s3] =	stream.linear.scatter [tilespmem:s13], [sflag:$0x5], $0x80, $0x38;
	[tilespmem:$0x19E00] =	vst v63  }
0x99: {  	s13 =	smov.u32 s8;
	s8 =	smov.u32 s12  }
0x9a: {  	s15 =	sadd.s32 $0x1100, s12;
	s8 =	sshra.s32 s8, $0x2;
	s14 =	sadd.s32 $0x11600, s13  }
0x9b: {  	[hbm4b:s11+s3] =	stream.linear.scatter [tilespmem:s14], [sflag:$0x5], $0x80, $0x38;
	[tilespmem:$0x19E00] =	vst v63  }
0x9c: {  	p0 =	sne.s32 s12, $0x7700;
	s12 =	sadd.s32 $0x11688, s13;
	s14 =	sadd.s32 $0x10, s11  }
0x9d: {  	[hbm4b:s14+s3] =	stream.linear.scatter [tilespmem:s12], [sflag:$0x5], $0x80, $0x38;
	[tilespmem:$0x19E00] =	vst v63  }
0x9e: {  	s12 =	sadd.s32 $0x11710, s13;
	s14 =	sadd.s32 $0x20, s11  }
0x9f: {  	[hbm4b:s14+s3] =	stream.linear.scatter [tilespmem:s12], [sflag:$0x5], $0x80, $0x38;
	[tilespmem:$0x19E00] =	vst v63  }
0xa0: {  	s12 =	sadd.s32 $0x11798, s13;
	s14 =	sadd.s32 $0x30, s11  }
0xa1: {  	[hbm4b:s14+s3] =	stream.linear.scatter [tilespmem:s12], [sflag:$0x5], $0x80, $0x38;
	[tilespmem:$0x19E00] =	vst v63  }
0xa2: {  	s12 =	sadd.s32 $0x11820, s13;
	s14 =	sadd.s32 $0x40, s11  }
0xa3: {  	[hbm4b:s14+s3] =	stream.linear.scatter [tilespmem:s12], [sflag:$0x5], $0x80, $0x38;
	[tilespmem:$0x19E00] =	vst v63  }
.Ltmp1:
0xa4: {  	s12 =	sadd.s32 $0x118A8, s13;
	s14 =	sadd.s32 $0x50, s11;
	(pc) =	sbr.rel @p0 .LBB2_4-.Ltmp1, $4  }
0xa5: {  	[hbm4b:s14+s3] =	stream.linear.scatter [tilespmem:s12], [sflag:$0x5], $0x80, $0x38;
	[tilespmem:$0x19E00] =	vst v63  }
0xa6: {  	s12 =	sadd.s32 $0x11930, s13;
	s14 =	sadd.s32 $0x60, s11;
	s13 =	sadd.s32 $0x119B8, s13  }
0xa7: {  	[hbm4b:s14+s3] =	stream.linear.scatter [tilespmem:s12], [sflag:$0x5], $0x80, $0x38;
	[tilespmem:$0x19E00] =	vst v63  }
0xa8: {  	s14 =	sadd.s32 $0x70, s11;
	s11 =	sadd.s32 $0x1000, s11;
	s12 =	smov.u32 s15  }
0xa9: {  	[hbm4b:s14+s3] =	stream.linear.scatter [tilespmem:s13], [sflag:$0x5], $0x80, $0x38;
	[tilespmem:$0x19E00] =	vst v63  }
0xaa: {  	s12 =	sadd.s32 $0x11600, s8  }
0xab: {  	[hbm4b:s11+s3] =	stream.linear.scatter [tilespmem:s12], [sflag:$0x5], $0x80, $0x38;
	[tilespmem:$0x19E00] =	vst v63  }
0xac: {  	s14 =	sadd.s32 $0x11688, s8;
	s15 =	sadd.s32 $0x10, s11  }
0xad: {  	[hbm4b:s15+s3] =	stream.linear.scatter [tilespmem:s14], [sflag:$0x5], $0x80, $0x38;
	[tilespmem:$0x19E00] =	vst v63  }
0xae: {  	s22 =	sadd.s32 $0x11710, s8;
	s23 =	sadd.s32 $0x20, s11  }
0xaf: {  	[hbm4b:s23+s3] =	stream.linear.scatter [tilespmem:s22], [sflag:$0x5], $0x80, $0x38;
	[tilespmem:$0x19E00] =	vst v63  }
0xb0: {  	s25 =	sadd.s32 $0x11798, s8;
	s28 =	sadd.s32 $0x30, s11  }
0xb1: {  	[hbm4b:s28+s3] =	stream.linear.scatter [tilespmem:s25], [sflag:$0x5], $0x80, $0x38;
	[tilespmem:$0x19E00] =	vst v63  }
0xb2: {  	s14 =	sadd.s32 $0x11820, s8;
	s15 =	sadd.s32 $0x40, s11  }
0xb3: {  	[hbm4b:s15+s3] =	stream.linear.scatter [tilespmem:s14], [sflag:$0x5], $0x80, $0x38;
	[tilespmem:$0x19E00] =	vst v63  }
0xb4: {  	s22 =	sadd.s32 $0x118A8, s8;
	s23 =	sadd.s32 $0x50, s11  }
0xb5: {  	[hbm4b:s23+s3] =	stream.linear.scatter [tilespmem:s22], [sflag:$0x5], $0x80, $0x38;
	[tilespmem:$0x19E00] =	vst v63  }
0xb6: {  	s25 =	sadd.s32 $0x11930, s8;
	s28 =	sadd.s32 $0x60, s11  }
0xb7: {  	[hbm4b:s28+s3] =	stream.linear.scatter [tilespmem:s25], [sflag:$0x5], $0x80, $0x38;
	[tilespmem:$0x19E00] =	vst v63  }
0xb8: {  	s13 =	sadd.s32 $0x119B8, s8;
	s14 =	sadd.s32 $0x70, s11  }
0xb9: {  	[hbm4b:s14+s3] =	stream.linear.scatter [tilespmem:s13], [sflag:$0x5], $0x80, $0x38;
	[tilespmem:$0x19E00] =	vst v63  }
0xba: {  	s15 =	simm.s32 $0x9600;
	s22 =	simm.s32 $0x200  }
0xbb: {  	[tilespmem:s15], [sflag:$0x1] =	stream.indirect.gather [hbm4b:s4+s21], $0x40, s22, s21, $0xb8;
	[tilespmem:$0x19E00] =	vst v63  }
0xbc: {  	s23 =	simm.s32 $0xA600;
	s25 =	simm.s32 $0x240  }
0xbd: {  	[tilespmem:s23], [sflag:$0x1] =	stream.indirect.gather [hbm4b:s4+s21], $0x40, s25, s21, $0xb8;
	[tilespmem:$0x19E00] =	vst v63  }
0xbe: {  	_ =	swait.ge [sflag:s2], $0x1000  }
0xbf: {  	[sflag:s2] =	ssyncset.done $0x0  }
0xc0: {  	[sflag:s2] =	ssyncadd.s32 $0xFFFFF000  }
0xc1: {  	_ =	swait.ge [sflag:s2], $0x1000  }
0xc2: {  	[sflag:s2] =	ssyncset.done $0x0  }
0xc3: {  	[sflag:s2] =	ssyncadd.s32 $0xFFFFF000  }
0xc4: {  	s28 =	simm.s32 $0x3;
	s13 =	simm.s32 $0xB680;
	v9 =	vld [tilespmem:$0x6440]  }
0xc5: {  	v4 =	vmov s28;
	v7 =	vld [tilespmem:s13+$0x40]  }
0xc6: {  	v13 =	vand.u32 $0x7F, v4  }
0xc7: {  	s11 =	simm.s32 $0x0;
	v8 =	vadd.s32 v0, v13;
	v6 =	vld [tilespmem:$0x6450]  }
0xc8: {  	s12 =	simm.s32 $0x1;
	v4 =	vmov s11;
	s14 =	simm.s32 $0x2;
	v10 =	vld [tilespmem:s13+$0xFFFFFF80]  }
0xc9: {  	v12 =	vand.u32 $0x7C, v4;
	v4 =	vmov s12;
	v14 =	vmov s14;
	v11 =	vld [tilespmem:s13+$0xFFFFFFC0]  }
0xca: {  	v15 =	vadd.s32 v0, v12;
	v19 =	vand.u32 $0x7D, v4;
	v16 =	vld [tilespmem:s13+$0x0];
	v7 =	vadd.f32 v7, v9  }
0xcb: {  	v20 =	vand.u32 $0x7E, v14;
	v17 =	vadd.s32 v0, v19;
	v5 =	vld [tilespmem:$0x6460]  }
0xcc: {  	v14 =	vadd.s32 v0, v20;
	v4 =	vld [tilespmem:$0x6470];
	[tilespmem:v8+s18+$0x0] =	vst.idx.msk $0xffff, v7  }
0xcd: {  	v7 =	vadd.f32 v10, v9;
	v8 =	vld [tilespmem:s13+$0x50]  }
0xce: {  	v10 =	vadd.f32 v11, v9  }
0xcf: {  	v11 =	vadd.s32 v1, v13;
	[tilespmem:v15+s18+$0x0] =	vst.idx.msk $0xffff, v7;
	v7 =	vadd.f32 v16, v9  }
0xd0: {  	[tilespmem:v17+s18+$0x0] =	vst.idx.msk $0xffff, v10;
	v15 =	vld [tilespmem:s13+$0xFFFFFF90]  }
0xd1: {  	v10 =	vld [tilespmem:s13+$0xFFFFFFD0];
	[tilespmem:v14+s18+$0x0] =	vst.idx.msk $0xffff, v7  }
0xd2: {  	v14 =	vld [tilespmem:s13+$0x10];
	v7 =	vadd.f32 v8, v6  }
0xd3: {  	s11 =	simm.s32 $0xB780;
	s22 =	simm.s32 $0x7;
	v16 =	vadd.s32 v1, v19  }
0xd4: {  	v26 =	vadd.s32 v2, v13;
	s15 =	simm.s32 $0x4;
	v18 =	vld [tilespmem:s11+$0x40];
	v17 =	vadd.s32 v1, v20;
	[tilespmem:v11+s18+$0x0] =	vst.idx.msk $0xffff, v7;
	v7 =	vmov s22  }
0xd5: {  	v21 =	vadd.s32 v1, v12;
	v8 =	vmov s15;
	v7 =	vand.u32 $0x7F, v7;
	v22 =	vld [tilespmem:s13+$0x60]  }
0xd6: {  	s23 =	simm.s32 $0x5;
	v23 =	vld [tilespmem:s11+$0xFFFFFF80];
	v8 =	vand.u32 $0x7C, v8;
	v10 =	vadd.f32 v10, v6;
	v24 =	vadd.s32 v0, v7  }
0xd7: {  	s25 =	simm.s32 $0x6;
	v25 =	vld [tilespmem:s11+$0xFFFFFFC0];
	v15 =	vadd.f32 v15, v6;
	v11 =	vadd.f32 v14, v6;
	v14 =	vmov s23  }
0xd8: {  	v27 =	vadd.s32 v0, v8;
	[tilespmem:v16+s18+$0x0] =	vst.idx.msk $0xffff, v10;
	v16 =	vmov s25;
	v10 =	vand.u32 $0x7D, v14;
	v14 =	vld [tilespmem:s11+$0x0]  }
0xd9: {  	[tilespmem:v17+s18+$0x0] =	vst.idx.msk $0xffff, v11;
	v17 =	vadd.s32 v0, v10;
	v11 =	vand.u32 $0x7E, v16;
	v16 =	vadd.f32 v18, v9;
	v18 =	vld [tilespmem:s13+$0xFFFFFFE0]  }
0xda: {  	[tilespmem:v21+s18+$0x0] =	vst.idx.msk $0xffff, v15;
	v15 =	vadd.s32 v0, v11;
	v21 =	vld [tilespmem:s13+$0x20];
	v22 =	vadd.f32 v22, v5  }
0xdb: {  	v23 =	vadd.f32 v23, v9;
	[tilespmem:v24+s18+$0x0] =	vst.idx.msk $0xffff, v16;
	v16 =	vld [tilespmem:s13+$0xFFFFFFA0];
	v24 =	vadd.s32 v2, v19  }
0xdc: {  	v29 =	vadd.s32 v2, v20;
	v25 =	vadd.f32 v25, v9;
	v28 =	vld [tilespmem:s11+$0x50];
	[tilespmem:v26+s18+$0x0] =	vst.idx.msk $0xffff, v22  }
0xdd: {  	[tilespmem:v27+s18+$0x0] =	vst.idx.msk $0xffff, v23;
	v23 =	vadd.s32 v2, v12;
	v14 =	vadd.f32 v14, v9;
	v26 =	vld [tilespmem:s13+$0x70]  }
0xde: {  	v27 =	vld [tilespmem:s11+$0xFFFFFF90];
	[tilespmem:v17+s18+$0x0] =	vst.idx.msk $0xffff, v25;
	v25 =	vadd.s32 v1, v7;
	v18 =	vadd.f32 v18, v5  }
0xdf: {  	v31 =	vadd.s32 v3, v13;
	v30 =	vld [tilespmem:s11+$0xFFFFFFD0];
	[tilespmem:v15+s18+$0x0] =	vst.idx.msk $0xffff, v14;
	v14 =	vadd.f32 v21, v5  }
0xe0: {  	v22 =	vadd.s32 v1, v8;
	v17 =	vld [tilespmem:s11+$0x10];
	v13 =	vadd.f32 v16, v5;
	[tilespmem:v24+s18+$0x0] =	vst.idx.msk $0xffff, v18  }
0xe1: {  	s12 =	simm.s32 $0x8;
	v21 =	vadd.s32 v1, v10;
	[tilespmem:v29+s18+$0x0] =	vst.idx.msk $0xffff, v14;
	v18 =	vadd.f32 v28, v6;
	v16 =	vld [tilespmem:s13+$0xFFFFFFF0]  }
0xe2: {  	v24 =	vmov s12;
	v14 =	vadd.s32 v1, v11;
	v15 =	vld [tilespmem:s13+$0x30];
	[tilespmem:v23+s18+$0x0] =	vst.idx.msk $0xffff, v13;
	v63 =	vadd.f32 v26, v4  }
0xe3: {  	s8 =	simm.s32 $0xB880;
	s28 =	simm.s32 $0xB;
	v19 =	vadd.s32 v3, v19;
	v13 =	vand.u32 $0x7C, v24;
	v24 =	vadd.f32 v27, v6;
	[tilespmem:v25+s18+$0x0] =	vst.idx.msk $0xffff, v18;
	v18 =	vld [tilespmem:s13+$0xFFFFFFB0]  }
0xe4: {  	v20 =	vadd.s32 v3, v20;
	v26 =	vmov s28;
	v23 =	vld [tilespmem:s8+$0x40];
	s13 =	simm.s32 $0xC;
	v25 =	vadd.f32 v30, v6;
	[tilespmem:v31+s18+$0x0] =	vst.idx.msk $0xffff, v63  }
.LBB2_6:
0xe5: {  	p0 =	slt.u32 s13, $0x7C;
	s14 =	sadd.s32 $0x1, s12;
	v26 =	vand.u32 $0x7F, v26;
	[tilespmem:v22+s18+$0x0] =	vst.idx.msk $0xffff, v24;
	v17 =	vadd.f32 v17, v6;
	v22 =	vld [tilespmem:s11+$0x60];
	v24 =	vadd.s32 v3, v12  }
0xe6: {  	v30 =	vmovc v11;
	v27 =	vld [tilespmem:s8+$0xFFFFFF80];
	v28 =	vmov s14;
	s14 =	sadd.s32 $0x2, s12;
	v29 =	vadd.s32 v0, v26;
	[tilespmem:v21+s18+$0x0] =	vst.idx.msk $0xffff, v25;
	v16 =	vadd.f32 v16, v4;
	s12 =	smov.u32 s13  }
0xe7: {  	v12 =	vmovc v8;
	v21 =	vld [tilespmem:s8+$0xFFFFFFC0];
	v11 =	vmov s14;
	[tilespmem:v14+s18+$0x0] =	vst.idx.msk $0xffff, v17;
	v14 =	vadd.s32 v2, v7;
	v15 =	vadd.f32 v15, v4  }
0xe8: {  	v17 =	vadd.s32 v0, v13;
	v28 =	vand.u32 $0x7D, v28;
	v25 =	vld [tilespmem:s8+$0x0];
	v31 =	vadd.f32 v18, v4;
	[tilespmem:v19+s18+$0x0] =	vst.idx.msk $0xffff, v16  }
0xe9: {  	v16 =	vadd.s32 v0, v28;
	v11 =	vand.u32 $0x7E, v11;
	v18 =	vadd.f32 v23, v9;
	v19 =	vld [tilespmem:s11+$0xFFFFFFE0];
	[tilespmem:v20+s18+$0x0] =	vst.idx.msk $0xffff, v15  }
0xea: {  	v8 =	vmov v13;
	v15 =	vadd.s32 v0, v11;
	v20 =	vld [tilespmem:s11+$0x20];
	v22 =	vadd.f32 v22, v5;
	[tilespmem:v24+s18+$0x0] =	vst.idx.msk $0xffff, v31  }
0xeb: {  	v23 =	vadd.s32 v2, v10;
	v13 =	vadd.f32 v27, v9;
	[tilespmem:v29+s18+$0x0] =	vst.idx.msk $0xffff, v18;
	v18 =	vld [tilespmem:s11+$0xFFFFFFA0]  }
0xec: {  	v27 =	vadd.s32 v2, v30;
	v21 =	vadd.f32 v21, v9;
	v24 =	vld [tilespmem:s8+$0x50];
	[tilespmem:v14+s18+$0x0] =	vst.idx.msk $0xffff, v22  }
0xed: {  	[tilespmem:v17+s18+$0x0] =	vst.idx.msk $0xffff, v13;
	v13 =	vadd.f32 v25, v9;
	v25 =	vadd.s32 v2, v12;
	v29 =	vld [tilespmem:s11+$0x70]  }
0xee: {  	v32 =	vadd.s32 v1, v26;
	v31 =	vld [tilespmem:s8+$0xFFFFFF90];
	[tilespmem:v16+s18+$0x0] =	vst.idx.msk $0xffff, v21;
	v14 =	vadd.f32 v19, v5  }
0xef: {  	v34 =	vadd.s32 v3, v7;
	v7 =	vmov v26;
	v33 =	vld [tilespmem:s8+$0xFFFFFFD0];
	[tilespmem:v15+s18+$0x0] =	vst.idx.msk $0xffff, v13;
	v13 =	vadd.f32 v20, v5  }
.Ltmp2:
0xf0: {  	v22 =	vadd.s32 v1, v8;
	v17 =	vld [tilespmem:s8+$0x10];
	v15 =	vadd.f32 v18, v5;
	[tilespmem:v23+s18+$0x0] =	vst.idx.msk $0xffff, v14;
	(pc) =	sbr.rel @p0 .LBB2_6-.Ltmp2, $4  }
0xf1: {  	v21 =	vadd.s32 v1, v28;
	v18 =	vadd.f32 v24, v6;
	v16 =	vld [tilespmem:s11+$0xFFFFFFF0];
	[tilespmem:v27+s18+$0x0] =	vst.idx.msk $0xffff, v13  }
0xf2: {  	v14 =	vadd.s32 v1, v11;
	v13 =	vmov s13;
	[tilespmem:v25+s18+$0x0] =	vst.idx.msk $0xffff, v15;
	v15 =	vld [tilespmem:s11+$0x30];
	v27 =	vadd.f32 v29, v4  }
0xf3: {  	s14 =	sadd.s32 $0x3, s13;
	v19 =	vadd.s32 v3, v10;
	v13 =	vand.u32 $0x7C, v13;
	v24 =	vadd.f32 v31, v6;
	[tilespmem:v32+s18+$0x0] =	vst.idx.msk $0xffff, v18;
	v18 =	vld [tilespmem:s11+$0xFFFFFFB0];
	s11 =	smov.u32 s8;
	s8 =	sadd.s32 $0x100, s8  }
0xf4: {  	v26 =	vmov s14;
	v10 =	vmovc v28;
	v20 =	vadd.s32 v3, v30;
	s13 =	sadd.s32 $0x4, s13;
	v23 =	vld [tilespmem:s8+$0x40];
	v25 =	vadd.f32 v33, v6;
	[tilespmem:v34+s18+$0x0] =	vst.idx.msk $0xffff, v27  }
0xf5: {  	s13 =	sadd.s32 $0x1, s12  }
0xf6: {  	v26 =	vand.u32 $0x7F, v26;
	v28 =	vld [tilespmem:s8+$0xFFFFFFC0];
	v27 =	vmov s13;
	s13 =	sadd.s32 $0x2, s12  }
0xf7: {  	v31 =	vld [tilespmem:s8+$0x0];
	v29 =	vadd.s32 v0, v26;
	v30 =	vmov s13;
	v27 =	vand.u32 $0x7D, v27  }
0xf8: {  	v32 =	vld [tilespmem:s8+$0xFFFFFF80];
	v33 =	vadd.s32 v0, v27;
	v30 =	vand.u32 $0x7E, v30  }
0xf9: {  	v34 =	vadd.s32 v0, v30  }
0xfa: {  	[tilespmem:v22+s18+$0x0] =	vst.idx.msk $0xffff, v24;
	v44 =	vadd.s32 v0, v13;
	v23 =	vadd.f32 v23, v9  }
0xfb: {  	[tilespmem:v21+s18+$0x0] =	vst.idx.msk $0xffff, v25;
	v45 =	vadd.f32 v28, v9  }
0xfc: {  	v46 =	vadd.f32 v31, v9;
	[tilespmem:v29+s18+$0x0] =	vst.idx.msk $0xffff, v23  }
0xfd: {  	v47 =	vadd.f32 v32, v9;
	v48 =	vld [tilespmem:s8+$0x50];
	[tilespmem:v33+s18+$0x0] =	vst.idx.msk $0xffff, v45  }
0xfe: {  	v17 =	vadd.f32 v17, v6;
	v12 =	vadd.s32 v3, v12;
	v21 =	vld [tilespmem:s8+$0xFFFFFFD0];
	[tilespmem:v34+s18+$0x0] =	vst.idx.msk $0xffff, v46  }
0xff: {  	v16 =	vadd.f32 v16, v4;
	v49 =	vadd.s32 v1, v26;
	[tilespmem:v44+s18+$0x0] =	vst.idx.msk $0xffff, v47;
	v50 =	vld [tilespmem:s8+$0x10]  }
0x100: {  	[tilespmem:v14+s18+$0x0] =	vst.idx.msk $0xffff, v17;
	v51 =	vadd.f32 v15, v4;
	v53 =	vadd.s32 v1, v27;
	v52 =	vld [tilespmem:s8+$0xFFFFFF90]  }
0x101: {  	v54 =	vld [tilespmem:s11+$0x60];
	v18 =	vadd.f32 v18, v4;
	[tilespmem:v19+s18+$0x0] =	vst.idx.msk $0xffff, v16;
	v55 =	vadd.s32 v1, v30  }
0x102: {  	v57 =	vadd.s32 v1, v13;
	v60 =	vld [tilespmem:s11+$0x20];
	[tilespmem:v20+s18+$0x0] =	vst.idx.msk $0xffff, v51;
	v58 =	vadd.f32 v48, v6  }
0x103: {  	v59 =	vadd.s32 v2, v7;
	v56 =	vld [tilespmem:s11+$0xFFFFFFE0];
	[tilespmem:v12+s18+$0x0] =	vst.idx.msk $0xffff, v18;
	v61 =	vadd.f32 v21, v6  }
0x104: {  	v62 =	vld [tilespmem:s11+$0xFFFFFFA0];
	v29 =	vadd.s32 v2, v11;
	[tilespmem:v49+s18+$0x0] =	vst.idx.msk $0xffff, v58;
	v28 =	vadd.f32 v50, v6  }
0x105: {  	v63 =	vadd.s32 v2, v10;
	v31 =	vadd.f32 v52, v6;
	v32 =	vld [tilespmem:s8+$0x60];
	[tilespmem:v53+s18+$0x0] =	vst.idx.msk $0xffff, v61  }
0x106: {  	v33 =	vadd.f32 v54, v5;
	v34 =	vadd.s32 v2, v8;
	[tilespmem:v55+s18+$0x0] =	vst.idx.msk $0xffff, v28;
	v35 =	vld [tilespmem:s8+$0xFFFFFFE0]  }
0x107: {  	v37 =	vadd.s32 v2, v26;
	v39 =	vadd.f32 v60, v5;
	[tilespmem:v57+s18+$0x0] =	vst.idx.msk $0xffff, v31;
	v38 =	vld [tilespmem:s8+$0x20]  }
0x108: {  	v41 =	vadd.s32 v2, v27;
	v36 =	vadd.f32 v56, v5;
	[tilespmem:v59+s18+$0x0] =	vst.idx.msk $0xffff, v33;
	v40 =	vld [tilespmem:s8+$0xFFFFFFA0]  }
0x109: {  	v43 =	vadd.s32 v2, v30;
	v18 =	vadd.f32 v62, v5;
	v42 =	vld [tilespmem:s11+$0x70];
	[tilespmem:v29+s18+$0x0] =	vst.idx.msk $0xffff, v39  }
0x10a: {  	v45 =	vadd.s32 v2, v13;
	[tilespmem:v63+s18+$0x0] =	vst.idx.msk $0xffff, v36;
	v47 =	vld [tilespmem:s11+$0x30];
	v44 =	vadd.f32 v32, v5  }
0x10b: {  	v46 =	vadd.s32 v3, v7;
	v21 =	vld [tilespmem:s11+$0xFFFFFFF0];
	[tilespmem:v34+s18+$0x0] =	vst.idx.msk $0xffff, v18;
	v9 =	vadd.f32 v35, v5  }
0x10c: {  	v18 =	vld [tilespmem:s11+$0xFFFFFFB0];
	v50 =	vadd.s32 v3, v11;
	[tilespmem:v37+s18+$0x0] =	vst.idx.msk $0xffff, v44;
	v49 =	vadd.f32 v38, v5  }
0x10d: {  	v48 =	vadd.s32 v3, v10;
	v12 =	vld [tilespmem:s8+$0x70];
	v5 =	vadd.f32 v40, v5;
	[tilespmem:v41+s18+$0x0] =	vst.idx.msk $0xffff, v9  }
0x10e: {  	v52 =	vadd.s32 v3, v8;
	v51 =	vadd.f32 v42, v4;
	v53 =	vld [tilespmem:s8+$0xFFFFFFF0];
	[tilespmem:v43+s18+$0x0] =	vst.idx.msk $0xffff, v49  }
0x10f: {  	v55 =	vadd.s32 v3, v26;
	v56 =	vadd.f32 v47, v4;
	[tilespmem:v45+s18+$0x0] =	vst.idx.msk $0xffff, v5;
	v5 =	vld [tilespmem:s8+$0x30]  }
0x110: {  	v58 =	vadd.s32 v3, v27;
	[tilespmem:v46+s18+$0x0] =	vst.idx.msk $0xffff, v51;
	v54 =	vadd.f32 v21, v4;
	v57 =	vld [tilespmem:s8+$0xFFFFFFB0]  }
0x111: {  	v60 =	vadd.s32 v3, v30;
	v59 =	vadd.f32 v18, v4;
	[tilespmem:v50+s18+$0x0] =	vst.idx.msk $0xffff, v56  }
0x112: {  	v62 =	vadd.s32 v3, v13;
	[tilespmem:v48+s18+$0x0] =	vst.idx.msk $0xffff, v54;
	v61 =	vadd.f32 v12, v4  }
0x113: {  	[tilespmem:v52+s18+$0x0] =	vst.idx.msk $0xffff, v59;
	v63 =	vadd.f32 v53, v4  }
0x114: {  	[tilespmem:v55+s18+$0x0] =	vst.idx.msk $0xffff, v61;
	v5 =	vadd.f32 v5, v4  }
0x115: {  	v4 =	vadd.f32 v57, v4;
	[tilespmem:v58+s18+$0x0] =	vst.idx.msk $0xffff, v63  }
0x116: {  	[tilespmem:v60+s18+$0x0] =	vst.idx.msk $0xffff, v5  }
0x117: {  	[tilespmem:v62+s18+$0x0] =	vst.idx.msk $0xffff, v4  }
0x118: {  	s14 =	simm.s32 $0x13800;
	s15 =	rddreg [dreg:$0x7]  }
0x119: {  	[hbm4b:s15+s3] =	stream.linear.scatter [tilespmem:s14], [sflag:$0x6], $0x80, $0x38;
	[tilespmem:$0x19E00] =	vst v63  }
0x11a: {  	s22 =	simm.s32 $0x13888;
	s23 =	sadd.s32 $0x10, s15  }
0x11b: {  	[hbm4b:s23+s3] =	stream.linear.scatter [tilespmem:s22], [sflag:$0x6], $0x80, $0x38;
	[tilespmem:$0x19E00] =	vst v63  }
0x11c: {  	s25 =	simm.s32 $0x13910;
	s13 =	simm.s32 $0x13A20;
	s28 =	sadd.s32 $0x20, s15  }
0x11d: {  	[hbm4b:s28+s3] =	stream.linear.scatter [tilespmem:s25], [sflag:$0x6], $0x80, $0x38;
	[tilespmem:$0x19E00] =	vst v63  }
0x11e: {  	s11 =	simm.s32 $0x13998;
	s8 =	simm.s32 $0x440;
	s12 =	sadd.s32 $0x30, s15  }
0x11f: {  	[hbm4b:s12+s3] =	stream.linear.scatter [tilespmem:s11], [sflag:$0x6], $0x80, $0x38;
	[tilespmem:$0x19E00] =	vst v63  }
0x120: {  	s14 =	sadd.s32 $0x40, s15;
	s22 =	simm.s32 $0x13AA8;
	s23 =	sadd.s32 $0x50, s15  }
0x121: {  	[hbm4b:s14+s3] =	stream.linear.scatter [tilespmem:s13], [sflag:$0x6], $0x80, $0x38;
	[tilespmem:$0x19E00] =	vst v63  }
0x122: {  	s25 =	simm.s32 $0x13B30;
	s28 =	sadd.s32 $0x60, s15;
	s12 =	simm.s32 $0x2200  }
0x123: {  	[hbm4b:s23+s3] =	stream.linear.scatter [tilespmem:s22], [sflag:$0x6], $0x80, $0x38;
	[tilespmem:$0x19E00] =	vst v63  }
0x124: {  	s11 =	sadd.s32 $0x1000, s15;
	s13 =	simm.s32 $0x13BB8;
	s14 =	sadd.s32 $0x70, s15  }
0x125: {  	[hbm4b:s28+s3] =	stream.linear.scatter [tilespmem:s25], [sflag:$0x6], $0x80, $0x38;
	[tilespmem:$0x19E00] =	vst v63  }
.LBB2_8:
0x126: {  	[hbm4b:s14+s3] =	stream.linear.scatter [tilespmem:s13], [sflag:$0x6], $0x80, $0x38;
	[tilespmem:$0x19E00] =	vst v63  }
0x127: {  	s13 =	smov.u32 s8;
	s8 =	smov.u32 s12  }
0x128: {  	s15 =	sadd.s32 $0x1100, s12;
	s8 =	sshra.s32 s8, $0x2;
	s14 =	sadd.s32 $0x13800, s13  }
0x129: {  	[hbm4b:s11+s3] =	stream.linear.scatter [tilespmem:s14], [sflag:$0x6], $0x80, $0x38;
	[tilespmem:$0x19E00] =	vst v63  }
0x12a: {  	p0 =	sne.s32 s12, $0x7700;
	s12 =	sadd.s32 $0x13888, s13;
	s14 =	sadd.s32 $0x10, s11  }
0x12b: {  	[hbm4b:s14+s3] =	stream.linear.scatter [tilespmem:s12], [sflag:$0x6], $0x80, $0x38;
	[tilespmem:$0x19E00] =	vst v63  }
0x12c: {  	s12 =	sadd.s32 $0x13910, s13;
	s14 =	sadd.s32 $0x20, s11  }
0x12d: {  	[hbm4b:s14+s3] =	stream.linear.scatter [tilespmem:s12], [sflag:$0x6], $0x80, $0x38;
	[tilespmem:$0x19E00] =	vst v63  }
0x12e: {  	s12 =	sadd.s32 $0x13998, s13;
	s14 =	sadd.s32 $0x30, s11  }
0x12f: {  	[hbm4b:s14+s3] =	stream.linear.scatter [tilespmem:s12], [sflag:$0x6], $0x80, $0x38;
	[tilespmem:$0x19E00] =	vst v63  }
0x130: {  	s12 =	sadd.s32 $0x13A20, s13;
	s14 =	sadd.s32 $0x40, s11  }
0x131: {  	[hbm4b:s14+s3] =	stream.linear.scatter [tilespmem:s12], [sflag:$0x6], $0x80, $0x38;
	[tilespmem:$0x19E00] =	vst v63  }
.Ltmp3:
0x132: {  	s12 =	sadd.s32 $0x13AA8, s13;
	s14 =	sadd.s32 $0x50, s11;
	(pc) =	sbr.rel @p0 .LBB2_8-.Ltmp3, $4  }
0x133: {  	[hbm4b:s14+s3] =	stream.linear.scatter [tilespmem:s12], [sflag:$0x6], $0x80, $0x38;
	[tilespmem:$0x19E00] =	vst v63  }
0x134: {  	s12 =	sadd.s32 $0x13B30, s13;
	s14 =	sadd.s32 $0x60, s11;
	s13 =	sadd.s32 $0x13BB8, s13  }
0x135: {  	[hbm4b:s14+s3] =	stream.linear.scatter [tilespmem:s12], [sflag:$0x6], $0x80, $0x38;
	[tilespmem:$0x19E00] =	vst v63  }
0x136: {  	s14 =	sadd.s32 $0x70, s11;
	s11 =	sadd.s32 $0x1000, s11;
	s12 =	smov.u32 s15  }
0x137: {  	[hbm4b:s14+s3] =	stream.linear.scatter [tilespmem:s13], [sflag:$0x6], $0x80, $0x38;
	[tilespmem:$0x19E00] =	vst v63  }
0x138: {  	s12 =	sadd.s32 $0x13800, s8  }
0x139: {  	[hbm4b:s11+s3] =	stream.linear.scatter [tilespmem:s12], [sflag:$0x6], $0x80, $0x38;
	[tilespmem:$0x19E00] =	vst v63  }
0x13a: {  	s14 =	sadd.s32 $0x13888, s8;
	s15 =	sadd.s32 $0x10, s11  }
0x13b: {  	[hbm4b:s15+s3] =	stream.linear.scatter [tilespmem:s14], [sflag:$0x6], $0x80, $0x38;
	[tilespmem:$0x19E00] =	vst v63  }
0x13c: {  	s22 =	sadd.s32 $0x13910, s8;
	s23 =	sadd.s32 $0x20, s11  }
0x13d: {  	[hbm4b:s23+s3] =	stream.linear.scatter [tilespmem:s22], [sflag:$0x6], $0x80, $0x38;
	[tilespmem:$0x19E00] =	vst v63  }
0x13e: {  	s25 =	sadd.s32 $0x13998, s8;
	s28 =	sadd.s32 $0x30, s11  }
0x13f: {  	[hbm4b:s28+s3] =	stream.linear.scatter [tilespmem:s25], [sflag:$0x6], $0x80, $0x38;
	[tilespmem:$0x19E00] =	vst v63  }
0x140: {  	s14 =	sadd.s32 $0x13A20, s8;
	s15 =	sadd.s32 $0x40, s11  }
0x141: {  	[hbm4b:s15+s3] =	stream.linear.scatter [tilespmem:s14], [sflag:$0x6], $0x80, $0x38;
	[tilespmem:$0x19E00] =	vst v63  }
0x142: {  	s22 =	sadd.s32 $0x13AA8, s8;
	s23 =	sadd.s32 $0x50, s11  }
0x143: {  	[hbm4b:s23+s3] =	stream.linear.scatter [tilespmem:s22], [sflag:$0x6], $0x80, $0x38;
	[tilespmem:$0x19E00] =	vst v63  }
0x144: {  	s25 =	sadd.s32 $0x13B30, s8;
	s28 =	sadd.s32 $0x60, s11  }
0x145: {  	[hbm4b:s28+s3] =	stream.linear.scatter [tilespmem:s25], [sflag:$0x6], $0x80, $0x38;
	[tilespmem:$0x19E00] =	vst v63  }
0x146: {  	s13 =	sadd.s32 $0x13BB8, s8;
	s14 =	sadd.s32 $0x70, s11  }
0x147: {  	[hbm4b:s14+s3] =	stream.linear.scatter [tilespmem:s13], [sflag:$0x6], $0x80, $0x38;
	[tilespmem:$0x19E00] =	vst v63  }
0x148: {  	s15 =	simm.s32 $0xB600;
	s22 =	simm.s32 $0x280  }
0x149: {  	[tilespmem:s15], [sflag:$0x2] =	stream.indirect.gather [hbm4b:s4+s21], $0x40, s22, s21, $0xb8;
	[tilespmem:$0x19E00] =	vst v63  }
0x14a: {  	s23 =	simm.s32 $0xC600;
	s25 =	simm.s32 $0x2C0  }
0x14b: {  	[tilespmem:s23], [sflag:$0x2] =	stream.indirect.gather [hbm4b:s4+s21], $0x40, s25, s21, $0xb8;
	[tilespmem:$0x19E00] =	vst v63  }
0x14c: {  	_ =	swait.ge [sflag:s29], $0x1000  }
0x14d: {  	[sflag:s29] =	ssyncset.done $0x0  }
0x14e: {  	[sflag:s29] =	ssyncadd.s32 $0xFFFFF000  }
0x14f: {  	_ =	swait.ge [sflag:s29], $0x1000  }
0x150: {  	[sflag:s29] =	ssyncset.done $0x0  }
0x151: {  	[sflag:s29] =	ssyncadd.s32 $0xFFFFF000  }
0x152: {  	s28 =	simm.s32 $0x3;
	s13 =	simm.s32 $0xD680;
	v9 =	vld [tilespmem:$0x6480]  }
0x153: {  	v4 =	vmov s28;
	v7 =	vld [tilespmem:s13+$0x40]  }
0x154: {  	v13 =	vand.u32 $0x7F, v4  }
0x155: {  	s11 =	simm.s32 $0x0;
	v8 =	vadd.s32 v0, v13;
	v6 =	vld [tilespmem:$0x6490]  }
0x156: {  	s12 =	simm.s32 $0x1;
	v4 =	vmov s11;
	s14 =	simm.s32 $0x2;
	v10 =	vld [tilespmem:s13+$0xFFFFFF80]  }
0x157: {  	v12 =	vand.u32 $0x7C, v4;
	v4 =	vmov s12;
	v14 =	vmov s14;
	v11 =	vld [tilespmem:s13+$0xFFFFFFC0]  }
0x158: {  	v15 =	vadd.s32 v0, v12;
	v19 =	vand.u32 $0x7D, v4;
	v16 =	vld [tilespmem:s13+$0x0];
	v7 =	vadd.f32 v7, v9  }
0x159: {  	v20 =	vand.u32 $0x7E, v14;
	v17 =	vadd.s32 v0, v19;
	v5 =	vld [tilespmem:$0x64A0]  }
0x15a: {  	v14 =	vadd.s32 v0, v20;
	v4 =	vld [tilespmem:$0x64B0];
	[tilespmem:v8+s31+$0x0] =	vst.idx.msk $0xffff, v7  }
0x15b: {  	v7 =	vadd.f32 v10, v9;
	v8 =	vld [tilespmem:s13+$0x50]  }
0x15c: {  	v10 =	vadd.f32 v11, v9  }
0x15d: {  	v11 =	vadd.s32 v1, v13;
	[tilespmem:v15+s31+$0x0] =	vst.idx.msk $0xffff, v7;
	v7 =	vadd.f32 v16, v9  }
0x15e: {  	[tilespmem:v17+s31+$0x0] =	vst.idx.msk $0xffff, v10;
	v15 =	vld [tilespmem:s13+$0xFFFFFF90]  }
0x15f: {  	v10 =	vld [tilespmem:s13+$0xFFFFFFD0];
	[tilespmem:v14+s31+$0x0] =	vst.idx.msk $0xffff, v7  }
0x160: {  	v14 =	vld [tilespmem:s13+$0x10];
	v7 =	vadd.f32 v8, v6  }
0x161: {  	s11 =	simm.s32 $0xD780;
	s22 =	simm.s32 $0x7;
	v16 =	vadd.s32 v1, v19  }
0x162: {  	v26 =	vadd.s32 v2, v13;
	s15 =	simm.s32 $0x4;
	v18 =	vld [tilespmem:s11+$0x40];
	v17 =	vadd.s32 v1, v20;
	[tilespmem:v11+s31+$0x0] =	vst.idx.msk $0xffff, v7;
	v7 =	vmov s22  }
0x163: {  	v21 =	vadd.s32 v1, v12;
	v8 =	vmov s15;
	v7 =	vand.u32 $0x7F, v7;
	v22 =	vld [tilespmem:s13+$0x60]  }
0x164: {  	s23 =	simm.s32 $0x5;
	v23 =	vld [tilespmem:s11+$0xFFFFFF80];
	v8 =	vand.u32 $0x7C, v8;
	v10 =	vadd.f32 v10, v6;
	v24 =	vadd.s32 v0, v7  }
0x165: {  	s25 =	simm.s32 $0x6;
	v25 =	vld [tilespmem:s11+$0xFFFFFFC0];
	v15 =	vadd.f32 v15, v6;
	v11 =	vadd.f32 v14, v6;
	v14 =	vmov s23  }
0x166: {  	v27 =	vadd.s32 v0, v8;
	[tilespmem:v16+s31+$0x0] =	vst.idx.msk $0xffff, v10;
	v16 =	vmov s25;
	v10 =	vand.u32 $0x7D, v14;
	v14 =	vld [tilespmem:s11+$0x0]  }
0x167: {  	[tilespmem:v17+s31+$0x0] =	vst.idx.msk $0xffff, v11;
	v17 =	vadd.s32 v0, v10;
	v11 =	vand.u32 $0x7E, v16;
	v16 =	vadd.f32 v18, v9;
	v18 =	vld [tilespmem:s13+$0xFFFFFFE0]  }
0x168: {  	[tilespmem:v21+s31+$0x0] =	vst.idx.msk $0xffff, v15;
	v15 =	vadd.s32 v0, v11;
	v21 =	vld [tilespmem:s13+$0x20];
	v22 =	vadd.f32 v22, v5  }
0x169: {  	v23 =	vadd.f32 v23, v9;
	[tilespmem:v24+s31+$0x0] =	vst.idx.msk $0xffff, v16;
	v16 =	vld [tilespmem:s13+$0xFFFFFFA0];
	v24 =	vadd.s32 v2, v19  }
0x16a: {  	v29 =	vadd.s32 v2, v20;
	v25 =	vadd.f32 v25, v9;
	v28 =	vld [tilespmem:s11+$0x50];
	[tilespmem:v26+s31+$0x0] =	vst.idx.msk $0xffff, v22  }
0x16b: {  	[tilespmem:v27+s31+$0x0] =	vst.idx.msk $0xffff, v23;
	v23 =	vadd.s32 v2, v12;
	v14 =	vadd.f32 v14, v9;
	v26 =	vld [tilespmem:s13+$0x70]  }
0x16c: {  	v27 =	vld [tilespmem:s11+$0xFFFFFF90];
	[tilespmem:v17+s31+$0x0] =	vst.idx.msk $0xffff, v25;
	v25 =	vadd.s32 v1, v7;
	v18 =	vadd.f32 v18, v5  }
0x16d: {  	v31 =	vadd.s32 v3, v13;
	v30 =	vld [tilespmem:s11+$0xFFFFFFD0];
	[tilespmem:v15+s31+$0x0] =	vst.idx.msk $0xffff, v14;
	v14 =	vadd.f32 v21, v5  }
0x16e: {  	v22 =	vadd.s32 v1, v8;
	v17 =	vld [tilespmem:s11+$0x10];
	v13 =	vadd.f32 v16, v5;
	[tilespmem:v24+s31+$0x0] =	vst.idx.msk $0xffff, v18  }
0x16f: {  	s12 =	simm.s32 $0x8;
	v21 =	vadd.s32 v1, v10;
	[tilespmem:v29+s31+$0x0] =	vst.idx.msk $0xffff, v14;
	v18 =	vadd.f32 v28, v6;
	v16 =	vld [tilespmem:s13+$0xFFFFFFF0]  }
0x170: {  	v24 =	vmov s12;
	v14 =	vadd.s32 v1, v11;
	v15 =	vld [tilespmem:s13+$0x30];
	[tilespmem:v23+s31+$0x0] =	vst.idx.msk $0xffff, v13;
	v63 =	vadd.f32 v26, v4  }
0x171: {  	s8 =	simm.s32 $0xD880;
	s28 =	simm.s32 $0xB;
	v19 =	vadd.s32 v3, v19;
	v13 =	vand.u32 $0x7C, v24;
	v24 =	vadd.f32 v27, v6;
	[tilespmem:v25+s31+$0x0] =	vst.idx.msk $0xffff, v18;
	v18 =	vld [tilespmem:s13+$0xFFFFFFB0]  }
0x172: {  	v20 =	vadd.s32 v3, v20;
	v26 =	vmov s28;
	v23 =	vld [tilespmem:s8+$0x40];
	s13 =	simm.s32 $0xC;
	v25 =	vadd.f32 v30, v6;
	[tilespmem:v31+s31+$0x0] =	vst.idx.msk $0xffff, v63  }
.LBB2_10:
0x173: {  	p0 =	slt.u32 s13, $0x7C;
	s14 =	sadd.s32 $0x1, s12;
	v26 =	vand.u32 $0x7F, v26;
	[tilespmem:v22+s31+$0x0] =	vst.idx.msk $0xffff, v24;
	v17 =	vadd.f32 v17, v6;
	v22 =	vld [tilespmem:s11+$0x60];
	v24 =	vadd.s32 v3, v12  }
0x174: {  	v30 =	vmovc v11;
	v27 =	vld [tilespmem:s8+$0xFFFFFF80];
	v28 =	vmov s14;
	s14 =	sadd.s32 $0x2, s12;
	v29 =	vadd.s32 v0, v26;
	[tilespmem:v21+s31+$0x0] =	vst.idx.msk $0xffff, v25;
	v16 =	vadd.f32 v16, v4;
	s12 =	smov.u32 s13  }
0x175: {  	v12 =	vmovc v8;
	v21 =	vld [tilespmem:s8+$0xFFFFFFC0];
	v11 =	vmov s14;
	[tilespmem:v14+s31+$0x0] =	vst.idx.msk $0xffff, v17;
	v14 =	vadd.s32 v2, v7;
	v15 =	vadd.f32 v15, v4  }
0x176: {  	v17 =	vadd.s32 v0, v13;
	v28 =	vand.u32 $0x7D, v28;
	v25 =	vld [tilespmem:s8+$0x0];
	v31 =	vadd.f32 v18, v4;
	[tilespmem:v19+s31+$0x0] =	vst.idx.msk $0xffff, v16  }
0x177: {  	v16 =	vadd.s32 v0, v28;
	v11 =	vand.u32 $0x7E, v11;
	v18 =	vadd.f32 v23, v9;
	v19 =	vld [tilespmem:s11+$0xFFFFFFE0];
	[tilespmem:v20+s31+$0x0] =	vst.idx.msk $0xffff, v15  }
0x178: {  	v8 =	vmov v13;
	v15 =	vadd.s32 v0, v11;
	v20 =	vld [tilespmem:s11+$0x20];
	v22 =	vadd.f32 v22, v5;
	[tilespmem:v24+s31+$0x0] =	vst.idx.msk $0xffff, v31  }
0x179: {  	v23 =	vadd.s32 v2, v10;
	v13 =	vadd.f32 v27, v9;
	[tilespmem:v29+s31+$0x0] =	vst.idx.msk $0xffff, v18;
	v18 =	vld [tilespmem:s11+$0xFFFFFFA0]  }
0x17a: {  	v27 =	vadd.s32 v2, v30;
	v21 =	vadd.f32 v21, v9;
	v24 =	vld [tilespmem:s8+$0x50];
	[tilespmem:v14+s31+$0x0] =	vst.idx.msk $0xffff, v22  }
0x17b: {  	[tilespmem:v17+s31+$0x0] =	vst.idx.msk $0xffff, v13;
	v13 =	vadd.f32 v25, v9;
	v25 =	vadd.s32 v2, v12;
	v29 =	vld [tilespmem:s11+$0x70]  }
0x17c: {  	v32 =	vadd.s32 v1, v26;
	v31 =	vld [tilespmem:s8+$0xFFFFFF90];
	[tilespmem:v16+s31+$0x0] =	vst.idx.msk $0xffff, v21;
	v14 =	vadd.f32 v19, v5  }
0x17d: {  	v34 =	vadd.s32 v3, v7;
	v7 =	vmov v26;
	v33 =	vld [tilespmem:s8+$0xFFFFFFD0];
	[tilespmem:v15+s31+$0x0] =	vst.idx.msk $0xffff, v13;
	v13 =	vadd.f32 v20, v5  }
.Ltmp4:
0x17e: {  	v22 =	vadd.s32 v1, v8;
	v17 =	vld [tilespmem:s8+$0x10];
	v15 =	vadd.f32 v18, v5;
	[tilespmem:v23+s31+$0x0] =	vst.idx.msk $0xffff, v14;
	(pc) =	sbr.rel @p0 .LBB2_10-.Ltmp4, $4  }
0x17f: {  	v21 =	vadd.s32 v1, v28;
	v18 =	vadd.f32 v24, v6;
	v16 =	vld [tilespmem:s11+$0xFFFFFFF0];
	[tilespmem:v27+s31+$0x0] =	vst.idx.msk $0xffff, v13  }
0x180: {  	v14 =	vadd.s32 v1, v11;
	v13 =	vmov s13;
	[tilespmem:v25+s31+$0x0] =	vst.idx.msk $0xffff, v15;
	v15 =	vld [tilespmem:s11+$0x30];
	v27 =	vadd.f32 v29, v4  }
0x181: {  	s14 =	sadd.s32 $0x3, s13;
	v19 =	vadd.s32 v3, v10;
	v13 =	vand.u32 $0x7C, v13;
	v24 =	vadd.f32 v31, v6;
	[tilespmem:v32+s31+$0x0] =	vst.idx.msk $0xffff, v18;
	v18 =	vld [tilespmem:s11+$0xFFFFFFB0];
	s11 =	smov.u32 s8;
	s8 =	sadd.s32 $0x100, s8  }
0x182: {  	v26 =	vmov s14;
	v10 =	vmovc v28;
	v20 =	vadd.s32 v3, v30;
	s13 =	sadd.s32 $0x4, s13;
	v23 =	vld [tilespmem:s8+$0x40];
	v25 =	vadd.f32 v33, v6;
	[tilespmem:v34+s31+$0x0] =	vst.idx.msk $0xffff, v27  }
0x183: {  	s13 =	sadd.s32 $0x1, s12  }
0x184: {  	v26 =	vand.u32 $0x7F, v26;
	v28 =	vld [tilespmem:s8+$0xFFFFFFC0];
	v27 =	vmov s13;
	s13 =	sadd.s32 $0x2, s12  }
0x185: {  	v31 =	vld [tilespmem:s8+$0x0];
	v29 =	vadd.s32 v0, v26;
	v30 =	vmov s13;
	v27 =	vand.u32 $0x7D, v27  }
0x186: {  	v32 =	vld [tilespmem:s8+$0xFFFFFF80];
	v33 =	vadd.s32 v0, v27;
	v30 =	vand.u32 $0x7E, v30  }
0x187: {  	v34 =	vadd.s32 v0, v30  }
0x188: {  	[tilespmem:v22+s31+$0x0] =	vst.idx.msk $0xffff, v24;
	v44 =	vadd.s32 v0, v13;
	v23 =	vadd.f32 v23, v9  }
0x189: {  	[tilespmem:v21+s31+$0x0] =	vst.idx.msk $0xffff, v25;
	v45 =	vadd.f32 v28, v9  }
0x18a: {  	v46 =	vadd.f32 v31, v9;
	[tilespmem:v29+s31+$0x0] =	vst.idx.msk $0xffff, v23  }
0x18b: {  	v47 =	vadd.f32 v32, v9;
	v48 =	vld [tilespmem:s8+$0x50];
	[tilespmem:v33+s31+$0x0] =	vst.idx.msk $0xffff, v45  }
0x18c: {  	v17 =	vadd.f32 v17, v6;
	v12 =	vadd.s32 v3, v12;
	v21 =	vld [tilespmem:s8+$0xFFFFFFD0];
	[tilespmem:v34+s31+$0x0] =	vst.idx.msk $0xffff, v46  }
0x18d: {  	v16 =	vadd.f32 v16, v4;
	v49 =	vadd.s32 v1, v26;
	[tilespmem:v44+s31+$0x0] =	vst.idx.msk $0xffff, v47;
	v50 =	vld [tilespmem:s8+$0x10]  }
0x18e: {  	[tilespmem:v14+s31+$0x0] =	vst.idx.msk $0xffff, v17;
	v51 =	vadd.f32 v15, v4;
	v53 =	vadd.s32 v1, v27;
	v52 =	vld [tilespmem:s8+$0xFFFFFF90]  }
0x18f: {  	v54 =	vld [tilespmem:s11+$0x60];
	v18 =	vadd.f32 v18, v4;
	[tilespmem:v19+s31+$0x0] =	vst.idx.msk $0xffff, v16;
	v55 =	vadd.s32 v1, v30  }
0x190: {  	v57 =	vadd.s32 v1, v13;
	v60 =	vld [tilespmem:s11+$0x20];
	[tilespmem:v20+s31+$0x0] =	vst.idx.msk $0xffff, v51;
	v58 =	vadd.f32 v48, v6  }
0x191: {  	v59 =	vadd.s32 v2, v7;
	v56 =	vld [tilespmem:s11+$0xFFFFFFE0];
	[tilespmem:v12+s31+$0x0] =	vst.idx.msk $0xffff, v18;
	v61 =	vadd.f32 v21, v6  }
0x192: {  	v62 =	vld [tilespmem:s11+$0xFFFFFFA0];
	v29 =	vadd.s32 v2, v11;
	[tilespmem:v49+s31+$0x0] =	vst.idx.msk $0xffff, v58;
	v28 =	vadd.f32 v50, v6  }
0x193: {  	v63 =	vadd.s32 v2, v10;
	v31 =	vadd.f32 v52, v6;
	v32 =	vld [tilespmem:s8+$0x60];
	[tilespmem:v53+s31+$0x0] =	vst.idx.msk $0xffff, v61  }
0x194: {  	v33 =	vadd.f32 v54, v5;
	v34 =	vadd.s32 v2, v8;
	[tilespmem:v55+s31+$0x0] =	vst.idx.msk $0xffff, v28;
	v35 =	vld [tilespmem:s8+$0xFFFFFFE0]  }
0x195: {  	v37 =	vadd.s32 v2, v26;
	v39 =	vadd.f32 v60, v5;
	[tilespmem:v57+s31+$0x0] =	vst.idx.msk $0xffff, v31;
	v38 =	vld [tilespmem:s8+$0x20]  }
0x196: {  	v41 =	vadd.s32 v2, v27;
	v36 =	vadd.f32 v56, v5;
	[tilespmem:v59+s31+$0x0] =	vst.idx.msk $0xffff, v33;
	v40 =	vld [tilespmem:s8+$0xFFFFFFA0]  }
0x197: {  	v43 =	vadd.s32 v2, v30;
	v18 =	vadd.f32 v62, v5;
	v42 =	vld [tilespmem:s11+$0x70];
	[tilespmem:v29+s31+$0x0] =	vst.idx.msk $0xffff, v39  }
0x198: {  	v45 =	vadd.s32 v2, v13;
	[tilespmem:v63+s31+$0x0] =	vst.idx.msk $0xffff, v36;
	v47 =	vld [tilespmem:s11+$0x30];
	v44 =	vadd.f32 v32, v5  }
0x199: {  	v46 =	vadd.s32 v3, v7;
	v21 =	vld [tilespmem:s11+$0xFFFFFFF0];
	[tilespmem:v34+s31+$0x0] =	vst.idx.msk $0xffff, v18;
	v9 =	vadd.f32 v35, v5  }
0x19a: {  	v18 =	vld [tilespmem:s11+$0xFFFFFFB0];
	v50 =	vadd.s32 v3, v11;
	[tilespmem:v37+s31+$0x0] =	vst.idx.msk $0xffff, v44;
	v49 =	vadd.f32 v38, v5  }
0x19b: {  	v48 =	vadd.s32 v3, v10;
	v12 =	vld [tilespmem:s8+$0x70];
	v5 =	vadd.f32 v40, v5;
	[tilespmem:v41+s31+$0x0] =	vst.idx.msk $0xffff, v9  }
0x19c: {  	v52 =	vadd.s32 v3, v8;
	v51 =	vadd.f32 v42, v4;
	v53 =	vld [tilespmem:s8+$0xFFFFFFF0];
	[tilespmem:v43+s31+$0x0] =	vst.idx.msk $0xffff, v49  }
0x19d: {  	v55 =	vadd.s32 v3, v26;
	v56 =	vadd.f32 v47, v4;
	[tilespmem:v45+s31+$0x0] =	vst.idx.msk $0xffff, v5;
	v5 =	vld [tilespmem:s8+$0x30]  }
0x19e: {  	v58 =	vadd.s32 v3, v27;
	[tilespmem:v46+s31+$0x0] =	vst.idx.msk $0xffff, v51;
	v54 =	vadd.f32 v21, v4;
	v57 =	vld [tilespmem:s8+$0xFFFFFFB0]  }
0x19f: {  	v60 =	vadd.s32 v3, v30;
	v59 =	vadd.f32 v18, v4;
	[tilespmem:v50+s31+$0x0] =	vst.idx.msk $0xffff, v56  }
0x1a0: {  	v62 =	vadd.s32 v3, v13;
	[tilespmem:v48+s31+$0x0] =	vst.idx.msk $0xffff, v54;
	v61 =	vadd.f32 v12, v4  }
0x1a1: {  	[tilespmem:v52+s31+$0x0] =	vst.idx.msk $0xffff, v59;
	v63 =	vadd.f32 v53, v4  }
0x1a2: {  	[tilespmem:v55+s31+$0x0] =	vst.idx.msk $0xffff, v61;
	v5 =	vadd.f32 v5, v4  }
0x1a3: {  	v4 =	vadd.f32 v57, v4;
	[tilespmem:v58+s31+$0x0] =	vst.idx.msk $0xffff, v63  }
0x1a4: {  	[tilespmem:v60+s31+$0x0] =	vst.idx.msk $0xffff, v5  }
0x1a5: {  	[tilespmem:v62+s31+$0x0] =	vst.idx.msk $0xffff, v4  }
0x1a6: {  	s14 =	simm.s32 $0x15A00;
	s15 =	rddreg [dreg:$0x8]  }
0x1a7: {  	[hbm4b:s15+s3] =	stream.linear.scatter [tilespmem:s14], [sflag:$0x7], $0x80, $0x38;
	[tilespmem:$0x19E00] =	vst v63  }
0x1a8: {  	s22 =	simm.s32 $0x15A88;
	s23 =	sadd.s32 $0x10, s15  }
0x1a9: {  	[hbm4b:s23+s3] =	stream.linear.scatter [tilespmem:s22], [sflag:$0x7], $0x80, $0x38;
	[tilespmem:$0x19E00] =	vst v63  }
0x1aa: {  	s25 =	simm.s32 $0x15B10;
	s13 =	simm.s32 $0x15C20;
	s28 =	sadd.s32 $0x20, s15  }
0x1ab: {  	[hbm4b:s28+s3] =	stream.linear.scatter [tilespmem:s25], [sflag:$0x7], $0x80, $0x38;
	[tilespmem:$0x19E00] =	vst v63  }
0x1ac: {  	s11 =	simm.s32 $0x15B98;
	s8 =	simm.s32 $0x440;
	s12 =	sadd.s32 $0x30, s15  }
0x1ad: {  	[hbm4b:s12+s3] =	stream.linear.scatter [tilespmem:s11], [sflag:$0x7], $0x80, $0x38;
	[tilespmem:$0x19E00] =	vst v63  }
0x1ae: {  	s14 =	sadd.s32 $0x40, s15;
	s22 =	simm.s32 $0x15CA8;
	s23 =	sadd.s32 $0x50, s15  }
0x1af: {  	[hbm4b:s14+s3] =	stream.linear.scatter [tilespmem:s13], [sflag:$0x7], $0x80, $0x38;
	[tilespmem:$0x19E00] =	vst v63  }
0x1b0: {  	s25 =	simm.s32 $0x15D30;
	s28 =	sadd.s32 $0x60, s15;
	s12 =	simm.s32 $0x2200  }
0x1b1: {  	[hbm4b:s23+s3] =	stream.linear.scatter [tilespmem:s22], [sflag:$0x7], $0x80, $0x38;
	[tilespmem:$0x19E00] =	vst v63  }
0x1b2: {  	s11 =	sadd.s32 $0x1000, s15;
	s13 =	simm.s32 $0x15DB8;
	s14 =	sadd.s32 $0x70, s15  }
0x1b3: {  	[hbm4b:s28+s3] =	stream.linear.scatter [tilespmem:s25], [sflag:$0x7], $0x80, $0x38;
	[tilespmem:$0x19E00] =	vst v63  }
.LBB2_12:
0x1b4: {  	[hbm4b:s14+s3] =	stream.linear.scatter [tilespmem:s13], [sflag:$0x7], $0x80, $0x38;
	[tilespmem:$0x19E00] =	vst v63  }
0x1b5: {  	s13 =	smov.u32 s8;
	s8 =	smov.u32 s12  }
0x1b6: {  	s15 =	sadd.s32 $0x1100, s12;
	s8 =	sshra.s32 s8, $0x2;
	s14 =	sadd.s32 $0x15A00, s13  }
0x1b7: {  	[hbm4b:s11+s3] =	stream.linear.scatter [tilespmem:s14], [sflag:$0x7], $0x80, $0x38;
	[tilespmem:$0x19E00] =	vst v63  }
0x1b8: {  	p0 =	sne.s32 s12, $0x7700;
	s12 =	sadd.s32 $0x15A88, s13;
	s14 =	sadd.s32 $0x10, s11  }
0x1b9: {  	[hbm4b:s14+s3] =	stream.linear.scatter [tilespmem:s12], [sflag:$0x7], $0x80, $0x38;
	[tilespmem:$0x19E00] =	vst v63  }
0x1ba: {  	s12 =	sadd.s32 $0x15B10, s13;
	s14 =	sadd.s32 $0x20, s11  }
0x1bb: {  	[hbm4b:s14+s3] =	stream.linear.scatter [tilespmem:s12], [sflag:$0x7], $0x80, $0x38;
	[tilespmem:$0x19E00] =	vst v63  }
0x1bc: {  	s12 =	sadd.s32 $0x15B98, s13;
	s14 =	sadd.s32 $0x30, s11  }
0x1bd: {  	[hbm4b:s14+s3] =	stream.linear.scatter [tilespmem:s12], [sflag:$0x7], $0x80, $0x38;
	[tilespmem:$0x19E00] =	vst v63  }
0x1be: {  	s12 =	sadd.s32 $0x15C20, s13;
	s14 =	sadd.s32 $0x40, s11  }
0x1bf: {  	[hbm4b:s14+s3] =	stream.linear.scatter [tilespmem:s12], [sflag:$0x7], $0x80, $0x38;
	[tilespmem:$0x19E00] =	vst v63  }
.Ltmp5:
0x1c0: {  	s12 =	sadd.s32 $0x15CA8, s13;
	s14 =	sadd.s32 $0x50, s11;
	(pc) =	sbr.rel @p0 .LBB2_12-.Ltmp5, $4  }
0x1c1: {  	[hbm4b:s14+s3] =	stream.linear.scatter [tilespmem:s12], [sflag:$0x7], $0x80, $0x38;
	[tilespmem:$0x19E00] =	vst v63  }
0x1c2: {  	s12 =	sadd.s32 $0x15D30, s13;
	s14 =	sadd.s32 $0x60, s11;
	s13 =	sadd.s32 $0x15DB8, s13  }
0x1c3: {  	[hbm4b:s14+s3] =	stream.linear.scatter [tilespmem:s12], [sflag:$0x7], $0x80, $0x38;
	[tilespmem:$0x19E00] =	vst v63  }
0x1c4: {  	s14 =	sadd.s32 $0x70, s11;
	s11 =	sadd.s32 $0x1000, s11;
	s12 =	smov.u32 s15  }
0x1c5: {  	[hbm4b:s14+s3] =	stream.linear.scatter [tilespmem:s13], [sflag:$0x7], $0x80, $0x38;
	[tilespmem:$0x19E00] =	vst v63  }
0x1c6: {  	s12 =	sadd.s32 $0x15A00, s8  }
0x1c7: {  	[hbm4b:s11+s3] =	stream.linear.scatter [tilespmem:s12], [sflag:$0x7], $0x80, $0x38;
	[tilespmem:$0x19E00] =	vst v63  }
0x1c8: {  	s22 =	sadd.s32 $0x15A88, s8;
	s23 =	sadd.s32 $0x10, s11  }
0x1c9: {  	[hbm4b:s23+s3] =	stream.linear.scatter [tilespmem:s22], [sflag:$0x7], $0x80, $0x38;
	[tilespmem:$0x19E00] =	vst v63  }
0x1ca: {  	s25 =	sadd.s32 $0x15B10, s8;
	s28 =	sadd.s32 $0x20, s11  }
0x1cb: {  	[hbm4b:s28+s3] =	stream.linear.scatter [tilespmem:s25], [sflag:$0x7], $0x80, $0x38;
	[tilespmem:$0x19E00] =	vst v63  }
0x1cc: {  	s14 =	sadd.s32 $0x15B98, s8;
	s15 =	sadd.s32 $0x30, s11  }
0x1cd: {  	[hbm4b:s15+s3] =	stream.linear.scatter [tilespmem:s14], [sflag:$0x7], $0x80, $0x38;
	[tilespmem:$0x19E00] =	vst v63  }
0x1ce: {  	s22 =	sadd.s32 $0x15C20, s8;
	s23 =	sadd.s32 $0x40, s11  }
0x1cf: {  	[hbm4b:s23+s3] =	stream.linear.scatter [tilespmem:s22], [sflag:$0x7], $0x80, $0x38;
	[tilespmem:$0x19E00] =	vst v63  }
0x1d0: {  	s25 =	sadd.s32 $0x15CA8, s8;
	s28 =	sadd.s32 $0x50, s11  }
0x1d1: {  	[hbm4b:s28+s3] =	stream.linear.scatter [tilespmem:s25], [sflag:$0x7], $0x80, $0x38;
	[tilespmem:$0x19E00] =	vst v63  }
0x1d2: {  	s13 =	sadd.s32 $0x15D30, s8;
	s14 =	sadd.s32 $0x60, s11  }
0x1d3: {  	[hbm4b:s14+s3] =	stream.linear.scatter [tilespmem:s13], [sflag:$0x7], $0x80, $0x38;
	[tilespmem:$0x19E00] =	vst v63  }
0x1d4: {  	s15 =	sadd.s32 $0x15DB8, s8;
	s22 =	sadd.s32 $0x70, s11  }
0x1d5: {  	[hbm4b:s22+s3] =	stream.linear.scatter [tilespmem:s15], [sflag:$0x7], $0x80, $0x38;
	[tilespmem:$0x19E00] =	vst v63  }
0x1d6: {  	s23 =	simm.s32 $0x300  }
0x1d7: {  	[tilespmem:s30], [sflag:$0x3] =	stream.indirect.gather [hbm4b:s4+s21], $0x40, s23, s21, $0xb8;
	[tilespmem:$0x19E00] =	vst v63  }
0x1d8: {  	s25 =	simm.s32 $0x340  }
0x1d9: {  	[tilespmem:s0], [sflag:$0x3] =	stream.indirect.gather [hbm4b:s4+s21], $0x40, s25, s21, $0xb8;
	[tilespmem:$0x19E00] =	vst v63  }
0x1da: {  	_ =	swait.ge [sflag:s6], $0x1000  }
0x1db: {  	[sflag:s6] =	ssyncset.done $0x0  }
0x1dc: {  	[sflag:s6] =	ssyncadd.s32 $0xFFFFF000  }
0x1dd: {  	_ =	swait.ge [sflag:s6], $0x1000  }
0x1de: {  	[sflag:s6] =	ssyncset.done $0x0  }
0x1df: {  	[sflag:s6] =	ssyncadd.s32 $0xFFFFF000  }
0x1e0: {  	s28 =	simm.s32 $0x3;
	s13 =	simm.s32 $0xF680;
	v9 =	vld [tilespmem:$0x64C0]  }
0x1e1: {  	v4 =	vmov s28;
	v7 =	vld [tilespmem:s13+$0x40]  }
0x1e2: {  	v13 =	vand.u32 $0x7F, v4  }
0x1e3: {  	s11 =	simm.s32 $0x0;
	v8 =	vadd.s32 v0, v13;
	v6 =	vld [tilespmem:$0x64D0]  }
0x1e4: {  	s12 =	simm.s32 $0x1;
	v4 =	vmov s11;
	s14 =	simm.s32 $0x2;
	v10 =	vld [tilespmem:s13+$0xFFFFFF80]  }
0x1e5: {  	v12 =	vand.u32 $0x7C, v4;
	v4 =	vmov s12;
	v14 =	vmov s14;
	v11 =	vld [tilespmem:s13+$0xFFFFFFC0]  }
0x1e6: {  	v15 =	vadd.s32 v0, v12;
	v19 =	vand.u32 $0x7D, v4;
	v16 =	vld [tilespmem:s13+$0x0];
	v7 =	vadd.f32 v7, v9  }
0x1e7: {  	v20 =	vand.u32 $0x7E, v14;
	v17 =	vadd.s32 v0, v19;
	v5 =	vld [tilespmem:$0x64E0]  }
0x1e8: {  	v14 =	vadd.s32 v0, v20;
	v4 =	vld [tilespmem:$0x64F0];
	[tilespmem:v8+s7+$0x0] =	vst.idx.msk $0xffff, v7  }
0x1e9: {  	v7 =	vadd.f32 v10, v9;
	v8 =	vld [tilespmem:s13+$0x50]  }
0x1ea: {  	v10 =	vadd.f32 v11, v9  }
0x1eb: {  	v11 =	vadd.s32 v1, v13;
	[tilespmem:v15+s7+$0x0] =	vst.idx.msk $0xffff, v7;
	v7 =	vadd.f32 v16, v9  }
0x1ec: {  	[tilespmem:v17+s7+$0x0] =	vst.idx.msk $0xffff, v10;
	v15 =	vld [tilespmem:s13+$0xFFFFFF90]  }
0x1ed: {  	v10 =	vld [tilespmem:s13+$0xFFFFFFD0];
	[tilespmem:v14+s7+$0x0] =	vst.idx.msk $0xffff, v7  }
0x1ee: {  	v14 =	vld [tilespmem:s13+$0x10];
	v7 =	vadd.f32 v8, v6  }
0x1ef: {  	s11 =	simm.s32 $0xF780;
	s22 =	simm.s32 $0x7;
	v16 =	vadd.s32 v1, v19  }
0x1f0: {  	v26 =	vadd.s32 v2, v13;
	s15 =	simm.s32 $0x4;
	v18 =	vld [tilespmem:s11+$0x40];
	v17 =	vadd.s32 v1, v20;
	[tilespmem:v11+s7+$0x0] =	vst.idx.msk $0xffff, v7;
	v7 =	vmov s22  }
0x1f1: {  	v21 =	vadd.s32 v1, v12;
	v8 =	vmov s15;
	v7 =	vand.u32 $0x7F, v7;
	v22 =	vld [tilespmem:s13+$0x60]  }
0x1f2: {  	s23 =	simm.s32 $0x5;
	v23 =	vld [tilespmem:s11+$0xFFFFFF80];
	v8 =	vand.u32 $0x7C, v8;
	v10 =	vadd.f32 v10, v6;
	v24 =	vadd.s32 v0, v7  }
0x1f3: {  	s25 =	simm.s32 $0x6;
	v25 =	vld [tilespmem:s11+$0xFFFFFFC0];
	v15 =	vadd.f32 v15, v6;
	v11 =	vadd.f32 v14, v6;
	v14 =	vmov s23  }
0x1f4: {  	v27 =	vadd.s32 v0, v8;
	[tilespmem:v16+s7+$0x0] =	vst.idx.msk $0xffff, v10;
	v16 =	vmov s25;
	v10 =	vand.u32 $0x7D, v14;
	v14 =	vld [tilespmem:s11+$0x0]  }
0x1f5: {  	[tilespmem:v17+s7+$0x0] =	vst.idx.msk $0xffff, v11;
	v17 =	vadd.s32 v0, v10;
	v11 =	vand.u32 $0x7E, v16;
	v16 =	vadd.f32 v18, v9;
	v18 =	vld [tilespmem:s13+$0xFFFFFFE0]  }
0x1f6: {  	[tilespmem:v21+s7+$0x0] =	vst.idx.msk $0xffff, v15;
	v15 =	vadd.s32 v0, v11;
	v21 =	vld [tilespmem:s13+$0x20];
	v22 =	vadd.f32 v22, v5  }
0x1f7: {  	v23 =	vadd.f32 v23, v9;
	[tilespmem:v24+s7+$0x0] =	vst.idx.msk $0xffff, v16;
	v16 =	vld [tilespmem:s13+$0xFFFFFFA0];
	v24 =	vadd.s32 v2, v19  }
0x1f8: {  	v29 =	vadd.s32 v2, v20;
	v25 =	vadd.f32 v25, v9;
	v28 =	vld [tilespmem:s11+$0x50];
	[tilespmem:v26+s7+$0x0] =	vst.idx.msk $0xffff, v22  }
0x1f9: {  	[tilespmem:v27+s7+$0x0] =	vst.idx.msk $0xffff, v23;
	v23 =	vadd.s32 v2, v12;
	v14 =	vadd.f32 v14, v9;
	v26 =	vld [tilespmem:s13+$0x70]  }
0x1fa: {  	v27 =	vld [tilespmem:s11+$0xFFFFFF90];
	[tilespmem:v17+s7+$0x0] =	vst.idx.msk $0xffff, v25;
	v25 =	vadd.s32 v1, v7;
	v18 =	vadd.f32 v18, v5  }
0x1fb: {  	v31 =	vadd.s32 v3, v13;
	v30 =	vld [tilespmem:s11+$0xFFFFFFD0];
	[tilespmem:v15+s7+$0x0] =	vst.idx.msk $0xffff, v14;
	v14 =	vadd.f32 v21, v5  }
0x1fc: {  	v22 =	vadd.s32 v1, v8;
	v17 =	vld [tilespmem:s11+$0x10];
	v13 =	vadd.f32 v16, v5;
	[tilespmem:v24+s7+$0x0] =	vst.idx.msk $0xffff, v18  }
0x1fd: {  	s12 =	simm.s32 $0x8;
	v21 =	vadd.s32 v1, v10;
	[tilespmem:v29+s7+$0x0] =	vst.idx.msk $0xffff, v14;
	v18 =	vadd.f32 v28, v6;
	v16 =	vld [tilespmem:s13+$0xFFFFFFF0]  }
0x1fe: {  	v24 =	vmov s12;
	v14 =	vadd.s32 v1, v11;
	v15 =	vld [tilespmem:s13+$0x30];
	[tilespmem:v23+s7+$0x0] =	vst.idx.msk $0xffff, v13;
	v63 =	vadd.f32 v26, v4  }
0x1ff: {  	s8 =	simm.s32 $0xF880;
	s28 =	simm.s32 $0xB;
	v19 =	vadd.s32 v3, v19;
	v13 =	vand.u32 $0x7C, v24;
	v24 =	vadd.f32 v27, v6;
	[tilespmem:v25+s7+$0x0] =	vst.idx.msk $0xffff, v18;
	v18 =	vld [tilespmem:s13+$0xFFFFFFB0]  }
0x200: {  	v20 =	vadd.s32 v3, v20;
	v26 =	vmov s28;
	v23 =	vld [tilespmem:s8+$0x40];
	s13 =	simm.s32 $0xC;
	v25 =	vadd.f32 v30, v6;
	[tilespmem:v31+s7+$0x0] =	vst.idx.msk $0xffff, v63  }
.LBB2_14:
0x201: {  	p0 =	slt.u32 s13, $0x7C;
	s14 =	sadd.s32 $0x1, s12;
	v26 =	vand.u32 $0x7F, v26;
	[tilespmem:v22+s7+$0x0] =	vst.idx.msk $0xffff, v24;
	v17 =	vadd.f32 v17, v6;
	v22 =	vld [tilespmem:s11+$0x60];
	v24 =	vadd.s32 v3, v12  }
0x202: {  	v30 =	vmovc v11;
	v27 =	vld [tilespmem:s8+$0xFFFFFF80];
	v28 =	vmov s14;
	s14 =	sadd.s32 $0x2, s12;
	v29 =	vadd.s32 v0, v26;
	[tilespmem:v21+s7+$0x0] =	vst.idx.msk $0xffff, v25;
	v16 =	vadd.f32 v16, v4;
	s12 =	smov.u32 s13  }
0x203: {  	v12 =	vmovc v8;
	v21 =	vld [tilespmem:s8+$0xFFFFFFC0];
	v11 =	vmov s14;
	[tilespmem:v14+s7+$0x0] =	vst.idx.msk $0xffff, v17;
	v14 =	vadd.s32 v2, v7;
	v15 =	vadd.f32 v15, v4  }
0x204: {  	v17 =	vadd.s32 v0, v13;
	v28 =	vand.u32 $0x7D, v28;
	v25 =	vld [tilespmem:s8+$0x0];
	v31 =	vadd.f32 v18, v4;
	[tilespmem:v19+s7+$0x0] =	vst.idx.msk $0xffff, v16  }
0x205: {  	v16 =	vadd.s32 v0, v28;
	v11 =	vand.u32 $0x7E, v11;
	v18 =	vadd.f32 v23, v9;
	v19 =	vld [tilespmem:s11+$0xFFFFFFE0];
	[tilespmem:v20+s7+$0x0] =	vst.idx.msk $0xffff, v15  }
0x206: {  	v8 =	vmov v13;
	v15 =	vadd.s32 v0, v11;
	v20 =	vld [tilespmem:s11+$0x20];
	v22 =	vadd.f32 v22, v5;
	[tilespmem:v24+s7+$0x0] =	vst.idx.msk $0xffff, v31  }
0x207: {  	v23 =	vadd.s32 v2, v10;
	v13 =	vadd.f32 v27, v9;
	[tilespmem:v29+s7+$0x0] =	vst.idx.msk $0xffff, v18;
	v18 =	vld [tilespmem:s11+$0xFFFFFFA0]  }
0x208: {  	v27 =	vadd.s32 v2, v30;
	v21 =	vadd.f32 v21, v9;
	v24 =	vld [tilespmem:s8+$0x50];
	[tilespmem:v14+s7+$0x0] =	vst.idx.msk $0xffff, v22  }
0x209: {  	[tilespmem:v17+s7+$0x0] =	vst.idx.msk $0xffff, v13;
	v13 =	vadd.f32 v25, v9;
	v25 =	vadd.s32 v2, v12;
	v29 =	vld [tilespmem:s11+$0x70]  }
0x20a: {  	v32 =	vadd.s32 v1, v26;
	v31 =	vld [tilespmem:s8+$0xFFFFFF90];
	[tilespmem:v16+s7+$0x0] =	vst.idx.msk $0xffff, v21;
	v14 =	vadd.f32 v19, v5  }
0x20b: {  	v34 =	vadd.s32 v3, v7;
	v7 =	vmov v26;
	v33 =	vld [tilespmem:s8+$0xFFFFFFD0];
	[tilespmem:v15+s7+$0x0] =	vst.idx.msk $0xffff, v13;
	v13 =	vadd.f32 v20, v5  }
.Ltmp6:
0x20c: {  	v22 =	vadd.s32 v1, v8;
	v17 =	vld [tilespmem:s8+$0x10];
	v15 =	vadd.f32 v18, v5;
	[tilespmem:v23+s7+$0x0] =	vst.idx.msk $0xffff, v14;
	(pc) =	sbr.rel @p0 .LBB2_14-.Ltmp6, $4  }
0x20d: {  	v21 =	vadd.s32 v1, v28;
	v18 =	vadd.f32 v24, v6;
	v16 =	vld [tilespmem:s11+$0xFFFFFFF0];
	[tilespmem:v27+s7+$0x0] =	vst.idx.msk $0xffff, v13  }
0x20e: {  	v14 =	vadd.s32 v1, v11;
	v13 =	vmov s13;
	[tilespmem:v25+s7+$0x0] =	vst.idx.msk $0xffff, v15;
	v15 =	vld [tilespmem:s11+$0x30];
	v27 =	vadd.f32 v29, v4  }
0x20f: {  	s14 =	sadd.s32 $0x3, s13;
	v19 =	vadd.s32 v3, v10;
	v13 =	vand.u32 $0x7C, v13;
	v24 =	vadd.f32 v31, v6;
	[tilespmem:v32+s7+$0x0] =	vst.idx.msk $0xffff, v18;
	v18 =	vld [tilespmem:s11+$0xFFFFFFB0];
	s11 =	smov.u32 s8;
	s8 =	sadd.s32 $0x100, s8  }
0x210: {  	v26 =	vmov s14;
	v10 =	vmovc v28;
	v20 =	vadd.s32 v3, v30;
	s13 =	sadd.s32 $0x4, s13;
	v23 =	vld [tilespmem:s8+$0x40];
	v25 =	vadd.f32 v33, v6;
	[tilespmem:v34+s7+$0x0] =	vst.idx.msk $0xffff, v27  }
0x211: {  	s13 =	sadd.s32 $0x1, s12  }
0x212: {  	v26 =	vand.u32 $0x7F, v26;
	s28 =	sadd.s32 $0x2, s12;
	v28 =	vld [tilespmem:s8+$0xFFFFFFC0];
	v27 =	vmov s13  }
0x213: {  	v31 =	vld [tilespmem:s8+$0x0];
	v29 =	vadd.s32 v0, v26;
	v30 =	vmov s28;
	v27 =	vand.u32 $0x7D, v27  }
0x214: {  	v32 =	vld [tilespmem:s8+$0xFFFFFF80];
	v30 =	vand.u32 $0x7E, v30;
	v33 =	vadd.s32 v0, v27  }
0x215: {  	v34 =	vadd.s32 v0, v30  }
0x216: {  	[tilespmem:v22+s7+$0x0] =	vst.idx.msk $0xffff, v24;
	v44 =	vadd.s32 v0, v13;
	v23 =	vadd.f32 v23, v9  }
0x217: {  	[tilespmem:v21+s7+$0x0] =	vst.idx.msk $0xffff, v25;
	v45 =	vadd.f32 v28, v9  }
0x218: {  	v46 =	vadd.f32 v31, v9;
	[tilespmem:v29+s7+$0x0] =	vst.idx.msk $0xffff, v23  }
0x219: {  	v47 =	vadd.f32 v32, v9;
	v48 =	vld [tilespmem:s8+$0x50];
	[tilespmem:v33+s7+$0x0] =	vst.idx.msk $0xffff, v45  }
0x21a: {  	v17 =	vadd.f32 v17, v6;
	v12 =	vadd.s32 v3, v12;
	[tilespmem:v34+s7+$0x0] =	vst.idx.msk $0xffff, v46;
	v21 =	vld [tilespmem:s8+$0xFFFFFFD0]  }
0x21b: {  	v16 =	vadd.f32 v16, v4;
	v49 =	vadd.s32 v1, v26;
	[tilespmem:v44+s7+$0x0] =	vst.idx.msk $0xffff, v47;
	v50 =	vld [tilespmem:s8+$0x10]  }
0x21c: {  	[tilespmem:v14+s7+$0x0] =	vst.idx.msk $0xffff, v17;
	v51 =	vadd.f32 v15, v4;
	v53 =	vadd.s32 v1, v27;
	v52 =	vld [tilespmem:s8+$0xFFFFFF90]  }
0x21d: {  	v54 =	vld [tilespmem:s11+$0x60];
	v18 =	vadd.f32 v18, v4;
	[tilespmem:v19+s7+$0x0] =	vst.idx.msk $0xffff, v16;
	v55 =	vadd.s32 v1, v30  }
0x21e: {  	v57 =	vadd.s32 v1, v13;
	v60 =	vld [tilespmem:s11+$0x20];
	[tilespmem:v20+s7+$0x0] =	vst.idx.msk $0xffff, v51;
	v58 =	vadd.f32 v48, v6  }
0x21f: {  	v59 =	vadd.s32 v2, v7;
	v56 =	vld [tilespmem:s11+$0xFFFFFFE0];
	[tilespmem:v12+s7+$0x0] =	vst.idx.msk $0xffff, v18;
	v61 =	vadd.f32 v21, v6  }
0x220: {  	v62 =	vld [tilespmem:s11+$0xFFFFFFA0];
	v29 =	vadd.s32 v2, v11;
	[tilespmem:v49+s7+$0x0] =	vst.idx.msk $0xffff, v58;
	v28 =	vadd.f32 v50, v6  }
0x221: {  	v63 =	vadd.s32 v2, v10;
	v31 =	vadd.f32 v52, v6;
	v32 =	vld [tilespmem:s8+$0x60];
	[tilespmem:v53+s7+$0x0] =	vst.idx.msk $0xffff, v61  }
0x222: {  	v33 =	vadd.f32 v54, v5;
	v34 =	vadd.s32 v2, v8;
	[tilespmem:v55+s7+$0x0] =	vst.idx.msk $0xffff, v28;
	v35 =	vld [tilespmem:s8+$0xFFFFFFE0]  }
0x223: {  	v37 =	vadd.s32 v2, v26;
	v39 =	vadd.f32 v60, v5;
	[tilespmem:v57+s7+$0x0] =	vst.idx.msk $0xffff, v31;
	v38 =	vld [tilespmem:s8+$0x20]  }
0x224: {  	v41 =	vadd.s32 v2, v27;
	v36 =	vadd.f32 v56, v5;
	[tilespmem:v59+s7+$0x0] =	vst.idx.msk $0xffff, v33;
	v40 =	vld [tilespmem:s8+$0xFFFFFFA0]  }
0x225: {  	v43 =	vadd.s32 v2, v30;
	v18 =	vadd.f32 v62, v5;
	v42 =	vld [tilespmem:s11+$0x70];
	[tilespmem:v29+s7+$0x0] =	vst.idx.msk $0xffff, v39  }
0x226: {  	v45 =	vadd.s32 v2, v13;
	[tilespmem:v63+s7+$0x0] =	vst.idx.msk $0xffff, v36;
	v47 =	vld [tilespmem:s11+$0x30];
	v44 =	vadd.f32 v32, v5  }
0x227: {  	v46 =	vadd.s32 v3, v7;
	[tilespmem:v34+s7+$0x0] =	vst.idx.msk $0xffff, v18;
	v21 =	vld [tilespmem:s11+$0xFFFFFFF0];
	v9 =	vadd.f32 v35, v5  }
0x228: {  	v18 =	vld [tilespmem:s11+$0xFFFFFFB0];
	v50 =	vadd.s32 v3, v11;
	[tilespmem:v37+s7+$0x0] =	vst.idx.msk $0xffff, v44;
	v49 =	vadd.f32 v38, v5  }
0x229: {  	v48 =	vadd.s32 v3, v10;
	v5 =	vadd.f32 v40, v5;
	v12 =	vld [tilespmem:s8+$0x70];
	[tilespmem:v41+s7+$0x0] =	vst.idx.msk $0xffff, v9  }
0x22a: {  	v52 =	vadd.s32 v3, v8;
	v51 =	vadd.f32 v42, v4;
	[tilespmem:v43+s7+$0x0] =	vst.idx.msk $0xffff, v49;
	v53 =	vld [tilespmem:s8+$0xFFFFFFF0]  }
0x22b: {  	v55 =	vadd.s32 v3, v26;
	v56 =	vadd.f32 v47, v4;
	[tilespmem:v45+s7+$0x0] =	vst.idx.msk $0xffff, v5;
	v5 =	vld [tilespmem:s8+$0x30]  }
0x22c: {  	v58 =	vadd.s32 v3, v27;
	[tilespmem:v46+s7+$0x0] =	vst.idx.msk $0xffff, v51;
	v54 =	vadd.f32 v21, v4;
	v57 =	vld [tilespmem:s8+$0xFFFFFFB0]  }
0x22d: {  	v60 =	vadd.s32 v3, v30;
	v59 =	vadd.f32 v18, v4;
	[tilespmem:v50+s7+$0x0] =	vst.idx.msk $0xffff, v56  }
0x22e: {  	v62 =	vadd.s32 v3, v13;
	[tilespmem:v48+s7+$0x0] =	vst.idx.msk $0xffff, v54;
	v61 =	vadd.f32 v12, v4  }
0x22f: {  	[tilespmem:v52+s7+$0x0] =	vst.idx.msk $0xffff, v59;
	v63 =	vadd.f32 v53, v4  }
0x230: {  	[tilespmem:v55+s7+$0x0] =	vst.idx.msk $0xffff, v61;
	v5 =	vadd.f32 v5, v4  }
0x231: {  	v4 =	vadd.f32 v57, v4;
	[tilespmem:v58+s7+$0x0] =	vst.idx.msk $0xffff, v63  }
0x232: {  	[tilespmem:v60+s7+$0x0] =	vst.idx.msk $0xffff, v5  }
0x233: {  	[tilespmem:v62+s7+$0x0] =	vst.idx.msk $0xffff, v4  }
0x234: {  	s12 =	simm.s32 $0x17C00;
	s11 =	simm.s32 $0x0;
	s22 =	rddreg [dreg:$0x9]  }
0x235: {  	[hbm4b:s22+s11] =	stream.linear.scatter [tilespmem:s12], [sflag:$0x8], $0x80, $0x38;
	[tilespmem:$0x19E00] =	vst v63  }
0x236: {  	s13 =	simm.s32 $0x17C88;
	s14 =	sadd.s32 $0x10, s22  }
0x237: {  	[hbm4b:s14+s11] =	stream.linear.scatter [tilespmem:s13], [sflag:$0x8], $0x80, $0x38;
	[tilespmem:$0x19E00] =	vst v63  }
0x238: {  	s15 =	simm.s32 $0x17D10;
	s25 =	simm.s32 $0x17D98;
	s23 =	sadd.s32 $0x20, s22  }
0x239: {  	[hbm4b:s23+s11] =	stream.linear.scatter [tilespmem:s15], [sflag:$0x8], $0x80, $0x38;
	[tilespmem:$0x19E00] =	vst v63  }
0x23a: {  	s8 =	simm.s32 $0x440;
	s28 =	sadd.s32 $0x30, s22;
	s12 =	sadd.s32 $0x1000, s22  }
0x23b: {  	[hbm4b:s28+s11] =	stream.linear.scatter [tilespmem:s25], [sflag:$0x8], $0x80, $0x38;
	[tilespmem:$0x19E00] =	vst v63  }
0x23c: {  	s13 =	simm.s32 $0x17E20;
	s14 =	sadd.s32 $0x40, s22;
	s15 =	simm.s32 $0x17EA8  }
0x23d: {  	[hbm4b:s14+s11] =	stream.linear.scatter [tilespmem:s13], [sflag:$0x8], $0x80, $0x38;
	[tilespmem:$0x19E00] =	vst v63  }
0x23e: {  	s23 =	sadd.s32 $0x50, s22;
	s25 =	simm.s32 $0x17F30;
	s28 =	sadd.s32 $0x60, s22  }
0x23f: {  	[hbm4b:s23+s11] =	stream.linear.scatter [tilespmem:s15], [sflag:$0x8], $0x80, $0x38;
	[tilespmem:$0x19E00] =	vst v63  }
0x240: {  	s13 =	simm.s32 $0x2200;
	s14 =	simm.s32 $0x17FB8;
	s15 =	sadd.s32 $0x70, s22  }
0x241: {  	[hbm4b:s28+s11] =	stream.linear.scatter [tilespmem:s25], [sflag:$0x8], $0x80, $0x38;
	[tilespmem:$0x19E00] =	vst v63  }
.LBB2_16:
0x242: {  	[hbm4b:s15+s11] =	stream.linear.scatter [tilespmem:s14], [sflag:$0x8], $0x80, $0x38;
	[tilespmem:$0x19E00] =	vst v63  }
0x243: {  	s14 =	smov.u32 s8;
	s8 =	smov.u32 s13  }
0x244: {  	s22 =	sadd.s32 $0x1100, s13;
	s8 =	sshra.s32 s8, $0x2;
	s15 =	sadd.s32 $0x17C00, s14  }
0x245: {  	[hbm4b:s12+s11] =	stream.linear.scatter [tilespmem:s15], [sflag:$0x8], $0x80, $0x38;
	[tilespmem:$0x19E00] =	vst v63  }
0x246: {  	p0 =	sne.s32 s13, $0x7700;
	s13 =	sadd.s32 $0x17C88, s14;
	s15 =	sadd.s32 $0x10, s12  }
0x247: {  	[hbm4b:s15+s11] =	stream.linear.scatter [tilespmem:s13], [sflag:$0x8], $0x80, $0x38;
	[tilespmem:$0x19E00] =	vst v63  }
0x248: {  	s13 =	sadd.s32 $0x17D10, s14;
	s15 =	sadd.s32 $0x20, s12  }
0x249: {  	[hbm4b:s15+s11] =	stream.linear.scatter [tilespmem:s13], [sflag:$0x8], $0x80, $0x38;
	[tilespmem:$0x19E00] =	vst v63  }
0x24a: {  	s13 =	sadd.s32 $0x17D98, s14;
	s15 =	sadd.s32 $0x30, s12  }
0x24b: {  	[hbm4b:s15+s11] =	stream.linear.scatter [tilespmem:s13], [sflag:$0x8], $0x80, $0x38;
	[tilespmem:$0x19E00] =	vst v63  }
0x24c: {  	s13 =	sadd.s32 $0x17E20, s14;
	s15 =	sadd.s32 $0x40, s12  }
0x24d: {  	[hbm4b:s15+s11] =	stream.linear.scatter [tilespmem:s13], [sflag:$0x8], $0x80, $0x38;
	[tilespmem:$0x19E00] =	vst v63  }
.Ltmp7:
0x24e: {  	s13 =	sadd.s32 $0x17EA8, s14;
	s15 =	sadd.s32 $0x50, s12;
	(pc) =	sbr.rel @p0 .LBB2_16-.Ltmp7, $4  }
0x24f: {  	[hbm4b:s15+s11] =	stream.linear.scatter [tilespmem:s13], [sflag:$0x8], $0x80, $0x38;
	[tilespmem:$0x19E00] =	vst v63  }
0x250: {  	s13 =	sadd.s32 $0x17F30, s14;
	s15 =	sadd.s32 $0x60, s12;
	s14 =	sadd.s32 $0x17FB8, s14  }
0x251: {  	[hbm4b:s15+s11] =	stream.linear.scatter [tilespmem:s13], [sflag:$0x8], $0x80, $0x38;
	[tilespmem:$0x19E00] =	vst v63  }
0x252: {  	s15 =	sadd.s32 $0x70, s12;
	s12 =	sadd.s32 $0x1000, s12;
	s13 =	smov.u32 s22  }
0x253: {  	[hbm4b:s15+s11] =	stream.linear.scatter [tilespmem:s14], [sflag:$0x8], $0x80, $0x38;
	[tilespmem:$0x19E00] =	vst v63  }
0x254: {  	s13 =	sadd.s32 $0x17C00, s8  }
0x255: {  	[hbm4b:s12+s11] =	stream.linear.scatter [tilespmem:s13], [sflag:$0x8], $0x80, $0x38;
	[tilespmem:$0x19E00] =	vst v63  }
0x256: {  	s25 =	sadd.s32 $0x17C88, s8;
	s28 =	sadd.s32 $0x10, s12  }
0x257: {  	[hbm4b:s28+s11] =	stream.linear.scatter [tilespmem:s25], [sflag:$0x8], $0x80, $0x38;
	[tilespmem:$0x19E00] =	vst v63  }
0x258: {  	s14 =	sadd.s32 $0x17D10, s8;
	s15 =	sadd.s32 $0x20, s12  }
0x259: {  	[hbm4b:s15+s11] =	stream.linear.scatter [tilespmem:s14], [sflag:$0x8], $0x80, $0x38;
	[tilespmem:$0x19E00] =	vst v63  }
0x25a: {  	s22 =	sadd.s32 $0x17D98, s8;
	s23 =	sadd.s32 $0x30, s12  }
0x25b: {  	[hbm4b:s23+s11] =	stream.linear.scatter [tilespmem:s22], [sflag:$0x8], $0x80, $0x38;
	[tilespmem:$0x19E00] =	vst v63  }
0x25c: {  	s25 =	sadd.s32 $0x17E20, s8;
	s28 =	sadd.s32 $0x40, s12  }
0x25d: {  	[hbm4b:s28+s11] =	stream.linear.scatter [tilespmem:s25], [sflag:$0x8], $0x80, $0x38;
	[tilespmem:$0x19E00] =	vst v63  }
0x25e: {  	s14 =	sadd.s32 $0x17EA8, s8;
	s15 =	sadd.s32 $0x50, s12  }
0x25f: {  	[hbm4b:s15+s11] =	stream.linear.scatter [tilespmem:s14], [sflag:$0x8], $0x80, $0x38;
	[tilespmem:$0x19E00] =	vst v63  }
0x260: {  	s22 =	sadd.s32 $0x17F30, s8;
	s23 =	sadd.s32 $0x60, s12  }
0x261: {  	[hbm4b:s23+s11] =	stream.linear.scatter [tilespmem:s22], [sflag:$0x8], $0x80, $0x38;
	[tilespmem:$0x19E00] =	vst v63  }
0x262: {  	s25 =	sadd.s32 $0x17FB8, s8;
	s28 =	sadd.s32 $0x70, s12  }
0x263: {  	[hbm4b:s28+s11] =	stream.linear.scatter [tilespmem:s25], [sflag:$0x8], $0x80, $0x38;
	[tilespmem:$0x19E00] =	vst v63  }
.LBB2_18:
0x264: {  	s13 =	sshll.u32 s11, $0x2  }
0x265: {  	s12 =	sadd.s32 $0x7, s13  }
0x266: {  	s8 =	sshll.u32 s12, $0x7  }
0x267: {  	s8 =	sand.u32 $0x3FFFFF80, s8  }
0x268: {  	[tilespmem:s17], [sflag:$0x4] =	stream.indirect.gather [hbm4b:s4+s21], $0x40, s8, s21, $0xb8;
	[tilespmem:$0x19E00] =	vst v63  }
0x269: {  	s8 =	sor.u32 $0x40, s8  }
0x26a: {  	[tilespmem:s20], [sflag:$0x4] =	stream.indirect.gather [hbm4b:s4+s21], $0x40, s8, s21, $0xb8;
	[tilespmem:$0x19E00] =	vst v63  }
0x26b: {  	_ =	swait.ge [sflag:s24], $0x1000  }
0x26c: {  	[sflag:s24] =	ssyncset.done $0x0  }
0x26d: {  	[sflag:s24] =	ssyncadd.s32 $0xFFFFF000  }
0x26e: {  	_ =	swait.ge [sflag:s24], $0x1000  }
0x26f: {  	[sflag:s24] =	ssyncset.done $0x0  }
0x270: {  	[sflag:s24] =	ssyncadd.s32 $0xFFFFF000  }
0x271: {  	s14 =	sadd.s32 $0x4, s13;
	_ =	swait.ge [sflag:s16], $0x2000  }
0x272: {  	s23 =	sshll.u32 s14, $0x6;
	[sflag:s16] =	ssyncset.done $0x0  }
0x273: {  	s8 =	sand.u32 $0x3FFFFF00, s23;
	[sflag:s16] =	ssyncadd.s32 $0xFFFFE000  }
0x274: {  	s15 =	simm.s32 $0x3;
	s23 =	simm.s32 $0x9680;
	v9 =	vld [tilespmem:s8+$0x6400]  }
0x275: {  	v4 =	vmov s15;
	v7 =	vld [tilespmem:s23+$0x40]  }
0x276: {  	v13 =	vand.u32 $0x7F, v4  }
0x277: {  	s25 =	simm.s32 $0x0;
	v8 =	vadd.s32 v0, v13;
	v6 =	vld [tilespmem:s8+$0x6410]  }
0x278: {  	s28 =	simm.s32 $0x1;
	s22 =	simm.s32 $0x2;
	v4 =	vmov s25;
	v10 =	vld [tilespmem:s23+$0xFFFFFF80]  }
0x279: {  	v14 =	vmov s22;
	v12 =	vand.u32 $0x7C, v4;
	v4 =	vmov s28;
	v11 =	vld [tilespmem:s23+$0xFFFFFFC0]  }
0x27a: {  	v15 =	vadd.s32 v0, v12;
	v19 =	vand.u32 $0x7D, v4;
	v16 =	vld [tilespmem:s23+$0x0];
	v7 =	vadd.f32 v7, v9  }
0x27b: {  	v20 =	vand.u32 $0x7E, v14;
	v17 =	vadd.s32 v0, v19;
	v5 =	vld [tilespmem:s8+$0x6420]  }
0x27c: {  	v14 =	vadd.s32 v0, v20;
	v4 =	vld [tilespmem:s8+$0x6430];
	[tilespmem:v8+s26+$0x0] =	vst.idx.msk $0xffff, v7  }
0x27d: {  	v7 =	vadd.f32 v10, v9;
	v8 =	vld [tilespmem:s23+$0x50]  }
0x27e: {  	v10 =	vadd.f32 v11, v9  }
0x27f: {  	v11 =	vadd.s32 v1, v13;
	[tilespmem:v15+s26+$0x0] =	vst.idx.msk $0xffff, v7;
	v7 =	vadd.f32 v16, v9  }
0x280: {  	[tilespmem:v17+s26+$0x0] =	vst.idx.msk $0xffff, v10;
	v15 =	vld [tilespmem:s23+$0xFFFFFF90]  }
0x281: {  	v10 =	vld [tilespmem:s23+$0xFFFFFFD0];
	[tilespmem:v14+s26+$0x0] =	vst.idx.msk $0xffff, v7  }
0x282: {  	v14 =	vld [tilespmem:s23+$0x10];
	v7 =	vadd.f32 v8, v6  }
0x283: {  	s15 =	simm.s32 $0x9780;
	s28 =	simm.s32 $0x7;
	v16 =	vadd.s32 v1, v19  }
0x284: {  	s25 =	simm.s32 $0x4;
	v26 =	vadd.s32 v2, v13;
	v18 =	vld [tilespmem:s15+$0x40];
	v17 =	vadd.s32 v1, v20;
	[tilespmem:v11+s26+$0x0] =	vst.idx.msk $0xffff, v7;
	v7 =	vmov s28  }
0x285: {  	v21 =	vadd.s32 v1, v12;
	v8 =	vmov s25;
	v7 =	vand.u32 $0x7F, v7;
	v22 =	vld [tilespmem:s23+$0x60]  }
0x286: {  	v23 =	vld [tilespmem:s15+$0xFFFFFF80];
	s25 =	simm.s32 $0x5;
	v8 =	vand.u32 $0x7C, v8;
	v10 =	vadd.f32 v10, v6;
	v24 =	vadd.s32 v0, v7  }
0x287: {  	v25 =	vld [tilespmem:s15+$0xFFFFFFC0];
	v15 =	vadd.f32 v15, v6;
	s28 =	simm.s32 $0x6;
	v11 =	vadd.f32 v14, v6;
	v14 =	vmov s25  }
0x288: {  	v27 =	vadd.s32 v0, v8;
	[tilespmem:v16+s26+$0x0] =	vst.idx.msk $0xffff, v10;
	v16 =	vmov s28;
	v10 =	vand.u32 $0x7D, v14;
	v14 =	vld [tilespmem:s15+$0x0]  }
0x289: {  	[tilespmem:v17+s26+$0x0] =	vst.idx.msk $0xffff, v11;
	v17 =	vadd.s32 v0, v10;
	v11 =	vand.u32 $0x7E, v16;
	v16 =	vadd.f32 v18, v9;
	v18 =	vld [tilespmem:s23+$0xFFFFFFE0]  }
0x28a: {  	[tilespmem:v21+s26+$0x0] =	vst.idx.msk $0xffff, v15;
	v15 =	vadd.s32 v0, v11;
	v21 =	vld [tilespmem:s23+$0x20];
	v22 =	vadd.f32 v22, v5  }
0x28b: {  	v23 =	vadd.f32 v23, v9;
	[tilespmem:v24+s26+$0x0] =	vst.idx.msk $0xffff, v16;
	v16 =	vld [tilespmem:s23+$0xFFFFFFA0];
	v24 =	vadd.s32 v2, v19  }
0x28c: {  	v29 =	vadd.s32 v2, v20;
	v25 =	vadd.f32 v25, v9;
	v28 =	vld [tilespmem:s15+$0x50];
	[tilespmem:v26+s26+$0x0] =	vst.idx.msk $0xffff, v22  }
0x28d: {  	[tilespmem:v27+s26+$0x0] =	vst.idx.msk $0xffff, v23;
	v23 =	vadd.s32 v2, v12;
	v14 =	vadd.f32 v14, v9;
	v26 =	vld [tilespmem:s23+$0x70]  }
0x28e: {  	v27 =	vld [tilespmem:s15+$0xFFFFFF90];
	[tilespmem:v17+s26+$0x0] =	vst.idx.msk $0xffff, v25;
	v25 =	vadd.s32 v1, v7;
	v18 =	vadd.f32 v18, v5  }
0x28f: {  	v31 =	vadd.s32 v3, v13;
	v30 =	vld [tilespmem:s15+$0xFFFFFFD0];
	[tilespmem:v15+s26+$0x0] =	vst.idx.msk $0xffff, v14;
	v14 =	vadd.f32 v21, v5  }
0x290: {  	v22 =	vadd.s32 v1, v8;
	v17 =	vld [tilespmem:s15+$0x10];
	v13 =	vadd.f32 v16, v5;
	[tilespmem:v24+s26+$0x0] =	vst.idx.msk $0xffff, v18  }
0x291: {  	s22 =	simm.s32 $0x8;
	v21 =	vadd.s32 v1, v10;
	[tilespmem:v29+s26+$0x0] =	vst.idx.msk $0xffff, v14;
	v18 =	vadd.f32 v28, v6;
	v16 =	vld [tilespmem:s23+$0xFFFFFFF0]  }
0x292: {  	v24 =	vmov s22;
	v14 =	vadd.s32 v1, v11;
	v15 =	vld [tilespmem:s23+$0x30];
	[tilespmem:v23+s26+$0x0] =	vst.idx.msk $0xffff, v13;
	v63 =	vadd.f32 v26, v4  }
0x293: {  	s8 =	simm.s32 $0x9880;
	s25 =	simm.s32 $0xB;
	v19 =	vadd.s32 v3, v19;
	v13 =	vand.u32 $0x7C, v24;
	v24 =	vadd.f32 v27, v6;
	[tilespmem:v25+s26+$0x0] =	vst.idx.msk $0xffff, v18;
	v18 =	vld [tilespmem:s23+$0xFFFFFFB0]  }
0x294: {  	v20 =	vadd.s32 v3, v20;
	v26 =	vmov s25;
	v23 =	vld [tilespmem:s8+$0x40];
	s23 =	simm.s32 $0xC;
	v25 =	vadd.f32 v30, v6;
	[tilespmem:v31+s26+$0x0] =	vst.idx.msk $0xffff, v63  }
.LBB2_19:
0x295: {  	p0 =	slt.u32 s23, $0x7C;
	s25 =	sadd.s32 $0x1, s22;
	v26 =	vand.u32 $0x7F, v26;
	[tilespmem:v22+s26+$0x0] =	vst.idx.msk $0xffff, v24;
	v17 =	vadd.f32 v17, v6;
	v22 =	vld [tilespmem:s15+$0x60];
	v24 =	vadd.s32 v3, v12  }
0x296: {  	v30 =	vmovc v11;
	v27 =	vld [tilespmem:s8+$0xFFFFFF80];
	v28 =	vmov s25;
	s25 =	sadd.s32 $0x2, s22;
	v29 =	vadd.s32 v0, v26;
	[tilespmem:v21+s26+$0x0] =	vst.idx.msk $0xffff, v25;
	v16 =	vadd.f32 v16, v4;
	s22 =	smov.u32 s23  }
0x297: {  	v12 =	vmovc v8;
	v21 =	vld [tilespmem:s8+$0xFFFFFFC0];
	v11 =	vmov s25;
	[tilespmem:v14+s26+$0x0] =	vst.idx.msk $0xffff, v17;
	v14 =	vadd.s32 v2, v7;
	v15 =	vadd.f32 v15, v4  }
0x298: {  	v17 =	vadd.s32 v0, v13;
	v28 =	vand.u32 $0x7D, v28;
	v25 =	vld [tilespmem:s8+$0x0];
	v31 =	vadd.f32 v18, v4;
	[tilespmem:v19+s26+$0x0] =	vst.idx.msk $0xffff, v16  }
0x299: {  	v16 =	vadd.s32 v0, v28;
	v11 =	vand.u32 $0x7E, v11;
	v18 =	vadd.f32 v23, v9;
	v19 =	vld [tilespmem:s15+$0xFFFFFFE0];
	[tilespmem:v20+s26+$0x0] =	vst.idx.msk $0xffff, v15  }
0x29a: {  	v8 =	vmov v13;
	v15 =	vadd.s32 v0, v11;
	v20 =	vld [tilespmem:s15+$0x20];
	v22 =	vadd.f32 v22, v5;
	[tilespmem:v24+s26+$0x0] =	vst.idx.msk $0xffff, v31  }
0x29b: {  	v23 =	vadd.s32 v2, v10;
	v13 =	vadd.f32 v27, v9;
	[tilespmem:v29+s26+$0x0] =	vst.idx.msk $0xffff, v18;
	v18 =	vld [tilespmem:s15+$0xFFFFFFA0]  }
0x29c: {  	v27 =	vadd.s32 v2, v30;
	v21 =	vadd.f32 v21, v9;
	v24 =	vld [tilespmem:s8+$0x50];
	[tilespmem:v14+s26+$0x0] =	vst.idx.msk $0xffff, v22  }
0x29d: {  	[tilespmem:v17+s26+$0x0] =	vst.idx.msk $0xffff, v13;
	v13 =	vadd.f32 v25, v9;
	v25 =	vadd.s32 v2, v12;
	v29 =	vld [tilespmem:s15+$0x70]  }
0x29e: {  	v32 =	vadd.s32 v1, v26;
	v31 =	vld [tilespmem:s8+$0xFFFFFF90];
	[tilespmem:v16+s26+$0x0] =	vst.idx.msk $0xffff, v21;
	v14 =	vadd.f32 v19, v5  }
0x29f: {  	v34 =	vadd.s32 v3, v7;
	v7 =	vmov v26;
	v33 =	vld [tilespmem:s8+$0xFFFFFFD0];
	[tilespmem:v15+s26+$0x0] =	vst.idx.msk $0xffff, v13;
	v13 =	vadd.f32 v20, v5  }
.Ltmp8:
0x2a0: {  	v22 =	vadd.s32 v1, v8;
	v17 =	vld [tilespmem:s8+$0x10];
	v15 =	vadd.f32 v18, v5;
	[tilespmem:v23+s26+$0x0] =	vst.idx.msk $0xffff, v14;
	(pc) =	sbr.rel @p0 .LBB2_19-.Ltmp8, $4  }
0x2a1: {  	v21 =	vadd.s32 v1, v28;
	v18 =	vadd.f32 v24, v6;
	v16 =	vld [tilespmem:s15+$0xFFFFFFF0];
	[tilespmem:v27+s26+$0x0] =	vst.idx.msk $0xffff, v13  }
0x2a2: {  	v14 =	vadd.s32 v1, v11;
	v13 =	vmov s23;
	[tilespmem:v25+s26+$0x0] =	vst.idx.msk $0xffff, v15;
	v15 =	vld [tilespmem:s15+$0x30];
	v27 =	vadd.f32 v29, v4  }
0x2a3: {  	s25 =	sadd.s32 $0x3, s23;
	v19 =	vadd.s32 v3, v10;
	v13 =	vand.u32 $0x7C, v13;
	v24 =	vadd.f32 v31, v6;
	[tilespmem:v32+s26+$0x0] =	vst.idx.msk $0xffff, v18;
	v18 =	vld [tilespmem:s15+$0xFFFFFFB0];
	s15 =	smov.u32 s8;
	s8 =	sadd.s32 $0x100, s8  }
0x2a4: {  	v26 =	vmov s25;
	v10 =	vmovc v28;
	v20 =	vadd.s32 v3, v30;
	s23 =	sadd.s32 $0x4, s23;
	v23 =	vld [tilespmem:s8+$0x40];
	v25 =	vadd.f32 v33, v6;
	[tilespmem:v34+s26+$0x0] =	vst.idx.msk $0xffff, v27  }
0x2a5: {  	s23 =	sadd.s32 $0x1, s22  }
0x2a6: {  	v26 =	vand.u32 $0x7F, v26;
	s28 =	sadd.s32 $0x2, s22;
	v28 =	vld [tilespmem:s8+$0xFFFFFFC0];
	v27 =	vmov s23  }
0x2a7: {  	v31 =	vld [tilespmem:s8+$0x0];
	v29 =	vadd.s32 v0, v26;
	v30 =	vmov s28;
	v27 =	vand.u32 $0x7D, v27  }
0x2a8: {  	v32 =	vld [tilespmem:s8+$0xFFFFFF80];
	v30 =	vand.u32 $0x7E, v30;
	v33 =	vadd.s32 v0, v27  }
0x2a9: {  	v34 =	vadd.s32 v0, v30  }
0x2aa: {  	[tilespmem:v22+s26+$0x0] =	vst.idx.msk $0xffff, v24;
	v44 =	vadd.s32 v0, v13;
	v23 =	vadd.f32 v23, v9  }
0x2ab: {  	[tilespmem:v21+s26+$0x0] =	vst.idx.msk $0xffff, v25;
	v45 =	vadd.f32 v28, v9  }
0x2ac: {  	v46 =	vadd.f32 v31, v9;
	[tilespmem:v29+s26+$0x0] =	vst.idx.msk $0xffff, v23  }
0x2ad: {  	v47 =	vadd.f32 v32, v9;
	v48 =	vld [tilespmem:s8+$0x50];
	[tilespmem:v33+s26+$0x0] =	vst.idx.msk $0xffff, v45  }
0x2ae: {  	v17 =	vadd.f32 v17, v6;
	v12 =	vadd.s32 v3, v12;
	[tilespmem:v34+s26+$0x0] =	vst.idx.msk $0xffff, v46;
	v21 =	vld [tilespmem:s8+$0xFFFFFFD0]  }
0x2af: {  	v16 =	vadd.f32 v16, v4;
	v49 =	vadd.s32 v1, v26;
	[tilespmem:v44+s26+$0x0] =	vst.idx.msk $0xffff, v47;
	v50 =	vld [tilespmem:s8+$0x10]  }
0x2b0: {  	[tilespmem:v14+s26+$0x0] =	vst.idx.msk $0xffff, v17;
	v51 =	vadd.f32 v15, v4;
	v53 =	vadd.s32 v1, v27;
	v52 =	vld [tilespmem:s8+$0xFFFFFF90]  }
0x2b1: {  	v54 =	vld [tilespmem:s15+$0x60];
	v18 =	vadd.f32 v18, v4;
	[tilespmem:v19+s26+$0x0] =	vst.idx.msk $0xffff, v16;
	v55 =	vadd.s32 v1, v30  }
0x2b2: {  	v57 =	vadd.s32 v1, v13;
	v60 =	vld [tilespmem:s15+$0x20];
	[tilespmem:v20+s26+$0x0] =	vst.idx.msk $0xffff, v51;
	v58 =	vadd.f32 v48, v6  }
0x2b3: {  	v59 =	vadd.s32 v2, v7;
	v56 =	vld [tilespmem:s15+$0xFFFFFFE0];
	[tilespmem:v12+s26+$0x0] =	vst.idx.msk $0xffff, v18;
	v61 =	vadd.f32 v21, v6  }
0x2b4: {  	v62 =	vld [tilespmem:s15+$0xFFFFFFA0];
	v29 =	vadd.s32 v2, v11;
	[tilespmem:v49+s26+$0x0] =	vst.idx.msk $0xffff, v58;
	v28 =	vadd.f32 v50, v6  }
0x2b5: {  	v63 =	vadd.s32 v2, v10;
	v31 =	vadd.f32 v52, v6;
	v32 =	vld [tilespmem:s8+$0x60];
	[tilespmem:v53+s26+$0x0] =	vst.idx.msk $0xffff, v61  }
0x2b6: {  	v33 =	vadd.f32 v54, v5;
	v34 =	vadd.s32 v2, v8;
	[tilespmem:v55+s26+$0x0] =	vst.idx.msk $0xffff, v28;
	v35 =	vld [tilespmem:s8+$0xFFFFFFE0]  }
0x2b7: {  	v37 =	vadd.s32 v2, v26;
	v39 =	vadd.f32 v60, v5;
	[tilespmem:v57+s26+$0x0] =	vst.idx.msk $0xffff, v31;
	v38 =	vld [tilespmem:s8+$0x20]  }
0x2b8: {  	v41 =	vadd.s32 v2, v27;
	v36 =	vadd.f32 v56, v5;
	[tilespmem:v59+s26+$0x0] =	vst.idx.msk $0xffff, v33;
	v40 =	vld [tilespmem:s8+$0xFFFFFFA0]  }
0x2b9: {  	v43 =	vadd.s32 v2, v30;
	v18 =	vadd.f32 v62, v5;
	v42 =	vld [tilespmem:s15+$0x70];
	[tilespmem:v29+s26+$0x0] =	vst.idx.msk $0xffff, v39  }
0x2ba: {  	v45 =	vadd.s32 v2, v13;
	[tilespmem:v63+s26+$0x0] =	vst.idx.msk $0xffff, v36;
	v47 =	vld [tilespmem:s15+$0x30];
	v44 =	vadd.f32 v32, v5  }
0x2bb: {  	v46 =	vadd.s32 v3, v7;
	[tilespmem:v34+s26+$0x0] =	vst.idx.msk $0xffff, v18;
	v21 =	vld [tilespmem:s15+$0xFFFFFFF0];
	v9 =	vadd.f32 v35, v5  }
0x2bc: {  	v18 =	vld [tilespmem:s15+$0xFFFFFFB0];
	v50 =	vadd.s32 v3, v11;
	[tilespmem:v37+s26+$0x0] =	vst.idx.msk $0xffff, v44;
	v49 =	vadd.f32 v38, v5  }
0x2bd: {  	v48 =	vadd.s32 v3, v10;
	v5 =	vadd.f32 v40, v5;
	v12 =	vld [tilespmem:s8+$0x70];
	[tilespmem:v41+s26+$0x0] =	vst.idx.msk $0xffff, v9  }
0x2be: {  	v52 =	vadd.s32 v3, v8;
	v51 =	vadd.f32 v42, v4;
	[tilespmem:v43+s26+$0x0] =	vst.idx.msk $0xffff, v49;
	v53 =	vld [tilespmem:s8+$0xFFFFFFF0]  }
0x2bf: {  	v55 =	vadd.s32 v3, v26;
	v56 =	vadd.f32 v47, v4;
	[tilespmem:v45+s26+$0x0] =	vst.idx.msk $0xffff, v5;
	v5 =	vld [tilespmem:s8+$0x30]  }
0x2c0: {  	v58 =	vadd.s32 v3, v27;
	[tilespmem:v46+s26+$0x0] =	vst.idx.msk $0xffff, v51;
	v54 =	vadd.f32 v21, v4;
	v57 =	vld [tilespmem:s8+$0xFFFFFFB0]  }
0x2c1: {  	v60 =	vadd.s32 v3, v30;
	v59 =	vadd.f32 v18, v4;
	[tilespmem:v50+s26+$0x0] =	vst.idx.msk $0xffff, v56  }
0x2c2: {  	v62 =	vadd.s32 v3, v13;
	[tilespmem:v48+s26+$0x0] =	vst.idx.msk $0xffff, v54;
	v61 =	vadd.f32 v12, v4  }
0x2c3: {  	[tilespmem:v52+s26+$0x0] =	vst.idx.msk $0xffff, v59;
	v63 =	vadd.f32 v53, v4  }
0x2c4: {  	s14 =	sshll.u32 s14, $0x12;
	[tilespmem:v55+s26+$0x0] =	vst.idx.msk $0xffff, v61;
	v5 =	vadd.f32 v5, v4  }
0x2c5: {  	s8 =	sor.u32 s5, s14;
	v4 =	vadd.f32 v57, v4;
	[tilespmem:v58+s26+$0x0] =	vst.idx.msk $0xffff, v63  }
0x2c6: {  	s8 =	sshrl.u32 s8, $0x3;
	[tilespmem:v60+s26+$0x0] =	vst.idx.msk $0xffff, v5  }
0x2c7: {  	s15 =	simm.s32 $0x11600;
	s14 =	sadd.s32 s1, s8;
	[tilespmem:v62+s26+$0x0] =	vst.idx.msk $0xffff, v4  }
0x2c8: {  	[hbm4b:s14+s3] =	stream.linear.scatter [tilespmem:s15], [sflag:$0x5], $0x80, $0x38;
	[tilespmem:$0x19E00] =	vst v63  }
0x2c9: {  	s22 =	simm.s32 $0x11688;
	s23 =	sadd.s32 $0x10, s14  }
0x2ca: {  	[hbm4b:s23+s3] =	stream.linear.scatter [tilespmem:s22], [sflag:$0x5], $0x80, $0x38;
	[tilespmem:$0x19E00] =	vst v63  }
0x2cb: {  	s25 =	simm.s32 $0x11710;
	s8 =	simm.s32 $0x440;
	s28 =	sadd.s32 $0x20, s14  }
0x2cc: {  	[hbm4b:s28+s3] =	stream.linear.scatter [tilespmem:s25], [sflag:$0x5], $0x80, $0x38;
	[tilespmem:$0x19E00] =	vst v63  }
0x2cd: {  	s15 =	simm.s32 $0x2200;
	s22 =	simm.s32 $0x11798;
	s23 =	sadd.s32 $0x30, s14  }
0x2ce: {  	[hbm4b:s23+s3] =	stream.linear.scatter [tilespmem:s22], [sflag:$0x5], $0x80, $0x38;
	[tilespmem:$0x19E00] =	vst v63  }
0x2cf: {  	s25 =	simm.s32 $0x11820;
	s28 =	sadd.s32 $0x40, s14;
	s22 =	simm.s32 $0x118A8  }
0x2d0: {  	[hbm4b:s28+s3] =	stream.linear.scatter [tilespmem:s25], [sflag:$0x5], $0x80, $0x38;
	[tilespmem:$0x19E00] =	vst v63  }
0x2d1: {  	s23 =	sadd.s32 $0x50, s14;
	s25 =	simm.s32 $0x11930;
	s28 =	sadd.s32 $0x60, s14  }
0x2d2: {  	[hbm4b:s23+s3] =	stream.linear.scatter [tilespmem:s22], [sflag:$0x5], $0x80, $0x38;
	[tilespmem:$0x19E00] =	vst v63  }
0x2d3: {  	s22 =	simm.s32 $0x119B8;
	s23 =	sadd.s32 $0x70, s14;
	s14 =	sadd.s32 $0x1000, s14  }
0x2d4: {  	[hbm4b:s28+s3] =	stream.linear.scatter [tilespmem:s25], [sflag:$0x5], $0x80, $0x38;
	[tilespmem:$0x19E00] =	vst v63  }
.LBB2_21:
0x2d5: {  	[hbm4b:s23+s3] =	stream.linear.scatter [tilespmem:s22], [sflag:$0x5], $0x80, $0x38;
	[tilespmem:$0x19E00] =	vst v63  }
0x2d6: {  	s22 =	smov.u32 s8;
	s8 =	smov.u32 s15  }
0x2d7: {  	s25 =	sadd.s32 $0x1100, s15;
	s8 =	sshra.s32 s8, $0x2;
	s23 =	sadd.s32 $0x11600, s22  }
0x2d8: {  	[hbm4b:s14+s3] =	stream.linear.scatter [tilespmem:s23], [sflag:$0x5], $0x80, $0x38;
	[tilespmem:$0x19E00] =	vst v63  }
0x2d9: {  	p0 =	sne.s32 s15, $0x7700;
	s15 =	sadd.s32 $0x11688, s22;
	s23 =	sadd.s32 $0x10, s14  }
0x2da: {  	[hbm4b:s23+s3] =	stream.linear.scatter [tilespmem:s15], [sflag:$0x5], $0x80, $0x38;
	[tilespmem:$0x19E00] =	vst v63  }
0x2db: {  	s15 =	sadd.s32 $0x11710, s22;
	s23 =	sadd.s32 $0x20, s14  }
0x2dc: {  	[hbm4b:s23+s3] =	stream.linear.scatter [tilespmem:s15], [sflag:$0x5], $0x80, $0x38;
	[tilespmem:$0x19E00] =	vst v63  }
0x2dd: {  	s15 =	sadd.s32 $0x11798, s22;
	s23 =	sadd.s32 $0x30, s14  }
0x2de: {  	[hbm4b:s23+s3] =	stream.linear.scatter [tilespmem:s15], [sflag:$0x5], $0x80, $0x38;
	[tilespmem:$0x19E00] =	vst v63  }
0x2df: {  	s15 =	sadd.s32 $0x11820, s22;
	s23 =	sadd.s32 $0x40, s14  }
0x2e0: {  	[hbm4b:s23+s3] =	stream.linear.scatter [tilespmem:s15], [sflag:$0x5], $0x80, $0x38;
	[tilespmem:$0x19E00] =	vst v63  }
.Ltmp9:
0x2e1: {  	s15 =	sadd.s32 $0x118A8, s22;
	s23 =	sadd.s32 $0x50, s14;
	(pc) =	sbr.rel @p0 .LBB2_21-.Ltmp9, $4  }
0x2e2: {  	[hbm4b:s23+s3] =	stream.linear.scatter [tilespmem:s15], [sflag:$0x5], $0x80, $0x38;
	[tilespmem:$0x19E00] =	vst v63  }
0x2e3: {  	s15 =	sadd.s32 $0x11930, s22;
	s23 =	sadd.s32 $0x60, s14;
	s22 =	sadd.s32 $0x119B8, s22  }
0x2e4: {  	[hbm4b:s23+s3] =	stream.linear.scatter [tilespmem:s15], [sflag:$0x5], $0x80, $0x38;
	[tilespmem:$0x19E00] =	vst v63  }
0x2e5: {  	s23 =	sadd.s32 $0x70, s14;
	s14 =	sadd.s32 $0x1000, s14;
	s15 =	smov.u32 s25  }
0x2e6: {  	[hbm4b:s23+s3] =	stream.linear.scatter [tilespmem:s22], [sflag:$0x5], $0x80, $0x38;
	[tilespmem:$0x19E00] =	vst v63  }
0x2e7: {  	s15 =	sadd.s32 $0x11600, s8  }
0x2e8: {  	[hbm4b:s14+s3] =	stream.linear.scatter [tilespmem:s15], [sflag:$0x5], $0x80, $0x38;
	[tilespmem:$0x19E00] =	vst v63  }
0x2e9: {  	s25 =	sadd.s32 $0x11688, s8;
	s28 =	sadd.s32 $0x10, s14  }
0x2ea: {  	[hbm4b:s28+s3] =	stream.linear.scatter [tilespmem:s25], [sflag:$0x5], $0x80, $0x38;
	[tilespmem:$0x19E00] =	vst v63  }
0x2eb: {  	s22 =	sadd.s32 $0x11710, s8;
	s23 =	sadd.s32 $0x20, s14  }
0x2ec: {  	[hbm4b:s23+s3] =	stream.linear.scatter [tilespmem:s22], [sflag:$0x5], $0x80, $0x38;
	[tilespmem:$0x19E00] =	vst v63  }
0x2ed: {  	s25 =	sadd.s32 $0x11798, s8;
	s28 =	sadd.s32 $0x30, s14  }
0x2ee: {  	[hbm4b:s28+s3] =	stream.linear.scatter [tilespmem:s25], [sflag:$0x5], $0x80, $0x38;
	[tilespmem:$0x19E00] =	vst v63  }
0x2ef: {  	s22 =	sadd.s32 $0x11820, s8;
	s23 =	sadd.s32 $0x40, s14  }
0x2f0: {  	[hbm4b:s23+s3] =	stream.linear.scatter [tilespmem:s22], [sflag:$0x5], $0x80, $0x38;
	[tilespmem:$0x19E00] =	vst v63  }
0x2f1: {  	s25 =	sadd.s32 $0x118A8, s8;
	s28 =	sadd.s32 $0x50, s14  }
0x2f2: {  	[hbm4b:s28+s3] =	stream.linear.scatter [tilespmem:s25], [sflag:$0x5], $0x80, $0x38;
	[tilespmem:$0x19E00] =	vst v63  }
0x2f3: {  	s15 =	sadd.s32 $0x70, s14;
	s25 =	sadd.s32 $0x60, s14;
	s14 =	sshll.u32 s11, $0x9  }
0x2f4: {  	s23 =	sadd.s32 $0x11930, s8;
	s22 =	sadd.s32 $0x400, s14  }
0x2f5: {  	[hbm4b:s25+s3] =	stream.linear.scatter [tilespmem:s23], [sflag:$0x5], $0x80, $0x38;
	[tilespmem:$0x19E00] =	vst v63  }
0x2f6: {  	s28 =	sadd.s32 $0x119B8, s8;
	s8 =	sand.u32 $0xFC00, s22;
	s23 =	sand.u32 $0x200, s14  }
0x2f7: {  	[hbm4b:s15+s3] =	stream.linear.scatter [tilespmem:s28], [sflag:$0x5], $0x80, $0x38;
	[tilespmem:$0x19E00] =	vst v63  }
0x2f8: {  	s25 =	simm.s32 $0x9600;
	s8 =	sor.u32 s23, s8  }
0x2f9: {  	[tilespmem:s25], [sflag:$0x1] =	stream.indirect.gather [hbm4b:s4+s21], $0x40, s8, s21, $0xb8;
	[tilespmem:$0x19E00] =	vst v63  }
0x2fa: {  	s28 =	simm.s32 $0xA600;
	s8 =	sor.u32 $0x40, s8  }
0x2fb: {  	[tilespmem:s28], [sflag:$0x1] =	stream.indirect.gather [hbm4b:s4+s21], $0x40, s8, s21, $0xb8;
	[tilespmem:$0x19E00] =	vst v63  }
0x2fc: {  	_ =	swait.ge [sflag:s2], $0x1000  }
0x2fd: {  	[sflag:s2] =	ssyncset.done $0x0  }
0x2fe: {  	[sflag:s2] =	ssyncadd.s32 $0xFFFFF000  }
0x2ff: {  	_ =	swait.ge [sflag:s2], $0x1000  }
0x300: {  	[sflag:s2] =	ssyncset.done $0x0  }
0x301: {  	[sflag:s2] =	ssyncadd.s32 $0xFFFFF000  }
0x302: {  	s15 =	sadd.s32 $0x5, s13;
	_ =	swait.ge [sflag:s19], $0x2000  }
0x303: {  	s22 =	sshll.u32 s15, $0x6;
	[sflag:s19] =	ssyncset.done $0x0  }
0x304: {  	s8 =	sand.u32 $0x3FFFFFC0, s22;
	[sflag:s19] =	ssyncadd.s32 $0xFFFFE000  }
0x305: {  	s23 =	simm.s32 $0x3;
	s25 =	simm.s32 $0xB680;
	v9 =	vld [tilespmem:s8+$0x6400]  }
0x306: {  	v4 =	vmov s23;
	v7 =	vld [tilespmem:s25+$0x40]  }
0x307: {  	v13 =	vand.u32 $0x7F, v4  }
0x308: {  	v8 =	vadd.s32 v0, v13;
	s28 =	simm.s32 $0x0;
	v6 =	vld [tilespmem:s8+$0x6410]  }
0x309: {  	s23 =	simm.s32 $0x1;
	v4 =	vmov s28;
	s28 =	simm.s32 $0x2;
	v10 =	vld [tilespmem:s25+$0xFFFFFF80]  }
0x30a: {  	v12 =	vand.u32 $0x7C, v4;
	v4 =	vmov s23;
	v14 =	vmov s28;
	v11 =	vld [tilespmem:s25+$0xFFFFFFC0]  }
0x30b: {  	v15 =	vadd.s32 v0, v12;
	v19 =	vand.u32 $0x7D, v4;
	v16 =	vld [tilespmem:s25+$0x0];
	v7 =	vadd.f32 v7, v9  }
0x30c: {  	v20 =	vand.u32 $0x7E, v14;
	v17 =	vadd.s32 v0, v19;
	v5 =	vld [tilespmem:s8+$0x6420]  }
0x30d: {  	v14 =	vadd.s32 v0, v20;
	v4 =	vld [tilespmem:s8+$0x6430];
	[tilespmem:v8+s18+$0x0] =	vst.idx.msk $0xffff, v7  }
0x30e: {  	v7 =	vadd.f32 v10, v9;
	v8 =	vld [tilespmem:s25+$0x50]  }
0x30f: {  	v10 =	vadd.f32 v11, v9  }
0x310: {  	v11 =	vadd.s32 v1, v13;
	[tilespmem:v15+s18+$0x0] =	vst.idx.msk $0xffff, v7;
	v7 =	vadd.f32 v16, v9  }
0x311: {  	[tilespmem:v17+s18+$0x0] =	vst.idx.msk $0xffff, v10;
	v15 =	vld [tilespmem:s25+$0xFFFFFF90]  }
0x312: {  	v10 =	vld [tilespmem:s25+$0xFFFFFFD0];
	[tilespmem:v14+s18+$0x0] =	vst.idx.msk $0xffff, v7  }
0x313: {  	v14 =	vld [tilespmem:s25+$0x10];
	v7 =	vadd.f32 v8, v6  }
0x314: {  	s28 =	simm.s32 $0x7;
	s8 =	simm.s32 $0xB780;
	v16 =	vadd.s32 v1, v19  }
0x315: {  	v26 =	vadd.s32 v2, v13;
	s23 =	simm.s32 $0x4;
	v18 =	vld [tilespmem:s8+$0x40];
	v17 =	vadd.s32 v1, v20;
	[tilespmem:v11+s18+$0x0] =	vst.idx.msk $0xffff, v7;
	v7 =	vmov s28  }
0x316: {  	v21 =	vadd.s32 v1, v12;
	v8 =	vmov s23;
	v7 =	vand.u32 $0x7F, v7;
	v22 =	vld [tilespmem:s25+$0x60]  }
0x317: {  	v23 =	vld [tilespmem:s8+$0xFFFFFF80];
	s23 =	simm.s32 $0x5;
	v8 =	vand.u32 $0x7C, v8;
	v10 =	vadd.f32 v10, v6;
	v24 =	vadd.s32 v0, v7  }
0x318: {  	v25 =	vld [tilespmem:s8+$0xFFFFFFC0];
	v15 =	vadd.f32 v15, v6;
	s28 =	simm.s32 $0x6;
	v11 =	vadd.f32 v14, v6;
	v14 =	vmov s23  }
0x319: {  	v27 =	vadd.s32 v0, v8;
	[tilespmem:v16+s18+$0x0] =	vst.idx.msk $0xffff, v10;
	v16 =	vmov s28;
	v10 =	vand.u32 $0x7D, v14;
	v14 =	vld [tilespmem:s8+$0x0]  }
0x31a: {  	[tilespmem:v17+s18+$0x0] =	vst.idx.msk $0xffff, v11;
	v17 =	vadd.s32 v0, v10;
	v11 =	vand.u32 $0x7E, v16;
	v16 =	vadd.f32 v18, v9;
	v18 =	vld [tilespmem:s25+$0xFFFFFFE0]  }
0x31b: {  	[tilespmem:v21+s18+$0x0] =	vst.idx.msk $0xffff, v15;
	v15 =	vadd.s32 v0, v11;
	v21 =	vld [tilespmem:s25+$0x20];
	v22 =	vadd.f32 v22, v5  }
0x31c: {  	v23 =	vadd.f32 v23, v9;
	[tilespmem:v24+s18+$0x0] =	vst.idx.msk $0xffff, v16;
	v16 =	vld [tilespmem:s25+$0xFFFFFFA0];
	v24 =	vadd.s32 v2, v19  }
0x31d: {  	v29 =	vadd.s32 v2, v20;
	v25 =	vadd.f32 v25, v9;
	v28 =	vld [tilespmem:s8+$0x50];
	[tilespmem:v26+s18+$0x0] =	vst.idx.msk $0xffff, v22  }
0x31e: {  	[tilespmem:v27+s18+$0x0] =	vst.idx.msk $0xffff, v23;
	v23 =	vadd.s32 v2, v12;
	v14 =	vadd.f32 v14, v9;
	v26 =	vld [tilespmem:s25+$0x70]  }
0x31f: {  	v27 =	vld [tilespmem:s8+$0xFFFFFF90];
	[tilespmem:v17+s18+$0x0] =	vst.idx.msk $0xffff, v25;
	v25 =	vadd.s32 v1, v7;
	v18 =	vadd.f32 v18, v5  }
0x320: {  	v31 =	vadd.s32 v3, v13;
	v30 =	vld [tilespmem:s8+$0xFFFFFFD0];
	[tilespmem:v15+s18+$0x0] =	vst.idx.msk $0xffff, v14;
	v14 =	vadd.f32 v21, v5  }
0x321: {  	v22 =	vadd.s32 v1, v8;
	v17 =	vld [tilespmem:s8+$0x10];
	v13 =	vadd.f32 v16, v5;
	[tilespmem:v24+s18+$0x0] =	vst.idx.msk $0xffff, v18  }
0x322: {  	s23 =	simm.s32 $0x8;
	v21 =	vadd.s32 v1, v10;
	[tilespmem:v29+s18+$0x0] =	vst.idx.msk $0xffff, v14;
	v18 =	vadd.f32 v28, v6;
	v16 =	vld [tilespmem:s25+$0xFFFFFFF0]  }
0x323: {  	v24 =	vmov s23;
	v14 =	vadd.s32 v1, v11;
	v15 =	vld [tilespmem:s25+$0x30];
	[tilespmem:v23+s18+$0x0] =	vst.idx.msk $0xffff, v13;
	v63 =	vadd.f32 v26, v4  }
0x324: {  	s22 =	simm.s32 $0xB880;
	s28 =	simm.s32 $0xB;
	v19 =	vadd.s32 v3, v19;
	v13 =	vand.u32 $0x7C, v24;
	v24 =	vadd.f32 v27, v6;
	[tilespmem:v25+s18+$0x0] =	vst.idx.msk $0xffff, v18;
	v18 =	vld [tilespmem:s25+$0xFFFFFFB0]  }
0x325: {  	v20 =	vadd.s32 v3, v20;
	v26 =	vmov s28;
	v23 =	vld [tilespmem:s22+$0x40];
	s25 =	simm.s32 $0xC;
	v25 =	vadd.f32 v30, v6;
	[tilespmem:v31+s18+$0x0] =	vst.idx.msk $0xffff, v63  }
.LBB2_23:
0x326: {  	p0 =	slt.u32 s25, $0x7C;
	s28 =	sadd.s32 $0x1, s23;
	v26 =	vand.u32 $0x7F, v26;
	[tilespmem:v22+s18+$0x0] =	vst.idx.msk $0xffff, v24;
	v17 =	vadd.f32 v17, v6;
	v22 =	vld [tilespmem:s8+$0x60];
	v24 =	vadd.s32 v3, v12  }
0x327: {  	v30 =	vmovc v11;
	v27 =	vld [tilespmem:s22+$0xFFFFFF80];
	v28 =	vmov s28;
	s28 =	sadd.s32 $0x2, s23;
	v29 =	vadd.s32 v0, v26;
	[tilespmem:v21+s18+$0x0] =	vst.idx.msk $0xffff, v25;
	v16 =	vadd.f32 v16, v4;
	s23 =	smov.u32 s25  }
0x328: {  	v12 =	vmovc v8;
	v21 =	vld [tilespmem:s22+$0xFFFFFFC0];
	v11 =	vmov s28;
	[tilespmem:v14+s18+$0x0] =	vst.idx.msk $0xffff, v17;
	v14 =	vadd.s32 v2, v7;
	v15 =	vadd.f32 v15, v4  }
0x329: {  	v17 =	vadd.s32 v0, v13;
	v28 =	vand.u32 $0x7D, v28;
	v25 =	vld [tilespmem:s22+$0x0];
	v31 =	vadd.f32 v18, v4;
	[tilespmem:v19+s18+$0x0] =	vst.idx.msk $0xffff, v16  }
0x32a: {  	v16 =	vadd.s32 v0, v28;
	v11 =	vand.u32 $0x7E, v11;
	v18 =	vadd.f32 v23, v9;
	v19 =	vld [tilespmem:s8+$0xFFFFFFE0];
	[tilespmem:v20+s18+$0x0] =	vst.idx.msk $0xffff, v15  }
0x32b: {  	v8 =	vmov v13;
	v15 =	vadd.s32 v0, v11;
	v20 =	vld [tilespmem:s8+$0x20];
	v22 =	vadd.f32 v22, v5;
	[tilespmem:v24+s18+$0x0] =	vst.idx.msk $0xffff, v31  }
0x32c: {  	v23 =	vadd.s32 v2, v10;
	v13 =	vadd.f32 v27, v9;
	[tilespmem:v29+s18+$0x0] =	vst.idx.msk $0xffff, v18;
	v18 =	vld [tilespmem:s8+$0xFFFFFFA0]  }
0x32d: {  	v27 =	vadd.s32 v2, v30;
	v21 =	vadd.f32 v21, v9;
	v24 =	vld [tilespmem:s22+$0x50];
	[tilespmem:v14+s18+$0x0] =	vst.idx.msk $0xffff, v22  }
0x32e: {  	[tilespmem:v17+s18+$0x0] =	vst.idx.msk $0xffff, v13;
	v13 =	vadd.f32 v25, v9;
	v25 =	vadd.s32 v2, v12;
	v29 =	vld [tilespmem:s8+$0x70]  }
0x32f: {  	v32 =	vadd.s32 v1, v26;
	v31 =	vld [tilespmem:s22+$0xFFFFFF90];
	[tilespmem:v16+s18+$0x0] =	vst.idx.msk $0xffff, v21;
	v14 =	vadd.f32 v19, v5  }
0x330: {  	v34 =	vadd.s32 v3, v7;
	v7 =	vmov v26;
	v33 =	vld [tilespmem:s22+$0xFFFFFFD0];
	[tilespmem:v15+s18+$0x0] =	vst.idx.msk $0xffff, v13;
	v13 =	vadd.f32 v20, v5  }
.Ltmp10:
0x331: {  	v22 =	vadd.s32 v1, v8;
	v17 =	vld [tilespmem:s22+$0x10];
	v15 =	vadd.f32 v18, v5;
	[tilespmem:v23+s18+$0x0] =	vst.idx.msk $0xffff, v14;
	(pc) =	sbr.rel @p0 .LBB2_23-.Ltmp10, $4  }
0x332: {  	v21 =	vadd.s32 v1, v28;
	v18 =	vadd.f32 v24, v6;
	v16 =	vld [tilespmem:s8+$0xFFFFFFF0];
	[tilespmem:v27+s18+$0x0] =	vst.idx.msk $0xffff, v13  }
0x333: {  	v14 =	vadd.s32 v1, v11;
	v13 =	vmov s25;
	[tilespmem:v25+s18+$0x0] =	vst.idx.msk $0xffff, v15;
	v15 =	vld [tilespmem:s8+$0x30];
	v27 =	vadd.f32 v29, v4  }
0x334: {  	s28 =	sadd.s32 $0x3, s25;
	v19 =	vadd.s32 v3, v10;
	v13 =	vand.u32 $0x7C, v13;
	v24 =	vadd.f32 v31, v6;
	[tilespmem:v32+s18+$0x0] =	vst.idx.msk $0xffff, v18;
	v18 =	vld [tilespmem:s8+$0xFFFFFFB0];
	s8 =	smov.u32 s22;
	s22 =	sadd.s32 $0x100, s22  }
0x335: {  	v26 =	vmov s28;
	v10 =	vmovc v28;
	v20 =	vadd.s32 v3, v30;
	s25 =	sadd.s32 $0x4, s25;
	v23 =	vld [tilespmem:s22+$0x40];
	v25 =	vadd.f32 v33, v6;
	[tilespmem:v34+s18+$0x0] =	vst.idx.msk $0xffff, v27  }
0x336: {  	s25 =	sadd.s32 $0x1, s23  }
0x337: {  	v26 =	vand.u32 $0x7F, v26;
	s28 =	sadd.s32 $0x2, s23;
	v28 =	vld [tilespmem:s22+$0xFFFFFFC0];
	v27 =	vmov s25  }
0x338: {  	v31 =	vld [tilespmem:s22+$0x0];
	v29 =	vadd.s32 v0, v26;
	v30 =	vmov s28;
	v27 =	vand.u32 $0x7D, v27  }
0x339: {  	v32 =	vld [tilespmem:s22+$0xFFFFFF80];
	v30 =	vand.u32 $0x7E, v30;
	v33 =	vadd.s32 v0, v27  }
0x33a: {  	v34 =	vadd.s32 v0, v30  }
0x33b: {  	[tilespmem:v22+s18+$0x0] =	vst.idx.msk $0xffff, v24;
	v44 =	vadd.s32 v0, v13;
	v23 =	vadd.f32 v23, v9  }
0x33c: {  	[tilespmem:v21+s18+$0x0] =	vst.idx.msk $0xffff, v25;
	v45 =	vadd.f32 v28, v9  }
0x33d: {  	v46 =	vadd.f32 v31, v9;
	[tilespmem:v29+s18+$0x0] =	vst.idx.msk $0xffff, v23  }
0x33e: {  	v47 =	vadd.f32 v32, v9;
	v48 =	vld [tilespmem:s22+$0x50];
	[tilespmem:v33+s18+$0x0] =	vst.idx.msk $0xffff, v45  }
0x33f: {  	v17 =	vadd.f32 v17, v6;
	v12 =	vadd.s32 v3, v12;
	[tilespmem:v34+s18+$0x0] =	vst.idx.msk $0xffff, v46;
	v21 =	vld [tilespmem:s22+$0xFFFFFFD0]  }
0x340: {  	v16 =	vadd.f32 v16, v4;
	v49 =	vadd.s32 v1, v26;
	[tilespmem:v44+s18+$0x0] =	vst.idx.msk $0xffff, v47;
	v50 =	vld [tilespmem:s22+$0x10]  }
0x341: {  	[tilespmem:v14+s18+$0x0] =	vst.idx.msk $0xffff, v17;
	v51 =	vadd.f32 v15, v4;
	v53 =	vadd.s32 v1, v27;
	v52 =	vld [tilespmem:s22+$0xFFFFFF90]  }
0x342: {  	v54 =	vld [tilespmem:s8+$0x60];
	v18 =	vadd.f32 v18, v4;
	[tilespmem:v19+s18+$0x0] =	vst.idx.msk $0xffff, v16;
	v55 =	vadd.s32 v1, v30  }
0x343: {  	v57 =	vadd.s32 v1, v13;
	v60 =	vld [tilespmem:s8+$0x20];
	[tilespmem:v20+s18+$0x0] =	vst.idx.msk $0xffff, v51;
	v58 =	vadd.f32 v48, v6  }
0x344: {  	v59 =	vadd.s32 v2, v7;
	v56 =	vld [tilespmem:s8+$0xFFFFFFE0];
	[tilespmem:v12+s18+$0x0] =	vst.idx.msk $0xffff, v18;
	v61 =	vadd.f32 v21, v6  }
0x345: {  	v62 =	vld [tilespmem:s8+$0xFFFFFFA0];
	v29 =	vadd.s32 v2, v11;
	[tilespmem:v49+s18+$0x0] =	vst.idx.msk $0xffff, v58;
	v28 =	vadd.f32 v50, v6  }
0x346: {  	v63 =	vadd.s32 v2, v10;
	v31 =	vadd.f32 v52, v6;
	v32 =	vld [tilespmem:s22+$0x60];
	[tilespmem:v53+s18+$0x0] =	vst.idx.msk $0xffff, v61  }
0x347: {  	v33 =	vadd.f32 v54, v5;
	v34 =	vadd.s32 v2, v8;
	[tilespmem:v55+s18+$0x0] =	vst.idx.msk $0xffff, v28;
	v35 =	vld [tilespmem:s22+$0xFFFFFFE0]  }
0x348: {  	v37 =	vadd.s32 v2, v26;
	v39 =	vadd.f32 v60, v5;
	[tilespmem:v57+s18+$0x0] =	vst.idx.msk $0xffff, v31;
	v38 =	vld [tilespmem:s22+$0x20]  }
0x349: {  	v41 =	vadd.s32 v2, v27;
	v36 =	vadd.f32 v56, v5;
	[tilespmem:v59+s18+$0x0] =	vst.idx.msk $0xffff, v33;
	v40 =	vld [tilespmem:s22+$0xFFFFFFA0]  }
0x34a: {  	v43 =	vadd.s32 v2, v30;
	v18 =	vadd.f32 v62, v5;
	v42 =	vld [tilespmem:s8+$0x70];
	[tilespmem:v29+s18+$0x0] =	vst.idx.msk $0xffff, v39  }
0x34b: {  	v45 =	vadd.s32 v2, v13;
	[tilespmem:v63+s18+$0x0] =	vst.idx.msk $0xffff, v36;
	v47 =	vld [tilespmem:s8+$0x30];
	v44 =	vadd.f32 v32, v5  }
0x34c: {  	v46 =	vadd.s32 v3, v7;
	[tilespmem:v34+s18+$0x0] =	vst.idx.msk $0xffff, v18;
	v21 =	vld [tilespmem:s8+$0xFFFFFFF0];
	v9 =	vadd.f32 v35, v5  }
0x34d: {  	v18 =	vld [tilespmem:s8+$0xFFFFFFB0];
	v50 =	vadd.s32 v3, v11;
	[tilespmem:v37+s18+$0x0] =	vst.idx.msk $0xffff, v44;
	v49 =	vadd.f32 v38, v5  }
0x34e: {  	v48 =	vadd.s32 v3, v10;
	v5 =	vadd.f32 v40, v5;
	v12 =	vld [tilespmem:s22+$0x70];
	[tilespmem:v41+s18+$0x0] =	vst.idx.msk $0xffff, v9  }
0x34f: {  	v52 =	vadd.s32 v3, v8;
	v51 =	vadd.f32 v42, v4;
	[tilespmem:v43+s18+$0x0] =	vst.idx.msk $0xffff, v49;
	v53 =	vld [tilespmem:s22+$0xFFFFFFF0]  }
0x350: {  	v55 =	vadd.s32 v3, v26;
	v56 =	vadd.f32 v47, v4;
	[tilespmem:v45+s18+$0x0] =	vst.idx.msk $0xffff, v5;
	v5 =	vld [tilespmem:s22+$0x30]  }
0x351: {  	v58 =	vadd.s32 v3, v27;
	[tilespmem:v46+s18+$0x0] =	vst.idx.msk $0xffff, v51;
	v54 =	vadd.f32 v21, v4;
	v57 =	vld [tilespmem:s22+$0xFFFFFFB0]  }
0x352: {  	v60 =	vadd.s32 v3, v30;
	v59 =	vadd.f32 v18, v4;
	[tilespmem:v50+s18+$0x0] =	vst.idx.msk $0xffff, v56  }
0x353: {  	v62 =	vadd.s32 v3, v13;
	[tilespmem:v48+s18+$0x0] =	vst.idx.msk $0xffff, v54;
	v61 =	vadd.f32 v12, v4  }
0x354: {  	[tilespmem:v52+s18+$0x0] =	vst.idx.msk $0xffff, v59;
	v63 =	vadd.f32 v53, v4  }
0x355: {  	s25 =	sshll.u32 s15, $0x12;
	[tilespmem:v55+s18+$0x0] =	vst.idx.msk $0xffff, v61;
	v5 =	vadd.f32 v5, v4  }
0x356: {  	s8 =	sor.u32 s5, s25;
	v4 =	vadd.f32 v57, v4;
	[tilespmem:v58+s18+$0x0] =	vst.idx.msk $0xffff, v63  }
0x357: {  	s8 =	sshrl.u32 s8, $0x3;
	[tilespmem:v60+s18+$0x0] =	vst.idx.msk $0xffff, v5  }
0x358: {  	s28 =	simm.s32 $0x13800;
	s15 =	sadd.s32 s1, s8;
	[tilespmem:v62+s18+$0x0] =	vst.idx.msk $0xffff, v4  }
0x359: {  	[hbm4b:s15+s3] =	stream.linear.scatter [tilespmem:s28], [sflag:$0x6], $0x80, $0x38;
	[tilespmem:$0x19E00] =	vst v63  }
0x35a: {  	s23 =	sadd.s32 $0x10, s15;
	s22 =	simm.s32 $0x13888  }
0x35b: {  	[hbm4b:s23+s3] =	stream.linear.scatter [tilespmem:s22], [sflag:$0x6], $0x80, $0x38;
	[tilespmem:$0x19E00] =	vst v63  }
0x35c: {  	s25 =	simm.s32 $0x13910;
	s28 =	sadd.s32 $0x20, s15  }
0x35d: {  	[hbm4b:s28+s3] =	stream.linear.scatter [tilespmem:s25], [sflag:$0x6], $0x80, $0x38;
	[tilespmem:$0x19E00] =	vst v63  }
0x35e: {  	s22 =	simm.s32 $0x13998;
	s23 =	sadd.s32 $0x30, s15  }
0x35f: {  	[hbm4b:s23+s3] =	stream.linear.scatter [tilespmem:s22], [sflag:$0x6], $0x80, $0x38;
	[tilespmem:$0x19E00] =	vst v63  }
0x360: {  	s25 =	simm.s32 $0x13A20;
	s28 =	sadd.s32 $0x40, s15  }
0x361: {  	[hbm4b:s28+s3] =	stream.linear.scatter [tilespmem:s25], [sflag:$0x6], $0x80, $0x38;
	[tilespmem:$0x19E00] =	vst v63  }
0x362: {  	s8 =	simm.s32 $0x440;
	s22 =	simm.s32 $0x13AA8;
	s23 =	sadd.s32 $0x50, s15  }
0x363: {  	[hbm4b:s23+s3] =	stream.linear.scatter [tilespmem:s22], [sflag:$0x6], $0x80, $0x38;
	[tilespmem:$0x19E00] =	vst v63  }
0x364: {  	s25 =	simm.s32 $0x13B30;
	s28 =	sadd.s32 $0x60, s15;
	s22 =	simm.s32 $0x2200  }
0x365: {  	[hbm4b:s28+s3] =	stream.linear.scatter [tilespmem:s25], [sflag:$0x6], $0x80, $0x38;
	[tilespmem:$0x19E00] =	vst v63  }
0x366: {  	s23 =	simm.s32 $0x13BB8;
	s25 =	sadd.s32 $0x70, s15;
	s15 =	sadd.s32 $0x1000, s15  }
.LBB2_25:
0x367: {  	[hbm4b:s25+s3] =	stream.linear.scatter [tilespmem:s23], [sflag:$0x6], $0x80, $0x38;
	[tilespmem:$0x19E00] =	vst v63  }
0x368: {  	s23 =	smov.u32 s8;
	s8 =	smov.u32 s22  }
0x369: {  	s28 =	sadd.s32 $0x1100, s22;
	s8 =	sshra.s32 s8, $0x2;
	s25 =	sadd.s32 $0x13800, s23  }
0x36a: {  	[hbm4b:s15+s3] =	stream.linear.scatter [tilespmem:s25], [sflag:$0x6], $0x80, $0x38;
	[tilespmem:$0x19E00] =	vst v63  }
0x36b: {  	p0 =	sne.s32 s22, $0x7700;
	s22 =	sadd.s32 $0x13888, s23;
	s25 =	sadd.s32 $0x10, s15  }
0x36c: {  	[hbm4b:s25+s3] =	stream.linear.scatter [tilespmem:s22], [sflag:$0x6], $0x80, $0x38;
	[tilespmem:$0x19E00] =	vst v63  }
0x36d: {  	s22 =	sadd.s32 $0x13910, s23;
	s25 =	sadd.s32 $0x20, s15  }
0x36e: {  	[hbm4b:s25+s3] =	stream.linear.scatter [tilespmem:s22], [sflag:$0x6], $0x80, $0x38;
	[tilespmem:$0x19E00] =	vst v63  }
0x36f: {  	s22 =	sadd.s32 $0x13998, s23;
	s25 =	sadd.s32 $0x30, s15  }
0x370: {  	[hbm4b:s25+s3] =	stream.linear.scatter [tilespmem:s22], [sflag:$0x6], $0x80, $0x38;
	[tilespmem:$0x19E00] =	vst v63  }
0x371: {  	s22 =	sadd.s32 $0x13A20, s23;
	s25 =	sadd.s32 $0x40, s15  }
0x372: {  	[hbm4b:s25+s3] =	stream.linear.scatter [tilespmem:s22], [sflag:$0x6], $0x80, $0x38;
	[tilespmem:$0x19E00] =	vst v63  }
.Ltmp11:
0x373: {  	s22 =	sadd.s32 $0x13AA8, s23;
	s25 =	sadd.s32 $0x50, s15;
	(pc) =	sbr.rel @p0 .LBB2_25-.Ltmp11, $4  }
0x374: {  	[hbm4b:s25+s3] =	stream.linear.scatter [tilespmem:s22], [sflag:$0x6], $0x80, $0x38;
	[tilespmem:$0x19E00] =	vst v63  }
0x375: {  	s22 =	sadd.s32 $0x13B30, s23;
	s25 =	sadd.s32 $0x60, s15;
	s23 =	sadd.s32 $0x13BB8, s23  }
0x376: {  	[hbm4b:s25+s3] =	stream.linear.scatter [tilespmem:s22], [sflag:$0x6], $0x80, $0x38;
	[tilespmem:$0x19E00] =	vst v63  }
0x377: {  	s25 =	sadd.s32 $0x70, s15;
	s15 =	sadd.s32 $0x1000, s15;
	s22 =	smov.u32 s28  }
0x378: {  	[hbm4b:s25+s3] =	stream.linear.scatter [tilespmem:s23], [sflag:$0x6], $0x80, $0x38;
	[tilespmem:$0x19E00] =	vst v63  }
0x379: {  	s22 =	sadd.s32 $0x13800, s8  }
0x37a: {  	[hbm4b:s15+s3] =	stream.linear.scatter [tilespmem:s22], [sflag:$0x6], $0x80, $0x38;
	[tilespmem:$0x19E00] =	vst v63  }
0x37b: {  	s25 =	sadd.s32 $0x13888, s8;
	s28 =	sadd.s32 $0x10, s15  }
0x37c: {  	[hbm4b:s28+s3] =	stream.linear.scatter [tilespmem:s25], [sflag:$0x6], $0x80, $0x38;
	[tilespmem:$0x19E00] =	vst v63  }
0x37d: {  	s25 =	sadd.s32 $0x13910, s8;
	s28 =	sadd.s32 $0x20, s15  }
0x37e: {  	[hbm4b:s28+s3] =	stream.linear.scatter [tilespmem:s25], [sflag:$0x6], $0x80, $0x38;
	[tilespmem:$0x19E00] =	vst v63  }
0x37f: {  	s25 =	sadd.s32 $0x13998, s8;
	s28 =	sadd.s32 $0x30, s15  }
0x380: {  	[hbm4b:s28+s3] =	stream.linear.scatter [tilespmem:s25], [sflag:$0x6], $0x80, $0x38;
	[tilespmem:$0x19E00] =	vst v63  }
0x381: {  	s25 =	sadd.s32 $0x13A20, s8;
	s28 =	sadd.s32 $0x40, s15  }
0x382: {  	[hbm4b:s28+s3] =	stream.linear.scatter [tilespmem:s25], [sflag:$0x6], $0x80, $0x38;
	[tilespmem:$0x19E00] =	vst v63  }
0x383: {  	s25 =	sadd.s32 $0x13AA8, s8;
	s28 =	sadd.s32 $0x50, s15  }
0x384: {  	[hbm4b:s28+s3] =	stream.linear.scatter [tilespmem:s25], [sflag:$0x6], $0x80, $0x38;
	[tilespmem:$0x19E00] =	vst v63  }
0x385: {  	s25 =	sadd.s32 $0x13B30, s8;
	s28 =	sadd.s32 $0x60, s15  }
0x386: {  	[hbm4b:s28+s3] =	stream.linear.scatter [tilespmem:s25], [sflag:$0x6], $0x80, $0x38;
	[tilespmem:$0x19E00] =	vst v63  }
0x387: {  	s23 =	sadd.s32 $0x70, s15;
	s14 =	sand.u32 $0x3FFFFE00, s14;
	s22 =	sadd.s32 $0x13BB8, s8  }
0x388: {  	[hbm4b:s23+s3] =	stream.linear.scatter [tilespmem:s22], [sflag:$0x6], $0x80, $0x38;
	[tilespmem:$0x19E00] =	vst v63  }
0x389: {  	s25 =	sadd.s32 $0x480, s14;
	s28 =	simm.s32 $0xB600  }
0x38a: {  	[tilespmem:s28], [sflag:$0x2] =	stream.indirect.gather [hbm4b:s4+s21], $0x40, s25, s21, $0xb8;
	[tilespmem:$0x19E00] =	vst v63  }
0x38b: {  	s22 =	sadd.s32 $0x4C0, s14;
	s23 =	simm.s32 $0xC600  }
0x38c: {  	[tilespmem:s23], [sflag:$0x2] =	stream.indirect.gather [hbm4b:s4+s21], $0x40, s22, s21, $0xb8;
	[tilespmem:$0x19E00] =	vst v63  }
0x38d: {  	_ =	swait.ge [sflag:s29], $0x1000  }
0x38e: {  	[sflag:s29] =	ssyncset.done $0x0  }
0x38f: {  	[sflag:s29] =	ssyncadd.s32 $0xFFFFF000  }
0x390: {  	_ =	swait.ge [sflag:s29], $0x1000  }
0x391: {  	[sflag:s29] =	ssyncset.done $0x0  }
0x392: {  	[sflag:s29] =	ssyncadd.s32 $0xFFFFF000  }
0x393: {  	s13 =	sadd.s32 $0x6, s13;
	_ =	swait.ge [sflag:s9], $0x2000  }
0x394: {  	s25 =	sshll.u32 s13, $0x6;
	[sflag:s9] =	ssyncset.done $0x0  }
0x395: {  	s8 =	sand.u32 $0x3FFFFFC0, s25;
	[sflag:s9] =	ssyncadd.s32 $0xFFFFE000  }
0x396: {  	s28 =	simm.s32 $0x3;
	s23 =	simm.s32 $0xD680;
	v9 =	vld [tilespmem:s8+$0x6400]  }
0x397: {  	v4 =	vmov s28;
	v7 =	vld [tilespmem:s23+$0x40]  }
0x398: {  	v13 =	vand.u32 $0x7F, v4  }
0x399: {  	s22 =	simm.s32 $0x0;
	v8 =	vadd.s32 v0, v13;
	v6 =	vld [tilespmem:s8+$0x6410]  }
0x39a: {  	s25 =	simm.s32 $0x1;
	s28 =	simm.s32 $0x2;
	v4 =	vmov s22;
	v10 =	vld [tilespmem:s23+$0xFFFFFF80]  }
0x39b: {  	v14 =	vmov s28;
	v12 =	vand.u32 $0x7C, v4;
	v4 =	vmov s25;
	v11 =	vld [tilespmem:s23+$0xFFFFFFC0]  }
0x39c: {  	v15 =	vadd.s32 v0, v12;
	v19 =	vand.u32 $0x7D, v4;
	v16 =	vld [tilespmem:s23+$0x0];
	v7 =	vadd.f32 v7, v9  }
0x39d: {  	v20 =	vand.u32 $0x7E, v14;
	v17 =	vadd.s32 v0, v19;
	v5 =	vld [tilespmem:s8+$0x6420]  }
0x39e: {  	v14 =	vadd.s32 v0, v20;
	v4 =	vld [tilespmem:s8+$0x6430];
	[tilespmem:v8+s31+$0x0] =	vst.idx.msk $0xffff, v7  }
0x39f: {  	v7 =	vadd.f32 v10, v9;
	v8 =	vld [tilespmem:s23+$0x50]  }
0x3a0: {  	v10 =	vadd.f32 v11, v9  }
0x3a1: {  	v11 =	vadd.s32 v1, v13;
	[tilespmem:v15+s31+$0x0] =	vst.idx.msk $0xffff, v7;
	v7 =	vadd.f32 v16, v9  }
0x3a2: {  	[tilespmem:v17+s31+$0x0] =	vst.idx.msk $0xffff, v10;
	v15 =	vld [tilespmem:s23+$0xFFFFFF90]  }
0x3a3: {  	v10 =	vld [tilespmem:s23+$0xFFFFFFD0];
	[tilespmem:v14+s31+$0x0] =	vst.idx.msk $0xffff, v7  }
0x3a4: {  	v14 =	vld [tilespmem:s23+$0x10];
	v7 =	vadd.f32 v8, v6  }
0x3a5: {  	s28 =	simm.s32 $0x7;
	s8 =	simm.s32 $0xD780;
	v16 =	vadd.s32 v1, v19  }
0x3a6: {  	v26 =	vadd.s32 v2, v13;
	s25 =	simm.s32 $0x4;
	v18 =	vld [tilespmem:s8+$0x40];
	v17 =	vadd.s32 v1, v20;
	[tilespmem:v11+s31+$0x0] =	vst.idx.msk $0xffff, v7;
	v7 =	vmov s28  }
0x3a7: {  	v21 =	vadd.s32 v1, v12;
	v8 =	vmov s25;
	v7 =	vand.u32 $0x7F, v7;
	v22 =	vld [tilespmem:s23+$0x60]  }
0x3a8: {  	s22 =	simm.s32 $0x5;
	v23 =	vld [tilespmem:s8+$0xFFFFFF80];
	v8 =	vand.u32 $0x7C, v8;
	v10 =	vadd.f32 v10, v6;
	v24 =	vadd.s32 v0, v7  }
0x3a9: {  	v25 =	vld [tilespmem:s8+$0xFFFFFFC0];
	s25 =	simm.s32 $0x6;
	v15 =	vadd.f32 v15, v6;
	v11 =	vadd.f32 v14, v6;
	v14 =	vmov s22  }
0x3aa: {  	v27 =	vadd.s32 v0, v8;
	[tilespmem:v16+s31+$0x0] =	vst.idx.msk $0xffff, v10;
	v16 =	vmov s25;
	v10 =	vand.u32 $0x7D, v14;
	v14 =	vld [tilespmem:s8+$0x0]  }
0x3ab: {  	[tilespmem:v17+s31+$0x0] =	vst.idx.msk $0xffff, v11;
	v17 =	vadd.s32 v0, v10;
	v11 =	vand.u32 $0x7E, v16;
	v16 =	vadd.f32 v18, v9;
	v18 =	vld [tilespmem:s23+$0xFFFFFFE0]  }
0x3ac: {  	[tilespmem:v21+s31+$0x0] =	vst.idx.msk $0xffff, v15;
	v15 =	vadd.s32 v0, v11;
	v21 =	vld [tilespmem:s23+$0x20];
	v22 =	vadd.f32 v22, v5  }
0x3ad: {  	v23 =	vadd.f32 v23, v9;
	[tilespmem:v24+s31+$0x0] =	vst.idx.msk $0xffff, v16;
	v16 =	vld [tilespmem:s23+$0xFFFFFFA0];
	v24 =	vadd.s32 v2, v19  }
0x3ae: {  	v29 =	vadd.s32 v2, v20;
	v25 =	vadd.f32 v25, v9;
	v28 =	vld [tilespmem:s8+$0x50];
	[tilespmem:v26+s31+$0x0] =	vst.idx.msk $0xffff, v22  }
0x3af: {  	[tilespmem:v27+s31+$0x0] =	vst.idx.msk $0xffff, v23;
	v23 =	vadd.s32 v2, v12;
	v14 =	vadd.f32 v14, v9;
	v26 =	vld [tilespmem:s23+$0x70]  }
0x3b0: {  	v27 =	vld [tilespmem:s8+$0xFFFFFF90];
	[tilespmem:v17+s31+$0x0] =	vst.idx.msk $0xffff, v25;
	v25 =	vadd.s32 v1, v7;
	v18 =	vadd.f32 v18, v5  }
0x3b1: {  	v31 =	vadd.s32 v3, v13;
	v30 =	vld [tilespmem:s8+$0xFFFFFFD0];
	[tilespmem:v15+s31+$0x0] =	vst.idx.msk $0xffff, v14;
	v14 =	vadd.f32 v21, v5  }
0x3b2: {  	v22 =	vadd.s32 v1, v8;
	v17 =	vld [tilespmem:s8+$0x10];
	v13 =	vadd.f32 v16, v5;
	[tilespmem:v24+s31+$0x0] =	vst.idx.msk $0xffff, v18  }
0x3b3: {  	s22 =	simm.s32 $0x8;
	v21 =	vadd.s32 v1, v10;
	[tilespmem:v29+s31+$0x0] =	vst.idx.msk $0xffff, v14;
	v18 =	vadd.f32 v28, v6;
	v16 =	vld [tilespmem:s23+$0xFFFFFFF0]  }
0x3b4: {  	v24 =	vmov s22;
	v14 =	vadd.s32 v1, v11;
	v15 =	vld [tilespmem:s23+$0x30];
	[tilespmem:v23+s31+$0x0] =	vst.idx.msk $0xffff, v13;
	v63 =	vadd.f32 v26, v4  }
0x3b5: {  	s15 =	simm.s32 $0xD880;
	s28 =	simm.s32 $0xB;
	v19 =	vadd.s32 v3, v19;
	v13 =	vand.u32 $0x7C, v24;
	v24 =	vadd.f32 v27, v6;
	[tilespmem:v25+s31+$0x0] =	vst.idx.msk $0xffff, v18;
	v18 =	vld [tilespmem:s23+$0xFFFFFFB0]  }
0x3b6: {  	v20 =	vadd.s32 v3, v20;
	v26 =	vmov s28;
	v23 =	vld [tilespmem:s15+$0x40];
	s23 =	simm.s32 $0xC;
	v25 =	vadd.f32 v30, v6;
	[tilespmem:v31+s31+$0x0] =	vst.idx.msk $0xffff, v63  }
.LBB2_27:
0x3b7: {  	p0 =	slt.u32 s23, $0x7C;
	s25 =	sadd.s32 $0x1, s22;
	v26 =	vand.u32 $0x7F, v26;
	[tilespmem:v22+s31+$0x0] =	vst.idx.msk $0xffff, v24;
	v17 =	vadd.f32 v17, v6;
	v22 =	vld [tilespmem:s8+$0x60];
	v24 =	vadd.s32 v3, v12  }
0x3b8: {  	v30 =	vmovc v11;
	v27 =	vld [tilespmem:s15+$0xFFFFFF80];
	v28 =	vmov s25;
	s25 =	sadd.s32 $0x2, s22;
	v29 =	vadd.s32 v0, v26;
	[tilespmem:v21+s31+$0x0] =	vst.idx.msk $0xffff, v25;
	v16 =	vadd.f32 v16, v4;
	s22 =	smov.u32 s23  }
0x3b9: {  	v12 =	vmovc v8;
	v21 =	vld [tilespmem:s15+$0xFFFFFFC0];
	v11 =	vmov s25;
	[tilespmem:v14+s31+$0x0] =	vst.idx.msk $0xffff, v17;
	v14 =	vadd.s32 v2, v7;
	v15 =	vadd.f32 v15, v4  }
0x3ba: {  	v17 =	vadd.s32 v0, v13;
	v28 =	vand.u32 $0x7D, v28;
	v25 =	vld [tilespmem:s15+$0x0];
	v31 =	vadd.f32 v18, v4;
	[tilespmem:v19+s31+$0x0] =	vst.idx.msk $0xffff, v16  }
0x3bb: {  	v16 =	vadd.s32 v0, v28;
	v11 =	vand.u32 $0x7E, v11;
	v18 =	vadd.f32 v23, v9;
	v19 =	vld [tilespmem:s8+$0xFFFFFFE0];
	[tilespmem:v20+s31+$0x0] =	vst.idx.msk $0xffff, v15  }
0x3bc: {  	v8 =	vmov v13;
	v15 =	vadd.s32 v0, v11;
	v20 =	vld [tilespmem:s8+$0x20];
	v22 =	vadd.f32 v22, v5;
	[tilespmem:v24+s31+$0x0] =	vst.idx.msk $0xffff, v31  }
0x3bd: {  	v23 =	vadd.s32 v2, v10;
	v13 =	vadd.f32 v27, v9;
	[tilespmem:v29+s31+$0x0] =	vst.idx.msk $0xffff, v18;
	v18 =	vld [tilespmem:s8+$0xFFFFFFA0]  }
0x3be: {  	v27 =	vadd.s32 v2, v30;
	v21 =	vadd.f32 v21, v9;
	v24 =	vld [tilespmem:s15+$0x50];
	[tilespmem:v14+s31+$0x0] =	vst.idx.msk $0xffff, v22  }
0x3bf: {  	[tilespmem:v17+s31+$0x0] =	vst.idx.msk $0xffff, v13;
	v13 =	vadd.f32 v25, v9;
	v25 =	vadd.s32 v2, v12;
	v29 =	vld [tilespmem:s8+$0x70]  }
0x3c0: {  	v32 =	vadd.s32 v1, v26;
	v31 =	vld [tilespmem:s15+$0xFFFFFF90];
	[tilespmem:v16+s31+$0x0] =	vst.idx.msk $0xffff, v21;
	v14 =	vadd.f32 v19, v5  }
0x3c1: {  	v34 =	vadd.s32 v3, v7;
	v7 =	vmov v26;
	v33 =	vld [tilespmem:s15+$0xFFFFFFD0];
	[tilespmem:v15+s31+$0x0] =	vst.idx.msk $0xffff, v13;
	v13 =	vadd.f32 v20, v5  }
.Ltmp12:
0x3c2: {  	v22 =	vadd.s32 v1, v8;
	v17 =	vld [tilespmem:s15+$0x10];
	v15 =	vadd.f32 v18, v5;
	[tilespmem:v23+s31+$0x0] =	vst.idx.msk $0xffff, v14;
	(pc) =	sbr.rel @p0 .LBB2_27-.Ltmp12, $4  }
0x3c3: {  	v21 =	vadd.s32 v1, v28;
	v18 =	vadd.f32 v24, v6;
	v16 =	vld [tilespmem:s8+$0xFFFFFFF0];
	[tilespmem:v27+s31+$0x0] =	vst.idx.msk $0xffff, v13  }
0x3c4: {  	v14 =	vadd.s32 v1, v11;
	v13 =	vmov s23;
	[tilespmem:v25+s31+$0x0] =	vst.idx.msk $0xffff, v15;
	v15 =	vld [tilespmem:s8+$0x30];
	v27 =	vadd.f32 v29, v4  }
0x3c5: {  	s25 =	sadd.s32 $0x3, s23;
	v19 =	vadd.s32 v3, v10;
	v13 =	vand.u32 $0x7C, v13;
	v24 =	vadd.f32 v31, v6;
	[tilespmem:v32+s31+$0x0] =	vst.idx.msk $0xffff, v18;
	v18 =	vld [tilespmem:s8+$0xFFFFFFB0];
	s8 =	smov.u32 s15;
	s15 =	sadd.s32 $0x100, s15  }
0x3c6: {  	v26 =	vmov s25;
	v10 =	vmovc v28;
	v20 =	vadd.s32 v3, v30;
	s23 =	sadd.s32 $0x4, s23;
	v23 =	vld [tilespmem:s15+$0x40];
	v25 =	vadd.f32 v33, v6;
	[tilespmem:v34+s31+$0x0] =	vst.idx.msk $0xffff, v27  }
0x3c7: {  	s23 =	sadd.s32 $0x1, s22  }
0x3c8: {  	v26 =	vand.u32 $0x7F, v26;
	s28 =	sadd.s32 $0x2, s22;
	v28 =	vld [tilespmem:s15+$0xFFFFFFC0];
	v27 =	vmov s23  }
0x3c9: {  	v31 =	vld [tilespmem:s15+$0x0];
	v29 =	vadd.s32 v0, v26;
	v30 =	vmov s28;
	v27 =	vand.u32 $0x7D, v27  }
0x3ca: {  	v32 =	vld [tilespmem:s15+$0xFFFFFF80];
	v30 =	vand.u32 $0x7E, v30;
	v33 =	vadd.s32 v0, v27  }
0x3cb: {  	v34 =	vadd.s32 v0, v30  }
0x3cc: {  	[tilespmem:v22+s31+$0x0] =	vst.idx.msk $0xffff, v24;
	v44 =	vadd.s32 v0, v13;
	v23 =	vadd.f32 v23, v9  }
0x3cd: {  	[tilespmem:v21+s31+$0x0] =	vst.idx.msk $0xffff, v25;
	v45 =	vadd.f32 v28, v9  }
0x3ce: {  	v46 =	vadd.f32 v31, v9;
	[tilespmem:v29+s31+$0x0] =	vst.idx.msk $0xffff, v23  }
0x3cf: {  	v47 =	vadd.f32 v32, v9;
	v48 =	vld [tilespmem:s15+$0x50];
	[tilespmem:v33+s31+$0x0] =	vst.idx.msk $0xffff, v45  }
0x3d0: {  	v17 =	vadd.f32 v17, v6;
	v12 =	vadd.s32 v3, v12;
	[tilespmem:v34+s31+$0x0] =	vst.idx.msk $0xffff, v46;
	v21 =	vld [tilespmem:s15+$0xFFFFFFD0]  }
0x3d1: {  	v16 =	vadd.f32 v16, v4;
	v49 =	vadd.s32 v1, v26;
	[tilespmem:v44+s31+$0x0] =	vst.idx.msk $0xffff, v47;
	v50 =	vld [tilespmem:s15+$0x10]  }
0x3d2: {  	[tilespmem:v14+s31+$0x0] =	vst.idx.msk $0xffff, v17;
	v51 =	vadd.f32 v15, v4;
	v53 =	vadd.s32 v1, v27;
	v52 =	vld [tilespmem:s15+$0xFFFFFF90]  }
0x3d3: {  	v54 =	vld [tilespmem:s8+$0x60];
	v18 =	vadd.f32 v18, v4;
	[tilespmem:v19+s31+$0x0] =	vst.idx.msk $0xffff, v16;
	v55 =	vadd.s32 v1, v30  }
0x3d4: {  	v57 =	vadd.s32 v1, v13;
	v60 =	vld [tilespmem:s8+$0x20];
	[tilespmem:v20+s31+$0x0] =	vst.idx.msk $0xffff, v51;
	v58 =	vadd.f32 v48, v6  }
0x3d5: {  	v59 =	vadd.s32 v2, v7;
	v56 =	vld [tilespmem:s8+$0xFFFFFFE0];
	[tilespmem:v12+s31+$0x0] =	vst.idx.msk $0xffff, v18;
	v61 =	vadd.f32 v21, v6  }
0x3d6: {  	v62 =	vld [tilespmem:s8+$0xFFFFFFA0];
	v29 =	vadd.s32 v2, v11;
	[tilespmem:v49+s31+$0x0] =	vst.idx.msk $0xffff, v58;
	v28 =	vadd.f32 v50, v6  }
0x3d7: {  	v63 =	vadd.s32 v2, v10;
	v31 =	vadd.f32 v52, v6;
	v32 =	vld [tilespmem:s15+$0x60];
	[tilespmem:v53+s31+$0x0] =	vst.idx.msk $0xffff, v61  }
0x3d8: {  	v33 =	vadd.f32 v54, v5;
	v34 =	vadd.s32 v2, v8;
	[tilespmem:v55+s31+$0x0] =	vst.idx.msk $0xffff, v28;
	v35 =	vld [tilespmem:s15+$0xFFFFFFE0]  }
0x3d9: {  	v37 =	vadd.s32 v2, v26;
	v39 =	vadd.f32 v60, v5;
	[tilespmem:v57+s31+$0x0] =	vst.idx.msk $0xffff, v31;
	v38 =	vld [tilespmem:s15+$0x20]  }
0x3da: {  	v41 =	vadd.s32 v2, v27;
	v36 =	vadd.f32 v56, v5;
	[tilespmem:v59+s31+$0x0] =	vst.idx.msk $0xffff, v33;
	v40 =	vld [tilespmem:s15+$0xFFFFFFA0]  }
0x3db: {  	v43 =	vadd.s32 v2, v30;
	v18 =	vadd.f32 v62, v5;
	v42 =	vld [tilespmem:s8+$0x70];
	[tilespmem:v29+s31+$0x0] =	vst.idx.msk $0xffff, v39  }
0x3dc: {  	v45 =	vadd.s32 v2, v13;
	[tilespmem:v63+s31+$0x0] =	vst.idx.msk $0xffff, v36;
	v47 =	vld [tilespmem:s8+$0x30];
	v44 =	vadd.f32 v32, v5  }
0x3dd: {  	v46 =	vadd.s32 v3, v7;
	[tilespmem:v34+s31+$0x0] =	vst.idx.msk $0xffff, v18;
	v21 =	vld [tilespmem:s8+$0xFFFFFFF0];
	v9 =	vadd.f32 v35, v5  }
0x3de: {  	v18 =	vld [tilespmem:s8+$0xFFFFFFB0];
	v50 =	vadd.s32 v3, v11;
	[tilespmem:v37+s31+$0x0] =	vst.idx.msk $0xffff, v44;
	v49 =	vadd.f32 v38, v5  }
0x3df: {  	v48 =	vadd.s32 v3, v10;
	v5 =	vadd.f32 v40, v5;
	v12 =	vld [tilespmem:s15+$0x70];
	[tilespmem:v41+s31+$0x0] =	vst.idx.msk $0xffff, v9  }
0x3e0: {  	v52 =	vadd.s32 v3, v8;
	v51 =	vadd.f32 v42, v4;
	[tilespmem:v43+s31+$0x0] =	vst.idx.msk $0xffff, v49;
	v53 =	vld [tilespmem:s15+$0xFFFFFFF0]  }
0x3e1: {  	v55 =	vadd.s32 v3, v26;
	v56 =	vadd.f32 v47, v4;
	[tilespmem:v45+s31+$0x0] =	vst.idx.msk $0xffff, v5;
	v5 =	vld [tilespmem:s15+$0x30]  }
0x3e2: {  	v58 =	vadd.s32 v3, v27;
	[tilespmem:v46+s31+$0x0] =	vst.idx.msk $0xffff, v51;
	v54 =	vadd.f32 v21, v4;
	v57 =	vld [tilespmem:s15+$0xFFFFFFB0]  }
0x3e3: {  	v60 =	vadd.s32 v3, v30;
	v59 =	vadd.f32 v18, v4;
	[tilespmem:v50+s31+$0x0] =	vst.idx.msk $0xffff, v56  }
0x3e4: {  	v62 =	vadd.s32 v3, v13;
	[tilespmem:v48+s31+$0x0] =	vst.idx.msk $0xffff, v54;
	v61 =	vadd.f32 v12, v4  }
0x3e5: {  	[tilespmem:v52+s31+$0x0] =	vst.idx.msk $0xffff, v59;
	v63 =	vadd.f32 v53, v4  }
0x3e6: {  	s13 =	sshll.u32 s13, $0x12;
	[tilespmem:v55+s31+$0x0] =	vst.idx.msk $0xffff, v61;
	v5 =	vadd.f32 v5, v4  }
0x3e7: {  	s8 =	sor.u32 s5, s13;
	v4 =	vadd.f32 v57, v4;
	[tilespmem:v58+s31+$0x0] =	vst.idx.msk $0xffff, v63  }
0x3e8: {  	s8 =	sshrl.u32 s8, $0x3;
	[tilespmem:v60+s31+$0x0] =	vst.idx.msk $0xffff, v5  }
0x3e9: {  	s13 =	sadd.s32 s1, s8;
	s15 =	simm.s32 $0x15A00;
	[tilespmem:v62+s31+$0x0] =	vst.idx.msk $0xffff, v4  }
0x3ea: {  	[hbm4b:s13+s3] =	stream.linear.scatter [tilespmem:s15], [sflag:$0x7], $0x80, $0x38;
	[tilespmem:$0x19E00] =	vst v63  }
0x3eb: {  	s22 =	simm.s32 $0x15A88;
	s23 =	sadd.s32 $0x10, s13  }
0x3ec: {  	[hbm4b:s23+s3] =	stream.linear.scatter [tilespmem:s22], [sflag:$0x7], $0x80, $0x38;
	[tilespmem:$0x19E00] =	vst v63  }
0x3ed: {  	s25 =	simm.s32 $0x15B10;
	s8 =	simm.s32 $0x440;
	s28 =	sadd.s32 $0x20, s13  }
0x3ee: {  	[hbm4b:s28+s3] =	stream.linear.scatter [tilespmem:s25], [sflag:$0x7], $0x80, $0x38;
	[tilespmem:$0x19E00] =	vst v63  }
0x3ef: {  	s15 =	simm.s32 $0x2200;
	s22 =	simm.s32 $0x15B98;
	s23 =	sadd.s32 $0x30, s13  }
0x3f0: {  	[hbm4b:s23+s3] =	stream.linear.scatter [tilespmem:s22], [sflag:$0x7], $0x80, $0x38;
	[tilespmem:$0x19E00] =	vst v63  }
0x3f1: {  	s25 =	simm.s32 $0x15C20;
	s28 =	sadd.s32 $0x40, s13;
	s22 =	simm.s32 $0x15CA8  }
0x3f2: {  	[hbm4b:s28+s3] =	stream.linear.scatter [tilespmem:s25], [sflag:$0x7], $0x80, $0x38;
	[tilespmem:$0x19E00] =	vst v63  }
0x3f3: {  	s23 =	sadd.s32 $0x50, s13;
	s25 =	simm.s32 $0x15D30;
	s28 =	sadd.s32 $0x60, s13  }
0x3f4: {  	[hbm4b:s23+s3] =	stream.linear.scatter [tilespmem:s22], [sflag:$0x7], $0x80, $0x38;
	[tilespmem:$0x19E00] =	vst v63  }
0x3f5: {  	s22 =	simm.s32 $0x15DB8;
	s23 =	sadd.s32 $0x70, s13;
	s13 =	sadd.s32 $0x1000, s13  }
0x3f6: {  	[hbm4b:s28+s3] =	stream.linear.scatter [tilespmem:s25], [sflag:$0x7], $0x80, $0x38;
	[tilespmem:$0x19E00] =	vst v63  }
.LBB2_29:
0x3f7: {  	[hbm4b:s23+s3] =	stream.linear.scatter [tilespmem:s22], [sflag:$0x7], $0x80, $0x38;
	[tilespmem:$0x19E00] =	vst v63  }
0x3f8: {  	s22 =	smov.u32 s8;
	s8 =	smov.u32 s15  }
0x3f9: {  	s25 =	sadd.s32 $0x1100, s15;
	s8 =	sshra.s32 s8, $0x2;
	s23 =	sadd.s32 $0x15A00, s22  }
0x3fa: {  	[hbm4b:s13+s3] =	stream.linear.scatter [tilespmem:s23], [sflag:$0x7], $0x80, $0x38;
	[tilespmem:$0x19E00] =	vst v63  }
0x3fb: {  	p0 =	sne.s32 s15, $0x7700;
	s15 =	sadd.s32 $0x15A88, s22;
	s23 =	sadd.s32 $0x10, s13  }
0x3fc: {  	[hbm4b:s23+s3] =	stream.linear.scatter [tilespmem:s15], [sflag:$0x7], $0x80, $0x38;
	[tilespmem:$0x19E00] =	vst v63  }
0x3fd: {  	s15 =	sadd.s32 $0x15B10, s22;
	s23 =	sadd.s32 $0x20, s13  }
0x3fe: {  	[hbm4b:s23+s3] =	stream.linear.scatter [tilespmem:s15], [sflag:$0x7], $0x80, $0x38;
	[tilespmem:$0x19E00] =	vst v63  }
0x3ff: {  	s15 =	sadd.s32 $0x15B98, s22;
	s23 =	sadd.s32 $0x30, s13  }
0x400: {  	[hbm4b:s23+s3] =	stream.linear.scatter [tilespmem:s15], [sflag:$0x7], $0x80, $0x38;
	[tilespmem:$0x19E00] =	vst v63  }
0x401: {  	s15 =	sadd.s32 $0x15C20, s22;
	s23 =	sadd.s32 $0x40, s13  }
0x402: {  	[hbm4b:s23+s3] =	stream.linear.scatter [tilespmem:s15], [sflag:$0x7], $0x80, $0x38;
	[tilespmem:$0x19E00] =	vst v63  }
.Ltmp13:
0x403: {  	s15 =	sadd.s32 $0x15CA8, s22;
	s23 =	sadd.s32 $0x50, s13;
	(pc) =	sbr.rel @p0 .LBB2_29-.Ltmp13, $4  }
0x404: {  	[hbm4b:s23+s3] =	stream.linear.scatter [tilespmem:s15], [sflag:$0x7], $0x80, $0x38;
	[tilespmem:$0x19E00] =	vst v63  }
0x405: {  	s15 =	sadd.s32 $0x15D30, s22;
	s23 =	sadd.s32 $0x60, s13;
	s22 =	sadd.s32 $0x15DB8, s22  }
0x406: {  	[hbm4b:s23+s3] =	stream.linear.scatter [tilespmem:s15], [sflag:$0x7], $0x80, $0x38;
	[tilespmem:$0x19E00] =	vst v63  }
0x407: {  	s23 =	sadd.s32 $0x70, s13;
	s13 =	sadd.s32 $0x1000, s13;
	s15 =	smov.u32 s25  }
0x408: {  	[hbm4b:s23+s3] =	stream.linear.scatter [tilespmem:s22], [sflag:$0x7], $0x80, $0x38;
	[tilespmem:$0x19E00] =	vst v63  }
0x409: {  	s15 =	sadd.s32 $0x15A00, s8  }
0x40a: {  	[hbm4b:s13+s3] =	stream.linear.scatter [tilespmem:s15], [sflag:$0x7], $0x80, $0x38;
	[tilespmem:$0x19E00] =	vst v63  }
0x40b: {  	s25 =	sadd.s32 $0x15A88, s8;
	s28 =	sadd.s32 $0x10, s13  }
0x40c: {  	[hbm4b:s28+s3] =	stream.linear.scatter [tilespmem:s25], [sflag:$0x7], $0x80, $0x38;
	[tilespmem:$0x19E00] =	vst v63  }
0x40d: {  	s22 =	sadd.s32 $0x15B10, s8;
	s23 =	sadd.s32 $0x20, s13  }
0x40e: {  	[hbm4b:s23+s3] =	stream.linear.scatter [tilespmem:s22], [sflag:$0x7], $0x80, $0x38;
	[tilespmem:$0x19E00] =	vst v63  }
0x40f: {  	s25 =	sadd.s32 $0x15B98, s8;
	s28 =	sadd.s32 $0x30, s13  }
0x410: {  	[hbm4b:s28+s3] =	stream.linear.scatter [tilespmem:s25], [sflag:$0x7], $0x80, $0x38;
	[tilespmem:$0x19E00] =	vst v63  }
0x411: {  	s22 =	sadd.s32 $0x15C20, s8;
	s23 =	sadd.s32 $0x40, s13  }
0x412: {  	[hbm4b:s23+s3] =	stream.linear.scatter [tilespmem:s22], [sflag:$0x7], $0x80, $0x38;
	[tilespmem:$0x19E00] =	vst v63  }
0x413: {  	s25 =	sadd.s32 $0x15CA8, s8;
	s28 =	sadd.s32 $0x50, s13  }
0x414: {  	[hbm4b:s28+s3] =	stream.linear.scatter [tilespmem:s25], [sflag:$0x7], $0x80, $0x38;
	[tilespmem:$0x19E00] =	vst v63  }
0x415: {  	s22 =	sadd.s32 $0x15D30, s8;
	s23 =	sadd.s32 $0x60, s13  }
0x416: {  	[hbm4b:s23+s3] =	stream.linear.scatter [tilespmem:s22], [sflag:$0x7], $0x80, $0x38;
	[tilespmem:$0x19E00] =	vst v63  }
0x417: {  	s25 =	sadd.s32 $0x15DB8, s8;
	s28 =	sadd.s32 $0x70, s13  }
0x418: {  	[hbm4b:s28+s3] =	stream.linear.scatter [tilespmem:s25], [sflag:$0x7], $0x80, $0x38;
	[tilespmem:$0x19E00] =	vst v63  }
0x419: {  	s13 =	sadd.s32 $0x500, s14  }
0x41a: {  	[tilespmem:s30], [sflag:$0x3] =	stream.indirect.gather [hbm4b:s4+s21], $0x40, s13, s21, $0xb8;
	[tilespmem:$0x19E00] =	vst v63  }
0x41b: {  	s14 =	sadd.s32 $0x540, s14  }
0x41c: {  	[tilespmem:s0], [sflag:$0x3] =	stream.indirect.gather [hbm4b:s4+s21], $0x40, s14, s21, $0xb8;
	[tilespmem:$0x19E00] =	vst v63  }
0x41d: {  	_ =	swait.ge [sflag:s6], $0x1000  }
0x41e: {  	[sflag:s6] =	ssyncset.done $0x0  }
0x41f: {  	[sflag:s6] =	ssyncadd.s32 $0xFFFFF000  }
0x420: {  	_ =	swait.ge [sflag:s6], $0x1000  }
0x421: {  	[sflag:s6] =	ssyncset.done $0x0  }
0x422: {  	[sflag:s6] =	ssyncadd.s32 $0xFFFFF000  }
0x423: {  	_ =	swait.ge [sflag:s10], $0x2000  }
0x424: {  	s15 =	sshll.u32 s12, $0x6;
	[sflag:s10] =	ssyncset.done $0x0  }
0x425: {  	s8 =	sand.u32 $0x3FFFFFC0, s15;
	[sflag:s10] =	ssyncadd.s32 $0xFFFFE000  }
0x426: {  	s15 =	simm.s32 $0xF680;
	s22 =	simm.s32 $0x3;
	v9 =	vld [tilespmem:s8+$0x6400]  }
0x427: {  	v4 =	vmov s22;
	v7 =	vld [tilespmem:s15+$0x40]  }
0x428: {  	v13 =	vand.u32 $0x7F, v4  }
0x429: {  	s23 =	simm.s32 $0x0;
	v8 =	vadd.s32 v0, v13;
	v6 =	vld [tilespmem:s8+$0x6410]  }
0x42a: {  	v4 =	vmov s23;
	s25 =	simm.s32 $0x1;
	s28 =	simm.s32 $0x2;
	v10 =	vld [tilespmem:s15+$0xFFFFFF80]  }
0x42b: {  	v12 =	vand.u32 $0x7C, v4;
	v4 =	vmov s25;
	v14 =	vmov s28;
	v11 =	vld [tilespmem:s15+$0xFFFFFFC0]  }
0x42c: {  	v15 =	vadd.s32 v0, v12;
	v19 =	vand.u32 $0x7D, v4;
	v16 =	vld [tilespmem:s15+$0x0];
	v7 =	vadd.f32 v7, v9  }
0x42d: {  	v20 =	vand.u32 $0x7E, v14;
	v17 =	vadd.s32 v0, v19;
	v5 =	vld [tilespmem:s8+$0x6420]  }
0x42e: {  	v14 =	vadd.s32 v0, v20;
	v4 =	vld [tilespmem:s8+$0x6430];
	[tilespmem:v8+s7+$0x0] =	vst.idx.msk $0xffff, v7  }
0x42f: {  	v7 =	vadd.f32 v10, v9;
	v8 =	vld [tilespmem:s15+$0x50]  }
0x430: {  	v10 =	vadd.f32 v11, v9  }
0x431: {  	v11 =	vadd.s32 v1, v13;
	[tilespmem:v15+s7+$0x0] =	vst.idx.msk $0xffff, v7;
	v7 =	vadd.f32 v16, v9  }
0x432: {  	[tilespmem:v17+s7+$0x0] =	vst.idx.msk $0xffff, v10;
	v15 =	vld [tilespmem:s15+$0xFFFFFF90]  }
0x433: {  	v10 =	vld [tilespmem:s15+$0xFFFFFFD0];
	[tilespmem:v14+s7+$0x0] =	vst.idx.msk $0xffff, v7  }
0x434: {  	v14 =	vld [tilespmem:s15+$0x10];
	v7 =	vadd.f32 v8, v6  }
0x435: {  	s22 =	simm.s32 $0x7;
	s8 =	simm.s32 $0xF780;
	v16 =	vadd.s32 v1, v19  }
0x436: {  	v26 =	vadd.s32 v2, v13;
	s14 =	simm.s32 $0x4;
	v18 =	vld [tilespmem:s8+$0x40];
	v17 =	vadd.s32 v1, v20;
	[tilespmem:v11+s7+$0x0] =	vst.idx.msk $0xffff, v7;
	v7 =	vmov s22  }
0x437: {  	v21 =	vadd.s32 v1, v12;
	v8 =	vmov s14;
	v7 =	vand.u32 $0x7F, v7;
	v22 =	vld [tilespmem:s15+$0x60]  }
0x438: {  	s23 =	simm.s32 $0x5;
	v23 =	vld [tilespmem:s8+$0xFFFFFF80];
	v8 =	vand.u32 $0x7C, v8;
	v10 =	vadd.f32 v10, v6;
	v24 =	vadd.s32 v0, v7  }
0x439: {  	s25 =	simm.s32 $0x6;
	v25 =	vld [tilespmem:s8+$0xFFFFFFC0];
	v15 =	vadd.f32 v15, v6;
	v11 =	vadd.f32 v14, v6;
	v14 =	vmov s23  }
0x43a: {  	v27 =	vadd.s32 v0, v8;
	[tilespmem:v16+s7+$0x0] =	vst.idx.msk $0xffff, v10;
	v16 =	vmov s25;
	v10 =	vand.u32 $0x7D, v14;
	v14 =	vld [tilespmem:s8+$0x0]  }
0x43b: {  	[tilespmem:v17+s7+$0x0] =	vst.idx.msk $0xffff, v11;
	v17 =	vadd.s32 v0, v10;
	v11 =	vand.u32 $0x7E, v16;
	v16 =	vadd.f32 v18, v9;
	v18 =	vld [tilespmem:s15+$0xFFFFFFE0]  }
0x43c: {  	[tilespmem:v21+s7+$0x0] =	vst.idx.msk $0xffff, v15;
	v15 =	vadd.s32 v0, v11;
	v21 =	vld [tilespmem:s15+$0x20];
	v22 =	vadd.f32 v22, v5  }
0x43d: {  	v23 =	vadd.f32 v23, v9;
	[tilespmem:v24+s7+$0x0] =	vst.idx.msk $0xffff, v16;
	v16 =	vld [tilespmem:s15+$0xFFFFFFA0];
	v24 =	vadd.s32 v2, v19  }
0x43e: {  	v29 =	vadd.s32 v2, v20;
	v25 =	vadd.f32 v25, v9;
	v28 =	vld [tilespmem:s8+$0x50];
	[tilespmem:v26+s7+$0x0] =	vst.idx.msk $0xffff, v22  }
0x43f: {  	[tilespmem:v27+s7+$0x0] =	vst.idx.msk $0xffff, v23;
	v23 =	vadd.s32 v2, v12;
	v14 =	vadd.f32 v14, v9;
	v26 =	vld [tilespmem:s15+$0x70]  }
0x440: {  	v27 =	vld [tilespmem:s8+$0xFFFFFF90];
	[tilespmem:v17+s7+$0x0] =	vst.idx.msk $0xffff, v25;
	v25 =	vadd.s32 v1, v7;
	v18 =	vadd.f32 v18, v5  }
0x441: {  	v31 =	vadd.s32 v3, v13;
	v30 =	vld [tilespmem:s8+$0xFFFFFFD0];
	[tilespmem:v15+s7+$0x0] =	vst.idx.msk $0xffff, v14;
	v14 =	vadd.f32 v21, v5  }
0x442: {  	v22 =	vadd.s32 v1, v8;
	v17 =	vld [tilespmem:s8+$0x10];
	v13 =	vadd.f32 v16, v5;
	[tilespmem:v24+s7+$0x0] =	vst.idx.msk $0xffff, v18  }
0x443: {  	s14 =	simm.s32 $0x8;
	v21 =	vadd.s32 v1, v10;
	[tilespmem:v29+s7+$0x0] =	vst.idx.msk $0xffff, v14;
	v18 =	vadd.f32 v28, v6;
	v16 =	vld [tilespmem:s15+$0xFFFFFFF0]  }
0x444: {  	v24 =	vmov s14;
	v14 =	vadd.s32 v1, v11;
	v15 =	vld [tilespmem:s15+$0x30];
	[tilespmem:v23+s7+$0x0] =	vst.idx.msk $0xffff, v13;
	v63 =	vadd.f32 v26, v4  }
0x445: {  	s28 =	simm.s32 $0xB;
	s13 =	simm.s32 $0xF880;
	v19 =	vadd.s32 v3, v19;
	v13 =	vand.u32 $0x7C, v24;
	v24 =	vadd.f32 v27, v6;
	[tilespmem:v25+s7+$0x0] =	vst.idx.msk $0xffff, v18;
	v18 =	vld [tilespmem:s15+$0xFFFFFFB0]  }
0x446: {  	v20 =	vadd.s32 v3, v20;
	v26 =	vmov s28;
	v23 =	vld [tilespmem:s13+$0x40];
	s15 =	simm.s32 $0xC;
	v25 =	vadd.f32 v30, v6;
	[tilespmem:v31+s7+$0x0] =	vst.idx.msk $0xffff, v63  }
.LBB2_31:
0x447: {  	p0 =	slt.u32 s15, $0x7C;
	s22 =	sadd.s32 $0x1, s14;
	v26 =	vand.u32 $0x7F, v26;
	[tilespmem:v22+s7+$0x0] =	vst.idx.msk $0xffff, v24;
	v17 =	vadd.f32 v17, v6;
	v22 =	vld [tilespmem:s8+$0x60];
	v24 =	vadd.s32 v3, v12  }
0x448: {  	v30 =	vmovc v11;
	v27 =	vld [tilespmem:s13+$0xFFFFFF80];
	v28 =	vmov s22;
	s22 =	sadd.s32 $0x2, s14;
	v29 =	vadd.s32 v0, v26;
	[tilespmem:v21+s7+$0x0] =	vst.idx.msk $0xffff, v25;
	v16 =	vadd.f32 v16, v4;
	s14 =	smov.u32 s15  }
0x449: {  	v12 =	vmovc v8;
	v21 =	vld [tilespmem:s13+$0xFFFFFFC0];
	v11 =	vmov s22;
	[tilespmem:v14+s7+$0x0] =	vst.idx.msk $0xffff, v17;
	v14 =	vadd.s32 v2, v7;
	v15 =	vadd.f32 v15, v4  }
0x44a: {  	v17 =	vadd.s32 v0, v13;
	v28 =	vand.u32 $0x7D, v28;
	v25 =	vld [tilespmem:s13+$0x0];
	v31 =	vadd.f32 v18, v4;
	[tilespmem:v19+s7+$0x0] =	vst.idx.msk $0xffff, v16  }
0x44b: {  	v16 =	vadd.s32 v0, v28;
	v11 =	vand.u32 $0x7E, v11;
	v18 =	vadd.f32 v23, v9;
	v19 =	vld [tilespmem:s8+$0xFFFFFFE0];
	[tilespmem:v20+s7+$0x0] =	vst.idx.msk $0xffff, v15  }
0x44c: {  	v8 =	vmov v13;
	v15 =	vadd.s32 v0, v11;
	v20 =	vld [tilespmem:s8+$0x20];
	v22 =	vadd.f32 v22, v5;
	[tilespmem:v24+s7+$0x0] =	vst.idx.msk $0xffff, v31  }
0x44d: {  	v23 =	vadd.s32 v2, v10;
	v13 =	vadd.f32 v27, v9;
	[tilespmem:v29+s7+$0x0] =	vst.idx.msk $0xffff, v18;
	v18 =	vld [tilespmem:s8+$0xFFFFFFA0]  }
0x44e: {  	v27 =	vadd.s32 v2, v30;
	v21 =	vadd.f32 v21, v9;
	v24 =	vld [tilespmem:s13+$0x50];
	[tilespmem:v14+s7+$0x0] =	vst.idx.msk $0xffff, v22  }
0x44f: {  	[tilespmem:v17+s7+$0x0] =	vst.idx.msk $0xffff, v13;
	v13 =	vadd.f32 v25, v9;
	v25 =	vadd.s32 v2, v12;
	v29 =	vld [tilespmem:s8+$0x70]  }
0x450: {  	v32 =	vadd.s32 v1, v26;
	v31 =	vld [tilespmem:s13+$0xFFFFFF90];
	[tilespmem:v16+s7+$0x0] =	vst.idx.msk $0xffff, v21;
	v14 =	vadd.f32 v19, v5  }
0x451: {  	v34 =	vadd.s32 v3, v7;
	v7 =	vmov v26;
	v33 =	vld [tilespmem:s13+$0xFFFFFFD0];
	[tilespmem:v15+s7+$0x0] =	vst.idx.msk $0xffff, v13;
	v13 =	vadd.f32 v20, v5  }
.Ltmp14:
0x452: {  	v22 =	vadd.s32 v1, v8;
	v17 =	vld [tilespmem:s13+$0x10];
	v15 =	vadd.f32 v18, v5;
	[tilespmem:v23+s7+$0x0] =	vst.idx.msk $0xffff, v14;
	(pc) =	sbr.rel @p0 .LBB2_31-.Ltmp14, $4  }
0x453: {  	v21 =	vadd.s32 v1, v28;
	v18 =	vadd.f32 v24, v6;
	v16 =	vld [tilespmem:s8+$0xFFFFFFF0];
	[tilespmem:v27+s7+$0x0] =	vst.idx.msk $0xffff, v13  }
0x454: {  	v14 =	vadd.s32 v1, v11;
	v13 =	vmov s15;
	[tilespmem:v25+s7+$0x0] =	vst.idx.msk $0xffff, v15;
	v15 =	vld [tilespmem:s8+$0x30];
	v27 =	vadd.f32 v29, v4  }
0x455: {  	s22 =	sadd.s32 $0x3, s15;
	v19 =	vadd.s32 v3, v10;
	v13 =	vand.u32 $0x7C, v13;
	v24 =	vadd.f32 v31, v6;
	[tilespmem:v32+s7+$0x0] =	vst.idx.msk $0xffff, v18;
	v18 =	vld [tilespmem:s8+$0xFFFFFFB0];
	s8 =	smov.u32 s13;
	s13 =	sadd.s32 $0x100, s13  }
0x456: {  	v26 =	vmov s22;
	v10 =	vmovc v28;
	v20 =	vadd.s32 v3, v30;
	s15 =	sadd.s32 $0x4, s15;
	v23 =	vld [tilespmem:s13+$0x40];
	v25 =	vadd.f32 v33, v6;
	[tilespmem:v34+s7+$0x0] =	vst.idx.msk $0xffff, v27  }
0x457: {  	s15 =	sadd.s32 $0x1, s14  }
0x458: {  	v26 =	vand.u32 $0x7F, v26;
	s28 =	sadd.s32 $0x2, s14;
	v28 =	vld [tilespmem:s13+$0xFFFFFFC0];
	v27 =	vmov s15  }
0x459: {  	v31 =	vld [tilespmem:s13+$0x0];
	v29 =	vadd.s32 v0, v26;
	v30 =	vmov s28;
	v27 =	vand.u32 $0x7D, v27  }
0x45a: {  	v32 =	vld [tilespmem:s13+$0xFFFFFF80];
	v30 =	vand.u32 $0x7E, v30;
	v33 =	vadd.s32 v0, v27  }
0x45b: {  	v34 =	vadd.s32 v0, v30  }
0x45c: {  	[tilespmem:v22+s7+$0x0] =	vst.idx.msk $0xffff, v24;
	v44 =	vadd.s32 v0, v13;
	v23 =	vadd.f32 v23, v9  }
0x45d: {  	[tilespmem:v21+s7+$0x0] =	vst.idx.msk $0xffff, v25;
	v45 =	vadd.f32 v28, v9  }
0x45e: {  	v46 =	vadd.f32 v31, v9;
	[tilespmem:v29+s7+$0x0] =	vst.idx.msk $0xffff, v23  }
0x45f: {  	v47 =	vadd.f32 v32, v9;
	v48 =	vld [tilespmem:s13+$0x50];
	[tilespmem:v33+s7+$0x0] =	vst.idx.msk $0xffff, v45  }
0x460: {  	v17 =	vadd.f32 v17, v6;
	v12 =	vadd.s32 v3, v12;
	[tilespmem:v34+s7+$0x0] =	vst.idx.msk $0xffff, v46;
	v21 =	vld [tilespmem:s13+$0xFFFFFFD0]  }
0x461: {  	v16 =	vadd.f32 v16, v4;
	v49 =	vadd.s32 v1, v26;
	[tilespmem:v44+s7+$0x0] =	vst.idx.msk $0xffff, v47;
	v50 =	vld [tilespmem:s13+$0x10]  }
0x462: {  	[tilespmem:v14+s7+$0x0] =	vst.idx.msk $0xffff, v17;
	v51 =	vadd.f32 v15, v4;
	v53 =	vadd.s32 v1, v27;
	v52 =	vld [tilespmem:s13+$0xFFFFFF90]  }
0x463: {  	v54 =	vld [tilespmem:s8+$0x60];
	v18 =	vadd.f32 v18, v4;
	[tilespmem:v19+s7+$0x0] =	vst.idx.msk $0xffff, v16;
	v55 =	vadd.s32 v1, v30  }
0x464: {  	v57 =	vadd.s32 v1, v13;
	v60 =	vld [tilespmem:s8+$0x20];
	[tilespmem:v20+s7+$0x0] =	vst.idx.msk $0xffff, v51;
	v58 =	vadd.f32 v48, v6  }
0x465: {  	v59 =	vadd.s32 v2, v7;
	v56 =	vld [tilespmem:s8+$0xFFFFFFE0];
	[tilespmem:v12+s7+$0x0] =	vst.idx.msk $0xffff, v18;
	v61 =	vadd.f32 v21, v6  }
0x466: {  	v62 =	vld [tilespmem:s8+$0xFFFFFFA0];
	v29 =	vadd.s32 v2, v11;
	[tilespmem:v49+s7+$0x0] =	vst.idx.msk $0xffff, v58;
	v28 =	vadd.f32 v50, v6  }
0x467: {  	v63 =	vadd.s32 v2, v10;
	v31 =	vadd.f32 v52, v6;
	v32 =	vld [tilespmem:s13+$0x60];
	[tilespmem:v53+s7+$0x0] =	vst.idx.msk $0xffff, v61  }
0x468: {  	v33 =	vadd.f32 v54, v5;
	v34 =	vadd.s32 v2, v8;
	[tilespmem:v55+s7+$0x0] =	vst.idx.msk $0xffff, v28;
	v35 =	vld [tilespmem:s13+$0xFFFFFFE0]  }
0x469: {  	v37 =	vadd.s32 v2, v26;
	v39 =	vadd.f32 v60, v5;
	[tilespmem:v57+s7+$0x0] =	vst.idx.msk $0xffff, v31;
	v38 =	vld [tilespmem:s13+$0x20]  }
0x46a: {  	v41 =	vadd.s32 v2, v27;
	v36 =	vadd.f32 v56, v5;
	[tilespmem:v59+s7+$0x0] =	vst.idx.msk $0xffff, v33;
	v40 =	vld [tilespmem:s13+$0xFFFFFFA0]  }
0x46b: {  	v43 =	vadd.s32 v2, v30;
	v18 =	vadd.f32 v62, v5;
	v42 =	vld [tilespmem:s8+$0x70];
	[tilespmem:v29+s7+$0x0] =	vst.idx.msk $0xffff, v39  }
0x46c: {  	v45 =	vadd.s32 v2, v13;
	[tilespmem:v63+s7+$0x0] =	vst.idx.msk $0xffff, v36;
	v47 =	vld [tilespmem:s8+$0x30];
	v44 =	vadd.f32 v32, v5  }
0x46d: {  	v46 =	vadd.s32 v3, v7;
	[tilespmem:v34+s7+$0x0] =	vst.idx.msk $0xffff, v18;
	v21 =	vld [tilespmem:s8+$0xFFFFFFF0];
	v9 =	vadd.f32 v35, v5  }
0x46e: {  	v18 =	vld [tilespmem:s8+$0xFFFFFFB0];
	v50 =	vadd.s32 v3, v11;
	[tilespmem:v37+s7+$0x0] =	vst.idx.msk $0xffff, v44;
	v49 =	vadd.f32 v38, v5  }
0x46f: {  	v48 =	vadd.s32 v3, v10;
	v5 =	vadd.f32 v40, v5;
	v12 =	vld [tilespmem:s13+$0x70];
	[tilespmem:v41+s7+$0x0] =	vst.idx.msk $0xffff, v9  }
0x470: {  	v52 =	vadd.s32 v3, v8;
	v51 =	vadd.f32 v42, v4;
	[tilespmem:v43+s7+$0x0] =	vst.idx.msk $0xffff, v49;
	v53 =	vld [tilespmem:s13+$0xFFFFFFF0]  }
0x471: {  	v55 =	vadd.s32 v3, v26;
	v56 =	vadd.f32 v47, v4;
	[tilespmem:v45+s7+$0x0] =	vst.idx.msk $0xffff, v5;
	v5 =	vld [tilespmem:s13+$0x30]  }
0x472: {  	v58 =	vadd.s32 v3, v27;
	[tilespmem:v46+s7+$0x0] =	vst.idx.msk $0xffff, v51;
	v54 =	vadd.f32 v21, v4;
	v57 =	vld [tilespmem:s13+$0xFFFFFFB0]  }
0x473: {  	v60 =	vadd.s32 v3, v30;
	v59 =	vadd.f32 v18, v4;
	[tilespmem:v50+s7+$0x0] =	vst.idx.msk $0xffff, v56  }
0x474: {  	v62 =	vadd.s32 v3, v13;
	[tilespmem:v48+s7+$0x0] =	vst.idx.msk $0xffff, v54;
	v61 =	vadd.f32 v12, v4  }
0x475: {  	[tilespmem:v52+s7+$0x0] =	vst.idx.msk $0xffff, v59;
	v63 =	vadd.f32 v53, v4  }
0x476: {  	s12 =	sshll.u32 s12, $0x12;
	[tilespmem:v55+s7+$0x0] =	vst.idx.msk $0xffff, v61;
	v5 =	vadd.f32 v5, v4  }
0x477: {  	s8 =	sor.u32 s5, s12;
	v4 =	vadd.f32 v57, v4;
	[tilespmem:v58+s7+$0x0] =	vst.idx.msk $0xffff, v63  }
0x478: {  	s8 =	sshrl.u32 s8, $0x3;
	[tilespmem:v60+s7+$0x0] =	vst.idx.msk $0xffff, v5  }
0x479: {  	s12 =	sadd.s32 s1, s8;
	s13 =	simm.s32 $0x17C00;
	[tilespmem:v62+s7+$0x0] =	vst.idx.msk $0xffff, v4  }
0x47a: {  	[hbm4b:s12+s3] =	stream.linear.scatter [tilespmem:s13], [sflag:$0x8], $0x80, $0x38;
	[tilespmem:$0x19E00] =	vst v63  }
0x47b: {  	s14 =	simm.s32 $0x17C88;
	s15 =	sadd.s32 $0x10, s12  }
0x47c: {  	[hbm4b:s15+s3] =	stream.linear.scatter [tilespmem:s14], [sflag:$0x8], $0x80, $0x38;
	[tilespmem:$0x19E00] =	vst v63  }
0x47d: {  	s22 =	simm.s32 $0x17D10;
	s25 =	simm.s32 $0x17D98;
	s23 =	sadd.s32 $0x20, s12  }
0x47e: {  	[hbm4b:s23+s3] =	stream.linear.scatter [tilespmem:s22], [sflag:$0x8], $0x80, $0x38;
	[tilespmem:$0x19E00] =	vst v63  }
0x47f: {  	s8 =	simm.s32 $0x440;
	s28 =	sadd.s32 $0x30, s12;
	s13 =	simm.s32 $0x2200  }
0x480: {  	[hbm4b:s28+s3] =	stream.linear.scatter [tilespmem:s25], [sflag:$0x8], $0x80, $0x38;
	[tilespmem:$0x19E00] =	vst v63  }
0x481: {  	s14 =	simm.s32 $0x17E20;
	s15 =	sadd.s32 $0x40, s12;
	s22 =	simm.s32 $0x17EA8  }
0x482: {  	[hbm4b:s15+s3] =	stream.linear.scatter [tilespmem:s14], [sflag:$0x8], $0x80, $0x38;
	[tilespmem:$0x19E00] =	vst v63  }
0x483: {  	s23 =	sadd.s32 $0x50, s12;
	s25 =	simm.s32 $0x17F30;
	s28 =	sadd.s32 $0x60, s12  }
0x484: {  	[hbm4b:s23+s3] =	stream.linear.scatter [tilespmem:s22], [sflag:$0x8], $0x80, $0x38;
	[tilespmem:$0x19E00] =	vst v63  }
0x485: {  	s14 =	simm.s32 $0x17FB8;
	s15 =	sadd.s32 $0x70, s12;
	s12 =	sadd.s32 $0x1000, s12  }
0x486: {  	[hbm4b:s28+s3] =	stream.linear.scatter [tilespmem:s25], [sflag:$0x8], $0x80, $0x38;
	[tilespmem:$0x19E00] =	vst v63  }
.LBB2_33:
0x487: {  	[hbm4b:s15+s3] =	stream.linear.scatter [tilespmem:s14], [sflag:$0x8], $0x80, $0x38;
	[tilespmem:$0x19E00] =	vst v63  }
0x488: {  	s14 =	smov.u32 s8;
	s8 =	smov.u32 s13  }
0x489: {  	s22 =	sadd.s32 $0x1100, s13;
	s8 =	sshra.s32 s8, $0x2;
	s15 =	sadd.s32 $0x17C00, s14  }
0x48a: {  	[hbm4b:s12+s3] =	stream.linear.scatter [tilespmem:s15], [sflag:$0x8], $0x80, $0x38;
	[tilespmem:$0x19E00] =	vst v63  }
0x48b: {  	p0 =	sne.s32 s13, $0x7700;
	s13 =	sadd.s32 $0x17C88, s14;
	s15 =	sadd.s32 $0x10, s12  }
0x48c: {  	[hbm4b:s15+s3] =	stream.linear.scatter [tilespmem:s13], [sflag:$0x8], $0x80, $0x38;
	[tilespmem:$0x19E00] =	vst v63  }
0x48d: {  	s13 =	sadd.s32 $0x17D10, s14;
	s15 =	sadd.s32 $0x20, s12  }
0x48e: {  	[hbm4b:s15+s3] =	stream.linear.scatter [tilespmem:s13], [sflag:$0x8], $0x80, $0x38;
	[tilespmem:$0x19E00] =	vst v63  }
0x48f: {  	s13 =	sadd.s32 $0x17D98, s14;
	s15 =	sadd.s32 $0x30, s12  }
0x490: {  	[hbm4b:s15+s3] =	stream.linear.scatter [tilespmem:s13], [sflag:$0x8], $0x80, $0x38;
	[tilespmem:$0x19E00] =	vst v63  }
0x491: {  	s13 =	sadd.s32 $0x17E20, s14;
	s15 =	sadd.s32 $0x40, s12  }
0x492: {  	[hbm4b:s15+s3] =	stream.linear.scatter [tilespmem:s13], [sflag:$0x8], $0x80, $0x38;
	[tilespmem:$0x19E00] =	vst v63  }
.Ltmp15:
0x493: {  	s13 =	sadd.s32 $0x17EA8, s14;
	s15 =	sadd.s32 $0x50, s12;
	(pc) =	sbr.rel @p0 .LBB2_33-.Ltmp15, $4  }
0x494: {  	[hbm4b:s15+s3] =	stream.linear.scatter [tilespmem:s13], [sflag:$0x8], $0x80, $0x38;
	[tilespmem:$0x19E00] =	vst v63  }
0x495: {  	s13 =	sadd.s32 $0x17F30, s14;
	s15 =	sadd.s32 $0x60, s12;
	s14 =	sadd.s32 $0x17FB8, s14  }
0x496: {  	[hbm4b:s15+s3] =	stream.linear.scatter [tilespmem:s13], [sflag:$0x8], $0x80, $0x38;
	[tilespmem:$0x19E00] =	vst v63  }
0x497: {  	s15 =	sadd.s32 $0x70, s12;
	s12 =	sadd.s32 $0x1000, s12;
	s13 =	smov.u32 s22  }
0x498: {  	[hbm4b:s15+s3] =	stream.linear.scatter [tilespmem:s14], [sflag:$0x8], $0x80, $0x38;
	[tilespmem:$0x19E00] =	vst v63  }
0x499: {  	s13 =	sadd.s32 $0x17C00, s8  }
0x49a: {  	[hbm4b:s12+s3] =	stream.linear.scatter [tilespmem:s13], [sflag:$0x8], $0x80, $0x38;
	[tilespmem:$0x19E00] =	vst v63  }
0x49b: {  	s25 =	sadd.s32 $0x17C88, s8;
	s28 =	sadd.s32 $0x10, s12  }
0x49c: {  	[hbm4b:s28+s3] =	stream.linear.scatter [tilespmem:s25], [sflag:$0x8], $0x80, $0x38;
	[tilespmem:$0x19E00] =	vst v63  }
0x49d: {  	s14 =	sadd.s32 $0x17D10, s8;
	s15 =	sadd.s32 $0x20, s12  }
0x49e: {  	[hbm4b:s15+s3] =	stream.linear.scatter [tilespmem:s14], [sflag:$0x8], $0x80, $0x38;
	[tilespmem:$0x19E00] =	vst v63  }
0x49f: {  	s22 =	sadd.s32 $0x17D98, s8;
	s23 =	sadd.s32 $0x30, s12  }
0x4a0: {  	[hbm4b:s23+s3] =	stream.linear.scatter [tilespmem:s22], [sflag:$0x8], $0x80, $0x38;
	[tilespmem:$0x19E00] =	vst v63  }
0x4a1: {  	s11 =	sadd.s32 $0x1, s11;
	s25 =	sadd.s32 $0x17E20, s8;
	s28 =	sadd.s32 $0x40, s12  }
0x4a2: {  	[hbm4b:s28+s3] =	stream.linear.scatter [tilespmem:s25], [sflag:$0x8], $0x80, $0x38;
	[tilespmem:$0x19E00] =	vst v63  }
0x4a3: {  	p0 =	sne.s32 s11, $0x30;
	s14 =	sadd.s32 $0x17EA8, s8;
	s15 =	sadd.s32 $0x50, s12  }
0x4a4: {  	[hbm4b:s15+s3] =	stream.linear.scatter [tilespmem:s14], [sflag:$0x8], $0x80, $0x38;
	[tilespmem:$0x19E00] =	vst v63  }
.Ltmp16:
0x4a5: {  	_ = 	snop;
	(pc) =	sbr.rel @p0 .LBB2_18-.Ltmp16, $4  }
0x4a6: {  	s22 =	sadd.s32 $0x17F30, s8;
	s23 =	sadd.s32 $0x60, s12  }
0x4a7: {  	[hbm4b:s23+s3] =	stream.linear.scatter [tilespmem:s22], [sflag:$0x8], $0x80, $0x38;
	[tilespmem:$0x19E00] =	vst v63  }
0x4a8: {  	s25 =	sadd.s32 $0x17FB8, s8;
	s28 =	sadd.s32 $0x70, s12  }
0x4a9: {  	[hbm4b:s28+s3] =	stream.linear.scatter [tilespmem:s25], [sflag:$0x8], $0x80, $0x38;
	[tilespmem:$0x19E00] =	vst v63  }
0x4aa: {  	s8 =	simm.s32 $0x6380  }
0x4ab: {  	[tilespmem:s17], [sflag:$0x4] =	stream.indirect.gather [hbm4b:s4+s21], $0x40, s8, s21, $0xb8;
	[tilespmem:$0x19E00] =	vst v63  }
0x4ac: {  	s13 =	simm.s32 $0x63C0  }
0x4ad: {  	[tilespmem:s20], [sflag:$0x4] =	stream.indirect.gather [hbm4b:s4+s21], $0x40, s13, s21, $0xb8;
	[tilespmem:$0x19E00] =	vst v63  }
0x4ae: {  	_ =	swait.ge [sflag:s24], $0x1000  }
0x4af: {  	[sflag:s24] =	ssyncset.done $0x0  }
0x4b0: {  	[sflag:s24] =	ssyncadd.s32 $0xFFFFF000  }
0x4b1: {  	_ =	swait.ge [sflag:s24], $0x1000  }
0x4b2: {  	[sflag:s24] =	ssyncset.done $0x0  }
0x4b3: {  	[sflag:s24] =	ssyncadd.s32 $0xFFFFF000  }
0x4b4: {  	_ =	swait.ge [sflag:s16], $0x2000  }
0x4b5: {  	[sflag:s16] =	ssyncset.done $0x0  }
0x4b6: {  	[sflag:s16] =	ssyncadd.s32 $0xFFFFE000  }
0x4b7: {  	s14 =	simm.s32 $0x3;
	s13 =	simm.s32 $0x9680;
	v9 =	vld [tilespmem:$0x9500]  }
0x4b8: {  	v4 =	vmov s14;
	v7 =	vld [tilespmem:s13+$0x40]  }
0x4b9: {  	v13 =	vand.u32 $0x7F, v4  }
0x4ba: {  	s15 =	simm.s32 $0x0;
	v8 =	vadd.s32 v0, v13;
	v6 =	vld [tilespmem:$0x9510]  }
0x4bb: {  	s22 =	simm.s32 $0x1;
	s11 =	simm.s32 $0x2;
	v4 =	vmov s15;
	v10 =	vld [tilespmem:s13+$0xFFFFFF80]  }
0x4bc: {  	v14 =	vmov s11;
	v12 =	vand.u32 $0x7C, v4;
	v4 =	vmov s22;
	v11 =	vld [tilespmem:s13+$0xFFFFFFC0]  }
0x4bd: {  	v15 =	vadd.s32 v0, v12;
	v19 =	vand.u32 $0x7D, v4;
	v16 =	vld [tilespmem:s13+$0x0];
	v7 =	vadd.f32 v7, v9  }
0x4be: {  	v20 =	vand.u32 $0x7E, v14;
	v17 =	vadd.s32 v0, v19;
	v5 =	vld [tilespmem:$0x9520]  }
0x4bf: {  	v14 =	vadd.s32 v0, v20;
	v4 =	vld [tilespmem:$0x9530];
	[tilespmem:v8+s26+$0x0] =	vst.idx.msk $0xffff, v7  }
0x4c0: {  	v7 =	vadd.f32 v10, v9;
	v8 =	vld [tilespmem:s13+$0x50]  }
0x4c1: {  	v10 =	vadd.f32 v11, v9  }
0x4c2: {  	v11 =	vadd.s32 v1, v13;
	[tilespmem:v15+s26+$0x0] =	vst.idx.msk $0xffff, v7;
	v7 =	vadd.f32 v16, v9  }
0x4c3: {  	[tilespmem:v17+s26+$0x0] =	vst.idx.msk $0xffff, v10;
	v15 =	vld [tilespmem:s13+$0xFFFFFF90]  }
0x4c4: {  	v10 =	vld [tilespmem:s13+$0xFFFFFFD0];
	[tilespmem:v14+s26+$0x0] =	vst.idx.msk $0xffff, v7  }
0x4c5: {  	v14 =	vld [tilespmem:s13+$0x10];
	v7 =	vadd.f32 v8, v6  }
0x4c6: {  	s12 =	simm.s32 $0x7;
	s8 =	simm.s32 $0x9780;
	v16 =	vadd.s32 v1, v19  }
0x4c7: {  	s23 =	simm.s32 $0x4;
	v26 =	vadd.s32 v2, v13;
	v18 =	vld [tilespmem:s8+$0x40];
	v17 =	vadd.s32 v1, v20;
	[tilespmem:v11+s26+$0x0] =	vst.idx.msk $0xffff, v7;
	v7 =	vmov s12  }
0x4c8: {  	v21 =	vadd.s32 v1, v12;
	v8 =	vmov s23;
	v7 =	vand.u32 $0x7F, v7;
	v22 =	vld [tilespmem:s13+$0x60]  }
0x4c9: {  	s25 =	simm.s32 $0x5;
	v23 =	vld [tilespmem:s8+$0xFFFFFF80];
	v8 =	vand.u32 $0x7C, v8;
	v10 =	vadd.f32 v10, v6;
	v24 =	vadd.s32 v0, v7  }
0x4ca: {  	s28 =	simm.s32 $0x6;
	v25 =	vld [tilespmem:s8+$0xFFFFFFC0];
	v15 =	vadd.f32 v15, v6;
	v11 =	vadd.f32 v14, v6;
	v14 =	vmov s25  }
0x4cb: {  	v27 =	vadd.s32 v0, v8;
	[tilespmem:v16+s26+$0x0] =	vst.idx.msk $0xffff, v10;
	v16 =	vmov s28;
	v10 =	vand.u32 $0x7D, v14;
	v14 =	vld [tilespmem:s8+$0x0]  }
0x4cc: {  	[tilespmem:v17+s26+$0x0] =	vst.idx.msk $0xffff, v11;
	v17 =	vadd.s32 v0, v10;
	v11 =	vand.u32 $0x7E, v16;
	v16 =	vadd.f32 v18, v9;
	v18 =	vld [tilespmem:s13+$0xFFFFFFE0]  }
0x4cd: {  	[tilespmem:v21+s26+$0x0] =	vst.idx.msk $0xffff, v15;
	v15 =	vadd.s32 v0, v11;
	v21 =	vld [tilespmem:s13+$0x20];
	v22 =	vadd.f32 v22, v5  }
0x4ce: {  	v23 =	vadd.f32 v23, v9;
	[tilespmem:v24+s26+$0x0] =	vst.idx.msk $0xffff, v16;
	v16 =	vld [tilespmem:s13+$0xFFFFFFA0];
	v24 =	vadd.s32 v2, v19  }
0x4cf: {  	v29 =	vadd.s32 v2, v20;
	v25 =	vadd.f32 v25, v9;
	v28 =	vld [tilespmem:s8+$0x50];
	[tilespmem:v26+s26+$0x0] =	vst.idx.msk $0xffff, v22  }
0x4d0: {  	[tilespmem:v27+s26+$0x0] =	vst.idx.msk $0xffff, v23;
	v23 =	vadd.s32 v2, v12;
	v14 =	vadd.f32 v14, v9;
	v26 =	vld [tilespmem:s13+$0x70]  }
0x4d1: {  	v27 =	vld [tilespmem:s8+$0xFFFFFF90];
	[tilespmem:v17+s26+$0x0] =	vst.idx.msk $0xffff, v25;
	v25 =	vadd.s32 v1, v7;
	v18 =	vadd.f32 v18, v5  }
0x4d2: {  	v31 =	vadd.s32 v3, v13;
	v30 =	vld [tilespmem:s8+$0xFFFFFFD0];
	[tilespmem:v15+s26+$0x0] =	vst.idx.msk $0xffff, v14;
	v14 =	vadd.f32 v21, v5  }
0x4d3: {  	v22 =	vadd.s32 v1, v8;
	v17 =	vld [tilespmem:s8+$0x10];
	v13 =	vadd.f32 v16, v5;
	[tilespmem:v24+s26+$0x0] =	vst.idx.msk $0xffff, v18  }
0x4d4: {  	s12 =	simm.s32 $0x8;
	v21 =	vadd.s32 v1, v10;
	[tilespmem:v29+s26+$0x0] =	vst.idx.msk $0xffff, v14;
	v18 =	vadd.f32 v28, v6;
	v16 =	vld [tilespmem:s13+$0xFFFFFFF0]  }
0x4d5: {  	v24 =	vmov s12;
	v14 =	vadd.s32 v1, v11;
	v15 =	vld [tilespmem:s13+$0x30];
	[tilespmem:v23+s26+$0x0] =	vst.idx.msk $0xffff, v13;
	v63 =	vadd.f32 v26, v4  }
0x4d6: {  	s14 =	simm.s32 $0xB;
	s11 =	simm.s32 $0x9880;
	v19 =	vadd.s32 v3, v19;
	v13 =	vand.u32 $0x7C, v24;
	v24 =	vadd.f32 v27, v6;
	[tilespmem:v25+s26+$0x0] =	vst.idx.msk $0xffff, v18;
	v18 =	vld [tilespmem:s13+$0xFFFFFFB0]  }
0x4d7: {  	v20 =	vadd.s32 v3, v20;
	v26 =	vmov s14;
	v23 =	vld [tilespmem:s11+$0x40];
	s13 =	simm.s32 $0xC;
	v25 =	vadd.f32 v30, v6;
	[tilespmem:v31+s26+$0x0] =	vst.idx.msk $0xffff, v63  }
.LBB2_36:
0x4d8: {  	p0 =	slt.u32 s13, $0x7C;
	s14 =	sadd.s32 $0x1, s12;
	v26 =	vand.u32 $0x7F, v26;
	[tilespmem:v22+s26+$0x0] =	vst.idx.msk $0xffff, v24;
	v17 =	vadd.f32 v17, v6;
	v22 =	vld [tilespmem:s8+$0x60];
	v24 =	vadd.s32 v3, v12  }
0x4d9: {  	v30 =	vmovc v11;
	v27 =	vld [tilespmem:s11+$0xFFFFFF80];
	v28 =	vmov s14;
	s14 =	sadd.s32 $0x2, s12;
	v29 =	vadd.s32 v0, v26;
	[tilespmem:v21+s26+$0x0] =	vst.idx.msk $0xffff, v25;
	v16 =	vadd.f32 v16, v4;
	s12 =	smov.u32 s13  }
0x4da: {  	v12 =	vmovc v8;
	v21 =	vld [tilespmem:s11+$0xFFFFFFC0];
	v11 =	vmov s14;
	[tilespmem:v14+s26+$0x0] =	vst.idx.msk $0xffff, v17;
	v14 =	vadd.s32 v2, v7;
	v15 =	vadd.f32 v15, v4  }
0x4db: {  	v17 =	vadd.s32 v0, v13;
	v28 =	vand.u32 $0x7D, v28;
	v25 =	vld [tilespmem:s11+$0x0];
	v31 =	vadd.f32 v18, v4;
	[tilespmem:v19+s26+$0x0] =	vst.idx.msk $0xffff, v16  }
0x4dc: {  	v16 =	vadd.s32 v0, v28;
	v11 =	vand.u32 $0x7E, v11;
	v18 =	vadd.f32 v23, v9;
	v19 =	vld [tilespmem:s8+$0xFFFFFFE0];
	[tilespmem:v20+s26+$0x0] =	vst.idx.msk $0xffff, v15  }
0x4dd: {  	v8 =	vmov v13;
	v15 =	vadd.s32 v0, v11;
	v20 =	vld [tilespmem:s8+$0x20];
	v22 =	vadd.f32 v22, v5;
	[tilespmem:v24+s26+$0x0] =	vst.idx.msk $0xffff, v31  }
0x4de: {  	v23 =	vadd.s32 v2, v10;
	v13 =	vadd.f32 v27, v9;
	[tilespmem:v29+s26+$0x0] =	vst.idx.msk $0xffff, v18;
	v18 =	vld [tilespmem:s8+$0xFFFFFFA0]  }
0x4df: {  	v27 =	vadd.s32 v2, v30;
	v21 =	vadd.f32 v21, v9;
	v24 =	vld [tilespmem:s11+$0x50];
	[tilespmem:v14+s26+$0x0] =	vst.idx.msk $0xffff, v22  }
0x4e0: {  	[tilespmem:v17+s26+$0x0] =	vst.idx.msk $0xffff, v13;
	v13 =	vadd.f32 v25, v9;
	v25 =	vadd.s32 v2, v12;
	v29 =	vld [tilespmem:s8+$0x70]  }
0x4e1: {  	v32 =	vadd.s32 v1, v26;
	v31 =	vld [tilespmem:s11+$0xFFFFFF90];
	[tilespmem:v16+s26+$0x0] =	vst.idx.msk $0xffff, v21;
	v14 =	vadd.f32 v19, v5  }
0x4e2: {  	v34 =	vadd.s32 v3, v7;
	v7 =	vmov v26;
	v33 =	vld [tilespmem:s11+$0xFFFFFFD0];
	[tilespmem:v15+s26+$0x0] =	vst.idx.msk $0xffff, v13;
	v13 =	vadd.f32 v20, v5  }
.Ltmp17:
0x4e3: {  	v22 =	vadd.s32 v1, v8;
	v17 =	vld [tilespmem:s11+$0x10];
	v15 =	vadd.f32 v18, v5;
	[tilespmem:v23+s26+$0x0] =	vst.idx.msk $0xffff, v14;
	(pc) =	sbr.rel @p0 .LBB2_36-.Ltmp17, $4  }
0x4e4: {  	v21 =	vadd.s32 v1, v28;
	v18 =	vadd.f32 v24, v6;
	v16 =	vld [tilespmem:s8+$0xFFFFFFF0];
	[tilespmem:v27+s26+$0x0] =	vst.idx.msk $0xffff, v13  }
0x4e5: {  	v14 =	vadd.s32 v1, v11;
	v13 =	vmov s13;
	[tilespmem:v25+s26+$0x0] =	vst.idx.msk $0xffff, v15;
	v15 =	vld [tilespmem:s8+$0x30];
	v27 =	vadd.f32 v29, v4  }
0x4e6: {  	s14 =	sadd.s32 $0x3, s13;
	v19 =	vadd.s32 v3, v10;
	v13 =	vand.u32 $0x7C, v13;
	v24 =	vadd.f32 v31, v6;
	[tilespmem:v32+s26+$0x0] =	vst.idx.msk $0xffff, v18;
	v18 =	vld [tilespmem:s8+$0xFFFFFFB0];
	s8 =	smov.u32 s11;
	s11 =	sadd.s32 $0x100, s11  }
0x4e7: {  	v26 =	vmov s14;
	v10 =	vmovc v28;
	v20 =	vadd.s32 v3, v30;
	s13 =	sadd.s32 $0x4, s13;
	v23 =	vld [tilespmem:s11+$0x40];
	v25 =	vadd.f32 v33, v6;
	[tilespmem:v34+s26+$0x0] =	vst.idx.msk $0xffff, v27  }
0x4e8: {  	s13 =	sadd.s32 $0x1, s12  }
0x4e9: {  	v26 =	vand.u32 $0x7F, v26;
	v28 =	vld [tilespmem:s11+$0xFFFFFFC0];
	v27 =	vmov s13;
	s13 =	sadd.s32 $0x2, s12  }
0x4ea: {  	v31 =	vld [tilespmem:s11+$0x0];
	v29 =	vadd.s32 v0, v26;
	v30 =	vmov s13;
	v27 =	vand.u32 $0x7D, v27  }
0x4eb: {  	v32 =	vld [tilespmem:s11+$0xFFFFFF80];
	v33 =	vadd.s32 v0, v27;
	v30 =	vand.u32 $0x7E, v30  }
0x4ec: {  	v34 =	vadd.s32 v0, v30  }
0x4ed: {  	[tilespmem:v22+s26+$0x0] =	vst.idx.msk $0xffff, v24;
	v44 =	vadd.s32 v0, v13;
	v23 =	vadd.f32 v23, v9  }
0x4ee: {  	[tilespmem:v21+s26+$0x0] =	vst.idx.msk $0xffff, v25;
	v45 =	vadd.f32 v28, v9  }
0x4ef: {  	v46 =	vadd.f32 v31, v9;
	[tilespmem:v29+s26+$0x0] =	vst.idx.msk $0xffff, v23  }
0x4f0: {  	v47 =	vadd.f32 v32, v9;
	v48 =	vld [tilespmem:s11+$0x50];
	[tilespmem:v33+s26+$0x0] =	vst.idx.msk $0xffff, v45  }
0x4f1: {  	v17 =	vadd.f32 v17, v6;
	v12 =	vadd.s32 v3, v12;
	v21 =	vld [tilespmem:s11+$0xFFFFFFD0];
	[tilespmem:v34+s26+$0x0] =	vst.idx.msk $0xffff, v46  }
0x4f2: {  	v16 =	vadd.f32 v16, v4;
	v49 =	vadd.s32 v1, v26;
	[tilespmem:v44+s26+$0x0] =	vst.idx.msk $0xffff, v47;
	v50 =	vld [tilespmem:s11+$0x10]  }
0x4f3: {  	[tilespmem:v14+s26+$0x0] =	vst.idx.msk $0xffff, v17;
	v51 =	vadd.f32 v15, v4;
	v53 =	vadd.s32 v1, v27;
	v52 =	vld [tilespmem:s11+$0xFFFFFF90]  }
0x4f4: {  	v54 =	vld [tilespmem:s8+$0x60];
	v18 =	vadd.f32 v18, v4;
	[tilespmem:v19+s26+$0x0] =	vst.idx.msk $0xffff, v16;
	v55 =	vadd.s32 v1, v30  }
0x4f5: {  	v57 =	vadd.s32 v1, v13;
	v60 =	vld [tilespmem:s8+$0x20];
	[tilespmem:v20+s26+$0x0] =	vst.idx.msk $0xffff, v51;
	v58 =	vadd.f32 v48, v6  }
0x4f6: {  	v59 =	vadd.s32 v2, v7;
	v56 =	vld [tilespmem:s8+$0xFFFFFFE0];
	[tilespmem:v12+s26+$0x0] =	vst.idx.msk $0xffff, v18;
	v61 =	vadd.f32 v21, v6  }
0x4f7: {  	v62 =	vld [tilespmem:s8+$0xFFFFFFA0];
	v29 =	vadd.s32 v2, v11;
	[tilespmem:v49+s26+$0x0] =	vst.idx.msk $0xffff, v58;
	v28 =	vadd.f32 v50, v6  }
0x4f8: {  	v63 =	vadd.s32 v2, v10;
	v31 =	vadd.f32 v52, v6;
	v32 =	vld [tilespmem:s11+$0x60];
	[tilespmem:v53+s26+$0x0] =	vst.idx.msk $0xffff, v61  }
0x4f9: {  	v33 =	vadd.f32 v54, v5;
	v34 =	vadd.s32 v2, v8;
	[tilespmem:v55+s26+$0x0] =	vst.idx.msk $0xffff, v28;
	v35 =	vld [tilespmem:s11+$0xFFFFFFE0]  }
0x4fa: {  	v37 =	vadd.s32 v2, v26;
	v39 =	vadd.f32 v60, v5;
	[tilespmem:v57+s26+$0x0] =	vst.idx.msk $0xffff, v31;
	v38 =	vld [tilespmem:s11+$0x20]  }
0x4fb: {  	v41 =	vadd.s32 v2, v27;
	v36 =	vadd.f32 v56, v5;
	[tilespmem:v59+s26+$0x0] =	vst.idx.msk $0xffff, v33;
	v40 =	vld [tilespmem:s11+$0xFFFFFFA0]  }
0x4fc: {  	v43 =	vadd.s32 v2, v30;
	v18 =	vadd.f32 v62, v5;
	v42 =	vld [tilespmem:s8+$0x70];
	[tilespmem:v29+s26+$0x0] =	vst.idx.msk $0xffff, v39  }
0x4fd: {  	v45 =	vadd.s32 v2, v13;
	[tilespmem:v63+s26+$0x0] =	vst.idx.msk $0xffff, v36;
	v47 =	vld [tilespmem:s8+$0x30];
	v44 =	vadd.f32 v32, v5  }
0x4fe: {  	v46 =	vadd.s32 v3, v7;
	v21 =	vld [tilespmem:s8+$0xFFFFFFF0];
	[tilespmem:v34+s26+$0x0] =	vst.idx.msk $0xffff, v18;
	v9 =	vadd.f32 v35, v5  }
0x4ff: {  	v18 =	vld [tilespmem:s8+$0xFFFFFFB0];
	v50 =	vadd.s32 v3, v11;
	[tilespmem:v37+s26+$0x0] =	vst.idx.msk $0xffff, v44;
	v49 =	vadd.f32 v38, v5  }
0x500: {  	v48 =	vadd.s32 v3, v10;
	v12 =	vld [tilespmem:s11+$0x70];
	v5 =	vadd.f32 v40, v5;
	[tilespmem:v41+s26+$0x0] =	vst.idx.msk $0xffff, v9  }
0x501: {  	v52 =	vadd.s32 v3, v8;
	v51 =	vadd.f32 v42, v4;
	v53 =	vld [tilespmem:s11+$0xFFFFFFF0];
	[tilespmem:v43+s26+$0x0] =	vst.idx.msk $0xffff, v49  }
0x502: {  	v55 =	vadd.s32 v3, v26;
	v56 =	vadd.f32 v47, v4;
	[tilespmem:v45+s26+$0x0] =	vst.idx.msk $0xffff, v5;
	v5 =	vld [tilespmem:s11+$0x30]  }
0x503: {  	v58 =	vadd.s32 v3, v27;
	[tilespmem:v46+s26+$0x0] =	vst.idx.msk $0xffff, v51;
	v54 =	vadd.f32 v21, v4;
	v57 =	vld [tilespmem:s11+$0xFFFFFFB0]  }
0x504: {  	v60 =	vadd.s32 v3, v30;
	v59 =	vadd.f32 v18, v4;
	[tilespmem:v50+s26+$0x0] =	vst.idx.msk $0xffff, v56  }
0x505: {  	v62 =	vadd.s32 v3, v13;
	[tilespmem:v48+s26+$0x0] =	vst.idx.msk $0xffff, v54;
	v61 =	vadd.f32 v12, v4  }
0x506: {  	[tilespmem:v52+s26+$0x0] =	vst.idx.msk $0xffff, v59;
	v63 =	vadd.f32 v53, v4  }
0x507: {  	[tilespmem:v55+s26+$0x0] =	vst.idx.msk $0xffff, v61;
	v5 =	vadd.f32 v5, v4  }
0x508: {  	v4 =	vadd.f32 v57, v4;
	[tilespmem:v58+s26+$0x0] =	vst.idx.msk $0xffff, v63  }
0x509: {  	[tilespmem:v60+s26+$0x0] =	vst.idx.msk $0xffff, v5  }
0x50a: {  	[tilespmem:v62+s26+$0x0] =	vst.idx.msk $0xffff, v4  }
0x50b: {  	s14 =	simm.s32 $0x11600;
	s15 =	rddreg [dreg:$0xa]  }
0x50c: {  	[hbm4b:s15+s3] =	stream.linear.scatter [tilespmem:s14], [sflag:$0x5], $0x80, $0x38;
	[tilespmem:$0x19E00] =	vst v63  }
0x50d: {  	s22 =	simm.s32 $0x11688;
	s23 =	sadd.s32 $0x10, s15  }
0x50e: {  	[hbm4b:s23+s3] =	stream.linear.scatter [tilespmem:s22], [sflag:$0x5], $0x80, $0x38;
	[tilespmem:$0x19E00] =	vst v63  }
0x50f: {  	s25 =	simm.s32 $0x11710;
	s13 =	simm.s32 $0x11820;
	s28 =	sadd.s32 $0x20, s15  }
0x510: {  	[hbm4b:s28+s3] =	stream.linear.scatter [tilespmem:s25], [sflag:$0x5], $0x80, $0x38;
	[tilespmem:$0x19E00] =	vst v63  }
0x511: {  	s8 =	simm.s32 $0x440;
	s11 =	simm.s32 $0x11798;
	s12 =	sadd.s32 $0x30, s15  }
0x512: {  	[hbm4b:s12+s3] =	stream.linear.scatter [tilespmem:s11], [sflag:$0x5], $0x80, $0x38;
	[tilespmem:$0x19E00] =	vst v63  }
0x513: {  	s14 =	sadd.s32 $0x40, s15;
	s22 =	simm.s32 $0x118A8;
	s23 =	sadd.s32 $0x50, s15  }
0x514: {  	[hbm4b:s14+s3] =	stream.linear.scatter [tilespmem:s13], [sflag:$0x5], $0x80, $0x38;
	[tilespmem:$0x19E00] =	vst v63  }
0x515: {  	s25 =	simm.s32 $0x11930;
	s28 =	sadd.s32 $0x60, s15;
	s12 =	simm.s32 $0x2200  }
0x516: {  	[hbm4b:s23+s3] =	stream.linear.scatter [tilespmem:s22], [sflag:$0x5], $0x80, $0x38;
	[tilespmem:$0x19E00] =	vst v63  }
0x517: {  	s11 =	sadd.s32 $0x1000, s15;
	s13 =	simm.s32 $0x119B8;
	s14 =	sadd.s32 $0x70, s15  }
0x518: {  	[hbm4b:s28+s3] =	stream.linear.scatter [tilespmem:s25], [sflag:$0x5], $0x80, $0x38;
	[tilespmem:$0x19E00] =	vst v63  }
.LBB2_38:
0x519: {  	[hbm4b:s14+s3] =	stream.linear.scatter [tilespmem:s13], [sflag:$0x5], $0x80, $0x38;
	[tilespmem:$0x19E00] =	vst v63  }
0x51a: {  	s13 =	smov.u32 s8;
	s8 =	smov.u32 s12  }
0x51b: {  	s15 =	sadd.s32 $0x1100, s12;
	s8 =	sshra.s32 s8, $0x2;
	s14 =	sadd.s32 $0x11600, s13  }
0x51c: {  	[hbm4b:s11+s3] =	stream.linear.scatter [tilespmem:s14], [sflag:$0x5], $0x80, $0x38;
	[tilespmem:$0x19E00] =	vst v63  }
0x51d: {  	p0 =	sne.s32 s12, $0x7700;
	s12 =	sadd.s32 $0x11688, s13;
	s14 =	sadd.s32 $0x10, s11  }
0x51e: {  	[hbm4b:s14+s3] =	stream.linear.scatter [tilespmem:s12], [sflag:$0x5], $0x80, $0x38;
	[tilespmem:$0x19E00] =	vst v63  }
0x51f: {  	s12 =	sadd.s32 $0x11710, s13;
	s14 =	sadd.s32 $0x20, s11  }
0x520: {  	[hbm4b:s14+s3] =	stream.linear.scatter [tilespmem:s12], [sflag:$0x5], $0x80, $0x38;
	[tilespmem:$0x19E00] =	vst v63  }
0x521: {  	s12 =	sadd.s32 $0x11798, s13;
	s14 =	sadd.s32 $0x30, s11  }
0x522: {  	[hbm4b:s14+s3] =	stream.linear.scatter [tilespmem:s12], [sflag:$0x5], $0x80, $0x38;
	[tilespmem:$0x19E00] =	vst v63  }
0x523: {  	s12 =	sadd.s32 $0x11820, s13;
	s14 =	sadd.s32 $0x40, s11  }
0x524: {  	[hbm4b:s14+s3] =	stream.linear.scatter [tilespmem:s12], [sflag:$0x5], $0x80, $0x38;
	[tilespmem:$0x19E00] =	vst v63  }
.Ltmp18:
0x525: {  	s12 =	sadd.s32 $0x118A8, s13;
	s14 =	sadd.s32 $0x50, s11;
	(pc) =	sbr.rel @p0 .LBB2_38-.Ltmp18, $4  }
0x526: {  	[hbm4b:s14+s3] =	stream.linear.scatter [tilespmem:s12], [sflag:$0x5], $0x80, $0x38;
	[tilespmem:$0x19E00] =	vst v63  }
0x527: {  	s12 =	sadd.s32 $0x11930, s13;
	s14 =	sadd.s32 $0x60, s11;
	s13 =	sadd.s32 $0x119B8, s13  }
0x528: {  	[hbm4b:s14+s3] =	stream.linear.scatter [tilespmem:s12], [sflag:$0x5], $0x80, $0x38;
	[tilespmem:$0x19E00] =	vst v63  }
0x529: {  	s14 =	sadd.s32 $0x70, s11;
	s11 =	sadd.s32 $0x1000, s11;
	s12 =	smov.u32 s15  }
0x52a: {  	[hbm4b:s14+s3] =	stream.linear.scatter [tilespmem:s13], [sflag:$0x5], $0x80, $0x38;
	[tilespmem:$0x19E00] =	vst v63  }
0x52b: {  	s12 =	sadd.s32 $0x11600, s8  }
0x52c: {  	[hbm4b:s11+s3] =	stream.linear.scatter [tilespmem:s12], [sflag:$0x5], $0x80, $0x38;
	[tilespmem:$0x19E00] =	vst v63  }
0x52d: {  	s25 =	sadd.s32 $0x11688, s8;
	s28 =	sadd.s32 $0x10, s11  }
0x52e: {  	[hbm4b:s28+s3] =	stream.linear.scatter [tilespmem:s25], [sflag:$0x5], $0x80, $0x38;
	[tilespmem:$0x19E00] =	vst v63  }
0x52f: {  	s14 =	sadd.s32 $0x11710, s8;
	s15 =	sadd.s32 $0x20, s11  }
0x530: {  	[hbm4b:s15+s3] =	stream.linear.scatter [tilespmem:s14], [sflag:$0x5], $0x80, $0x38;
	[tilespmem:$0x19E00] =	vst v63  }
0x531: {  	s22 =	sadd.s32 $0x11798, s8;
	s23 =	sadd.s32 $0x30, s11  }
0x532: {  	[hbm4b:s23+s3] =	stream.linear.scatter [tilespmem:s22], [sflag:$0x5], $0x80, $0x38;
	[tilespmem:$0x19E00] =	vst v63  }
0x533: {  	s25 =	sadd.s32 $0x11820, s8;
	s28 =	sadd.s32 $0x40, s11  }
0x534: {  	[hbm4b:s28+s3] =	stream.linear.scatter [tilespmem:s25], [sflag:$0x5], $0x80, $0x38;
	[tilespmem:$0x19E00] =	vst v63  }
0x535: {  	s13 =	sadd.s32 $0x118A8, s8;
	s14 =	sadd.s32 $0x50, s11  }
0x536: {  	[hbm4b:s14+s3] =	stream.linear.scatter [tilespmem:s13], [sflag:$0x5], $0x80, $0x38;
	[tilespmem:$0x19E00] =	vst v63  }
0x537: {  	s15 =	sadd.s32 $0x11930, s8;
	s22 =	sadd.s32 $0x60, s11  }
0x538: {  	[hbm4b:s22+s3] =	stream.linear.scatter [tilespmem:s15], [sflag:$0x5], $0x80, $0x38;
	[tilespmem:$0x19E00] =	vst v63  }
0x539: {  	s23 =	sadd.s32 $0x119B8, s8;
	s25 =	sadd.s32 $0x70, s11  }
0x53a: {  	[hbm4b:s25+s3] =	stream.linear.scatter [tilespmem:s23], [sflag:$0x5], $0x80, $0x38;
	[tilespmem:$0x19E00] =	vst v63  }
0x53b: {  	_ =	swait.ge [sflag:s2], $0x1000  }
0x53c: {  	[sflag:s2] =	ssyncset.done $0x0  }
0x53d: {  	[sflag:s2] =	ssyncadd.s32 $0xFFFFF000  }
0x53e: {  	_ =	swait.ge [sflag:s2], $0x1000  }
0x53f: {  	[sflag:s2] =	ssyncset.done $0x0  }
0x540: {  	[sflag:s2] =	ssyncadd.s32 $0xFFFFF000  }
0x541: {  	_ =	swait.ge [sflag:s19], $0x2000  }
0x542: {  	[sflag:s19] =	ssyncset.done $0x0  }
0x543: {  	[sflag:s19] =	ssyncadd.s32 $0xFFFFE000  }
0x544: {  	s28 =	simm.s32 $0x3;
	s13 =	simm.s32 $0xB680;
	v9 =	vld [tilespmem:$0x9540]  }
0x545: {  	v4 =	vmov s28;
	v7 =	vld [tilespmem:s13+$0x40]  }
0x546: {  	v13 =	vand.u32 $0x7F, v4  }
0x547: {  	s11 =	simm.s32 $0x0;
	v8 =	vadd.s32 v0, v13;
	v6 =	vld [tilespmem:$0x9550]  }
0x548: {  	s12 =	simm.s32 $0x1;
	v4 =	vmov s11;
	s14 =	simm.s32 $0x2;
	v10 =	vld [tilespmem:s13+$0xFFFFFF80]  }
0x549: {  	v12 =	vand.u32 $0x7C, v4;
	v4 =	vmov s12;
	v14 =	vmov s14;
	v11 =	vld [tilespmem:s13+$0xFFFFFFC0]  }
0x54a: {  	v15 =	vadd.s32 v0, v12;
	v19 =	vand.u32 $0x7D, v4;
	v16 =	vld [tilespmem:s13+$0x0];
	v7 =	vadd.f32 v7, v9  }
0x54b: {  	v20 =	vand.u32 $0x7E, v14;
	v17 =	vadd.s32 v0, v19;
	v5 =	vld [tilespmem:$0x9560]  }
0x54c: {  	v14 =	vadd.s32 v0, v20;
	v4 =	vld [tilespmem:$0x9570];
	[tilespmem:v8+s18+$0x0] =	vst.idx.msk $0xffff, v7  }
0x54d: {  	v7 =	vadd.f32 v10, v9;
	v8 =	vld [tilespmem:s13+$0x50]  }
0x54e: {  	v10 =	vadd.f32 v11, v9  }
0x54f: {  	v11 =	vadd.s32 v1, v13;
	[tilespmem:v15+s18+$0x0] =	vst.idx.msk $0xffff, v7;
	v7 =	vadd.f32 v16, v9  }
0x550: {  	[tilespmem:v17+s18+$0x0] =	vst.idx.msk $0xffff, v10;
	v15 =	vld [tilespmem:s13+$0xFFFFFF90]  }
0x551: {  	v10 =	vld [tilespmem:s13+$0xFFFFFFD0];
	[tilespmem:v14+s18+$0x0] =	vst.idx.msk $0xffff, v7  }
0x552: {  	v14 =	vld [tilespmem:s13+$0x10];
	v7 =	vadd.f32 v8, v6  }
0x553: {  	s8 =	simm.s32 $0xB780;
	s22 =	simm.s32 $0x7;
	v16 =	vadd.s32 v1, v19  }
0x554: {  	v26 =	vadd.s32 v2, v13;
	s15 =	simm.s32 $0x4;
	v18 =	vld [tilespmem:s8+$0x40];
	v17 =	vadd.s32 v1, v20;
	[tilespmem:v11+s18+$0x0] =	vst.idx.msk $0xffff, v7;
	v7 =	vmov s22  }
0x555: {  	v21 =	vadd.s32 v1, v12;
	v8 =	vmov s15;
	v7 =	vand.u32 $0x7F, v7;
	v22 =	vld [tilespmem:s13+$0x60]  }
0x556: {  	s23 =	simm.s32 $0x5;
	v23 =	vld [tilespmem:s8+$0xFFFFFF80];
	v8 =	vand.u32 $0x7C, v8;
	v10 =	vadd.f32 v10, v6;
	v24 =	vadd.s32 v0, v7  }
0x557: {  	s25 =	simm.s32 $0x6;
	v25 =	vld [tilespmem:s8+$0xFFFFFFC0];
	v15 =	vadd.f32 v15, v6;
	v11 =	vadd.f32 v14, v6;
	v14 =	vmov s23  }
0x558: {  	v27 =	vadd.s32 v0, v8;
	[tilespmem:v16+s18+$0x0] =	vst.idx.msk $0xffff, v10;
	v16 =	vmov s25;
	v10 =	vand.u32 $0x7D, v14;
	v14 =	vld [tilespmem:s8+$0x0]  }
0x559: {  	[tilespmem:v17+s18+$0x0] =	vst.idx.msk $0xffff, v11;
	v17 =	vadd.s32 v0, v10;
	v11 =	vand.u32 $0x7E, v16;
	v16 =	vadd.f32 v18, v9;
	v18 =	vld [tilespmem:s13+$0xFFFFFFE0]  }
0x55a: {  	[tilespmem:v21+s18+$0x0] =	vst.idx.msk $0xffff, v15;
	v15 =	vadd.s32 v0, v11;
	v21 =	vld [tilespmem:s13+$0x20];
	v22 =	vadd.f32 v22, v5  }
0x55b: {  	v23 =	vadd.f32 v23, v9;
	[tilespmem:v24+s18+$0x0] =	vst.idx.msk $0xffff, v16;
	v16 =	vld [tilespmem:s13+$0xFFFFFFA0];
	v24 =	vadd.s32 v2, v19  }
0x55c: {  	v29 =	vadd.s32 v2, v20;
	v25 =	vadd.f32 v25, v9;
	v28 =	vld [tilespmem:s8+$0x50];
	[tilespmem:v26+s18+$0x0] =	vst.idx.msk $0xffff, v22  }
0x55d: {  	[tilespmem:v27+s18+$0x0] =	vst.idx.msk $0xffff, v23;
	v23 =	vadd.s32 v2, v12;
	v14 =	vadd.f32 v14, v9;
	v26 =	vld [tilespmem:s13+$0x70]  }
0x55e: {  	v27 =	vld [tilespmem:s8+$0xFFFFFF90];
	[tilespmem:v17+s18+$0x0] =	vst.idx.msk $0xffff, v25;
	v25 =	vadd.s32 v1, v7;
	v18 =	vadd.f32 v18, v5  }
0x55f: {  	v31 =	vadd.s32 v3, v13;
	v30 =	vld [tilespmem:s8+$0xFFFFFFD0];
	[tilespmem:v15+s18+$0x0] =	vst.idx.msk $0xffff, v14;
	v14 =	vadd.f32 v21, v5  }
0x560: {  	v22 =	vadd.s32 v1, v8;
	v17 =	vld [tilespmem:s8+$0x10];
	v13 =	vadd.f32 v16, v5;
	[tilespmem:v24+s18+$0x0] =	vst.idx.msk $0xffff, v18  }
0x561: {  	s12 =	simm.s32 $0x8;
	v21 =	vadd.s32 v1, v10;
	[tilespmem:v29+s18+$0x0] =	vst.idx.msk $0xffff, v14;
	v18 =	vadd.f32 v28, v6;
	v16 =	vld [tilespmem:s13+$0xFFFFFFF0]  }
0x562: {  	v24 =	vmov s12;
	v14 =	vadd.s32 v1, v11;
	v15 =	vld [tilespmem:s13+$0x30];
	[tilespmem:v23+s18+$0x0] =	vst.idx.msk $0xffff, v13;
	v63 =	vadd.f32 v26, v4  }
0x563: {  	s28 =	simm.s32 $0xB;
	s11 =	simm.s32 $0xB880;
	v19 =	vadd.s32 v3, v19;
	v13 =	vand.u32 $0x7C, v24;
	v24 =	vadd.f32 v27, v6;
	[tilespmem:v25+s18+$0x0] =	vst.idx.msk $0xffff, v18;
	v18 =	vld [tilespmem:s13+$0xFFFFFFB0]  }
0x564: {  	v20 =	vadd.s32 v3, v20;
	v26 =	vmov s28;
	v23 =	vld [tilespmem:s11+$0x40];
	s13 =	simm.s32 $0xC;
	v25 =	vadd.f32 v30, v6;
	[tilespmem:v31+s18+$0x0] =	vst.idx.msk $0xffff, v63  }
.LBB2_40:
0x565: {  	p0 =	slt.u32 s13, $0x7C;
	s14 =	sadd.s32 $0x1, s12;
	v26 =	vand.u32 $0x7F, v26;
	[tilespmem:v22+s18+$0x0] =	vst.idx.msk $0xffff, v24;
	v17 =	vadd.f32 v17, v6;
	v22 =	vld [tilespmem:s8+$0x60];
	v24 =	vadd.s32 v3, v12  }
0x566: {  	v30 =	vmovc v11;
	v27 =	vld [tilespmem:s11+$0xFFFFFF80];
	v28 =	vmov s14;
	s14 =	sadd.s32 $0x2, s12;
	v29 =	vadd.s32 v0, v26;
	[tilespmem:v21+s18+$0x0] =	vst.idx.msk $0xffff, v25;
	v16 =	vadd.f32 v16, v4;
	s12 =	smov.u32 s13  }
0x567: {  	v12 =	vmovc v8;
	v21 =	vld [tilespmem:s11+$0xFFFFFFC0];
	v11 =	vmov s14;
	[tilespmem:v14+s18+$0x0] =	vst.idx.msk $0xffff, v17;
	v14 =	vadd.s32 v2, v7;
	v15 =	vadd.f32 v15, v4  }
0x568: {  	v17 =	vadd.s32 v0, v13;
	v28 =	vand.u32 $0x7D, v28;
	v25 =	vld [tilespmem:s11+$0x0];
	v31 =	vadd.f32 v18, v4;
	[tilespmem:v19+s18+$0x0] =	vst.idx.msk $0xffff, v16  }
0x569: {  	v16 =	vadd.s32 v0, v28;
	v11 =	vand.u32 $0x7E, v11;
	v18 =	vadd.f32 v23, v9;
	v19 =	vld [tilespmem:s8+$0xFFFFFFE0];
	[tilespmem:v20+s18+$0x0] =	vst.idx.msk $0xffff, v15  }
0x56a: {  	v8 =	vmov v13;
	v15 =	vadd.s32 v0, v11;
	v20 =	vld [tilespmem:s8+$0x20];
	v22 =	vadd.f32 v22, v5;
	[tilespmem:v24+s18+$0x0] =	vst.idx.msk $0xffff, v31  }
0x56b: {  	v23 =	vadd.s32 v2, v10;
	v13 =	vadd.f32 v27, v9;
	[tilespmem:v29+s18+$0x0] =	vst.idx.msk $0xffff, v18;
	v18 =	vld [tilespmem:s8+$0xFFFFFFA0]  }
0x56c: {  	v27 =	vadd.s32 v2, v30;
	v21 =	vadd.f32 v21, v9;
	v24 =	vld [tilespmem:s11+$0x50];
	[tilespmem:v14+s18+$0x0] =	vst.idx.msk $0xffff, v22  }
0x56d: {  	[tilespmem:v17+s18+$0x0] =	vst.idx.msk $0xffff, v13;
	v13 =	vadd.f32 v25, v9;
	v25 =	vadd.s32 v2, v12;
	v29 =	vld [tilespmem:s8+$0x70]  }
0x56e: {  	v32 =	vadd.s32 v1, v26;
	v31 =	vld [tilespmem:s11+$0xFFFFFF90];
	[tilespmem:v16+s18+$0x0] =	vst.idx.msk $0xffff, v21;
	v14 =	vadd.f32 v19, v5  }
0x56f: {  	v34 =	vadd.s32 v3, v7;
	v7 =	vmov v26;
	v33 =	vld [tilespmem:s11+$0xFFFFFFD0];
	[tilespmem:v15+s18+$0x0] =	vst.idx.msk $0xffff, v13;
	v13 =	vadd.f32 v20, v5  }
.Ltmp19:
0x570: {  	v22 =	vadd.s32 v1, v8;
	v17 =	vld [tilespmem:s11+$0x10];
	v15 =	vadd.f32 v18, v5;
	[tilespmem:v23+s18+$0x0] =	vst.idx.msk $0xffff, v14;
	(pc) =	sbr.rel @p0 .LBB2_40-.Ltmp19, $4  }
0x571: {  	v21 =	vadd.s32 v1, v28;
	v18 =	vadd.f32 v24, v6;
	v16 =	vld [tilespmem:s8+$0xFFFFFFF0];
	[tilespmem:v27+s18+$0x0] =	vst.idx.msk $0xffff, v13  }
0x572: {  	v14 =	vadd.s32 v1, v11;
	v13 =	vmov s13;
	[tilespmem:v25+s18+$0x0] =	vst.idx.msk $0xffff, v15;
	v15 =	vld [tilespmem:s8+$0x30];
	v27 =	vadd.f32 v29, v4  }
0x573: {  	s14 =	sadd.s32 $0x3, s13;
	v19 =	vadd.s32 v3, v10;
	v13 =	vand.u32 $0x7C, v13;
	v24 =	vadd.f32 v31, v6;
	[tilespmem:v32+s18+$0x0] =	vst.idx.msk $0xffff, v18;
	v18 =	vld [tilespmem:s8+$0xFFFFFFB0];
	s8 =	smov.u32 s11;
	s11 =	sadd.s32 $0x100, s11  }
0x574: {  	v26 =	vmov s14;
	v10 =	vmovc v28;
	v20 =	vadd.s32 v3, v30;
	s13 =	sadd.s32 $0x4, s13;
	v23 =	vld [tilespmem:s11+$0x40];
	v25 =	vadd.f32 v33, v6;
	[tilespmem:v34+s18+$0x0] =	vst.idx.msk $0xffff, v27  }
0x575: {  	s13 =	sadd.s32 $0x1, s12  }
0x576: {  	v26 =	vand.u32 $0x7F, v26;
	v28 =	vld [tilespmem:s11+$0xFFFFFFC0];
	v27 =	vmov s13;
	s13 =	sadd.s32 $0x2, s12  }
0x577: {  	v31 =	vld [tilespmem:s11+$0x0];
	v29 =	vadd.s32 v0, v26;
	v30 =	vmov s13;
	v27 =	vand.u32 $0x7D, v27  }
0x578: {  	v32 =	vld [tilespmem:s11+$0xFFFFFF80];
	v33 =	vadd.s32 v0, v27;
	v30 =	vand.u32 $0x7E, v30  }
0x579: {  	v34 =	vadd.s32 v0, v30  }
0x57a: {  	[tilespmem:v22+s18+$0x0] =	vst.idx.msk $0xffff, v24;
	v44 =	vadd.s32 v0, v13;
	v23 =	vadd.f32 v23, v9  }
0x57b: {  	[tilespmem:v21+s18+$0x0] =	vst.idx.msk $0xffff, v25;
	v45 =	vadd.f32 v28, v9  }
0x57c: {  	v46 =	vadd.f32 v31, v9;
	[tilespmem:v29+s18+$0x0] =	vst.idx.msk $0xffff, v23  }
0x57d: {  	v47 =	vadd.f32 v32, v9;
	v48 =	vld [tilespmem:s11+$0x50];
	[tilespmem:v33+s18+$0x0] =	vst.idx.msk $0xffff, v45  }
0x57e: {  	v17 =	vadd.f32 v17, v6;
	v12 =	vadd.s32 v3, v12;
	v21 =	vld [tilespmem:s11+$0xFFFFFFD0];
	[tilespmem:v34+s18+$0x0] =	vst.idx.msk $0xffff, v46  }
0x57f: {  	v16 =	vadd.f32 v16, v4;
	v49 =	vadd.s32 v1, v26;
	[tilespmem:v44+s18+$0x0] =	vst.idx.msk $0xffff, v47;
	v50 =	vld [tilespmem:s11+$0x10]  }
0x580: {  	[tilespmem:v14+s18+$0x0] =	vst.idx.msk $0xffff, v17;
	v51 =	vadd.f32 v15, v4;
	v53 =	vadd.s32 v1, v27;
	v52 =	vld [tilespmem:s11+$0xFFFFFF90]  }
0x581: {  	v54 =	vld [tilespmem:s8+$0x60];
	v18 =	vadd.f32 v18, v4;
	[tilespmem:v19+s18+$0x0] =	vst.idx.msk $0xffff, v16;
	v55 =	vadd.s32 v1, v30  }
0x582: {  	v57 =	vadd.s32 v1, v13;
	v60 =	vld [tilespmem:s8+$0x20];
	[tilespmem:v20+s18+$0x0] =	vst.idx.msk $0xffff, v51;
	v58 =	vadd.f32 v48, v6  }
0x583: {  	v59 =	vadd.s32 v2, v7;
	v56 =	vld [tilespmem:s8+$0xFFFFFFE0];
	[tilespmem:v12+s18+$0x0] =	vst.idx.msk $0xffff, v18;
	v61 =	vadd.f32 v21, v6  }
0x584: {  	v62 =	vld [tilespmem:s8+$0xFFFFFFA0];
	v29 =	vadd.s32 v2, v11;
	[tilespmem:v49+s18+$0x0] =	vst.idx.msk $0xffff, v58;
	v28 =	vadd.f32 v50, v6  }
0x585: {  	v63 =	vadd.s32 v2, v10;
	v31 =	vadd.f32 v52, v6;
	v32 =	vld [tilespmem:s11+$0x60];
	[tilespmem:v53+s18+$0x0] =	vst.idx.msk $0xffff, v61  }
0x586: {  	v33 =	vadd.f32 v54, v5;
	v34 =	vadd.s32 v2, v8;
	[tilespmem:v55+s18+$0x0] =	vst.idx.msk $0xffff, v28;
	v35 =	vld [tilespmem:s11+$0xFFFFFFE0]  }
0x587: {  	v37 =	vadd.s32 v2, v26;
	v39 =	vadd.f32 v60, v5;
	[tilespmem:v57+s18+$0x0] =	vst.idx.msk $0xffff, v31;
	v38 =	vld [tilespmem:s11+$0x20]  }
0x588: {  	v41 =	vadd.s32 v2, v27;
	v36 =	vadd.f32 v56, v5;
	[tilespmem:v59+s18+$0x0] =	vst.idx.msk $0xffff, v33;
	v40 =	vld [tilespmem:s11+$0xFFFFFFA0]  }
0x589: {  	v43 =	vadd.s32 v2, v30;
	v18 =	vadd.f32 v62, v5;
	v42 =	vld [tilespmem:s8+$0x70];
	[tilespmem:v29+s18+$0x0] =	vst.idx.msk $0xffff, v39  }
0x58a: {  	v45 =	vadd.s32 v2, v13;
	[tilespmem:v63+s18+$0x0] =	vst.idx.msk $0xffff, v36;
	v47 =	vld [tilespmem:s8+$0x30];
	v44 =	vadd.f32 v32, v5  }
0x58b: {  	v46 =	vadd.s32 v3, v7;
	v21 =	vld [tilespmem:s8+$0xFFFFFFF0];
	[tilespmem:v34+s18+$0x0] =	vst.idx.msk $0xffff, v18;
	v9 =	vadd.f32 v35, v5  }
0x58c: {  	v18 =	vld [tilespmem:s8+$0xFFFFFFB0];
	v50 =	vadd.s32 v3, v11;
	[tilespmem:v37+s18+$0x0] =	vst.idx.msk $0xffff, v44;
	v49 =	vadd.f32 v38, v5  }
0x58d: {  	v48 =	vadd.s32 v3, v10;
	v12 =	vld [tilespmem:s11+$0x70];
	v5 =	vadd.f32 v40, v5;
	[tilespmem:v41+s18+$0x0] =	vst.idx.msk $0xffff, v9  }
0x58e: {  	v52 =	vadd.s32 v3, v8;
	v51 =	vadd.f32 v42, v4;
	v53 =	vld [tilespmem:s11+$0xFFFFFFF0];
	[tilespmem:v43+s18+$0x0] =	vst.idx.msk $0xffff, v49  }
0x58f: {  	v55 =	vadd.s32 v3, v26;
	v56 =	vadd.f32 v47, v4;
	[tilespmem:v45+s18+$0x0] =	vst.idx.msk $0xffff, v5;
	v5 =	vld [tilespmem:s11+$0x30]  }
0x590: {  	v58 =	vadd.s32 v3, v27;
	[tilespmem:v46+s18+$0x0] =	vst.idx.msk $0xffff, v51;
	v54 =	vadd.f32 v21, v4;
	v57 =	vld [tilespmem:s11+$0xFFFFFFB0]  }
0x591: {  	v60 =	vadd.s32 v3, v30;
	v59 =	vadd.f32 v18, v4;
	[tilespmem:v50+s18+$0x0] =	vst.idx.msk $0xffff, v56  }
0x592: {  	v62 =	vadd.s32 v3, v13;
	[tilespmem:v48+s18+$0x0] =	vst.idx.msk $0xffff, v54;
	v61 =	vadd.f32 v12, v4  }
0x593: {  	[tilespmem:v52+s18+$0x0] =	vst.idx.msk $0xffff, v59;
	v63 =	vadd.f32 v53, v4  }
0x594: {  	[tilespmem:v55+s18+$0x0] =	vst.idx.msk $0xffff, v61;
	v5 =	vadd.f32 v5, v4  }
0x595: {  	v4 =	vadd.f32 v57, v4;
	[tilespmem:v58+s18+$0x0] =	vst.idx.msk $0xffff, v63  }
0x596: {  	[tilespmem:v60+s18+$0x0] =	vst.idx.msk $0xffff, v5  }
0x597: {  	[tilespmem:v62+s18+$0x0] =	vst.idx.msk $0xffff, v4  }
0x598: {  	s14 =	simm.s32 $0x13800;
	s15 =	rddreg [dreg:$0xb]  }
0x599: {  	[hbm4b:s15+s3] =	stream.linear.scatter [tilespmem:s14], [sflag:$0x6], $0x80, $0x38;
	[tilespmem:$0x19E00] =	vst v63  }
0x59a: {  	s22 =	simm.s32 $0x13888;
	s23 =	sadd.s32 $0x10, s15  }
0x59b: {  	[hbm4b:s23+s3] =	stream.linear.scatter [tilespmem:s22], [sflag:$0x6], $0x80, $0x38;
	[tilespmem:$0x19E00] =	vst v63  }
0x59c: {  	s25 =	simm.s32 $0x13910;
	s13 =	simm.s32 $0x13A20;
	s28 =	sadd.s32 $0x20, s15  }
0x59d: {  	[hbm4b:s28+s3] =	stream.linear.scatter [tilespmem:s25], [sflag:$0x6], $0x80, $0x38;
	[tilespmem:$0x19E00] =	vst v63  }
0x59e: {  	s8 =	simm.s32 $0x440;
	s11 =	simm.s32 $0x13998;
	s12 =	sadd.s32 $0x30, s15  }
0x59f: {  	[hbm4b:s12+s3] =	stream.linear.scatter [tilespmem:s11], [sflag:$0x6], $0x80, $0x38;
	[tilespmem:$0x19E00] =	vst v63  }
0x5a0: {  	s14 =	sadd.s32 $0x40, s15;
	s22 =	simm.s32 $0x13AA8;
	s23 =	sadd.s32 $0x50, s15  }
0x5a1: {  	[hbm4b:s14+s3] =	stream.linear.scatter [tilespmem:s13], [sflag:$0x6], $0x80, $0x38;
	[tilespmem:$0x19E00] =	vst v63  }
0x5a2: {  	s25 =	simm.s32 $0x13B30;
	s28 =	sadd.s32 $0x60, s15;
	s12 =	simm.s32 $0x2200  }
0x5a3: {  	[hbm4b:s23+s3] =	stream.linear.scatter [tilespmem:s22], [sflag:$0x6], $0x80, $0x38;
	[tilespmem:$0x19E00] =	vst v63  }
0x5a4: {  	s11 =	sadd.s32 $0x1000, s15;
	s13 =	simm.s32 $0x13BB8;
	s14 =	sadd.s32 $0x70, s15  }
0x5a5: {  	[hbm4b:s28+s3] =	stream.linear.scatter [tilespmem:s25], [sflag:$0x6], $0x80, $0x38;
	[tilespmem:$0x19E00] =	vst v63  }
.LBB2_42:
0x5a6: {  	[hbm4b:s14+s3] =	stream.linear.scatter [tilespmem:s13], [sflag:$0x6], $0x80, $0x38;
	[tilespmem:$0x19E00] =	vst v63  }
0x5a7: {  	s13 =	smov.u32 s8;
	s8 =	smov.u32 s12  }
0x5a8: {  	s15 =	sadd.s32 $0x1100, s12;
	s8 =	sshra.s32 s8, $0x2;
	s14 =	sadd.s32 $0x13800, s13  }
0x5a9: {  	[hbm4b:s11+s3] =	stream.linear.scatter [tilespmem:s14], [sflag:$0x6], $0x80, $0x38;
	[tilespmem:$0x19E00] =	vst v63  }
0x5aa: {  	p0 =	sne.s32 s12, $0x7700;
	s12 =	sadd.s32 $0x13888, s13;
	s14 =	sadd.s32 $0x10, s11  }
0x5ab: {  	[hbm4b:s14+s3] =	stream.linear.scatter [tilespmem:s12], [sflag:$0x6], $0x80, $0x38;
	[tilespmem:$0x19E00] =	vst v63  }
0x5ac: {  	s12 =	sadd.s32 $0x13910, s13;
	s14 =	sadd.s32 $0x20, s11  }
0x5ad: {  	[hbm4b:s14+s3] =	stream.linear.scatter [tilespmem:s12], [sflag:$0x6], $0x80, $0x38;
	[tilespmem:$0x19E00] =	vst v63  }
0x5ae: {  	s12 =	sadd.s32 $0x13998, s13;
	s14 =	sadd.s32 $0x30, s11  }
0x5af: {  	[hbm4b:s14+s3] =	stream.linear.scatter [tilespmem:s12], [sflag:$0x6], $0x80, $0x38;
	[tilespmem:$0x19E00] =	vst v63  }
0x5b0: {  	s12 =	sadd.s32 $0x13A20, s13;
	s14 =	sadd.s32 $0x40, s11  }
0x5b1: {  	[hbm4b:s14+s3] =	stream.linear.scatter [tilespmem:s12], [sflag:$0x6], $0x80, $0x38;
	[tilespmem:$0x19E00] =	vst v63  }
.Ltmp20:
0x5b2: {  	s12 =	sadd.s32 $0x13AA8, s13;
	s14 =	sadd.s32 $0x50, s11;
	(pc) =	sbr.rel @p0 .LBB2_42-.Ltmp20, $4  }
0x5b3: {  	[hbm4b:s14+s3] =	stream.linear.scatter [tilespmem:s12], [sflag:$0x6], $0x80, $0x38;
	[tilespmem:$0x19E00] =	vst v63  }
0x5b4: {  	s12 =	sadd.s32 $0x13B30, s13;
	s14 =	sadd.s32 $0x60, s11;
	s13 =	sadd.s32 $0x13BB8, s13  }
0x5b5: {  	[hbm4b:s14+s3] =	stream.linear.scatter [tilespmem:s12], [sflag:$0x6], $0x80, $0x38;
	[tilespmem:$0x19E00] =	vst v63  }
0x5b6: {  	s14 =	sadd.s32 $0x70, s11;
	s11 =	sadd.s32 $0x1000, s11;
	s12 =	smov.u32 s15  }
0x5b7: {  	[hbm4b:s14+s3] =	stream.linear.scatter [tilespmem:s13], [sflag:$0x6], $0x80, $0x38;
	[tilespmem:$0x19E00] =	vst v63  }
0x5b8: {  	s12 =	sadd.s32 $0x13800, s8  }
0x5b9: {  	[hbm4b:s11+s3] =	stream.linear.scatter [tilespmem:s12], [sflag:$0x6], $0x80, $0x38;
	[tilespmem:$0x19E00] =	vst v63  }
0x5ba: {  	s25 =	sadd.s32 $0x13888, s8;
	s28 =	sadd.s32 $0x10, s11  }
0x5bb: {  	[hbm4b:s28+s3] =	stream.linear.scatter [tilespmem:s25], [sflag:$0x6], $0x80, $0x38;
	[tilespmem:$0x19E00] =	vst v63  }
0x5bc: {  	s14 =	sadd.s32 $0x13910, s8;
	s15 =	sadd.s32 $0x20, s11  }
0x5bd: {  	[hbm4b:s15+s3] =	stream.linear.scatter [tilespmem:s14], [sflag:$0x6], $0x80, $0x38;
	[tilespmem:$0x19E00] =	vst v63  }
0x5be: {  	s22 =	sadd.s32 $0x13998, s8;
	s23 =	sadd.s32 $0x30, s11  }
0x5bf: {  	[hbm4b:s23+s3] =	stream.linear.scatter [tilespmem:s22], [sflag:$0x6], $0x80, $0x38;
	[tilespmem:$0x19E00] =	vst v63  }
0x5c0: {  	s25 =	sadd.s32 $0x13A20, s8;
	s28 =	sadd.s32 $0x40, s11  }
0x5c1: {  	[hbm4b:s28+s3] =	stream.linear.scatter [tilespmem:s25], [sflag:$0x6], $0x80, $0x38;
	[tilespmem:$0x19E00] =	vst v63  }
0x5c2: {  	s13 =	sadd.s32 $0x13AA8, s8;
	s14 =	sadd.s32 $0x50, s11  }
0x5c3: {  	[hbm4b:s14+s3] =	stream.linear.scatter [tilespmem:s13], [sflag:$0x6], $0x80, $0x38;
	[tilespmem:$0x19E00] =	vst v63  }
0x5c4: {  	s15 =	sadd.s32 $0x13B30, s8;
	s22 =	sadd.s32 $0x60, s11  }
0x5c5: {  	[hbm4b:s22+s3] =	stream.linear.scatter [tilespmem:s15], [sflag:$0x6], $0x80, $0x38;
	[tilespmem:$0x19E00] =	vst v63  }
0x5c6: {  	s23 =	sadd.s32 $0x13BB8, s8;
	s25 =	sadd.s32 $0x70, s11  }
0x5c7: {  	[hbm4b:s25+s3] =	stream.linear.scatter [tilespmem:s23], [sflag:$0x6], $0x80, $0x38;
	[tilespmem:$0x19E00] =	vst v63  }
0x5c8: {  	_ =	swait.ge [sflag:s29], $0x1000  }
0x5c9: {  	[sflag:s29] =	ssyncset.done $0x0  }
0x5ca: {  	[sflag:s29] =	ssyncadd.s32 $0xFFFFF000  }
0x5cb: {  	_ =	swait.ge [sflag:s29], $0x1000  }
0x5cc: {  	[sflag:s29] =	ssyncset.done $0x0  }
0x5cd: {  	[sflag:s29] =	ssyncadd.s32 $0xFFFFF000  }
0x5ce: {  	_ =	swait.ge [sflag:s9], $0x2000  }
0x5cf: {  	[sflag:s9] =	ssyncset.done $0x0  }
0x5d0: {  	[sflag:s9] =	ssyncadd.s32 $0xFFFFE000  }
0x5d1: {  	s28 =	simm.s32 $0x3;
	s13 =	simm.s32 $0xD680;
	v9 =	vld [tilespmem:$0x9580]  }
0x5d2: {  	v4 =	vmov s28;
	v7 =	vld [tilespmem:s13+$0x40]  }
0x5d3: {  	v13 =	vand.u32 $0x7F, v4  }
0x5d4: {  	s11 =	simm.s32 $0x0;
	v8 =	vadd.s32 v0, v13;
	v6 =	vld [tilespmem:$0x9590]  }
0x5d5: {  	s12 =	simm.s32 $0x1;
	v4 =	vmov s11;
	s14 =	simm.s32 $0x2;
	v10 =	vld [tilespmem:s13+$0xFFFFFF80]  }
0x5d6: {  	v12 =	vand.u32 $0x7C, v4;
	v4 =	vmov s12;
	v14 =	vmov s14;
	v11 =	vld [tilespmem:s13+$0xFFFFFFC0]  }
0x5d7: {  	v15 =	vadd.s32 v0, v12;
	v19 =	vand.u32 $0x7D, v4;
	v16 =	vld [tilespmem:s13+$0x0];
	v7 =	vadd.f32 v7, v9  }
0x5d8: {  	v20 =	vand.u32 $0x7E, v14;
	v17 =	vadd.s32 v0, v19;
	v5 =	vld [tilespmem:$0x95A0]  }
0x5d9: {  	v14 =	vadd.s32 v0, v20;
	v4 =	vld [tilespmem:$0x95B0];
	[tilespmem:v8+s31+$0x0] =	vst.idx.msk $0xffff, v7  }
0x5da: {  	v7 =	vadd.f32 v10, v9;
	v8 =	vld [tilespmem:s13+$0x50]  }
0x5db: {  	v10 =	vadd.f32 v11, v9  }
0x5dc: {  	v11 =	vadd.s32 v1, v13;
	[tilespmem:v15+s31+$0x0] =	vst.idx.msk $0xffff, v7;
	v7 =	vadd.f32 v16, v9  }
0x5dd: {  	[tilespmem:v17+s31+$0x0] =	vst.idx.msk $0xffff, v10;
	v15 =	vld [tilespmem:s13+$0xFFFFFF90]  }
0x5de: {  	v10 =	vld [tilespmem:s13+$0xFFFFFFD0];
	[tilespmem:v14+s31+$0x0] =	vst.idx.msk $0xffff, v7  }
0x5df: {  	v14 =	vld [tilespmem:s13+$0x10];
	v7 =	vadd.f32 v8, v6  }
0x5e0: {  	s8 =	simm.s32 $0xD780;
	s22 =	simm.s32 $0x7;
	v16 =	vadd.s32 v1, v19  }
0x5e1: {  	v26 =	vadd.s32 v2, v13;
	s15 =	simm.s32 $0x4;
	v18 =	vld [tilespmem:s8+$0x40];
	v17 =	vadd.s32 v1, v20;
	[tilespmem:v11+s31+$0x0] =	vst.idx.msk $0xffff, v7;
	v7 =	vmov s22  }
0x5e2: {  	v21 =	vadd.s32 v1, v12;
	v8 =	vmov s15;
	v7 =	vand.u32 $0x7F, v7;
	v22 =	vld [tilespmem:s13+$0x60]  }
0x5e3: {  	s23 =	simm.s32 $0x5;
	v23 =	vld [tilespmem:s8+$0xFFFFFF80];
	v8 =	vand.u32 $0x7C, v8;
	v10 =	vadd.f32 v10, v6;
	v24 =	vadd.s32 v0, v7  }
0x5e4: {  	s25 =	simm.s32 $0x6;
	v25 =	vld [tilespmem:s8+$0xFFFFFFC0];
	v15 =	vadd.f32 v15, v6;
	v11 =	vadd.f32 v14, v6;
	v14 =	vmov s23  }
0x5e5: {  	v27 =	vadd.s32 v0, v8;
	[tilespmem:v16+s31+$0x0] =	vst.idx.msk $0xffff, v10;
	v16 =	vmov s25;
	v10 =	vand.u32 $0x7D, v14;
	v14 =	vld [tilespmem:s8+$0x0]  }
0x5e6: {  	[tilespmem:v17+s31+$0x0] =	vst.idx.msk $0xffff, v11;
	v17 =	vadd.s32 v0, v10;
	v11 =	vand.u32 $0x7E, v16;
	v16 =	vadd.f32 v18, v9;
	v18 =	vld [tilespmem:s13+$0xFFFFFFE0]  }
0x5e7: {  	[tilespmem:v21+s31+$0x0] =	vst.idx.msk $0xffff, v15;
	v15 =	vadd.s32 v0, v11;
	v21 =	vld [tilespmem:s13+$0x20];
	v22 =	vadd.f32 v22, v5  }
0x5e8: {  	v23 =	vadd.f32 v23, v9;
	[tilespmem:v24+s31+$0x0] =	vst.idx.msk $0xffff, v16;
	v16 =	vld [tilespmem:s13+$0xFFFFFFA0];
	v24 =	vadd.s32 v2, v19  }
0x5e9: {  	v29 =	vadd.s32 v2, v20;
	v25 =	vadd.f32 v25, v9;
	v28 =	vld [tilespmem:s8+$0x50];
	[tilespmem:v26+s31+$0x0] =	vst.idx.msk $0xffff, v22  }
0x5ea: {  	[tilespmem:v27+s31+$0x0] =	vst.idx.msk $0xffff, v23;
	v23 =	vadd.s32 v2, v12;
	v14 =	vadd.f32 v14, v9;
	v26 =	vld [tilespmem:s13+$0x70]  }
0x5eb: {  	v27 =	vld [tilespmem:s8+$0xFFFFFF90];
	[tilespmem:v17+s31+$0x0] =	vst.idx.msk $0xffff, v25;
	v25 =	vadd.s32 v1, v7;
	v18 =	vadd.f32 v18, v5  }
0x5ec: {  	v31 =	vadd.s32 v3, v13;
	v30 =	vld [tilespmem:s8+$0xFFFFFFD0];
	[tilespmem:v15+s31+$0x0] =	vst.idx.msk $0xffff, v14;
	v14 =	vadd.f32 v21, v5  }
0x5ed: {  	v22 =	vadd.s32 v1, v8;
	v17 =	vld [tilespmem:s8+$0x10];
	v13 =	vadd.f32 v16, v5;
	[tilespmem:v24+s31+$0x0] =	vst.idx.msk $0xffff, v18  }
0x5ee: {  	s12 =	simm.s32 $0x8;
	v21 =	vadd.s32 v1, v10;
	[tilespmem:v29+s31+$0x0] =	vst.idx.msk $0xffff, v14;
	v18 =	vadd.f32 v28, v6;
	v16 =	vld [tilespmem:s13+$0xFFFFFFF0]  }
0x5ef: {  	v24 =	vmov s12;
	v14 =	vadd.s32 v1, v11;
	v15 =	vld [tilespmem:s13+$0x30];
	[tilespmem:v23+s31+$0x0] =	vst.idx.msk $0xffff, v13;
	v63 =	vadd.f32 v26, v4  }
0x5f0: {  	s28 =	simm.s32 $0xB;
	s11 =	simm.s32 $0xD880;
	v19 =	vadd.s32 v3, v19;
	v13 =	vand.u32 $0x7C, v24;
	v24 =	vadd.f32 v27, v6;
	[tilespmem:v25+s31+$0x0] =	vst.idx.msk $0xffff, v18;
	v18 =	vld [tilespmem:s13+$0xFFFFFFB0]  }
0x5f1: {  	v20 =	vadd.s32 v3, v20;
	v26 =	vmov s28;
	v23 =	vld [tilespmem:s11+$0x40];
	s13 =	simm.s32 $0xC;
	v25 =	vadd.f32 v30, v6;
	[tilespmem:v31+s31+$0x0] =	vst.idx.msk $0xffff, v63  }
.LBB2_44:
0x5f2: {  	p0 =	slt.u32 s13, $0x7C;
	s14 =	sadd.s32 $0x1, s12;
	v26 =	vand.u32 $0x7F, v26;
	[tilespmem:v22+s31+$0x0] =	vst.idx.msk $0xffff, v24;
	v17 =	vadd.f32 v17, v6;
	v22 =	vld [tilespmem:s8+$0x60];
	v24 =	vadd.s32 v3, v12  }
0x5f3: {  	v30 =	vmovc v11;
	v27 =	vld [tilespmem:s11+$0xFFFFFF80];
	v28 =	vmov s14;
	s14 =	sadd.s32 $0x2, s12;
	v29 =	vadd.s32 v0, v26;
	[tilespmem:v21+s31+$0x0] =	vst.idx.msk $0xffff, v25;
	v16 =	vadd.f32 v16, v4;
	s12 =	smov.u32 s13  }
0x5f4: {  	v12 =	vmovc v8;
	v21 =	vld [tilespmem:s11+$0xFFFFFFC0];
	v11 =	vmov s14;
	[tilespmem:v14+s31+$0x0] =	vst.idx.msk $0xffff, v17;
	v14 =	vadd.s32 v2, v7;
	v15 =	vadd.f32 v15, v4  }
0x5f5: {  	v17 =	vadd.s32 v0, v13;
	v28 =	vand.u32 $0x7D, v28;
	v25 =	vld [tilespmem:s11+$0x0];
	v31 =	vadd.f32 v18, v4;
	[tilespmem:v19+s31+$0x0] =	vst.idx.msk $0xffff, v16  }
0x5f6: {  	v16 =	vadd.s32 v0, v28;
	v11 =	vand.u32 $0x7E, v11;
	v18 =	vadd.f32 v23, v9;
	v19 =	vld [tilespmem:s8+$0xFFFFFFE0];
	[tilespmem:v20+s31+$0x0] =	vst.idx.msk $0xffff, v15  }
0x5f7: {  	v8 =	vmov v13;
	v15 =	vadd.s32 v0, v11;
	v20 =	vld [tilespmem:s8+$0x20];
	v22 =	vadd.f32 v22, v5;
	[tilespmem:v24+s31+$0x0] =	vst.idx.msk $0xffff, v31  }
0x5f8: {  	v23 =	vadd.s32 v2, v10;
	v13 =	vadd.f32 v27, v9;
	[tilespmem:v29+s31+$0x0] =	vst.idx.msk $0xffff, v18;
	v18 =	vld [tilespmem:s8+$0xFFFFFFA0]  }
0x5f9: {  	v27 =	vadd.s32 v2, v30;
	v21 =	vadd.f32 v21, v9;
	v24 =	vld [tilespmem:s11+$0x50];
	[tilespmem:v14+s31+$0x0] =	vst.idx.msk $0xffff, v22  }
0x5fa: {  	[tilespmem:v17+s31+$0x0] =	vst.idx.msk $0xffff, v13;
	v13 =	vadd.f32 v25, v9;
	v25 =	vadd.s32 v2, v12;
	v29 =	vld [tilespmem:s8+$0x70]  }
0x5fb: {  	v32 =	vadd.s32 v1, v26;
	v31 =	vld [tilespmem:s11+$0xFFFFFF90];
	[tilespmem:v16+s31+$0x0] =	vst.idx.msk $0xffff, v21;
	v14 =	vadd.f32 v19, v5  }
0x5fc: {  	v34 =	vadd.s32 v3, v7;
	v7 =	vmov v26;
	v33 =	vld [tilespmem:s11+$0xFFFFFFD0];
	[tilespmem:v15+s31+$0x0] =	vst.idx.msk $0xffff, v13;
	v13 =	vadd.f32 v20, v5  }
.Ltmp21:
0x5fd: {  	v22 =	vadd.s32 v1, v8;
	v17 =	vld [tilespmem:s11+$0x10];
	v15 =	vadd.f32 v18, v5;
	[tilespmem:v23+s31+$0x0] =	vst.idx.msk $0xffff, v14;
	(pc) =	sbr.rel @p0 .LBB2_44-.Ltmp21, $4  }
0x5fe: {  	v21 =	vadd.s32 v1, v28;
	v18 =	vadd.f32 v24, v6;
	v16 =	vld [tilespmem:s8+$0xFFFFFFF0];
	[tilespmem:v27+s31+$0x0] =	vst.idx.msk $0xffff, v13  }
0x5ff: {  	v14 =	vadd.s32 v1, v11;
	v13 =	vmov s13;
	[tilespmem:v25+s31+$0x0] =	vst.idx.msk $0xffff, v15;
	v15 =	vld [tilespmem:s8+$0x30];
	v27 =	vadd.f32 v29, v4  }
0x600: {  	s14 =	sadd.s32 $0x3, s13;
	v19 =	vadd.s32 v3, v10;
	v13 =	vand.u32 $0x7C, v13;
	v24 =	vadd.f32 v31, v6;
	[tilespmem:v32+s31+$0x0] =	vst.idx.msk $0xffff, v18;
	v18 =	vld [tilespmem:s8+$0xFFFFFFB0];
	s8 =	smov.u32 s11;
	s11 =	sadd.s32 $0x100, s11  }
0x601: {  	v26 =	vmov s14;
	v10 =	vmovc v28;
	v20 =	vadd.s32 v3, v30;
	s13 =	sadd.s32 $0x4, s13;
	v23 =	vld [tilespmem:s11+$0x40];
	v25 =	vadd.f32 v33, v6;
	[tilespmem:v34+s31+$0x0] =	vst.idx.msk $0xffff, v27  }
0x602: {  	s13 =	sadd.s32 $0x1, s12  }
0x603: {  	v26 =	vand.u32 $0x7F, v26;
	v28 =	vld [tilespmem:s11+$0xFFFFFFC0];
	v27 =	vmov s13;
	s13 =	sadd.s32 $0x2, s12  }
0x604: {  	v31 =	vld [tilespmem:s11+$0x0];
	v29 =	vadd.s32 v0, v26;
	v30 =	vmov s13;
	v27 =	vand.u32 $0x7D, v27  }
0x605: {  	v32 =	vld [tilespmem:s11+$0xFFFFFF80];
	v33 =	vadd.s32 v0, v27;
	v30 =	vand.u32 $0x7E, v30  }
0x606: {  	v34 =	vadd.s32 v0, v30  }
0x607: {  	[tilespmem:v22+s31+$0x0] =	vst.idx.msk $0xffff, v24;
	v44 =	vadd.s32 v0, v13;
	v23 =	vadd.f32 v23, v9  }
0x608: {  	[tilespmem:v21+s31+$0x0] =	vst.idx.msk $0xffff, v25;
	v45 =	vadd.f32 v28, v9  }
0x609: {  	v46 =	vadd.f32 v31, v9;
	[tilespmem:v29+s31+$0x0] =	vst.idx.msk $0xffff, v23  }
0x60a: {  	v47 =	vadd.f32 v32, v9;
	v48 =	vld [tilespmem:s11+$0x50];
	[tilespmem:v33+s31+$0x0] =	vst.idx.msk $0xffff, v45  }
0x60b: {  	v17 =	vadd.f32 v17, v6;
	v12 =	vadd.s32 v3, v12;
	v21 =	vld [tilespmem:s11+$0xFFFFFFD0];
	[tilespmem:v34+s31+$0x0] =	vst.idx.msk $0xffff, v46  }
0x60c: {  	v16 =	vadd.f32 v16, v4;
	v49 =	vadd.s32 v1, v26;
	[tilespmem:v44+s31+$0x0] =	vst.idx.msk $0xffff, v47;
	v50 =	vld [tilespmem:s11+$0x10]  }
0x60d: {  	[tilespmem:v14+s31+$0x0] =	vst.idx.msk $0xffff, v17;
	v51 =	vadd.f32 v15, v4;
	v53 =	vadd.s32 v1, v27;
	v52 =	vld [tilespmem:s11+$0xFFFFFF90]  }
0x60e: {  	v54 =	vld [tilespmem:s8+$0x60];
	v18 =	vadd.f32 v18, v4;
	[tilespmem:v19+s31+$0x0] =	vst.idx.msk $0xffff, v16;
	v55 =	vadd.s32 v1, v30  }
0x60f: {  	v57 =	vadd.s32 v1, v13;
	v60 =	vld [tilespmem:s8+$0x20];
	[tilespmem:v20+s31+$0x0] =	vst.idx.msk $0xffff, v51;
	v58 =	vadd.f32 v48, v6  }
0x610: {  	v59 =	vadd.s32 v2, v7;
	v56 =	vld [tilespmem:s8+$0xFFFFFFE0];
	[tilespmem:v12+s31+$0x0] =	vst.idx.msk $0xffff, v18;
	v61 =	vadd.f32 v21, v6  }
0x611: {  	v62 =	vld [tilespmem:s8+$0xFFFFFFA0];
	v29 =	vadd.s32 v2, v11;
	[tilespmem:v49+s31+$0x0] =	vst.idx.msk $0xffff, v58;
	v28 =	vadd.f32 v50, v6  }
0x612: {  	v63 =	vadd.s32 v2, v10;
	v31 =	vadd.f32 v52, v6;
	v32 =	vld [tilespmem:s11+$0x60];
	[tilespmem:v53+s31+$0x0] =	vst.idx.msk $0xffff, v61  }
0x613: {  	v33 =	vadd.f32 v54, v5;
	v34 =	vadd.s32 v2, v8;
	[tilespmem:v55+s31+$0x0] =	vst.idx.msk $0xffff, v28;
	v35 =	vld [tilespmem:s11+$0xFFFFFFE0]  }
0x614: {  	v37 =	vadd.s32 v2, v26;
	v39 =	vadd.f32 v60, v5;
	[tilespmem:v57+s31+$0x0] =	vst.idx.msk $0xffff, v31;
	v38 =	vld [tilespmem:s11+$0x20]  }
0x615: {  	v41 =	vadd.s32 v2, v27;
	v36 =	vadd.f32 v56, v5;
	[tilespmem:v59+s31+$0x0] =	vst.idx.msk $0xffff, v33;
	v40 =	vld [tilespmem:s11+$0xFFFFFFA0]  }
0x616: {  	v43 =	vadd.s32 v2, v30;
	v18 =	vadd.f32 v62, v5;
	v42 =	vld [tilespmem:s8+$0x70];
	[tilespmem:v29+s31+$0x0] =	vst.idx.msk $0xffff, v39  }
0x617: {  	v45 =	vadd.s32 v2, v13;
	[tilespmem:v63+s31+$0x0] =	vst.idx.msk $0xffff, v36;
	v47 =	vld [tilespmem:s8+$0x30];
	v44 =	vadd.f32 v32, v5  }
0x618: {  	v46 =	vadd.s32 v3, v7;
	v21 =	vld [tilespmem:s8+$0xFFFFFFF0];
	[tilespmem:v34+s31+$0x0] =	vst.idx.msk $0xffff, v18;
	v9 =	vadd.f32 v35, v5  }
0x619: {  	v18 =	vld [tilespmem:s8+$0xFFFFFFB0];
	v50 =	vadd.s32 v3, v11;
	[tilespmem:v37+s31+$0x0] =	vst.idx.msk $0xffff, v44;
	v49 =	vadd.f32 v38, v5  }
0x61a: {  	v48 =	vadd.s32 v3, v10;
	v12 =	vld [tilespmem:s11+$0x70];
	v5 =	vadd.f32 v40, v5;
	[tilespmem:v41+s31+$0x0] =	vst.idx.msk $0xffff, v9  }
0x61b: {  	v52 =	vadd.s32 v3, v8;
	v51 =	vadd.f32 v42, v4;
	v53 =	vld [tilespmem:s11+$0xFFFFFFF0];
	[tilespmem:v43+s31+$0x0] =	vst.idx.msk $0xffff, v49  }
0x61c: {  	v55 =	vadd.s32 v3, v26;
	v56 =	vadd.f32 v47, v4;
	[tilespmem:v45+s31+$0x0] =	vst.idx.msk $0xffff, v5;
	v5 =	vld [tilespmem:s11+$0x30]  }
0x61d: {  	v58 =	vadd.s32 v3, v27;
	[tilespmem:v46+s31+$0x0] =	vst.idx.msk $0xffff, v51;
	v54 =	vadd.f32 v21, v4;
	v57 =	vld [tilespmem:s11+$0xFFFFFFB0]  }
0x61e: {  	v60 =	vadd.s32 v3, v30;
	v59 =	vadd.f32 v18, v4;
	[tilespmem:v50+s31+$0x0] =	vst.idx.msk $0xffff, v56  }
0x61f: {  	v62 =	vadd.s32 v3, v13;
	[tilespmem:v48+s31+$0x0] =	vst.idx.msk $0xffff, v54;
	v61 =	vadd.f32 v12, v4  }
0x620: {  	[tilespmem:v52+s31+$0x0] =	vst.idx.msk $0xffff, v59;
	v63 =	vadd.f32 v53, v4  }
0x621: {  	[tilespmem:v55+s31+$0x0] =	vst.idx.msk $0xffff, v61;
	v5 =	vadd.f32 v5, v4  }
0x622: {  	v4 =	vadd.f32 v57, v4;
	[tilespmem:v58+s31+$0x0] =	vst.idx.msk $0xffff, v63  }
0x623: {  	[tilespmem:v60+s31+$0x0] =	vst.idx.msk $0xffff, v5  }
0x624: {  	[tilespmem:v62+s31+$0x0] =	vst.idx.msk $0xffff, v4  }
0x625: {  	s14 =	simm.s32 $0x15A00;
	s15 =	rddreg [dreg:$0xc]  }
0x626: {  	[hbm4b:s15+s3] =	stream.linear.scatter [tilespmem:s14], [sflag:$0x7], $0x80, $0x38;
	[tilespmem:$0x19E00] =	vst v63  }
0x627: {  	s22 =	simm.s32 $0x15A88;
	s23 =	sadd.s32 $0x10, s15  }
0x628: {  	[hbm4b:s23+s3] =	stream.linear.scatter [tilespmem:s22], [sflag:$0x7], $0x80, $0x38;
	[tilespmem:$0x19E00] =	vst v63  }
0x629: {  	s25 =	simm.s32 $0x15B10;
	s13 =	simm.s32 $0x15C20;
	s28 =	sadd.s32 $0x20, s15  }
0x62a: {  	[hbm4b:s28+s3] =	stream.linear.scatter [tilespmem:s25], [sflag:$0x7], $0x80, $0x38;
	[tilespmem:$0x19E00] =	vst v63  }
0x62b: {  	s8 =	simm.s32 $0x440;
	s11 =	simm.s32 $0x15B98;
	s12 =	sadd.s32 $0x30, s15  }
0x62c: {  	[hbm4b:s12+s3] =	stream.linear.scatter [tilespmem:s11], [sflag:$0x7], $0x80, $0x38;
	[tilespmem:$0x19E00] =	vst v63  }
0x62d: {  	s14 =	sadd.s32 $0x40, s15;
	s22 =	simm.s32 $0x15CA8;
	s23 =	sadd.s32 $0x50, s15  }
0x62e: {  	[hbm4b:s14+s3] =	stream.linear.scatter [tilespmem:s13], [sflag:$0x7], $0x80, $0x38;
	[tilespmem:$0x19E00] =	vst v63  }
0x62f: {  	s25 =	simm.s32 $0x15D30;
	s28 =	sadd.s32 $0x60, s15;
	s12 =	simm.s32 $0x2200  }
0x630: {  	[hbm4b:s23+s3] =	stream.linear.scatter [tilespmem:s22], [sflag:$0x7], $0x80, $0x38;
	[tilespmem:$0x19E00] =	vst v63  }
0x631: {  	s11 =	sadd.s32 $0x1000, s15;
	s13 =	simm.s32 $0x15DB8;
	s14 =	sadd.s32 $0x70, s15  }
0x632: {  	[hbm4b:s28+s3] =	stream.linear.scatter [tilespmem:s25], [sflag:$0x7], $0x80, $0x38;
	[tilespmem:$0x19E00] =	vst v63  }
.LBB2_46:
0x633: {  	[hbm4b:s14+s3] =	stream.linear.scatter [tilespmem:s13], [sflag:$0x7], $0x80, $0x38;
	[tilespmem:$0x19E00] =	vst v63  }
0x634: {  	s13 =	smov.u32 s8;
	s8 =	smov.u32 s12  }
0x635: {  	s15 =	sadd.s32 $0x1100, s12;
	s8 =	sshra.s32 s8, $0x2;
	s14 =	sadd.s32 $0x15A00, s13  }
0x636: {  	[hbm4b:s11+s3] =	stream.linear.scatter [tilespmem:s14], [sflag:$0x7], $0x80, $0x38;
	[tilespmem:$0x19E00] =	vst v63  }
0x637: {  	p0 =	sne.s32 s12, $0x7700;
	s12 =	sadd.s32 $0x15A88, s13;
	s14 =	sadd.s32 $0x10, s11  }
0x638: {  	[hbm4b:s14+s3] =	stream.linear.scatter [tilespmem:s12], [sflag:$0x7], $0x80, $0x38;
	[tilespmem:$0x19E00] =	vst v63  }
0x639: {  	s12 =	sadd.s32 $0x15B10, s13;
	s14 =	sadd.s32 $0x20, s11  }
0x63a: {  	[hbm4b:s14+s3] =	stream.linear.scatter [tilespmem:s12], [sflag:$0x7], $0x80, $0x38;
	[tilespmem:$0x19E00] =	vst v63  }
0x63b: {  	s12 =	sadd.s32 $0x15B98, s13;
	s14 =	sadd.s32 $0x30, s11  }
0x63c: {  	[hbm4b:s14+s3] =	stream.linear.scatter [tilespmem:s12], [sflag:$0x7], $0x80, $0x38;
	[tilespmem:$0x19E00] =	vst v63  }
0x63d: {  	s12 =	sadd.s32 $0x15C20, s13;
	s14 =	sadd.s32 $0x40, s11  }
0x63e: {  	[hbm4b:s14+s3] =	stream.linear.scatter [tilespmem:s12], [sflag:$0x7], $0x80, $0x38;
	[tilespmem:$0x19E00] =	vst v63  }
.Ltmp22:
0x63f: {  	s12 =	sadd.s32 $0x15CA8, s13;
	s14 =	sadd.s32 $0x50, s11;
	(pc) =	sbr.rel @p0 .LBB2_46-.Ltmp22, $4  }
0x640: {  	[hbm4b:s14+s3] =	stream.linear.scatter [tilespmem:s12], [sflag:$0x7], $0x80, $0x38;
	[tilespmem:$0x19E00] =	vst v63  }
0x641: {  	s12 =	sadd.s32 $0x15D30, s13;
	s14 =	sadd.s32 $0x60, s11;
	s13 =	sadd.s32 $0x15DB8, s13  }
0x642: {  	[hbm4b:s14+s3] =	stream.linear.scatter [tilespmem:s12], [sflag:$0x7], $0x80, $0x38;
	[tilespmem:$0x19E00] =	vst v63  }
0x643: {  	s14 =	sadd.s32 $0x70, s11;
	s11 =	sadd.s32 $0x1000, s11;
	s12 =	smov.u32 s15  }
0x644: {  	[hbm4b:s14+s3] =	stream.linear.scatter [tilespmem:s13], [sflag:$0x7], $0x80, $0x38;
	[tilespmem:$0x19E00] =	vst v63  }
0x645: {  	s12 =	sadd.s32 $0x15A00, s8  }
0x646: {  	[hbm4b:s11+s3] =	stream.linear.scatter [tilespmem:s12], [sflag:$0x7], $0x80, $0x38;
	[tilespmem:$0x19E00] =	vst v63  }
0x647: {  	s25 =	sadd.s32 $0x15A88, s8;
	s28 =	sadd.s32 $0x10, s11  }
0x648: {  	[hbm4b:s28+s3] =	stream.linear.scatter [tilespmem:s25], [sflag:$0x7], $0x80, $0x38;
	[tilespmem:$0x19E00] =	vst v63  }
0x649: {  	s14 =	sadd.s32 $0x15B10, s8;
	s15 =	sadd.s32 $0x20, s11  }
0x64a: {  	[hbm4b:s15+s3] =	stream.linear.scatter [tilespmem:s14], [sflag:$0x7], $0x80, $0x38;
	[tilespmem:$0x19E00] =	vst v63  }
0x64b: {  	s22 =	sadd.s32 $0x15B98, s8;
	s23 =	sadd.s32 $0x30, s11  }
0x64c: {  	[hbm4b:s23+s3] =	stream.linear.scatter [tilespmem:s22], [sflag:$0x7], $0x80, $0x38;
	[tilespmem:$0x19E00] =	vst v63  }
0x64d: {  	s25 =	sadd.s32 $0x15C20, s8;
	s28 =	sadd.s32 $0x40, s11  }
0x64e: {  	[hbm4b:s28+s3] =	stream.linear.scatter [tilespmem:s25], [sflag:$0x7], $0x80, $0x38;
	[tilespmem:$0x19E00] =	vst v63  }
0x64f: {  	s13 =	sadd.s32 $0x15CA8, s8;
	s14 =	sadd.s32 $0x50, s11  }
0x650: {  	[hbm4b:s14+s3] =	stream.linear.scatter [tilespmem:s13], [sflag:$0x7], $0x80, $0x38;
	[tilespmem:$0x19E00] =	vst v63  }
0x651: {  	s15 =	sadd.s32 $0x15D30, s8;
	s22 =	sadd.s32 $0x60, s11  }
0x652: {  	[hbm4b:s22+s3] =	stream.linear.scatter [tilespmem:s15], [sflag:$0x7], $0x80, $0x38;
	[tilespmem:$0x19E00] =	vst v63  }
0x653: {  	s23 =	sadd.s32 $0x15DB8, s8;
	s25 =	sadd.s32 $0x70, s11  }
0x654: {  	[hbm4b:s25+s3] =	stream.linear.scatter [tilespmem:s23], [sflag:$0x7], $0x80, $0x38;
	[tilespmem:$0x19E00] =	vst v63  }
0x655: {  	_ =	swait.ge [sflag:s6], $0x1000  }
0x656: {  	[sflag:s6] =	ssyncset.done $0x0  }
0x657: {  	[sflag:s6] =	ssyncadd.s32 $0xFFFFF000  }
0x658: {  	_ =	swait.ge [sflag:s6], $0x1000  }
0x659: {  	[sflag:s6] =	ssyncset.done $0x0  }
0x65a: {  	[sflag:s6] =	ssyncadd.s32 $0xFFFFF000  }
0x65b: {  	_ =	swait.ge [sflag:s10], $0x2000  }
0x65c: {  	[sflag:s10] =	ssyncset.done $0x0  }
0x65d: {  	[sflag:s10] =	ssyncadd.s32 $0xFFFFE000  }
0x65e: {  	s28 =	simm.s32 $0x3;
	s13 =	simm.s32 $0xF680;
	v9 =	vld [tilespmem:$0x95C0]  }
0x65f: {  	v4 =	vmov s28;
	v7 =	vld [tilespmem:s13+$0x40]  }
0x660: {  	v13 =	vand.u32 $0x7F, v4  }
0x661: {  	s11 =	simm.s32 $0x0;
	v8 =	vadd.s32 v0, v13;
	v6 =	vld [tilespmem:$0x95D0]  }
0x662: {  	s12 =	simm.s32 $0x1;
	v4 =	vmov s11;
	s14 =	simm.s32 $0x2;
	v10 =	vld [tilespmem:s13+$0xFFFFFF80]  }
0x663: {  	v12 =	vand.u32 $0x7C, v4;
	v4 =	vmov s12;
	v14 =	vmov s14;
	v11 =	vld [tilespmem:s13+$0xFFFFFFC0]  }
0x664: {  	v15 =	vadd.s32 v0, v12;
	v19 =	vand.u32 $0x7D, v4;
	v16 =	vld [tilespmem:s13+$0x0];
	v7 =	vadd.f32 v7, v9  }
0x665: {  	v20 =	vand.u32 $0x7E, v14;
	v17 =	vadd.s32 v0, v19;
	v5 =	vld [tilespmem:$0x95E0]  }
0x666: {  	v14 =	vadd.s32 v0, v20;
	v4 =	vld [tilespmem:$0x95F0];
	[tilespmem:v8+s7+$0x0] =	vst.idx.msk $0xffff, v7  }
0x667: {  	v7 =	vadd.f32 v10, v9;
	v8 =	vld [tilespmem:s13+$0x50]  }
0x668: {  	v10 =	vadd.f32 v11, v9  }
0x669: {  	v11 =	vadd.s32 v1, v13;
	[tilespmem:v15+s7+$0x0] =	vst.idx.msk $0xffff, v7;
	v7 =	vadd.f32 v16, v9  }
0x66a: {  	[tilespmem:v17+s7+$0x0] =	vst.idx.msk $0xffff, v10;
	v15 =	vld [tilespmem:s13+$0xFFFFFF90]  }
0x66b: {  	v10 =	vld [tilespmem:s13+$0xFFFFFFD0];
	[tilespmem:v14+s7+$0x0] =	vst.idx.msk $0xffff, v7  }
0x66c: {  	v14 =	vld [tilespmem:s13+$0x10];
	v7 =	vadd.f32 v8, v6  }
0x66d: {  	s8 =	simm.s32 $0xF780;
	s22 =	simm.s32 $0x7;
	v16 =	vadd.s32 v1, v19  }
0x66e: {  	v26 =	vadd.s32 v2, v13;
	s15 =	simm.s32 $0x4;
	v18 =	vld [tilespmem:s8+$0x40];
	v17 =	vadd.s32 v1, v20;
	[tilespmem:v11+s7+$0x0] =	vst.idx.msk $0xffff, v7;
	v7 =	vmov s22  }
0x66f: {  	v21 =	vadd.s32 v1, v12;
	v8 =	vmov s15;
	v7 =	vand.u32 $0x7F, v7;
	v22 =	vld [tilespmem:s13+$0x60]  }
0x670: {  	s23 =	simm.s32 $0x5;
	v23 =	vld [tilespmem:s8+$0xFFFFFF80];
	v8 =	vand.u32 $0x7C, v8;
	v10 =	vadd.f32 v10, v6;
	v24 =	vadd.s32 v0, v7  }
0x671: {  	s25 =	simm.s32 $0x6;
	v25 =	vld [tilespmem:s8+$0xFFFFFFC0];
	v15 =	vadd.f32 v15, v6;
	v11 =	vadd.f32 v14, v6;
	v14 =	vmov s23  }
0x672: {  	v27 =	vadd.s32 v0, v8;
	[tilespmem:v16+s7+$0x0] =	vst.idx.msk $0xffff, v10;
	v16 =	vmov s25;
	v10 =	vand.u32 $0x7D, v14;
	v14 =	vld [tilespmem:s8+$0x0]  }
0x673: {  	[tilespmem:v17+s7+$0x0] =	vst.idx.msk $0xffff, v11;
	v17 =	vadd.s32 v0, v10;
	v11 =	vand.u32 $0x7E, v16;
	v16 =	vadd.f32 v18, v9;
	v18 =	vld [tilespmem:s13+$0xFFFFFFE0]  }
0x674: {  	[tilespmem:v21+s7+$0x0] =	vst.idx.msk $0xffff, v15;
	v15 =	vadd.s32 v0, v11;
	v21 =	vld [tilespmem:s13+$0x20];
	v22 =	vadd.f32 v22, v5  }
0x675: {  	v23 =	vadd.f32 v23, v9;
	[tilespmem:v24+s7+$0x0] =	vst.idx.msk $0xffff, v16;
	v16 =	vld [tilespmem:s13+$0xFFFFFFA0];
	v24 =	vadd.s32 v2, v19  }
0x676: {  	v29 =	vadd.s32 v2, v20;
	v25 =	vadd.f32 v25, v9;
	v28 =	vld [tilespmem:s8+$0x50];
	[tilespmem:v26+s7+$0x0] =	vst.idx.msk $0xffff, v22  }
0x677: {  	[tilespmem:v27+s7+$0x0] =	vst.idx.msk $0xffff, v23;
	v23 =	vadd.s32 v2, v12;
	v14 =	vadd.f32 v14, v9;
	v26 =	vld [tilespmem:s13+$0x70]  }
0x678: {  	v27 =	vld [tilespmem:s8+$0xFFFFFF90];
	[tilespmem:v17+s7+$0x0] =	vst.idx.msk $0xffff, v25;
	v25 =	vadd.s32 v1, v7;
	v18 =	vadd.f32 v18, v5  }
0x679: {  	v31 =	vadd.s32 v3, v13;
	v30 =	vld [tilespmem:s8+$0xFFFFFFD0];
	[tilespmem:v15+s7+$0x0] =	vst.idx.msk $0xffff, v14;
	v14 =	vadd.f32 v21, v5  }
0x67a: {  	v22 =	vadd.s32 v1, v8;
	v17 =	vld [tilespmem:s8+$0x10];
	v13 =	vadd.f32 v16, v5;
	[tilespmem:v24+s7+$0x0] =	vst.idx.msk $0xffff, v18  }
0x67b: {  	s12 =	simm.s32 $0x8;
	v21 =	vadd.s32 v1, v10;
	[tilespmem:v29+s7+$0x0] =	vst.idx.msk $0xffff, v14;
	v18 =	vadd.f32 v28, v6;
	v16 =	vld [tilespmem:s13+$0xFFFFFFF0]  }
0x67c: {  	v24 =	vmov s12;
	v14 =	vadd.s32 v1, v11;
	v15 =	vld [tilespmem:s13+$0x30];
	[tilespmem:v23+s7+$0x0] =	vst.idx.msk $0xffff, v13;
	v63 =	vadd.f32 v26, v4  }
0x67d: {  	s28 =	simm.s32 $0xB;
	s11 =	simm.s32 $0xF880;
	v19 =	vadd.s32 v3, v19;
	v13 =	vand.u32 $0x7C, v24;
	v24 =	vadd.f32 v27, v6;
	[tilespmem:v25+s7+$0x0] =	vst.idx.msk $0xffff, v18;
	v18 =	vld [tilespmem:s13+$0xFFFFFFB0]  }
0x67e: {  	v20 =	vadd.s32 v3, v20;
	v26 =	vmov s28;
	v23 =	vld [tilespmem:s11+$0x40];
	s13 =	simm.s32 $0xC;
	v25 =	vadd.f32 v30, v6;
	[tilespmem:v31+s7+$0x0] =	vst.idx.msk $0xffff, v63  }
.LBB2_48:
0x67f: {  	p0 =	slt.u32 s13, $0x7C;
	s14 =	sadd.s32 $0x1, s12;
	v26 =	vand.u32 $0x7F, v26;
	[tilespmem:v22+s7+$0x0] =	vst.idx.msk $0xffff, v24;
	v17 =	vadd.f32 v17, v6;
	v22 =	vld [tilespmem:s8+$0x60];
	v24 =	vadd.s32 v3, v12  }
0x680: {  	v30 =	vmovc v11;
	v27 =	vld [tilespmem:s11+$0xFFFFFF80];
	v28 =	vmov s14;
	s14 =	sadd.s32 $0x2, s12;
	v29 =	vadd.s32 v0, v26;
	[tilespmem:v21+s7+$0x0] =	vst.idx.msk $0xffff, v25;
	v16 =	vadd.f32 v16, v4;
	s12 =	smov.u32 s13  }
0x681: {  	v12 =	vmovc v8;
	v21 =	vld [tilespmem:s11+$0xFFFFFFC0];
	v11 =	vmov s14;
	[tilespmem:v14+s7+$0x0] =	vst.idx.msk $0xffff, v17;
	v14 =	vadd.s32 v2, v7;
	v15 =	vadd.f32 v15, v4  }
0x682: {  	v17 =	vadd.s32 v0, v13;
	v28 =	vand.u32 $0x7D, v28;
	v25 =	vld [tilespmem:s11+$0x0];
	v31 =	vadd.f32 v18, v4;
	[tilespmem:v19+s7+$0x0] =	vst.idx.msk $0xffff, v16  }
0x683: {  	v16 =	vadd.s32 v0, v28;
	v11 =	vand.u32 $0x7E, v11;
	v18 =	vadd.f32 v23, v9;
	v19 =	vld [tilespmem:s8+$0xFFFFFFE0];
	[tilespmem:v20+s7+$0x0] =	vst.idx.msk $0xffff, v15  }
0x684: {  	v8 =	vmov v13;
	v15 =	vadd.s32 v0, v11;
	v20 =	vld [tilespmem:s8+$0x20];
	v22 =	vadd.f32 v22, v5;
	[tilespmem:v24+s7+$0x0] =	vst.idx.msk $0xffff, v31  }
0x685: {  	v23 =	vadd.s32 v2, v10;
	v13 =	vadd.f32 v27, v9;
	[tilespmem:v29+s7+$0x0] =	vst.idx.msk $0xffff, v18;
	v18 =	vld [tilespmem:s8+$0xFFFFFFA0]  }
0x686: {  	v27 =	vadd.s32 v2, v30;
	v21 =	vadd.f32 v21, v9;
	v24 =	vld [tilespmem:s11+$0x50];
	[tilespmem:v14+s7+$0x0] =	vst.idx.msk $0xffff, v22  }
0x687: {  	[tilespmem:v17+s7+$0x0] =	vst.idx.msk $0xffff, v13;
	v13 =	vadd.f32 v25, v9;
	v25 =	vadd.s32 v2, v12;
	v29 =	vld [tilespmem:s8+$0x70]  }
0x688: {  	v32 =	vadd.s32 v1, v26;
	v31 =	vld [tilespmem:s11+$0xFFFFFF90];
	[tilespmem:v16+s7+$0x0] =	vst.idx.msk $0xffff, v21;
	v14 =	vadd.f32 v19, v5  }
0x689: {  	v34 =	vadd.s32 v3, v7;
	v7 =	vmov v26;
	v33 =	vld [tilespmem:s11+$0xFFFFFFD0];
	[tilespmem:v15+s7+$0x0] =	vst.idx.msk $0xffff, v13;
	v13 =	vadd.f32 v20, v5  }
.Ltmp23:
0x68a: {  	v22 =	vadd.s32 v1, v8;
	v17 =	vld [tilespmem:s11+$0x10];
	v15 =	vadd.f32 v18, v5;
	[tilespmem:v23+s7+$0x0] =	vst.idx.msk $0xffff, v14;
	(pc) =	sbr.rel @p0 .LBB2_48-.Ltmp23, $4  }
0x68b: {  	v21 =	vadd.s32 v1, v28;
	v18 =	vadd.f32 v24, v6;
	v16 =	vld [tilespmem:s8+$0xFFFFFFF0];
	[tilespmem:v27+s7+$0x0] =	vst.idx.msk $0xffff, v13  }
0x68c: {  	v14 =	vadd.s32 v1, v11;
	v13 =	vmov s13;
	[tilespmem:v25+s7+$0x0] =	vst.idx.msk $0xffff, v15;
	v15 =	vld [tilespmem:s8+$0x30];
	v27 =	vadd.f32 v29, v4  }
0x68d: {  	s14 =	sadd.s32 $0x3, s13;
	v19 =	vadd.s32 v3, v10;
	v13 =	vand.u32 $0x7C, v13;
	v24 =	vadd.f32 v31, v6;
	[tilespmem:v32+s7+$0x0] =	vst.idx.msk $0xffff, v18;
	v18 =	vld [tilespmem:s8+$0xFFFFFFB0];
	s8 =	smov.u32 s11;
	s11 =	sadd.s32 $0x100, s11  }
0x68e: {  	v26 =	vmov s14;
	v10 =	vmovc v28;
	v20 =	vadd.s32 v3, v30;
	s13 =	sadd.s32 $0x4, s13;
	v23 =	vld [tilespmem:s11+$0x40];
	v25 =	vadd.f32 v33, v6;
	[tilespmem:v34+s7+$0x0] =	vst.idx.msk $0xffff, v27  }
0x68f: {  	s13 =	sadd.s32 $0x1, s12  }
0x690: {  	v26 =	vand.u32 $0x7F, v26;
	v28 =	vld [tilespmem:s11+$0xFFFFFFC0];
	v27 =	vmov s13;
	s13 =	sadd.s32 $0x2, s12  }
0x691: {  	v31 =	vld [tilespmem:s11+$0x0];
	v29 =	vadd.s32 v0, v26;
	v30 =	vmov s13;
	v27 =	vand.u32 $0x7D, v27  }
0x692: {  	v32 =	vld [tilespmem:s11+$0xFFFFFF80];
	v33 =	vadd.s32 v0, v27;
	v30 =	vand.u32 $0x7E, v30  }
0x693: {  	v34 =	vadd.s32 v0, v30  }
0x694: {  	[tilespmem:v22+s7+$0x0] =	vst.idx.msk $0xffff, v24;
	v44 =	vadd.s32 v0, v13;
	v23 =	vadd.f32 v23, v9  }
0x695: {  	[tilespmem:v21+s7+$0x0] =	vst.idx.msk $0xffff, v25;
	v45 =	vadd.f32 v28, v9  }
0x696: {  	v46 =	vadd.f32 v31, v9;
	[tilespmem:v29+s7+$0x0] =	vst.idx.msk $0xffff, v23  }
0x697: {  	v47 =	vadd.f32 v32, v9;
	v48 =	vld [tilespmem:s11+$0x50];
	[tilespmem:v33+s7+$0x0] =	vst.idx.msk $0xffff, v45  }
0x698: {  	v17 =	vadd.f32 v17, v6;
	v12 =	vadd.s32 v3, v12;
	v21 =	vld [tilespmem:s11+$0xFFFFFFD0];
	[tilespmem:v34+s7+$0x0] =	vst.idx.msk $0xffff, v46  }
0x699: {  	v16 =	vadd.f32 v16, v4;
	v49 =	vadd.s32 v1, v26;
	[tilespmem:v44+s7+$0x0] =	vst.idx.msk $0xffff, v47;
	v50 =	vld [tilespmem:s11+$0x10]  }
0x69a: {  	[tilespmem:v14+s7+$0x0] =	vst.idx.msk $0xffff, v17;
	v51 =	vadd.f32 v15, v4;
	v53 =	vadd.s32 v1, v27;
	v52 =	vld [tilespmem:s11+$0xFFFFFF90]  }
0x69b: {  	v54 =	vld [tilespmem:s8+$0x60];
	v18 =	vadd.f32 v18, v4;
	[tilespmem:v19+s7+$0x0] =	vst.idx.msk $0xffff, v16;
	v55 =	vadd.s32 v1, v30  }
0x69c: {  	v57 =	vadd.s32 v1, v13;
	v60 =	vld [tilespmem:s8+$0x20];
	[tilespmem:v20+s7+$0x0] =	vst.idx.msk $0xffff, v51;
	v58 =	vadd.f32 v48, v6  }
0x69d: {  	v59 =	vadd.s32 v2, v7;
	v56 =	vld [tilespmem:s8+$0xFFFFFFE0];
	[tilespmem:v12+s7+$0x0] =	vst.idx.msk $0xffff, v18;
	v61 =	vadd.f32 v21, v6  }
0x69e: {  	v62 =	vld [tilespmem:s8+$0xFFFFFFA0];
	v29 =	vadd.s32 v2, v11;
	[tilespmem:v49+s7+$0x0] =	vst.idx.msk $0xffff, v58;
	v28 =	vadd.f32 v50, v6  }
0x69f: {  	v63 =	vadd.s32 v2, v10;
	v31 =	vadd.f32 v52, v6;
	v32 =	vld [tilespmem:s11+$0x60];
	[tilespmem:v53+s7+$0x0] =	vst.idx.msk $0xffff, v61  }
0x6a0: {  	v33 =	vadd.f32 v54, v5;
	v34 =	vadd.s32 v2, v8;
	[tilespmem:v55+s7+$0x0] =	vst.idx.msk $0xffff, v28;
	v35 =	vld [tilespmem:s11+$0xFFFFFFE0]  }
0x6a1: {  	v37 =	vadd.s32 v2, v26;
	v39 =	vadd.f32 v60, v5;
	[tilespmem:v57+s7+$0x0] =	vst.idx.msk $0xffff, v31;
	v38 =	vld [tilespmem:s11+$0x20]  }
0x6a2: {  	v41 =	vadd.s32 v2, v27;
	v36 =	vadd.f32 v56, v5;
	[tilespmem:v59+s7+$0x0] =	vst.idx.msk $0xffff, v33;
	v40 =	vld [tilespmem:s11+$0xFFFFFFA0]  }
0x6a3: {  	v43 =	vadd.s32 v2, v30;
	v18 =	vadd.f32 v62, v5;
	v42 =	vld [tilespmem:s8+$0x70];
	[tilespmem:v29+s7+$0x0] =	vst.idx.msk $0xffff, v39  }
0x6a4: {  	v45 =	vadd.s32 v2, v13;
	[tilespmem:v63+s7+$0x0] =	vst.idx.msk $0xffff, v36;
	v47 =	vld [tilespmem:s8+$0x30];
	v44 =	vadd.f32 v32, v5  }
0x6a5: {  	v46 =	vadd.s32 v3, v7;
	v21 =	vld [tilespmem:s8+$0xFFFFFFF0];
	[tilespmem:v34+s7+$0x0] =	vst.idx.msk $0xffff, v18;
	v9 =	vadd.f32 v35, v5  }
0x6a6: {  	v18 =	vld [tilespmem:s8+$0xFFFFFFB0];
	v50 =	vadd.s32 v3, v11;
	[tilespmem:v37+s7+$0x0] =	vst.idx.msk $0xffff, v44;
	v49 =	vadd.f32 v38, v5  }
0x6a7: {  	v48 =	vadd.s32 v3, v10;
	v12 =	vld [tilespmem:s11+$0x70];
	v5 =	vadd.f32 v40, v5;
	[tilespmem:v41+s7+$0x0] =	vst.idx.msk $0xffff, v9  }
0x6a8: {  	v52 =	vadd.s32 v3, v8;
	v51 =	vadd.f32 v42, v4;
	v53 =	vld [tilespmem:s11+$0xFFFFFFF0];
	[tilespmem:v43+s7+$0x0] =	vst.idx.msk $0xffff, v49  }
0x6a9: {  	v55 =	vadd.s32 v3, v26;
	v56 =	vadd.f32 v47, v4;
	[tilespmem:v45+s7+$0x0] =	vst.idx.msk $0xffff, v5;
	v5 =	vld [tilespmem:s11+$0x30]  }
0x6aa: {  	v58 =	vadd.s32 v3, v27;
	[tilespmem:v46+s7+$0x0] =	vst.idx.msk $0xffff, v51;
	v54 =	vadd.f32 v21, v4;
	v57 =	vld [tilespmem:s11+$0xFFFFFFB0]  }
0x6ab: {  	v60 =	vadd.s32 v3, v30;
	v59 =	vadd.f32 v18, v4;
	[tilespmem:v50+s7+$0x0] =	vst.idx.msk $0xffff, v56  }
0x6ac: {  	v62 =	vadd.s32 v3, v13;
	[tilespmem:v48+s7+$0x0] =	vst.idx.msk $0xffff, v54;
	v61 =	vadd.f32 v12, v4  }
0x6ad: {  	[tilespmem:v52+s7+$0x0] =	vst.idx.msk $0xffff, v59;
	v63 =	vadd.f32 v53, v4  }
0x6ae: {  	[tilespmem:v55+s7+$0x0] =	vst.idx.msk $0xffff, v61;
	v5 =	vadd.f32 v5, v4  }
0x6af: {  	v4 =	vadd.f32 v57, v4;
	[tilespmem:v58+s7+$0x0] =	vst.idx.msk $0xffff, v63  }
0x6b0: {  	[tilespmem:v60+s7+$0x0] =	vst.idx.msk $0xffff, v5  }
0x6b1: {  	[tilespmem:v62+s7+$0x0] =	vst.idx.msk $0xffff, v4  }
0x6b2: {  	s14 =	simm.s32 $0x17C00;
	s15 =	rddreg [dreg:$0xd]  }
0x6b3: {  	[hbm4b:s15+s3] =	stream.linear.scatter [tilespmem:s14], [sflag:$0x8], $0x80, $0x38;
	[tilespmem:$0x19E00] =	vst v63  }
0x6b4: {  	s22 =	simm.s32 $0x17C88;
	s23 =	sadd.s32 $0x10, s15  }
0x6b5: {  	[hbm4b:s23+s3] =	stream.linear.scatter [tilespmem:s22], [sflag:$0x8], $0x80, $0x38;
	[tilespmem:$0x19E00] =	vst v63  }
0x6b6: {  	s25 =	simm.s32 $0x17D10;
	s13 =	simm.s32 $0x17E20;
	s28 =	sadd.s32 $0x20, s15  }
0x6b7: {  	[hbm4b:s28+s3] =	stream.linear.scatter [tilespmem:s25], [sflag:$0x8], $0x80, $0x38;
	[tilespmem:$0x19E00] =	vst v63  }
0x6b8: {  	s8 =	simm.s32 $0x440;
	s11 =	simm.s32 $0x17D98;
	s12 =	sadd.s32 $0x30, s15  }
0x6b9: {  	[hbm4b:s12+s3] =	stream.linear.scatter [tilespmem:s11], [sflag:$0x8], $0x80, $0x38;
	[tilespmem:$0x19E00] =	vst v63  }
0x6ba: {  	s14 =	sadd.s32 $0x40, s15;
	s22 =	simm.s32 $0x17EA8;
	s23 =	sadd.s32 $0x50, s15  }
0x6bb: {  	[hbm4b:s14+s3] =	stream.linear.scatter [tilespmem:s13], [sflag:$0x8], $0x80, $0x38;
	[tilespmem:$0x19E00] =	vst v63  }
0x6bc: {  	s25 =	simm.s32 $0x17F30;
	s28 =	sadd.s32 $0x60, s15;
	s12 =	simm.s32 $0x2200  }
0x6bd: {  	[hbm4b:s23+s3] =	stream.linear.scatter [tilespmem:s22], [sflag:$0x8], $0x80, $0x38;
	[tilespmem:$0x19E00] =	vst v63  }
0x6be: {  	s11 =	sadd.s32 $0x1000, s15;
	s13 =	simm.s32 $0x17FB8;
	s14 =	sadd.s32 $0x70, s15  }
0x6bf: {  	[hbm4b:s28+s3] =	stream.linear.scatter [tilespmem:s25], [sflag:$0x8], $0x80, $0x38;
	[tilespmem:$0x19E00] =	vst v63  }
.LBB2_50:
0x6c0: {  	[hbm4b:s14+s3] =	stream.linear.scatter [tilespmem:s13], [sflag:$0x8], $0x80, $0x38;
	[tilespmem:$0x19E00] =	vst v63  }
0x6c1: {  	s13 =	smov.u32 s8;
	s8 =	smov.u32 s12  }
0x6c2: {  	s15 =	sadd.s32 $0x1100, s12;
	s8 =	sshra.s32 s8, $0x2;
	s14 =	sadd.s32 $0x17C00, s13  }
0x6c3: {  	[hbm4b:s11+s3] =	stream.linear.scatter [tilespmem:s14], [sflag:$0x8], $0x80, $0x38;
	[tilespmem:$0x19E00] =	vst v63  }
0x6c4: {  	p0 =	sne.s32 s12, $0x7700;
	s12 =	sadd.s32 $0x17C88, s13;
	s14 =	sadd.s32 $0x10, s11  }
0x6c5: {  	[hbm4b:s14+s3] =	stream.linear.scatter [tilespmem:s12], [sflag:$0x8], $0x80, $0x38;
	[tilespmem:$0x19E00] =	vst v63  }
0x6c6: {  	s12 =	sadd.s32 $0x17D10, s13;
	s14 =	sadd.s32 $0x20, s11  }
0x6c7: {  	[hbm4b:s14+s3] =	stream.linear.scatter [tilespmem:s12], [sflag:$0x8], $0x80, $0x38;
	[tilespmem:$0x19E00] =	vst v63  }
0x6c8: {  	s12 =	sadd.s32 $0x17D98, s13;
	s14 =	sadd.s32 $0x30, s11  }
0x6c9: {  	[hbm4b:s14+s3] =	stream.linear.scatter [tilespmem:s12], [sflag:$0x8], $0x80, $0x38;
	[tilespmem:$0x19E00] =	vst v63  }
0x6ca: {  	s12 =	sadd.s32 $0x17E20, s13;
	s14 =	sadd.s32 $0x40, s11  }
0x6cb: {  	[hbm4b:s14+s3] =	stream.linear.scatter [tilespmem:s12], [sflag:$0x8], $0x80, $0x38;
	[tilespmem:$0x19E00] =	vst v63  }
.Ltmp24:
0x6cc: {  	s12 =	sadd.s32 $0x17EA8, s13;
	s14 =	sadd.s32 $0x50, s11;
	(pc) =	sbr.rel @p0 .LBB2_50-.Ltmp24, $4  }
0x6cd: {  	[hbm4b:s14+s3] =	stream.linear.scatter [tilespmem:s12], [sflag:$0x8], $0x80, $0x38;
	[tilespmem:$0x19E00] =	vst v63  }
0x6ce: {  	s12 =	sadd.s32 $0x17F30, s13;
	s14 =	sadd.s32 $0x60, s11;
	s13 =	sadd.s32 $0x17FB8, s13  }
0x6cf: {  	[hbm4b:s14+s3] =	stream.linear.scatter [tilespmem:s12], [sflag:$0x8], $0x80, $0x38;
	[tilespmem:$0x19E00] =	vst v63  }
0x6d0: {  	s14 =	sadd.s32 $0x70, s11;
	s11 =	sadd.s32 $0x1000, s11;
	s12 =	smov.u32 s15  }
0x6d1: {  	[hbm4b:s14+s3] =	stream.linear.scatter [tilespmem:s13], [sflag:$0x8], $0x80, $0x38;
	[tilespmem:$0x19E00] =	vst v63  }
0x6d2: {  	s12 =	sadd.s32 $0x17C00, s8  }
0x6d3: {  	[hbm4b:s11+s3] =	stream.linear.scatter [tilespmem:s12], [sflag:$0x8], $0x80, $0x38;
	[tilespmem:$0x19E00] =	vst v63  }
0x6d4: {  	s22 =	sadd.s32 $0x17C88, s8;
	s23 =	sadd.s32 $0x10, s11  }
0x6d5: {  	[hbm4b:s23+s3] =	stream.linear.scatter [tilespmem:s22], [sflag:$0x8], $0x80, $0x38;
	[tilespmem:$0x19E00] =	vst v63  }
0x6d6: {  	s25 =	sadd.s32 $0x17D10, s8;
	s28 =	sadd.s32 $0x20, s11  }
0x6d7: {  	[hbm4b:s28+s3] =	stream.linear.scatter [tilespmem:s25], [sflag:$0x8], $0x80, $0x38;
	[tilespmem:$0x19E00] =	vst v63  }
0x6d8: {  	s14 =	sadd.s32 $0x17D98, s8;
	s15 =	sadd.s32 $0x30, s11  }
0x6d9: {  	[hbm4b:s15+s3] =	stream.linear.scatter [tilespmem:s14], [sflag:$0x8], $0x80, $0x38;
	[tilespmem:$0x19E00] =	vst v63  }
0x6da: {  	s22 =	sadd.s32 $0x17E20, s8;
	s23 =	sadd.s32 $0x40, s11  }
0x6db: {  	[hbm4b:s23+s3] =	stream.linear.scatter [tilespmem:s22], [sflag:$0x8], $0x80, $0x38;
	[tilespmem:$0x19E00] =	vst v63  }
0x6dc: {  	s25 =	sadd.s32 $0x17EA8, s8;
	s28 =	sadd.s32 $0x50, s11  }
0x6dd: {  	[hbm4b:s28+s3] =	stream.linear.scatter [tilespmem:s25], [sflag:$0x8], $0x80, $0x38;
	[tilespmem:$0x19E00] =	vst v63  }
0x6de: {  	s14 =	sadd.s32 $0x17F30, s8;
	s15 =	sadd.s32 $0x60, s11  }
0x6df: {  	[hbm4b:s15+s3] =	stream.linear.scatter [tilespmem:s14], [sflag:$0x8], $0x80, $0x38;
	[tilespmem:$0x19E00] =	vst v63  }
0x6e0: {  	s22 =	sadd.s32 $0x17FB8, s8;
	s23 =	sadd.s32 $0x70, s11  }
0x6e1: {  	[hbm4b:s23+s3] =	stream.linear.scatter [tilespmem:s22], [sflag:$0x8], $0x80, $0x38;
	[tilespmem:$0x19E00] =	vst v63  }
0x6e2: {  	_ =	swait.ge [sflag:s16], $0x2000  }
0x6e3: {  	[sflag:s16] =	ssyncset.done $0x0  }
0x6e4: {  	[sflag:s16] =	ssyncadd.s32 $0xFFFFE000  }
0x6e5: {  	_ =	swait.ge [sflag:s19], $0x2000  }
0x6e6: {  	[sflag:s19] =	ssyncset.done $0x0  }
0x6e7: {  	[sflag:s19] =	ssyncadd.s32 $0xFFFFE000  }
0x6e8: {  	_ =	swait.ge [sflag:s9], $0x2000  }
0x6e9: {  	[sflag:s9] =	ssyncset.done $0x0  }
0x6ea: {  	[sflag:s9] =	ssyncadd.s32 $0xFFFFE000  }
0x6eb: {  	_ =	swait.ge [sflag:s10], $0x2000  }
0x6ec: {  	s25 =	rddreg [dreg:$0xf]  }
0x6ed: {  	s28 =	rddreg [dreg:$0xe];
	s11 =	sadd.s32 $0x1, s25  }
0x6ee: {  	p0 =	sne.s32 s11, s28  }
.Ltmp25:
0x6ef: {  	_ = 	snop;
	(pc) =	sbr.rel @p0 .LBB2_1-.Ltmp25, $3  }
0x6f0: {  	_ =	sdelay $0x1  }
0x6f1: {  	[sflag:s10] =	ssyncset.done $0x0  }
0x6f2: {  	[sflag:s10] =	ssyncadd.s32 $0xFFFFE000  }
0x6f3: {  	_ =	sfence.sel $0x180000  }
0x6f4: {  	[bflag:$0x0] =	sbarrier.arrive $0xFFFF  }
0x6f5: {  	_ =	strace $0x90000047  }
0x6f6: {  	s0 =	stileid.u32;
	[bflag:$0x2] =	sbarrier.arrive $0xFFFF  }
0x6f7: {  	p0 =	sne.s32 s0, $0x0;
	s0 =	rddreg [dreg:$0x3]  }
0x6f8: {  	s0 =	sadd.s32 @!p0 $0x100000, s0  }
0x6f9: {  	[sflag:s0] =	ssyncadd.tile.s32 @!p0 $0x1;
	_ =	shalt  }
.Lfunc_end2:
_tile_overlayer_lowered:
.L_overlay_start_2:
0x6fa: {  	(tag) =	ssettag $0x2  }
0x6fb: {  	s0 =	rddreg [dreg:$0x0];
	s2 =	stileid.u32  }
0x6fc: {  	s1 =	rddreg [dreg:$0x1];
	p0 =	sne.s32 s2, $0x0  }
0x6fd: {  	s3 =	rddreg [dreg:$0x2];
	[bflag:$0x3] =	sbarrier.arrive $0xFFFF;
	s2 =	simm.s32 @!p0 $0x1C09  }
0x6fe: {  	[timem:s3], [sflag:s2] =	dma.local @!p0 [hbm:s0], s1  }
0x6ff: {  	s0 =	simm.s32 @!p0 $0x9  }
0x700: {  	_ =	swait.ge @!p0 [sflag:s0], s1  }
0x701: {  	s1 =	ssub.s32 @!p0 $0x0, s1;
	[sflag:s0] =	ssyncset.done @!p0 $0x0  }
0x702: {  	[sflag:s0] =	ssyncadd.s32 @!p0 s1  }
0x703: {  	[bflag:$0x3] =	sbarrier.arrive $0xFFFF  }
0x704: {  	_ =	shalt  }

</sc_bundles>
